<compile_context>
chip_gen: v7x
topology: tpu7x:2x2x1
jax: 0.10.2.dev20260603
libtpu: 0.0.44.dev20260713+nightly
codegen_flags: <defaults>
</compile_context>

<pallas_src>
import functools

import jax
import jax.numpy as jnp
from jax import lax
from jax.experimental import pallas as pl
from jax.experimental.pallas import tpu as pltpu
from jax.experimental.pallas import tpu_sc as plsc

NN = 10000
EE = 320000
NC = 2
NS = 16
HW = 64
CK = 128
NB = 5
NPAD = 10240
RPT = NPAD // NS
TAIL = NN - (NS - 1) * RPT
ZR = 64
DEGW = 16
NCHW = 160
NCHE = 80
EPAD = NS * NCHW * CK
DUMP = NN + 16


def _zero_vmem(buf, rows, w):
    def _zrow(r, carry):
        for cc in range(w // 16):
            buf[r, pl.ds(cc * 16, 16)] = jnp.zeros((16,), jnp.float32)
        return carry
    lax.fori_loop(0, rows, _zrow, 0)


def _copy_out(acc, out_ref, s):
    @pl.when(s < NS - 1)
    def _full():
        pltpu.sync_copy(acc.at[pl.ds(s * RPT, RPT)],
                        out_ref.at[pl.ds(s * RPT, RPT)])

    @pl.when(s == NS - 1)
    def _tail():
        pltpu.sync_copy(acc.at[pl.ds((NS - 1) * RPT, TAIL)],
                        out_ref.at[pl.ds((NS - 1) * RPT, TAIL)])


def _seg_body(split_cols, nch, src_hbm, dst_hbm, h_hbm, out_hbm,
              src_all, dst_all, r0, r1, r2, r3, r4, zbuf, acc, sem_g, sem_s):
    rows = (r0, r1, r2, r3, r4)
    cid = lax.axis_index("c")
    s = lax.axis_index("s")
    tid = s if split_cols else cid * NS + s
    hsrc = h_hbm
    w = HW if split_cols else 16

    _zero_vmem(zbuf, ZR, w)
    zcopies = []
    for i in range(RPT // ZR):
        zcopies.append(pltpu.async_copy(
            zbuf, acc.at[pl.ds(s * RPT + i * ZR, ZR)], sem_g.at[i % NB]))
    zcopies.append(pltpu.async_copy(src_hbm.at[tid], src_all, sem_s.at[0]))
    zcopies.append(pltpu.async_copy(dst_hbm.at[tid], dst_all, sem_s.at[1]))
    for cp in zcopies:
        cp.wait()

    if split_cols:
        def _xform(r, carry):
            for cb in range(CK // 16):
                v = src_all[r, pl.ds(cb * 16, 16)]
                src_all[r, pl.ds(cb * 16, 16)] = v * 2 + cid
            return carry
        lax.fori_loop(0, nch, _xform, 0)
    plsc.subcore_barrier()

    def _issue_gather(c, b):
        pltpu.async_copy(hsrc.at[src_all.at[c]], rows[b], sem_g.at[b])

    def _wait_gather(b):
        pltpu.make_async_copy(hsrc.at[src_all.at[0]], rows[b],
                              sem_g.at[b]).wait()

    def _issue_scatter(c, b):
        pltpu.async_copy(rows[b], acc.at[dst_all.at[c]], sem_s.at[b],
                         add=True)

    def _wait_scatter(b):
        pltpu.make_async_copy(rows[b], acc.at[dst_all.at[0]],
                              sem_s.at[b]).wait()

    def _group(j, carry):
        for b in range(NB):
            c = j * NB + b

            @pl.when(j >= 1)
            def _ws():
                _wait_scatter(b)
            _issue_gather(c, b)

            pb = (b - 1) % NB
            if b == 0:
                @pl.when(j >= 1)
                def _sc():
                    _wait_gather(pb)
                    _issue_scatter(j * NB - 1, pb)
            else:
                _wait_gather(pb)
                _issue_scatter(c - 1, pb)
        return carry
    lax.fori_loop(0, nch // NB, _group, 0)

    _wait_gather(NB - 1)
    _issue_scatter(nch - 1, NB - 1)
    for b in range(NB):
        _wait_scatter(b)
    plsc.subcore_barrier()

    _copy_out(acc, out_hbm.at[cid], s)


def _deg_body(dst_hbm, deg_hbm, dst_all, ones_v, zbuf, deg_acc, sem):
    cid = lax.axis_index("c")
    s = lax.axis_index("s")
    tid = cid * NS + s

    _zero_vmem(zbuf, ZR, DEGW)

    def _orow(r, carry):
        ones_v[r, pl.ds(0, 16)] = jnp.ones((16,), jnp.float32)
        return carry
    lax.fori_loop(0, CK, _orow, 0)

    zcopies = [pltpu.async_copy(dst_hbm.at[tid], dst_all, sem.at[0])]
    for i in range(RPT // ZR):
        zcopies.append(pltpu.async_copy(
            zbuf, deg_acc.at[pl.ds(s * RPT + i * ZR, ZR)],
            sem.at[1 + i % (NB - 1)]))
    for cp in zcopies:
        cp.wait()
    plsc.subcore_barrier()

    def _chunk(j, carry):
        @pl.when(j >= NB)
        def _w():
            pltpu.make_async_copy(ones_v, deg_acc.at[dst_all.at[0]],
                                  sem.at[0]).wait()
        pltpu.async_copy(ones_v, deg_acc.at[dst_all.at[j]], sem.at[0],
                         add=True)
        return carry
    lax.fori_loop(0, NCHE, _chunk, 0)
    for _ in range(NB):
        pltpu.make_async_copy(ones_v, deg_acc.at[dst_all.at[0]],
                              sem.at[0]).wait()
    plsc.subcore_barrier()
    _copy_out(deg_acc, deg_hbm.at[cid], s)


_SC_MESH = plsc.VectorSubcoreMesh(core_axis_name="c", subcore_axis_name="s",
                                  num_cores=NC, num_subcores=NS)
_SC_PARAMS = pltpu.CompilerParams(use_tc_tiling_on_sc=False)


def _make_seg(split_cols, nch, w):
    return pl.kernel(
        functools.partial(_seg_body, split_cols, nch),
        out_type=[jax.ShapeDtypeStruct((NC, NN, w), jnp.float32)],
        name="segw" if split_cols else "sege",
        mesh=_SC_MESH,
        scratch_types=[
            pltpu.VMEM((nch, CK), jnp.int32),
            pltpu.VMEM((nch, CK), jnp.int32),
        ] + [pltpu.VMEM((CK, w), jnp.float32) for _ in range(NB)] + [
            pltpu.VMEM((ZR, w), jnp.float32),
            pltpu.VMEM_SHARED((NPAD, w), jnp.float32),
            pltpu.SemaphoreType.DMA((NB,)),
            pltpu.SemaphoreType.DMA((NB,)),
        ],
        compiler_params=_SC_PARAMS)


_segw = _make_seg(True, NCHW, HW)
_sege = _make_seg(False, NCHE, 16)

_degk = pl.kernel(
    _deg_body,
    out_type=[jax.ShapeDtypeStruct((NC, NN, DEGW), jnp.float32)],
    mesh=_SC_MESH,
    scratch_types=[
        pltpu.VMEM((NCHE, CK), jnp.int32),
        pltpu.VMEM((CK, DEGW), jnp.float32),
        pltpu.VMEM((ZR, DEGW), jnp.float32),
        pltpu.VMEM_SHARED((NPAD, DEGW), jnp.float32),
        pltpu.SemaphoreType.DMA((NB,)),
    ],
    compiler_params=_SC_PARAMS)

BM = 1000


def _dot(a, b):
    return jnp.dot(a, b, preferred_element_type=jnp.float32)


def _mm_body(wn3_ref_last, h_ref, a_ref, d_ref, ws_ref, wn_ref, b_ref,
             out_ref, p3_ref=None):
    deg = jnp.maximum(d_ref[0, :, 0:1] + d_ref[1, :, 0:1], 1.0)
    hn = (_dot(a_ref[0], wn_ref[:HW, :]) + _dot(a_ref[1], wn_ref[HW:, :])
          ) / deg
    y = jnp.maximum(_dot(h_ref[...], ws_ref[...]) + hn + b_ref[...], 0.0)
    out_ref[...] = y
    if p3_ref is not None:
        p3_ref[...] = _dot(y, wn3_ref_last[...])


def _fin_body(h_ref, a_ref, d_ref, ws_ref, b_ref, out_ref):
    deg = jnp.maximum(d_ref[0, :, 0:1] + d_ref[1, :, 0:1], 1.0)
    hn = (a_ref[0] + a_ref[1]) / deg
    out_ref[...] = _dot(h_ref[...], ws_ref[...]) + hn + b_ref[...]


def _rows_spec(width):
    return pl.BlockSpec((BM, width), lambda i: (i, 0))


def _split_spec(width):
    return pl.BlockSpec((NC, BM, width), lambda i: (0, i, 0))


def _full_spec(r, width):
    return pl.BlockSpec((r, width), lambda i: (0, 0))


def _mm(h, a, d, ws, wn, b, wn3=None):
    body = functools.partial(_mm_body, None) if wn3 is None else _mm_body
    in_specs = [_rows_spec(128), _split_spec(HW), _split_spec(DEGW),
                _full_spec(128, 128), _full_spec(128, 128),
                _full_spec(1, 128)]
    out_specs = _rows_spec(128)
    out_shape = jax.ShapeDtypeStruct((NN, 128), jnp.float32)
    args = [h, a, d, ws, wn, b]
    if wn3 is not None:
        in_specs = [_full_spec(128, 16)] + in_specs
        out_specs = [out_specs, _rows_spec(16)]
        out_shape = [out_shape, jax.ShapeDtypeStruct((NN, 16), jnp.float32)]
        args = [wn3] + args
    return pl.pallas_call(body, grid=(NN // BM,), in_specs=in_specs,
                          out_specs=out_specs, out_shape=out_shape)(*args)


def _fin(h, a, d, ws, b):
    return pl.pallas_call(
        _fin_body,
        grid=(NN // BM,),
        in_specs=[_rows_spec(128), _split_spec(16), _split_spec(DEGW),
                  _full_spec(128, 16), _full_spec(1, 16)],
        out_specs=_rows_spec(16),
        out_shape=jax.ShapeDtypeStruct((NN, 16), jnp.float32),
    )(h, a, d, ws, b)


def kernel(x, edge_index, W_self1, W_neigh1, b1, W_self2, W_neigh2, b2,
           W_self3, W_neigh3, b3):
    src = edge_index[0].astype(jnp.int32)
    dst = edge_index[1].astype(jnp.int32)
    pad_i = jnp.arange(EPAD - EE, dtype=jnp.int32)
    src_p = jnp.concatenate([src, pad_i % NN])
    dst_p = jnp.concatenate([dst, NN + (pad_i % (NPAD - NN))])
    src_w = src_p.reshape(NS, NCHW, CK)
    dst_w = dst_p.reshape(NS, NCHW, CK)
    src_e = src_p.reshape(NC * NS, NCHE, CK)
    dst_e = dst_p.reshape(NC * NS, NCHE, CK)

    (deg,) = _degk(dst_e)
    (agg1,) = _segw(src_w, dst_w, x.reshape(2 * NN, HW))
    h1 = _mm(x, agg1, deg, W_self1, W_neigh1, b1.reshape(1, 128))
    (agg2,) = _segw(src_w, dst_w, h1.reshape(2 * NN, HW))
    h2, p3 = _mm(h1, agg2, deg, W_self2, W_neigh2, b2.reshape(1, 128),
                 wn3=W_neigh3)
    (agg3,) = _sege(src_e, dst_e, p3)
    out = _fin(h2, agg3, deg, W_self3, b3.reshape(1, 16))
    return out

# --- scband reference (transcript-rebuilt; emitter-appended) ---
"""Pipeline reference for scband-graph-sage-3470333575496 (READ-ONLY COPY).

The authoritative reference and input builder live on the scoring server;
editing this copy changes nothing except your own understanding.
"""

import jax, jax.numpy as jnp
import numpy as np

N = 10000
E = 320000
D = 128
H = 128
C = 16


def setup_inputs(seed: int = 0) -> dict:
    key = jax.random.key(seed)
    ks = jax.random.split(key, 16)
    x = jax.random.normal(ks[0], (N, D), dtype=jnp.float32)
    edge_index = jax.random.randint(ks[1], (2, E), 0, N)
    s1 = 1.0 / np.sqrt(D)
    s2 = 1.0 / np.sqrt(H)
    W_self1 = jax.random.normal(ks[2], (D, H), dtype=jnp.float32) * s1
    W_neigh1 = jax.random.normal(ks[3], (D, H), dtype=jnp.float32) * s1
    b1 = jnp.zeros((H,), dtype=jnp.float32)
    W_self2 = jax.random.normal(ks[4], (H, H), dtype=jnp.float32) * s2
    W_neigh2 = jax.random.normal(ks[5], (H, H), dtype=jnp.float32) * s2
    b2 = jnp.zeros((H,), dtype=jnp.float32)
    W_self3 = jax.random.normal(ks[6], (H, C), dtype=jnp.float32) * s2
    W_neigh3 = jax.random.normal(ks[7], (H, C), dtype=jnp.float32) * s2
    b3 = jnp.zeros((C,), dtype=jnp.float32)
    return {"x": x, "edge_index": edge_index,
            "W_self1": W_self1, "W_neigh1": W_neigh1, "b1": b1,
            "W_self2": W_self2, "W_neigh2": W_neigh2, "b2": b2,
            "W_self3": W_self3, "W_neigh3": W_neigh3, "b3": b3}


def _sage_conv(h, edge_index, W_self, W_neigh, b, apply_act):
    # DGL SAGEConv with mean aggregator:
    #   h_neigh = fc_neigh(mean_{src in N(dst)} h[src])
    #   rst = fc_self(h[dst]) + h_neigh (+ bias), then activation
    src = edge_index[0]
    dst = edge_index[1]
    msgs = h[src]                                   # gather
    agg = jax.ops.segment_sum(msgs, dst, num_segments=N)   # scatter-add
    deg = jax.ops.segment_sum(jnp.ones((edge_index.shape[1],), h.dtype), dst, num_segments=N)
    h_neigh = agg / jnp.clip(deg, 1.0)[:, None]
    rst = h @ W_self + h_neigh @ W_neigh + b
    if apply_act:
        rst = jax.nn.relu(rst)
    return rst


def reference(x, edge_index, W_self1, W_neigh1, b1, W_self2, W_neigh2, b2, W_self3, W_neigh3, b3):
    h = _sage_conv(x, edge_index, W_self1, W_neigh1, b1, True)
    h = _sage_conv(h, edge_index, W_self2, W_neigh2, b2, True)
    h = _sage_conv(h, edge_index, W_self3, W_neigh3, b3, False)
    return h

if __name__ == "__main__":
    import jax
    _d = setup_inputs()
    print(jax.jit(kernel)(*tuple(_d.values())))

</pallas_src>

<mosaic_0001>
#map = affine_map<(d0, d1) -> (0, 0, 0)>
#map1 = affine_map<(d0, d1) -> (0, 0)>
module attributes {stable_mosaic.version = 14 : i64} {
  func.func @sege(%arg0: i32, %arg1: i32, %arg2: memref<32x80x128xi32, #tpu.memory_space<hbm>>, %arg3: memref<32x80x128xi32, #tpu.memory_space<hbm>>, %arg4: memref<10000x16xf32, #tpu.memory_space<hbm>>, %arg5: memref<2x10000x16xf32, #tpu.memory_space<hbm>>, %arg6: memref<80x128xi32, #tpu.memory_space<vmem>>, %arg7: memref<80x128xi32, #tpu.memory_space<vmem>>, %arg8: memref<128x16xf32, #tpu.memory_space<vmem>>, %arg9: memref<128x16xf32, #tpu.memory_space<vmem>>, %arg10: memref<128x16xf32, #tpu.memory_space<vmem>>, %arg11: memref<128x16xf32, #tpu.memory_space<vmem>>, %arg12: memref<128x16xf32, #tpu.memory_space<vmem>>, %arg13: memref<64x16xf32, #tpu.memory_space<vmem>>, %arg14: memref<10240x16xf32, #tpu.memory_space<vmem_shared>>, %arg15: memref<5x!tpu.dma_semaphore, #tpu.memory_space<semaphore_mem>>, %arg16: memref<5x!tpu.dma_semaphore, #tpu.memory_space<semaphore_mem>>) attributes {dimension_semantics = [#tpu.dimension_semantics<core_parallel>, #tpu.dimension_semantics<subcore_parallel>], iteration_bounds = array<i64: 2, 16>, scalar_prefetch = 0 : i64, scratch_operands = 11 : i64, tpu.core_type = #tpu.core_type<sc_vector_subcore>, window_params = [{transform_indices = #map}, {transform_indices = #map}, {transform_indices = #map1}, {transform_indices = #map}]} {
    %mul3A = arith.constant 16 : i32
    %mul3A_0 = arith.muli %arg0, %mul3A : i32
    %add3A = arith.addi %mul3A_0, %arg1 : i32
    %scan3A = arith.constant 0 : i32
    %scan3A_1 = arith.constant 0 : i32
    %scan3A_2 = arith.constant 64 : i32
    %scan3A_3 = arith.addi %scan3A_1, %scan3A_2 : i32
    %scan3A_4 = arith.constant 1 : i32
    scf.for %scan3A_311 = %scan3A_1 to %scan3A_3 step %scan3A_4  : i32 {
      %broadcast_in_dim3A = arith.constant 0.000000e+00 : f32
      %broadcast_in_dim3A_312 = vector.broadcast %broadcast_in_dim3A : f32 to vector<16xf32>
      %swap3A = arith.index_cast %scan3A_311 : i32 to index
      %swap3A_313 = arith.constant 0 : index
      %swap3A_314 = tpu.vector_load %arg13[%swap3A, %swap3A_313] {strides = array<i32>} : memref<64x16xf32, #tpu.memory_space<vmem>>, vector<1x16xf32>,
      %swap3A_315 = vector.shape_cast %swap3A_314 : vector<1x16xf32> to vector<16xf32>
      %swap3A_316 = vector.shape_cast %broadcast_in_dim3A_312 : vector<16xf32> to vector<1x16xf32>
      tpu.vector_store %arg13[%swap3A, %swap3A_313], %swap3A_316 {strides = array<i32>} : memref<64x16xf32, #tpu.memory_space<vmem>>, vector<1x16xf32>,
    }
    %scan3A_5 = arith.constant 64 : i32
    %mul3A_6 = arith.constant 640 : i32
    %mul3A_7 = arith.muli %arg1, %mul3A_6 : i32
    %add3A_8 = arith.constant 0 : i32
    %add3A_9 = arith.addi %mul3A_7, %add3A_8 : i32
    %dma_start3A = arith.constant 0 : i32
    %dma_start3A_10 = arith.constant 0 : i32
    %dma_start3A_11 = tpu.memref_slice %arg14[%add3A_9, %dma_start3A_10] : memref<10240x16xf32, #tpu.memory_space<vmem_shared>> -> memref<64x16xf32, #tpu.memory_space<vmem_shared>>
    %dma_start3A_12 = tpu.memref_slice %arg15[%dma_start3A] : memref<5x!tpu.dma_semaphore, #tpu.memory_space<semaphore_mem>> -> memref<1x!tpu.dma_semaphore, #tpu.memory_space<semaphore_mem>>
    %dma_start3A_13 = tpu.memref_squeeze %dma_start3A_12 : memref<1x!tpu.dma_semaphore, #tpu.memory_space<semaphore_mem>> -> memref<!tpu.dma_semaphore, #tpu.memory_space<semaphore_mem>>
    %dma_start3A_14 = arith.constant 0 : i32
    %dma_start3A_15 = tpu.memref_slice %arg14[%add3A_9, %dma_start3A_14] : memref<10240x16xf32, #tpu.memory_space<vmem_shared>> -> memref<64x16xf32, #tpu.memory_space<vmem_shared>>
    tpu.enqueue_dma source(%arg13 : memref<64x16xf32, #tpu.memory_space<vmem>>) target(%dma_start3A_15 : memref<64x16xf32, #tpu.memory_space<vmem_shared>>) target_semaphore(%dma_start3A_13 : memref<!tpu.dma_semaphore, #tpu.memory_space<semaphore_mem>>)
    %mul3A_16 = arith.constant 640 : i32
    %mul3A_17 = arith.muli %arg1, %mul3A_16 : i32
    %add3A_18 = arith.constant 64 : i32
    %add3A_19 = arith.addi %mul3A_17, %add3A_18 : i32
    %dma_start3A_20 = arith.constant 1 : i32
    %dma_start3A_21 = arith.constant 0 : i32
    %dma_start3A_22 = tpu.memref_slice %arg14[%add3A_19, %dma_start3A_21] : memref<10240x16xf32, #tpu.memory_space<vmem_shared>> -> memref<64x16xf32, #tpu.memory_space<vmem_shared>>
    %dma_start3A_23 = tpu.memref_slice %arg15[%dma_start3A_20] : memref<5x!tpu.dma_semaphore, #tpu.memory_space<semaphore_mem>> -> memref<1x!tpu.dma_semaphore, #tpu.memory_space<semaphore_mem>>
    %dma_start3A_24 = tpu.memref_squeeze %dma_start3A_23 : memref<1x!tpu.dma_semaphore, #tpu.memory_space<semaphore_mem>> -> memref<!tpu.dma_semaphore, #tpu.memory_space<semaphore_mem>>
    %dma_start3A_25 = arith.constant 0 : i32
    %dma_start3A_26 = tpu.memref_slice %arg14[%add3A_19, %dma_start3A_25] : memref<10240x16xf32, #tpu.memory_space<vmem_shared>> -> memref<64x16xf32, #tpu.memory_space<vmem_shared>>
    tpu.enqueue_dma source(%arg13 : memref<64x16xf32, #tpu.memory_space<vmem>>) target(%dma_start3A_26 : memref<64x16xf32, #tpu.memory_space<vmem_shared>>) target_semaphore(%dma_start3A_24 : memref<!tpu.dma_semaphore, #tpu.memory_space<semaphore_mem>>)
    %mul3A_27 = arith.constant 640 : i32
    %mul3A_28 = arith.muli %arg1, %mul3A_27 : i32
    %add3A_29 = arith.constant 128 : i32
    %add3A_30 = arith.addi %mul3A_28, %add3A_29 : i32
    %dma_start3A_31 = arith.constant 2 : i32
    %dma_start3A_32 = arith.constant 0 : i32
    %dma_start3A_33 = tpu.memref_slice %arg14[%add3A_30, %dma_start3A_32] : memref<10240x16xf32, #tpu.memory_space<vmem_shared>> -> memref<64x16xf32, #tpu.memory_space<vmem_shared>>
    %dma_start3A_34 = tpu.memref_slice %arg15[%dma_start3A_31] : memref<5x!tpu.dma_semaphore, #tpu.memory_space<semaphore_mem>> -> memref<1x!tpu.dma_semaphore, #tpu.memory_space<semaphore_mem>>
    %dma_start3A_35 = tpu.memref_squeeze %dma_start3A_34 : memref<1x!tpu.dma_semaphore, #tpu.memory_space<semaphore_mem>> -> memref<!tpu.dma_semaphore, #tpu.memory_space<semaphore_mem>>
    %dma_start3A_36 = arith.constant 0 : i32
    %dma_start3A_37 = tpu.memref_slice %arg14[%add3A_30, %dma_start3A_36] : memref<10240x16xf32, #tpu.memory_space<vmem_shared>> -> memref<64x16xf32, #tpu.memory_space<vmem_shared>>
    tpu.enqueue_dma source(%arg13 : memref<64x16xf32, #tpu.memory_space<vmem>>) target(%dma_start3A_37 : memref<64x16xf32, #tpu.memory_space<vmem_shared>>) target_semaphore(%dma_start3A_35 : memref<!tpu.dma_semaphore, #tpu.memory_space<semaphore_mem>>)
    %mul3A_38 = arith.constant 640 : i32
    %mul3A_39 = arith.muli %arg1, %mul3A_38 : i32
    %add3A_40 = arith.constant 192 : i32
    %add3A_41 = arith.addi %mul3A_39, %add3A_40 : i32
    %dma_start3A_42 = arith.constant 3 : i32
    %dma_start3A_43 = arith.constant 0 : i32
    %dma_start3A_44 = tpu.memref_slice %arg14[%add3A_41, %dma_start3A_43] : memref<10240x16xf32, #tpu.memory_space<vmem_shared>> -> memref<64x16xf32, #tpu.memory_space<vmem_shared>>
    %dma_start3A_45 = tpu.memref_slice %arg15[%dma_start3A_42] : memref<5x!tpu.dma_semaphore, #tpu.memory_space<semaphore_mem>> -> memref<1x!tpu.dma_semaphore, #tpu.memory_space<semaphore_mem>>
    %dma_start3A_46 = tpu.memref_squeeze %dma_start3A_45 : memref<1x!tpu.dma_semaphore, #tpu.memory_space<semaphore_mem>> -> memref<!tpu.dma_semaphore, #tpu.memory_space<semaphore_mem>>
    %dma_start3A_47 = arith.constant 0 : i32
    %dma_start3A_48 = tpu.memref_slice %arg14[%add3A_41, %dma_start3A_47] : memref<10240x16xf32, #tpu.memory_space<vmem_shared>> -> memref<64x16xf32, #tpu.memory_space<vmem_shared>>
    tpu.enqueue_dma source(%arg13 : memref<64x16xf32, #tpu.memory_space<vmem>>) target(%dma_start3A_48 : memref<64x16xf32, #tpu.memory_space<vmem_shared>>) target_semaphore(%dma_start3A_46 : memref<!tpu.dma_semaphore, #tpu.memory_space<semaphore_mem>>)
    %mul3A_49 = arith.constant 640 : i32
    %mul3A_50 = arith.muli %arg1, %mul3A_49 : i32
    %add3A_51 = arith.constant 256 : i32
    %add3A_52 = arith.addi %mul3A_50, %add3A_51 : i32
    %dma_start3A_53 = arith.constant 4 : i32
    %dma_start3A_54 = arith.constant 0 : i32
    %dma_start3A_55 = tpu.memref_slice %arg14[%add3A_52, %dma_start3A_54] : memref<10240x16xf32, #tpu.memory_space<vmem_shared>> -> memref<64x16xf32, #tpu.memory_space<vmem_shared>>
    %dma_start3A_56 = tpu.memref_slice %arg15[%dma_start3A_53] : memref<5x!tpu.dma_semaphore, #tpu.memory_space<semaphore_mem>> -> memref<1x!tpu.dma_semaphore, #tpu.memory_space<semaphore_mem>>
    %dma_start3A_57 = tpu.memref_squeeze %dma_start3A_56 : memref<1x!tpu.dma_semaphore, #tpu.memory_space<semaphore_mem>> -> memref<!tpu.dma_semaphore, #tpu.memory_space<semaphore_mem>>
    %dma_start3A_58 = arith.constant 0 : i32
    %dma_start3A_59 = tpu.memref_slice %arg14[%add3A_52, %dma_start3A_58] : memref<10240x16xf32, #tpu.memory_space<vmem_shared>> -> memref<64x16xf32, #tpu.memory_space<vmem_shared>>
    tpu.enqueue_dma source(%arg13 : memref<64x16xf32, #tpu.memory_space<vmem>>) target(%dma_start3A_59 : memref<64x16xf32, #tpu.memory_space<vmem_shared>>) target_semaphore(%dma_start3A_57 : memref<!tpu.dma_semaphore, #tpu.memory_space<semaphore_mem>>)
    %mul3A_60 = arith.constant 640 : i32
    %mul3A_61 = arith.muli %arg1, %mul3A_60 : i32
    %add3A_62 = arith.constant 320 : i32
    %add3A_63 = arith.addi %mul3A_61, %add3A_62 : i32
    %dma_start3A_64 = arith.constant 0 : i32
    %dma_start3A_65 = arith.constant 0 : i32
    %dma_start3A_66 = tpu.memref_slice %arg14[%add3A_63, %dma_start3A_65] : memref<10240x16xf32, #tpu.memory_space<vmem_shared>> -> memref<64x16xf32, #tpu.memory_space<vmem_shared>>
    %dma_start3A_67 = tpu.memref_slice %arg15[%dma_start3A_64] : memref<5x!tpu.dma_semaphore, #tpu.memory_space<semaphore_mem>> -> memref<1x!tpu.dma_semaphore, #tpu.memory_space<semaphore_mem>>
    %dma_start3A_68 = tpu.memref_squeeze %dma_start3A_67 : memref<1x!tpu.dma_semaphore, #tpu.memory_space<semaphore_mem>> -> memref<!tpu.dma_semaphore, #tpu.memory_space<semaphore_mem>>
    %dma_start3A_69 = arith.constant 0 : i32
    %dma_start3A_70 = tpu.memref_slice %arg14[%add3A_63, %dma_start3A_69] : memref<10240x16xf32, #tpu.memory_space<vmem_shared>> -> memref<64x16xf32, #tpu.memory_space<vmem_shared>>
    tpu.enqueue_dma source(%arg13 : memref<64x16xf32, #tpu.memory_space<vmem>>) target(%dma_start3A_70 : memref<64x16xf32, #tpu.memory_space<vmem_shared>>) target_semaphore(%dma_start3A_68 : memref<!tpu.dma_semaphore, #tpu.memory_space<semaphore_mem>>)
    %mul3A_71 = arith.constant 640 : i32
    %mul3A_72 = arith.muli %arg1, %mul3A_71 : i32
    %add3A_73 = arith.constant 384 : i32
    %add3A_74 = arith.addi %mul3A_72, %add3A_73 : i32
    %dma_start3A_75 = arith.constant 1 : i32
    %dma_start3A_76 = arith.constant 0 : i32
    %dma_start3A_77 = tpu.memref_slice %arg14[%add3A_74, %dma_start3A_76] : memref<10240x16xf32, #tpu.memory_space<vmem_shared>> -> memref<64x16xf32, #tpu.memory_space<vmem_shared>>
    %dma_start3A_78 = tpu.memref_slice %arg15[%dma_start3A_75] : memref<5x!tpu.dma_semaphore, #tpu.memory_space<semaphore_mem>> -> memref<1x!tpu.dma_semaphore, #tpu.memory_space<semaphore_mem>>
    %dma_start3A_79 = tpu.memref_squeeze %dma_start3A_78 : memref<1x!tpu.dma_semaphore, #tpu.memory_space<semaphore_mem>> -> memref<!tpu.dma_semaphore, #tpu.memory_space<semaphore_mem>>
    %dma_start3A_80 = arith.constant 0 : i32
    %dma_start3A_81 = tpu.memref_slice %arg14[%add3A_74, %dma_start3A_80] : memref<10240x16xf32, #tpu.memory_space<vmem_shared>> -> memref<64x16xf32, #tpu.memory_space<vmem_shared>>
    tpu.enqueue_dma source(%arg13 : memref<64x16xf32, #tpu.memory_space<vmem>>) target(%dma_start3A_81 : memref<64x16xf32, #tpu.memory_space<vmem_shared>>) target_semaphore(%dma_start3A_79 : memref<!tpu.dma_semaphore, #tpu.memory_space<semaphore_mem>>)
    %mul3A_82 = arith.constant 640 : i32
    %mul3A_83 = arith.muli %arg1, %mul3A_82 : i32
    %add3A_84 = arith.constant 448 : i32
    %add3A_85 = arith.addi %mul3A_83, %add3A_84 : i32
    %dma_start3A_86 = arith.constant 2 : i32
    %dma_start3A_87 = arith.constant 0 : i32
    %dma_start3A_88 = tpu.memref_slice %arg14[%add3A_85, %dma_start3A_87] : memref<10240x16xf32, #tpu.memory_space<vmem_shared>> -> memref<64x16xf32, #tpu.memory_space<vmem_shared>>
    %dma_start3A_89 = tpu.memref_slice %arg15[%dma_start3A_86] : memref<5x!tpu.dma_semaphore, #tpu.memory_space<semaphore_mem>> -> memref<1x!tpu.dma_semaphore, #tpu.memory_space<semaphore_mem>>
    %dma_start3A_90 = tpu.memref_squeeze %dma_start3A_89 : memref<1x!tpu.dma_semaphore, #tpu.memory_space<semaphore_mem>> -> memref<!tpu.dma_semaphore, #tpu.memory_space<semaphore_mem>>
    %dma_start3A_91 = arith.constant 0 : i32
    %dma_start3A_92 = tpu.memref_slice %arg14[%add3A_85, %dma_start3A_91] : memref<10240x16xf32, #tpu.memory_space<vmem_shared>> -> memref<64x16xf32, #tpu.memory_space<vmem_shared>>
    tpu.enqueue_dma source(%arg13 : memref<64x16xf32, #tpu.memory_space<vmem>>) target(%dma_start3A_92 : memref<64x16xf32, #tpu.memory_space<vmem_shared>>) target_semaphore(%dma_start3A_90 : memref<!tpu.dma_semaphore, #tpu.memory_space<semaphore_mem>>)
    %mul3A_93 = arith.constant 640 : i32
    %mul3A_94 = arith.muli %arg1, %mul3A_93 : i32
    %add3A_95 = arith.constant 512 : i32
    %add3A_96 = arith.addi %mul3A_94, %add3A_95 : i32
    %dma_start3A_97 = arith.constant 3 : i32
    %dma_start3A_98 = arith.constant 0 : i32
    %dma_start3A_99 = tpu.memref_slice %arg14[%add3A_96, %dma_start3A_98] : memref<10240x16xf32, #tpu.memory_space<vmem_shared>> -> memref<64x16xf32, #tpu.memory_space<vmem_shared>>
    %dma_start3A_100 = tpu.memref_slice %arg15[%dma_start3A_97] : memref<5x!tpu.dma_semaphore, #tpu.memory_space<semaphore_mem>> -> memref<1x!tpu.dma_semaphore, #tpu.memory_space<semaphore_mem>>
    %dma_start3A_101 = tpu.memref_squeeze %dma_start3A_100 : memref<1x!tpu.dma_semaphore, #tpu.memory_space<semaphore_mem>> -> memref<!tpu.dma_semaphore, #tpu.memory_space<semaphore_mem>>
    %dma_start3A_102 = arith.constant 0 : i32
    %dma_start3A_103 = tpu.memref_slice %arg14[%add3A_96, %dma_start3A_102] : memref<10240x16xf32, #tpu.memory_space<vmem_shared>> -> memref<64x16xf32, #tpu.memory_space<vmem_shared>>
    tpu.enqueue_dma source(%arg13 : memref<64x16xf32, #tpu.memory_space<vmem>>) target(%dma_start3A_103 : memref<64x16xf32, #tpu.memory_space<vmem_shared>>) target_semaphore(%dma_start3A_101 : memref<!tpu.dma_semaphore, #tpu.memory_space<semaphore_mem>>)
    %mul3A_104 = arith.constant 640 : i32
    %mul3A_105 = arith.muli %arg1, %mul3A_104 : i32
    %add3A_106 = arith.constant 576 : i32
    %add3A_107 = arith.addi %mul3A_105, %add3A_106 : i32
    %dma_start3A_108 = arith.constant 4 : i32
    %dma_start3A_109 = arith.constant 0 : i32
    %dma_start3A_110 = tpu.memref_slice %arg14[%add3A_107, %dma_start3A_109] : memref<10240x16xf32, #tpu.memory_space<vmem_shared>> -> memref<64x16xf32, #tpu.memory_space<vmem_shared>>
    %dma_start3A_111 = tpu.memref_slice %arg15[%dma_start3A_108] : memref<5x!tpu.dma_semaphore, #tpu.memory_space<semaphore_mem>> -> memref<1x!tpu.dma_semaphore, #tpu.memory_space<semaphore_mem>>
    %dma_start3A_112 = tpu.memref_squeeze %dma_start3A_111 : memref<1x!tpu.dma_semaphore, #tpu.memory_space<semaphore_mem>> -> memref<!tpu.dma_semaphore, #tpu.memory_space<semaphore_mem>>
    %dma_start3A_113 = arith.constant 0 : i32
    %dma_start3A_114 = tpu.memref_slice %arg14[%add3A_107, %dma_start3A_113] : memref<10240x16xf32, #tpu.memory_space<vmem_shared>> -> memref<64x16xf32, #tpu.memory_space<vmem_shared>>
    tpu.enqueue_dma source(%arg13 : memref<64x16xf32, #tpu.memory_space<vmem>>) target(%dma_start3A_114 : memref<64x16xf32, #tpu.memory_space<vmem_shared>>) target_semaphore(%dma_start3A_112 : memref<!tpu.dma_semaphore, #tpu.memory_space<semaphore_mem>>)
    %dma_start3A_115 = arith.constant 0 : i32
    %dma_start3A_116 = arith.constant 0 : i32
    %dma_start3A_117 = arith.constant 0 : i32
    %dma_start3A_118 = tpu.memref_slice %arg2[%add3A, %dma_start3A_116, %dma_start3A_117] : memref<32x80x128xi32, #tpu.memory_space<hbm>> -> memref<1x80x128xi32, #tpu.memory_space<hbm>>
    %dma_start3A_119 = tpu.memref_squeeze %dma_start3A_118 : memref<1x80x128xi32, #tpu.memory_space<hbm>> -> memref<80x128xi32, #tpu.memory_space<hbm>>
    %dma_start3A_120 = tpu.memref_slice %arg16[%dma_start3A_115] : memref<5x!tpu.dma_semaphore, #tpu.memory_space<semaphore_mem>> -> memref<1x!tpu.dma_semaphore, #tpu.memory_space<semaphore_mem>>
    %dma_start3A_121 = tpu.memref_squeeze %dma_start3A_120 : memref<1x!tpu.dma_semaphore, #tpu.memory_space<semaphore_mem>> -> memref<!tpu.dma_semaphore, #tpu.memory_space<semaphore_mem>>
    %dma_start3A_122 = arith.constant 0 : i32
    %dma_start3A_123 = arith.constant 0 : i32
    %dma_start3A_124 = tpu.memref_slice %arg2[%add3A, %dma_start3A_122, %dma_start3A_123] : memref<32x80x128xi32, #tpu.memory_space<hbm>> -> memref<1x80x128xi32, #tpu.memory_space<hbm>>
    %dma_start3A_125 = tpu.memref_squeeze %dma_start3A_124 : memref<1x80x128xi32, #tpu.memory_space<hbm>> -> memref<80x128xi32, #tpu.memory_space<hbm>>
    tpu.enqueue_dma source(%dma_start3A_125 : memref<80x128xi32, #tpu.memory_space<hbm>>) target(%arg6 : memref<80x128xi32, #tpu.memory_space<vmem>>) target_semaphore(%dma_start3A_121 : memref<!tpu.dma_semaphore, #tpu.memory_space<semaphore_mem>>)
    %dma_start3A_126 = arith.constant 1 : i32
    %dma_start3A_127 = arith.constant 0 : i32
    %dma_start3A_128 = arith.constant 0 : i32
    %dma_start3A_129 = tpu.memref_slice %arg3[%add3A, %dma_start3A_127, %dma_start3A_128] : memref<32x80x128xi32, #tpu.memory_space<hbm>> -> memref<1x80x128xi32, #tpu.memory_space<hbm>>
    %dma_start3A_130 = tpu.memref_squeeze %dma_start3A_129 : memref<1x80x128xi32, #tpu.memory_space<hbm>> -> memref<80x128xi32, #tpu.memory_space<hbm>>
    %dma_start3A_131 = tpu.memref_slice %arg16[%dma_start3A_126] : memref<5x!tpu.dma_semaphore, #tpu.memory_space<semaphore_mem>> -> memref<1x!tpu.dma_semaphore, #tpu.memory_space<semaphore_mem>>
    %dma_start3A_132 = tpu.memref_squeeze %dma_start3A_131 : memref<1x!tpu.dma_semaphore, #tpu.memory_space<semaphore_mem>> -> memref<!tpu.dma_semaphore, #tpu.memory_space<semaphore_mem>>
    %dma_start3A_133 = arith.constant 0 : i32
    %dma_start3A_134 = arith.constant 0 : i32
    %dma_start3A_135 = tpu.memref_slice %arg3[%add3A, %dma_start3A_133, %dma_start3A_134] : memref<32x80x128xi32, #tpu.memory_space<hbm>> -> memref<1x80x128xi32, #tpu.memory_space<hbm>>
    %dma_start3A_136 = tpu.memref_squeeze %dma_start3A_135 : memref<1x80x128xi32, #tpu.memory_space<hbm>> -> memref<80x128xi32, #tpu.memory_space<hbm>>
    tpu.enqueue_dma source(%dma_start3A_136 : memref<80x128xi32, #tpu.memory_space<hbm>>) target(%arg7 : memref<80x128xi32, #tpu.memory_space<vmem>>) target_semaphore(%dma_start3A_132 : memref<!tpu.dma_semaphore, #tpu.memory_space<semaphore_mem>>)
    %dma_wait3A = arith.constant 0 : i32
    %dma_wait3A_137 = arith.constant 0 : i32
    %dma_wait3A_138 = tpu.memref_slice %arg14[%add3A_9, %dma_wait3A_137] : memref<10240x16xf32, #tpu.memory_space<vmem_shared>> -> memref<64x16xf32, #tpu.memory_space<vmem_shared>>
    %dma_wait3A_139 = tpu.memref_slice %arg15[%dma_wait3A] : memref<5x!tpu.dma_semaphore, #tpu.memory_space<semaphore_mem>> -> memref<1x!tpu.dma_semaphore, #tpu.memory_space<semaphore_mem>>
    %dma_wait3A_140 = tpu.memref_squeeze %dma_wait3A_139 : memref<1x!tpu.dma_semaphore, #tpu.memory_space<semaphore_mem>> -> memref<!tpu.dma_semaphore, #tpu.memory_space<semaphore_mem>>
    %dma_wait3A_141 = arith.constant 0 : i32
    %dma_wait3A_142 = tpu.memref_slice %arg14[%add3A_9, %dma_wait3A_141] : memref<10240x16xf32, #tpu.memory_space<vmem_shared>> -> memref<64x16xf32, #tpu.memory_space<vmem_shared>>
    tpu.wait_dma2 semaphore(%dma_wait3A_140 : memref<!tpu.dma_semaphore, #tpu.memory_space<semaphore_mem>>) src(%arg13 : memref<64x16xf32, #tpu.memory_space<vmem>>) dst(%dma_wait3A_142 : memref<64x16xf32, #tpu.memory_space<vmem_shared>>)
    %dma_wait3A_143 = arith.constant 1 : i32
    %dma_wait3A_144 = arith.constant 0 : i32
    %dma_wait3A_145 = tpu.memref_slice %arg14[%add3A_19, %dma_wait3A_144] : memref<10240x16xf32, #tpu.memory_space<vmem_shared>> -> memref<64x16xf32, #tpu.memory_space<vmem_shared>>
    %dma_wait3A_146 = tpu.memref_slice %arg15[%dma_wait3A_143] : memref<5x!tpu.dma_semaphore, #tpu.memory_space<semaphore_mem>> -> memref<1x!tpu.dma_semaphore, #tpu.memory_space<semaphore_mem>>
    %dma_wait3A_147 = tpu.memref_squeeze %dma_wait3A_146 : memref<1x!tpu.dma_semaphore, #tpu.memory_space<semaphore_mem>> -> memref<!tpu.dma_semaphore, #tpu.memory_space<semaphore_mem>>
    %dma_wait3A_148 = arith.constant 0 : i32
    %dma_wait3A_149 = tpu.memref_slice %arg14[%add3A_19, %dma_wait3A_148] : memref<10240x16xf32, #tpu.memory_space<vmem_shared>> -> memref<64x16xf32, #tpu.memory_space<vmem_shared>>
    tpu.wait_dma2 semaphore(%dma_wait3A_147 : memref<!tpu.dma_semaphore, #tpu.memory_space<semaphore_mem>>) src(%arg13 : memref<64x16xf32, #tpu.memory_space<vmem>>) dst(%dma_wait3A_149 : memref<64x16xf32, #tpu.memory_space<vmem_shared>>)
    %dma_wait3A_150 = arith.constant 2 : i32
    %dma_wait3A_151 = arith.constant 0 : i32
    %dma_wait3A_152 = tpu.memref_slice %arg14[%add3A_30, %dma_wait3A_151] : memref<10240x16xf32, #tpu.memory_space<vmem_shared>> -> memref<64x16xf32, #tpu.memory_space<vmem_shared>>
    %dma_wait3A_153 = tpu.memref_slice %arg15[%dma_wait3A_150] : memref<5x!tpu.dma_semaphore, #tpu.memory_space<semaphore_mem>> -> memref<1x!tpu.dma_semaphore, #tpu.memory_space<semaphore_mem>>
    %dma_wait3A_154 = tpu.memref_squeeze %dma_wait3A_153 : memref<1x!tpu.dma_semaphore, #tpu.memory_space<semaphore_mem>> -> memref<!tpu.dma_semaphore, #tpu.memory_space<semaphore_mem>>
    %dma_wait3A_155 = arith.constant 0 : i32
    %dma_wait3A_156 = tpu.memref_slice %arg14[%add3A_30, %dma_wait3A_155] : memref<10240x16xf32, #tpu.memory_space<vmem_shared>> -> memref<64x16xf32, #tpu.memory_space<vmem_shared>>
    tpu.wait_dma2 semaphore(%dma_wait3A_154 : memref<!tpu.dma_semaphore, #tpu.memory_space<semaphore_mem>>) src(%arg13 : memref<64x16xf32, #tpu.memory_space<vmem>>) dst(%dma_wait3A_156 : memref<64x16xf32, #tpu.memory_space<vmem_shared>>)
    %dma_wait3A_157 = arith.constant 3 : i32
    %dma_wait3A_158 = arith.constant 0 : i32
    %dma_wait3A_159 = tpu.memref_slice %arg14[%add3A_41, %dma_wait3A_158] : memref<10240x16xf32, #tpu.memory_space<vmem_shared>> -> memref<64x16xf32, #tpu.memory_space<vmem_shared>>
    %dma_wait3A_160 = tpu.memref_slice %arg15[%dma_wait3A_157] : memref<5x!tpu.dma_semaphore, #tpu.memory_space<semaphore_mem>> -> memref<1x!tpu.dma_semaphore, #tpu.memory_space<semaphore_mem>>
    %dma_wait3A_161 = tpu.memref_squeeze %dma_wait3A_160 : memref<1x!tpu.dma_semaphore, #tpu.memory_space<semaphore_mem>> -> memref<!tpu.dma_semaphore, #tpu.memory_space<semaphore_mem>>
    %dma_wait3A_162 = arith.constant 0 : i32
    %dma_wait3A_163 = tpu.memref_slice %arg14[%add3A_41, %dma_wait3A_162] : memref<10240x16xf32, #tpu.memory_space<vmem_shared>> -> memref<64x16xf32, #tpu.memory_space<vmem_shared>>
    tpu.wait_dma2 semaphore(%dma_wait3A_161 : memref<!tpu.dma_semaphore, #tpu.memory_space<semaphore_mem>>) src(%arg13 : memref<64x16xf32, #tpu.memory_space<vmem>>) dst(%dma_wait3A_163 : memref<64x16xf32, #tpu.memory_space<vmem_shared>>)
    %dma_wait3A_164 = arith.constant 4 : i32
    %dma_wait3A_165 = arith.constant 0 : i32
    %dma_wait3A_166 = tpu.memref_slice %arg14[%add3A_52, %dma_wait3A_165] : memref<10240x16xf32, #tpu.memory_space<vmem_shared>> -> memref<64x16xf32, #tpu.memory_space<vmem_shared>>
    %dma_wait3A_167 = tpu.memref_slice %arg15[%dma_wait3A_164] : memref<5x!tpu.dma_semaphore, #tpu.memory_space<semaphore_mem>> -> memref<1x!tpu.dma_semaphore, #tpu.memory_space<semaphore_mem>>
    %dma_wait3A_168 = tpu.memref_squeeze %dma_wait3A_167 : memref<1x!tpu.dma_semaphore, #tpu.memory_space<semaphore_mem>> -> memref<!tpu.dma_semaphore, #tpu.memory_space<semaphore_mem>>
    %dma_wait3A_169 = arith.constant 0 : i32
    %dma_wait3A_170 = tpu.memref_slice %arg14[%add3A_52, %dma_wait3A_169] : memref<10240x16xf32, #tpu.memory_space<vmem_shared>> -> memref<64x16xf32, #tpu.memory_space<vmem_shared>>
    tpu.wait_dma2 semaphore(%dma_wait3A_168 : memref<!tpu.dma_semaphore, #tpu.memory_space<semaphore_mem>>) src(%arg13 : memref<64x16xf32, #tpu.memory_space<vmem>>) dst(%dma_wait3A_170 : memref<64x16xf32, #tpu.memory_space<vmem_shared>>)
    %dma_wait3A_171 = arith.constant 0 : i32
    %dma_wait3A_172 = arith.constant 0 : i32
    %dma_wait3A_173 = tpu.memref_slice %arg14[%add3A_63, %dma_wait3A_172] : memref<10240x16xf32, #tpu.memory_space<vmem_shared>> -> memref<64x16xf32, #tpu.memory_space<vmem_shared>>
    %dma_wait3A_174 = tpu.memref_slice %arg15[%dma_wait3A_171] : memref<5x!tpu.dma_semaphore, #tpu.memory_space<semaphore_mem>> -> memref<1x!tpu.dma_semaphore, #tpu.memory_space<semaphore_mem>>
    %dma_wait3A_175 = tpu.memref_squeeze %dma_wait3A_174 : memref<1x!tpu.dma_semaphore, #tpu.memory_space<semaphore_mem>> -> memref<!tpu.dma_semaphore, #tpu.memory_space<semaphore_mem>>
    %dma_wait3A_176 = arith.constant 0 : i32
    %dma_wait3A_177 = tpu.memref_slice %arg14[%add3A_63, %dma_wait3A_176] : memref<10240x16xf32, #tpu.memory_space<vmem_shared>> -> memref<64x16xf32, #tpu.memory_space<vmem_shared>>
    tpu.wait_dma2 semaphore(%dma_wait3A_175 : memref<!tpu.dma_semaphore, #tpu.memory_space<semaphore_mem>>) src(%arg13 : memref<64x16xf32, #tpu.memory_space<vmem>>) dst(%dma_wait3A_177 : memref<64x16xf32, #tpu.memory_space<vmem_shared>>)
    %dma_wait3A_178 = arith.constant 1 : i32
    %dma_wait3A_179 = arith.constant 0 : i32
    %dma_wait3A_180 = tpu.memref_slice %arg14[%add3A_74, %dma_wait3A_179] : memref<10240x16xf32, #tpu.memory_space<vmem_shared>> -> memref<64x16xf32, #tpu.memory_space<vmem_shared>>
    %dma_wait3A_181 = tpu.memref_slice %arg15[%dma_wait3A_178] : memref<5x!tpu.dma_semaphore, #tpu.memory_space<semaphore_mem>> -> memref<1x!tpu.dma_semaphore, #tpu.memory_space<semaphore_mem>>
    %dma_wait3A_182 = tpu.memref_squeeze %dma_wait3A_181 : memref<1x!tpu.dma_semaphore, #tpu.memory_space<semaphore_mem>> -> memref<!tpu.dma_semaphore, #tpu.memory_space<semaphore_mem>>
    %dma_wait3A_183 = arith.constant 0 : i32
    %dma_wait3A_184 = tpu.memref_slice %arg14[%add3A_74, %dma_wait3A_183] : memref<10240x16xf32, #tpu.memory_space<vmem_shared>> -> memref<64x16xf32, #tpu.memory_space<vmem_shared>>
    tpu.wait_dma2 semaphore(%dma_wait3A_182 : memref<!tpu.dma_semaphore, #tpu.memory_space<semaphore_mem>>) src(%arg13 : memref<64x16xf32, #tpu.memory_space<vmem>>) dst(%dma_wait3A_184 : memref<64x16xf32, #tpu.memory_space<vmem_shared>>)
    %dma_wait3A_185 = arith.constant 2 : i32
    %dma_wait3A_186 = arith.constant 0 : i32
    %dma_wait3A_187 = tpu.memref_slice %arg14[%add3A_85, %dma_wait3A_186] : memref<10240x16xf32, #tpu.memory_space<vmem_shared>> -> memref<64x16xf32, #tpu.memory_space<vmem_shared>>
    %dma_wait3A_188 = tpu.memref_slice %arg15[%dma_wait3A_185] : memref<5x!tpu.dma_semaphore, #tpu.memory_space<semaphore_mem>> -> memref<1x!tpu.dma_semaphore, #tpu.memory_space<semaphore_mem>>
    %dma_wait3A_189 = tpu.memref_squeeze %dma_wait3A_188 : memref<1x!tpu.dma_semaphore, #tpu.memory_space<semaphore_mem>> -> memref<!tpu.dma_semaphore, #tpu.memory_space<semaphore_mem>>
    %dma_wait3A_190 = arith.constant 0 : i32
    %dma_wait3A_191 = tpu.memref_slice %arg14[%add3A_85, %dma_wait3A_190] : memref<10240x16xf32, #tpu.memory_space<vmem_shared>> -> memref<64x16xf32, #tpu.memory_space<vmem_shared>>
    tpu.wait_dma2 semaphore(%dma_wait3A_189 : memref<!tpu.dma_semaphore, #tpu.memory_space<semaphore_mem>>) src(%arg13 : memref<64x16xf32, #tpu.memory_space<vmem>>) dst(%dma_wait3A_191 : memref<64x16xf32, #tpu.memory_space<vmem_shared>>)
    %dma_wait3A_192 = arith.constant 3 : i32
    %dma_wait3A_193 = arith.constant 0 : i32
    %dma_wait3A_194 = tpu.memref_slice %arg14[%add3A_96, %dma_wait3A_193] : memref<10240x16xf32, #tpu.memory_space<vmem_shared>> -> memref<64x16xf32, #tpu.memory_space<vmem_shared>>
    %dma_wait3A_195 = tpu.memref_slice %arg15[%dma_wait3A_192] : memref<5x!tpu.dma_semaphore, #tpu.memory_space<semaphore_mem>> -> memref<1x!tpu.dma_semaphore, #tpu.memory_space<semaphore_mem>>
    %dma_wait3A_196 = tpu.memref_squeeze %dma_wait3A_195 : memref<1x!tpu.dma_semaphore, #tpu.memory_space<semaphore_mem>> -> memref<!tpu.dma_semaphore, #tpu.memory_space<semaphore_mem>>
    %dma_wait3A_197 = arith.constant 0 : i32
    %dma_wait3A_198 = tpu.memref_slice %arg14[%add3A_96, %dma_wait3A_197] : memref<10240x16xf32, #tpu.memory_space<vmem_shared>> -> memref<64x16xf32, #tpu.memory_space<vmem_shared>>
    tpu.wait_dma2 semaphore(%dma_wait3A_196 : memref<!tpu.dma_semaphore, #tpu.memory_space<semaphore_mem>>) src(%arg13 : memref<64x16xf32, #tpu.memory_space<vmem>>) dst(%dma_wait3A_198 : memref<64x16xf32, #tpu.memory_space<vmem_shared>>)
    %dma_wait3A_199 = arith.constant 4 : i32
    %dma_wait3A_200 = arith.constant 0 : i32
    %dma_wait3A_201 = tpu.memref_slice %arg14[%add3A_107, %dma_wait3A_200] : memref<10240x16xf32, #tpu.memory_space<vmem_shared>> -> memref<64x16xf32, #tpu.memory_space<vmem_shared>>
    %dma_wait3A_202 = tpu.memref_slice %arg15[%dma_wait3A_199] : memref<5x!tpu.dma_semaphore, #tpu.memory_space<semaphore_mem>> -> memref<1x!tpu.dma_semaphore, #tpu.memory_space<semaphore_mem>>
    %dma_wait3A_203 = tpu.memref_squeeze %dma_wait3A_202 : memref<1x!tpu.dma_semaphore, #tpu.memory_space<semaphore_mem>> -> memref<!tpu.dma_semaphore, #tpu.memory_space<semaphore_mem>>
    %dma_wait3A_204 = arith.constant 0 : i32
    %dma_wait3A_205 = tpu.memref_slice %arg14[%add3A_107, %dma_wait3A_204] : memref<10240x16xf32, #tpu.memory_space<vmem_shared>> -> memref<64x16xf32, #tpu.memory_space<vmem_shared>>
    tpu.wait_dma2 semaphore(%dma_wait3A_203 : memref<!tpu.dma_semaphore, #tpu.memory_space<semaphore_mem>>) src(%arg13 : memref<64x16xf32, #tpu.memory_space<vmem>>) dst(%dma_wait3A_205 : memref<64x16xf32, #tpu.memory_space<vmem_shared>>)
    %dma_wait3A_206 = arith.constant 0 : i32
    %dma_wait3A_207 = arith.constant 0 : i32
    %dma_wait3A_208 = arith.constant 0 : i32
    %dma_wait3A_209 = tpu.memref_slice %arg2[%add3A, %dma_wait3A_207, %dma_wait3A_208] : memref<32x80x128xi32, #tpu.memory_space<hbm>> -> memref<1x80x128xi32, #tpu.memory_space<hbm>>
    %dma_wait3A_210 = tpu.memref_squeeze %dma_wait3A_209 : memref<1x80x128xi32, #tpu.memory_space<hbm>> -> memref<80x128xi32, #tpu.memory_space<hbm>>
    %dma_wait3A_211 = tpu.memref_slice %arg16[%dma_wait3A_206] : memref<5x!tpu.dma_semaphore, #tpu.memory_space<semaphore_mem>> -> memref<1x!tpu.dma_semaphore, #tpu.memory_space<semaphore_mem>>
    %dma_wait3A_212 = tpu.memref_squeeze %dma_wait3A_211 : memref<1x!tpu.dma_semaphore, #tpu.memory_space<semaphore_mem>> -> memref<!tpu.dma_semaphore, #tpu.memory_space<semaphore_mem>>
    %dma_wait3A_213 = arith.constant 0 : i32
    %dma_wait3A_214 = arith.constant 0 : i32
    %dma_wait3A_215 = tpu.memref_slice %arg2[%add3A, %dma_wait3A_213, %dma_wait3A_214] : memref<32x80x128xi32, #tpu.memory_space<hbm>> -> memref<1x80x128xi32, #tpu.memory_space<hbm>>
    %dma_wait3A_216 = tpu.memref_squeeze %dma_wait3A_215 : memref<1x80x128xi32, #tpu.memory_space<hbm>> -> memref<80x128xi32, #tpu.memory_space<hbm>>
    tpu.wait_dma2 semaphore(%dma_wait3A_212 : memref<!tpu.dma_semaphore, #tpu.memory_space<semaphore_mem>>) src(%dma_wait3A_216 : memref<80x128xi32, #tpu.memory_space<hbm>>) dst(%arg6 : memref<80x128xi32, #tpu.memory_space<vmem>>)
    %dma_wait3A_217 = arith.constant 1 : i32
    %dma_wait3A_218 = arith.constant 0 : i32
    %dma_wait3A_219 = arith.constant 0 : i32
    %dma_wait3A_220 = tpu.memref_slice %arg3[%add3A, %dma_wait3A_218, %dma_wait3A_219] : memref<32x80x128xi32, #tpu.memory_space<hbm>> -> memref<1x80x128xi32, #tpu.memory_space<hbm>>
    %dma_wait3A_221 = tpu.memref_squeeze %dma_wait3A_220 : memref<1x80x128xi32, #tpu.memory_space<hbm>> -> memref<80x128xi32, #tpu.memory_space<hbm>>
    %dma_wait3A_222 = tpu.memref_slice %arg16[%dma_wait3A_217] : memref<5x!tpu.dma_semaphore, #tpu.memory_space<semaphore_mem>> -> memref<1x!tpu.dma_semaphore, #tpu.memory_space<semaphore_mem>>
    %dma_wait3A_223 = tpu.memref_squeeze %dma_wait3A_222 : memref<1x!tpu.dma_semaphore, #tpu.memory_space<semaphore_mem>> -> memref<!tpu.dma_semaphore, #tpu.memory_space<semaphore_mem>>
    %dma_wait3A_224 = arith.constant 0 : i32
    %dma_wait3A_225 = arith.constant 0 : i32
    %dma_wait3A_226 = tpu.memref_slice %arg3[%add3A, %dma_wait3A_224, %dma_wait3A_225] : memref<32x80x128xi32, #tpu.memory_space<hbm>> -> memref<1x80x128xi32, #tpu.memory_space<hbm>>
    %dma_wait3A_227 = tpu.memref_squeeze %dma_wait3A_226 : memref<1x80x128xi32, #tpu.memory_space<hbm>> -> memref<80x128xi32, #tpu.memory_space<hbm>>
    tpu.wait_dma2 semaphore(%dma_wait3A_223 : memref<!tpu.dma_semaphore, #tpu.memory_space<semaphore_mem>>) src(%dma_wait3A_227 : memref<80x128xi32, #tpu.memory_space<hbm>>) dst(%arg7 : memref<80x128xi32, #tpu.memory_space<vmem>>)
    %barrier3A = arith.constant 0 : index
    tpu.barrier barrier_id(%barrier3A)
    %scan3A_228 = arith.constant 0 : i32
    %scan3A_229 = arith.constant 0 : i32
    %scan3A_230 = arith.constant 16 : i32
    %scan3A_231 = arith.addi %scan3A_229, %scan3A_230 : i32
    %scan3A_232 = arith.constant 1 : i32
    scf.for %scan3A_311 = %scan3A_229 to %scan3A_231 step %scan3A_232  : i32 {
      %mul3A_312 = arith.constant 5 : i32
      %mul3A_313 = arith.muli %scan3A_311, %mul3A_312 : i32
      %add3A_314 = arith.constant 0 : i32
      %add3A_315 = arith.addi %mul3A_313, %add3A_314 : i32
      %ge3A = arith.constant 1 : i32
      %ge3A_316 = arith.cmpi sge, %scan3A_311, %ge3A : i32
      %convert_element_type3A_317 = arith.extui %ge3A_316 : i1 to i32
      %cond3A_318 = arith.constant 0 : i32
      %cond3A_319 = arith.cmpi ne, %convert_element_type3A_317, %cond3A_318 : i32
      scf.if %cond3A_319 {
        %dma_wait3A_489 = arith.constant 0 : i32
        %dma_wait3A_490 = arith.constant 0 : i32
        %dma_wait3A_491 = arith.constant 0 : i32
        %dma_wait3A_492 = tpu.memref_slice %arg7[%dma_wait3A_489, %dma_wait3A_491] : memref<80x128xi32, #tpu.memory_space<vmem>> -> memref<1x128xi32, #tpu.memory_space<vmem>>
        %dma_wait3A_493 = tpu.memref_squeeze %dma_wait3A_492 : memref<1x128xi32, #tpu.memory_space<vmem>> -> memref<128xi32, #tpu.memory_space<vmem>>
        %dma_wait3A_494 = arith.constant 0 : i32
        %dma_wait3A_495 = arith.constant 0 : i32
        %dma_wait3A_496 = tpu.memref_slice %arg14[%dma_wait3A_494, %dma_wait3A_495] : memref<10240x16xf32, #tpu.memory_space<vmem_shared>> -> memref<10240x16xf32, #tpu.memory_space<vmem_shared>>
        %dma_wait3A_497 = tpu.memref_slice %arg16[%dma_wait3A_490] : memref<5x!tpu.dma_semaphore, #tpu.memory_space<semaphore_mem>> -> memref<1x!tpu.dma_semaphore, #tpu.memory_space<semaphore_mem>>
        %dma_wait3A_498 = tpu.memref_squeeze %dma_wait3A_497 : memref<1x!tpu.dma_semaphore, #tpu.memory_space<semaphore_mem>> -> memref<!tpu.dma_semaphore, #tpu.memory_space<semaphore_mem>>
        tpu.wait_indirect_dma semaphore(%dma_wait3A_498 : memref<!tpu.dma_semaphore, #tpu.memory_space<semaphore_mem>>) src(%arg8 : memref<128x16xf32, #tpu.memory_space<vmem>>) dst(%dma_wait3A_496 : memref<10240x16xf32, #tpu.memory_space<vmem_shared>>)
      } else {
      }
      %dma_start3A_320 = arith.constant 0 : i32
      %dma_start3A_321 = arith.constant 0 : i32
      %dma_start3A_322 = tpu.memref_slice %arg6[%add3A_315, %dma_start3A_321] : memref<80x128xi32, #tpu.memory_space<vmem>> -> memref<1x128xi32, #tpu.memory_space<vmem>>
      %dma_start3A_323 = tpu.memref_squeeze %dma_start3A_322 : memref<1x128xi32, #tpu.memory_space<vmem>> -> memref<128xi32, #tpu.memory_space<vmem>>
      %dma_start3A_324 = arith.constant 0 : i32
      %dma_start3A_325 = arith.constant 0 : i32
      %dma_start3A_326 = tpu.memref_slice %arg4[%dma_start3A_324, %dma_start3A_325] : memref<10000x16xf32, #tpu.memory_space<hbm>> -> memref<10000x16xf32, #tpu.memory_space<hbm>>
      %dma_start3A_327 = tpu.memref_slice %arg15[%dma_start3A_320] : memref<5x!tpu.dma_semaphore, #tpu.memory_space<semaphore_mem>> -> memref<1x!tpu.dma_semaphore, #tpu.memory_space<semaphore_mem>>
      %dma_start3A_328 = tpu.memref_squeeze %dma_start3A_327 : memref<1x!tpu.dma_semaphore, #tpu.memory_space<semaphore_mem>> -> memref<!tpu.dma_semaphore, #tpu.memory_space<semaphore_mem>>
      tpu.enqueue_indirect_dma source(%dma_start3A_326 : memref<10000x16xf32, #tpu.memory_space<hbm>>) target(%arg8 : memref<128x16xf32, #tpu.memory_space<vmem>>) offsets(%dma_start3A_323 : memref<128xi32, #tpu.memory_space<vmem>>) semaphore(%dma_start3A_328 : memref<!tpu.dma_semaphore, #tpu.memory_space<semaphore_mem>>)
      %ge3A_329 = arith.constant 1 : i32
      %ge3A_330 = arith.cmpi sge, %scan3A_311, %ge3A_329 : i32
      %convert_element_type3A_331 = arith.extui %ge3A_330 : i1 to i32
      %cond3A_332 = arith.constant 0 : i32
      %cond3A_333 = arith.cmpi ne, %convert_element_type3A_331, %cond3A_332 : i32
      scf.if %cond3A_333 {
        %dma_wait3A_489 = arith.constant 0 : i32
        %dma_wait3A_490 = arith.constant 4 : i32
        %dma_wait3A_491 = arith.constant 0 : i32
        %dma_wait3A_492 = tpu.memref_slice %arg6[%dma_wait3A_489, %dma_wait3A_491] : memref<80x128xi32, #tpu.memory_space<vmem>> -> memref<1x128xi32, #tpu.memory_space<vmem>>
        %dma_wait3A_493 = tpu.memref_squeeze %dma_wait3A_492 : memref<1x128xi32, #tpu.memory_space<vmem>> -> memref<128xi32, #tpu.memory_space<vmem>>
        %dma_wait3A_494 = arith.constant 0 : i32
        %dma_wait3A_495 = arith.constant 0 : i32
        %dma_wait3A_496 = tpu.memref_slice %arg4[%dma_wait3A_494, %dma_wait3A_495] : memref<10000x16xf32, #tpu.memory_space<hbm>> -> memref<10000x16xf32, #tpu.memory_space<hbm>>
        %dma_wait3A_497 = tpu.memref_slice %arg15[%dma_wait3A_490] : memref<5x!tpu.dma_semaphore, #tpu.memory_space<semaphore_mem>> -> memref<1x!tpu.dma_semaphore, #tpu.memory_space<semaphore_mem>>
        %dma_wait3A_498 = tpu.memref_squeeze %dma_wait3A_497 : memref<1x!tpu.dma_semaphore, #tpu.memory_space<semaphore_mem>> -> memref<!tpu.dma_semaphore, #tpu.memory_space<semaphore_mem>>
        tpu.wait_indirect_dma semaphore(%dma_wait3A_498 : memref<!tpu.dma_semaphore, #tpu.memory_space<semaphore_mem>>) src(%dma_wait3A_496 : memref<10000x16xf32, #tpu.memory_space<hbm>>) dst(%arg12 : memref<128x16xf32, #tpu.memory_space<vmem>>)
        %mul3A_499 = arith.constant 5 : i32
        %mul3A_500 = arith.muli %scan3A_311, %mul3A_499 : i32
        %sub3A_501 = arith.constant 1 : i32
        %sub3A_502 = arith.subi %mul3A_500, %sub3A_501 : i32
        %dma_start3A_503 = arith.constant 4 : i32
        %dma_start3A_504 = arith.constant 0 : i32
        %dma_start3A_505 = tpu.memref_slice %arg7[%sub3A_502, %dma_start3A_504] : memref<80x128xi32, #tpu.memory_space<vmem>> -> memref<1x128xi32, #tpu.memory_space<vmem>>
        %dma_start3A_506 = tpu.memref_squeeze %dma_start3A_505 : memref<1x128xi32, #tpu.memory_space<vmem>> -> memref<128xi32, #tpu.memory_space<vmem>>
        %dma_start3A_507 = arith.constant 0 : i32
        %dma_start3A_508 = arith.constant 0 : i32
        %dma_start3A_509 = tpu.memref_slice %arg14[%dma_start3A_507, %dma_start3A_508] : memref<10240x16xf32, #tpu.memory_space<vmem_shared>> -> memref<10240x16xf32, #tpu.memory_space<vmem_shared>>
        %dma_start3A_510 = tpu.memref_slice %arg16[%dma_start3A_503] : memref<5x!tpu.dma_semaphore, #tpu.memory_space<semaphore_mem>> -> memref<1x!tpu.dma_semaphore, #tpu.memory_space<semaphore_mem>>
        %dma_start3A_511 = tpu.memref_squeeze %dma_start3A_510 : memref<1x!tpu.dma_semaphore, #tpu.memory_space<semaphore_mem>> -> memref<!tpu.dma_semaphore, #tpu.memory_space<semaphore_mem>>
        tpu.enqueue_indirect_dma source(%arg12 : memref<128x16xf32, #tpu.memory_space<vmem>>) target(%dma_start3A_509 : memref<10240x16xf32, #tpu.memory_space<vmem_shared>>) offsets(%dma_start3A_506 : memref<128xi32, #tpu.memory_space<vmem>>) semaphore(%dma_start3A_511 : memref<!tpu.dma_semaphore, #tpu.memory_space<semaphore_mem>>) {add = true}
      } else {
      }
      %mul3A_334 = arith.constant 5 : i32
      %mul3A_335 = arith.muli %scan3A_311, %mul3A_334 : i32
      %add3A_336 = arith.constant 1 : i32
      %add3A_337 = arith.addi %mul3A_335, %add3A_336 : i32
      %ge3A_338 = arith.constant 1 : i32
      %ge3A_339 = arith.cmpi sge, %scan3A_311, %ge3A_338 : i32
      %convert_element_type3A_340 = arith.extui %ge3A_339 : i1 to i32
      %cond3A_341 = arith.constant 0 : i32
      %cond3A_342 = arith.cmpi ne, %convert_element_type3A_340, %cond3A_341 : i32
      scf.if %cond3A_342 {
        %dma_wait3A_489 = arith.constant 0 : i32
        %dma_wait3A_490 = arith.constant 1 : i32
        %dma_wait3A_491 = arith.constant 0 : i32
        %dma_wait3A_492 = tpu.memref_slice %arg7[%dma_wait3A_489, %dma_wait3A_491] : memref<80x128xi32, #tpu.memory_space<vmem>> -> memref<1x128xi32, #tpu.memory_space<vmem>>
        %dma_wait3A_493 = tpu.memref_squeeze %dma_wait3A_492 : memref<1x128xi32, #tpu.memory_space<vmem>> -> memref<128xi32, #tpu.memory_space<vmem>>
        %dma_wait3A_494 = arith.constant 0 : i32
        %dma_wait3A_495 = arith.constant 0 : i32
        %dma_wait3A_496 = tpu.memref_slice %arg14[%dma_wait3A_494, %dma_wait3A_495] : memref<10240x16xf32, #tpu.memory_space<vmem_shared>> -> memref<10240x16xf32, #tpu.memory_space<vmem_shared>>
        %dma_wait3A_497 = tpu.memref_slice %arg16[%dma_wait3A_490] : memref<5x!tpu.dma_semaphore, #tpu.memory_space<semaphore_mem>> -> memref<1x!tpu.dma_semaphore, #tpu.memory_space<semaphore_mem>>
        %dma_wait3A_498 = tpu.memref_squeeze %dma_wait3A_497 : memref<1x!tpu.dma_semaphore, #tpu.memory_space<semaphore_mem>> -> memref<!tpu.dma_semaphore, #tpu.memory_space<semaphore_mem>>
        tpu.wait_indirect_dma semaphore(%dma_wait3A_498 : memref<!tpu.dma_semaphore, #tpu.memory_space<semaphore_mem>>) src(%arg9 : memref<128x16xf32, #tpu.memory_space<vmem>>) dst(%dma_wait3A_496 : memref<10240x16xf32, #tpu.memory_space<vmem_shared>>)
      } else {
      }
      %dma_start3A_343 = arith.constant 1 : i32
      %dma_start3A_344 = arith.constant 0 : i32
      %dma_start3A_345 = tpu.memref_slice %arg6[%add3A_337, %dma_start3A_344] : memref<80x128xi32, #tpu.memory_space<vmem>> -> memref<1x128xi32, #tpu.memory_space<vmem>>
      %dma_start3A_346 = tpu.memref_squeeze %dma_start3A_345 : memref<1x128xi32, #tpu.memory_space<vmem>> -> memref<128xi32, #tpu.memory_space<vmem>>
      %dma_start3A_347 = arith.constant 0 : i32
      %dma_start3A_348 = arith.constant 0 : i32
      %dma_start3A_349 = tpu.memref_slice %arg4[%dma_start3A_347, %dma_start3A_348] : memref<10000x16xf32, #tpu.memory_space<hbm>> -> memref<10000x16xf32, #tpu.memory_space<hbm>>
      %dma_start3A_350 = tpu.memref_slice %arg15[%dma_start3A_343] : memref<5x!tpu.dma_semaphore, #tpu.memory_space<semaphore_mem>> -> memref<1x!tpu.dma_semaphore, #tpu.memory_space<semaphore_mem>>
      %dma_start3A_351 = tpu.memref_squeeze %dma_start3A_350 : memref<1x!tpu.dma_semaphore, #tpu.memory_space<semaphore_mem>> -> memref<!tpu.dma_semaphore, #tpu.memory_space<semaphore_mem>>
      tpu.enqueue_indirect_dma source(%dma_start3A_349 : memref<10000x16xf32, #tpu.memory_space<hbm>>) target(%arg9 : memref<128x16xf32, #tpu.memory_space<vmem>>) offsets(%dma_start3A_346 : memref<128xi32, #tpu.memory_space<vmem>>) semaphore(%dma_start3A_351 : memref<!tpu.dma_semaphore, #tpu.memory_space<semaphore_mem>>)
      %dma_wait3A_352 = arith.constant 0 : i32
      %dma_wait3A_353 = arith.constant 0 : i32
      %dma_wait3A_354 = arith.constant 0 : i32
      %dma_wait3A_355 = tpu.memref_slice %arg6[%dma_wait3A_352, %dma_wait3A_354] : memref<80x128xi32, #tpu.memory_space<vmem>> -> memref<1x128xi32, #tpu.memory_space<vmem>>
      %dma_wait3A_356 = tpu.memref_squeeze %dma_wait3A_355 : memref<1x128xi32, #tpu.memory_space<vmem>> -> memref<128xi32, #tpu.memory_space<vmem>>
      %dma_wait3A_357 = arith.constant 0 : i32
      %dma_wait3A_358 = arith.constant 0 : i32
      %dma_wait3A_359 = tpu.memref_slice %arg4[%dma_wait3A_357, %dma_wait3A_358] : memref<10000x16xf32, #tpu.memory_space<hbm>> -> memref<10000x16xf32, #tpu.memory_space<hbm>>
      %dma_wait3A_360 = tpu.memref_slice %arg15[%dma_wait3A_353] : memref<5x!tpu.dma_semaphore, #tpu.memory_space<semaphore_mem>> -> memref<1x!tpu.dma_semaphore, #tpu.memory_space<semaphore_mem>>
      %dma_wait3A_361 = tpu.memref_squeeze %dma_wait3A_360 : memref<1x!tpu.dma_semaphore, #tpu.memory_space<semaphore_mem>> -> memref<!tpu.dma_semaphore, #tpu.memory_space<semaphore_mem>>
      tpu.wait_indirect_dma semaphore(%dma_wait3A_361 : memref<!tpu.dma_semaphore, #tpu.memory_space<semaphore_mem>>) src(%dma_wait3A_359 : memref<10000x16xf32, #tpu.memory_space<hbm>>) dst(%arg8 : memref<128x16xf32, #tpu.memory_space<vmem>>)
      %sub3A = arith.constant 1 : i32
      %sub3A_362 = arith.subi %add3A_337, %sub3A : i32
      %dma_start3A_363 = arith.constant 0 : i32
      %dma_start3A_364 = arith.constant 0 : i32
      %dma_start3A_365 = tpu.memref_slice %arg7[%sub3A_362, %dma_start3A_364] : memref<80x128xi32, #tpu.memory_space<vmem>> -> memref<1x128xi32, #tpu.memory_space<vmem>>
      %dma_start3A_366 = tpu.memref_squeeze %dma_start3A_365 : memref<1x128xi32, #tpu.memory_space<vmem>> -> memref<128xi32, #tpu.memory_space<vmem>>
      %dma_start3A_367 = arith.constant 0 : i32
      %dma_start3A_368 = arith.constant 0 : i32
      %dma_start3A_369 = tpu.memref_slice %arg14[%dma_start3A_367, %dma_start3A_368] : memref<10240x16xf32, #tpu.memory_space<vmem_shared>> -> memref<10240x16xf32, #tpu.memory_space<vmem_shared>>
      %dma_start3A_370 = tpu.memref_slice %arg16[%dma_start3A_363] : memref<5x!tpu.dma_semaphore, #tpu.memory_space<semaphore_mem>> -> memref<1x!tpu.dma_semaphore, #tpu.memory_space<semaphore_mem>>
      %dma_start3A_371 = tpu.memref_squeeze %dma_start3A_370 : memref<1x!tpu.dma_semaphore, #tpu.memory_space<semaphore_mem>> -> memref<!tpu.dma_semaphore, #tpu.memory_space<semaphore_mem>>
      tpu.enqueue_indirect_dma source(%arg8 : memref<128x16xf32, #tpu.memory_space<vmem>>) target(%dma_start3A_369 : memref<10240x16xf32, #tpu.memory_space<vmem_shared>>) offsets(%dma_start3A_366 : memref<128xi32, #tpu.memory_space<vmem>>) semaphore(%dma_start3A_371 : memref<!tpu.dma_semaphore, #tpu.memory_space<semaphore_mem>>) {add = true}
      %mul3A_372 = arith.constant 5 : i32
      %mul3A_373 = arith.muli %scan3A_311, %mul3A_372 : i32
      %add3A_374 = arith.constant 2 : i32
      %add3A_375 = arith.addi %mul3A_373, %add3A_374 : i32
      %ge3A_376 = arith.constant 1 : i32
      %ge3A_377 = arith.cmpi sge, %scan3A_311, %ge3A_376 : i32
      %convert_element_type3A_378 = arith.extui %ge3A_377 : i1 to i32
      %cond3A_379 = arith.constant 0 : i32
      %cond3A_380 = arith.cmpi ne, %convert_element_type3A_378, %cond3A_379 : i32
      scf.if %cond3A_380 {
        %dma_wait3A_489 = arith.constant 0 : i32
        %dma_wait3A_490 = arith.constant 2 : i32
        %dma_wait3A_491 = arith.constant 0 : i32
        %dma_wait3A_492 = tpu.memref_slice %arg7[%dma_wait3A_489, %dma_wait3A_491] : memref<80x128xi32, #tpu.memory_space<vmem>> -> memref<1x128xi32, #tpu.memory_space<vmem>>
        %dma_wait3A_493 = tpu.memref_squeeze %dma_wait3A_492 : memref<1x128xi32, #tpu.memory_space<vmem>> -> memref<128xi32, #tpu.memory_space<vmem>>
        %dma_wait3A_494 = arith.constant 0 : i32
        %dma_wait3A_495 = arith.constant 0 : i32
        %dma_wait3A_496 = tpu.memref_slice %arg14[%dma_wait3A_494, %dma_wait3A_495] : memref<10240x16xf32, #tpu.memory_space<vmem_shared>> -> memref<10240x16xf32, #tpu.memory_space<vmem_shared>>
        %dma_wait3A_497 = tpu.memref_slice %arg16[%dma_wait3A_490] : memref<5x!tpu.dma_semaphore, #tpu.memory_space<semaphore_mem>> -> memref<1x!tpu.dma_semaphore, #tpu.memory_space<semaphore_mem>>
        %dma_wait3A_498 = tpu.memref_squeeze %dma_wait3A_497 : memref<1x!tpu.dma_semaphore, #tpu.memory_space<semaphore_mem>> -> memref<!tpu.dma_semaphore, #tpu.memory_space<semaphore_mem>>
        tpu.wait_indirect_dma semaphore(%dma_wait3A_498 : memref<!tpu.dma_semaphore, #tpu.memory_space<semaphore_mem>>) src(%arg10 : memref<128x16xf32, #tpu.memory_space<vmem>>) dst(%dma_wait3A_496 : memref<10240x16xf32, #tpu.memory_space<vmem_shared>>)
      } else {
      }
      %dma_start3A_381 = arith.constant 2 : i32
      %dma_start3A_382 = arith.constant 0 : i32
      %dma_start3A_383 = tpu.memref_slice %arg6[%add3A_375, %dma_start3A_382] : memref<80x128xi32, #tpu.memory_space<vmem>> -> memref<1x128xi32, #tpu.memory_space<vmem>>
      %dma_start3A_384 = tpu.memref_squeeze %dma_start3A_383 : memref<1x128xi32, #tpu.memory_space<vmem>> -> memref<128xi32, #tpu.memory_space<vmem>>
      %dma_start3A_385 = arith.constant 0 : i32
      %dma_start3A_386 = arith.constant 0 : i32
      %dma_start3A_387 = tpu.memref_slice %arg4[%dma_start3A_385, %dma_start3A_386] : memref<10000x16xf32, #tpu.memory_space<hbm>> -> memref<10000x16xf32, #tpu.memory_space<hbm>>
      %dma_start3A_388 = tpu.memref_slice %arg15[%dma_start3A_381] : memref<5x!tpu.dma_semaphore, #tpu.memory_space<semaphore_mem>> -> memref<1x!tpu.dma_semaphore, #tpu.memory_space<semaphore_mem>>
      %dma_start3A_389 = tpu.memref_squeeze %dma_start3A_388 : memref<1x!tpu.dma_semaphore, #tpu.memory_space<semaphore_mem>> -> memref<!tpu.dma_semaphore, #tpu.memory_space<semaphore_mem>>
      tpu.enqueue_indirect_dma source(%dma_start3A_387 : memref<10000x16xf32, #tpu.memory_space<hbm>>) target(%arg10 : memref<128x16xf32, #tpu.memory_space<vmem>>) offsets(%dma_start3A_384 : memref<128xi32, #tpu.memory_space<vmem>>) semaphore(%dma_start3A_389 : memref<!tpu.dma_semaphore, #tpu.memory_space<semaphore_mem>>)
      %dma_wait3A_390 = arith.constant 0 : i32
      %dma_wait3A_391 = arith.constant 1 : i32
      %dma_wait3A_392 = arith.constant 0 : i32
      %dma_wait3A_393 = tpu.memref_slice %arg6[%dma_wait3A_390, %dma_wait3A_392] : memref<80x128xi32, #tpu.memory_space<vmem>> -> memref<1x128xi32, #tpu.memory_space<vmem>>
      %dma_wait3A_394 = tpu.memref_squeeze %dma_wait3A_393 : memref<1x128xi32, #tpu.memory_space<vmem>> -> memref<128xi32, #tpu.memory_space<vmem>>
      %dma_wait3A_395 = arith.constant 0 : i32
      %dma_wait3A_396 = arith.constant 0 : i32
      %dma_wait3A_397 = tpu.memref_slice %arg4[%dma_wait3A_395, %dma_wait3A_396] : memref<10000x16xf32, #tpu.memory_space<hbm>> -> memref<10000x16xf32, #tpu.memory_space<hbm>>
      %dma_wait3A_398 = tpu.memref_slice %arg15[%dma_wait3A_391] : memref<5x!tpu.dma_semaphore, #tpu.memory_space<semaphore_mem>> -> memref<1x!tpu.dma_semaphore, #tpu.memory_space<semaphore_mem>>
      %dma_wait3A_399 = tpu.memref_squeeze %dma_wait3A_398 : memref<1x!tpu.dma_semaphore, #tpu.memory_space<semaphore_mem>> -> memref<!tpu.dma_semaphore, #tpu.memory_space<semaphore_mem>>
      tpu.wait_indirect_dma semaphore(%dma_wait3A_399 : memref<!tpu.dma_semaphore, #tpu.memory_space<semaphore_mem>>) src(%dma_wait3A_397 : memref<10000x16xf32, #tpu.memory_space<hbm>>) dst(%arg9 : memref<128x16xf32, #tpu.memory_space<vmem>>)
      %sub3A_400 = arith.constant 1 : i32
      %sub3A_401 = arith.subi %add3A_375, %sub3A_400 : i32
      %dma_start3A_402 = arith.constant 1 : i32
      %dma_start3A_403 = arith.constant 0 : i32
      %dma_start3A_404 = tpu.memref_slice %arg7[%sub3A_401, %dma_start3A_403] : memref<80x128xi32, #tpu.memory_space<vmem>> -> memref<1x128xi32, #tpu.memory_space<vmem>>
      %dma_start3A_405 = tpu.memref_squeeze %dma_start3A_404 : memref<1x128xi32, #tpu.memory_space<vmem>> -> memref<128xi32, #tpu.memory_space<vmem>>
      %dma_start3A_406 = arith.constant 0 : i32
      %dma_start3A_407 = arith.constant 0 : i32
      %dma_start3A_408 = tpu.memref_slice %arg14[%dma_start3A_406, %dma_start3A_407] : memref<10240x16xf32, #tpu.memory_space<vmem_shared>> -> memref<10240x16xf32, #tpu.memory_space<vmem_shared>>
      %dma_start3A_409 = tpu.memref_slice %arg16[%dma_start3A_402] : memref<5x!tpu.dma_semaphore, #tpu.memory_space<semaphore_mem>> -> memref<1x!tpu.dma_semaphore, #tpu.memory_space<semaphore_mem>>
      %dma_start3A_410 = tpu.memref_squeeze %dma_start3A_409 : memref<1x!tpu.dma_semaphore, #tpu.memory_space<semaphore_mem>> -> memref<!tpu.dma_semaphore, #tpu.memory_space<semaphore_mem>>
      tpu.enqueue_indirect_dma source(%arg9 : memref<128x16xf32, #tpu.memory_space<vmem>>) target(%dma_start3A_408 : memref<10240x16xf32, #tpu.memory_space<vmem_shared>>) offsets(%dma_start3A_405 : memref<128xi32, #tpu.memory_space<vmem>>) semaphore(%dma_start3A_410 : memref<!tpu.dma_semaphore, #tpu.memory_space<semaphore_mem>>) {add = true}
      %mul3A_411 = arith.constant 5 : i32
      %mul3A_412 = arith.muli %scan3A_311, %mul3A_411 : i32
      %add3A_413 = arith.constant 3 : i32
      %add3A_414 = arith.addi %mul3A_412, %add3A_413 : i32
      %ge3A_415 = arith.constant 1 : i32
      %ge3A_416 = arith.cmpi sge, %scan3A_311, %ge3A_415 : i32
      %convert_element_type3A_417 = arith.extui %ge3A_416 : i1 to i32
      %cond3A_418 = arith.constant 0 : i32
      %cond3A_419 = arith.cmpi ne, %convert_element_type3A_417, %cond3A_418 : i32
      scf.if %cond3A_419 {
        %dma_wait3A_489 = arith.constant 0 : i32
        %dma_wait3A_490 = arith.constant 3 : i32
        %dma_wait3A_491 = arith.constant 0 : i32
        %dma_wait3A_492 = tpu.memref_slice %arg7[%dma_wait3A_489, %dma_wait3A_491] : memref<80x128xi32, #tpu.memory_space<vmem>> -> memref<1x128xi32, #tpu.memory_space<vmem>>
        %dma_wait3A_493 = tpu.memref_squeeze %dma_wait3A_492 : memref<1x128xi32, #tpu.memory_space<vmem>> -> memref<128xi32, #tpu.memory_space<vmem>>
        %dma_wait3A_494 = arith.constant 0 : i32
        %dma_wait3A_495 = arith.constant 0 : i32
        %dma_wait3A_496 = tpu.memref_slice %arg14[%dma_wait3A_494, %dma_wait3A_495] : memref<10240x16xf32, #tpu.memory_space<vmem_shared>> -> memref<10240x16xf32, #tpu.memory_space<vmem_shared>>
        %dma_wait3A_497 = tpu.memref_slice %arg16[%dma_wait3A_490] : memref<5x!tpu.dma_semaphore, #tpu.memory_space<semaphore_mem>> -> memref<1x!tpu.dma_semaphore, #tpu.memory_space<semaphore_mem>>
        %dma_wait3A_498 = tpu.memref_squeeze %dma_wait3A_497 : memref<1x!tpu.dma_semaphore, #tpu.memory_space<semaphore_mem>> -> memref<!tpu.dma_semaphore, #tpu.memory_space<semaphore_mem>>
        tpu.wait_indirect_dma semaphore(%dma_wait3A_498 : memref<!tpu.dma_semaphore, #tpu.memory_space<semaphore_mem>>) src(%arg11 : memref<128x16xf32, #tpu.memory_space<vmem>>) dst(%dma_wait3A_496 : memref<10240x16xf32, #tpu.memory_space<vmem_shared>>)
      } else {
      }
      %dma_start3A_420 = arith.constant 3 : i32
      %dma_start3A_421 = arith.constant 0 : i32
      %dma_start3A_422 = tpu.memref_slice %arg6[%add3A_414, %dma_start3A_421] : memref<80x128xi32, #tpu.memory_space<vmem>> -> memref<1x128xi32, #tpu.memory_space<vmem>>
      %dma_start3A_423 = tpu.memref_squeeze %dma_start3A_422 : memref<1x128xi32, #tpu.memory_space<vmem>> -> memref<128xi32, #tpu.memory_space<vmem>>
      %dma_start3A_424 = arith.constant 0 : i32
      %dma_start3A_425 = arith.constant 0 : i32
      %dma_start3A_426 = tpu.memref_slice %arg4[%dma_start3A_424, %dma_start3A_425] : memref<10000x16xf32, #tpu.memory_space<hbm>> -> memref<10000x16xf32, #tpu.memory_space<hbm>>
      %dma_start3A_427 = tpu.memref_slice %arg15[%dma_start3A_420] : memref<5x!tpu.dma_semaphore, #tpu.memory_space<semaphore_mem>> -> memref<1x!tpu.dma_semaphore, #tpu.memory_space<semaphore_mem>>
      %dma_start3A_428 = tpu.memref_squeeze %dma_start3A_427 : memref<1x!tpu.dma_semaphore, #tpu.memory_space<semaphore_mem>> -> memref<!tpu.dma_semaphore, #tpu.memory_space<semaphore_mem>>
      tpu.enqueue_indirect_dma source(%dma_start3A_426 : memref<10000x16xf32, #tpu.memory_space<hbm>>) target(%arg11 : memref<128x16xf32, #tpu.memory_space<vmem>>) offsets(%dma_start3A_423 : memref<128xi32, #tpu.memory_space<vmem>>) semaphore(%dma_start3A_428 : memref<!tpu.dma_semaphore, #tpu.memory_space<semaphore_mem>>)
      %dma_wait3A_429 = arith.constant 0 : i32
      %dma_wait3A_430 = arith.constant 2 : i32
      %dma_wait3A_431 = arith.constant 0 : i32
      %dma_wait3A_432 = tpu.memref_slice %arg6[%dma_wait3A_429, %dma_wait3A_431] : memref<80x128xi32, #tpu.memory_space<vmem>> -> memref<1x128xi32, #tpu.memory_space<vmem>>
      %dma_wait3A_433 = tpu.memref_squeeze %dma_wait3A_432 : memref<1x128xi32, #tpu.memory_space<vmem>> -> memref<128xi32, #tpu.memory_space<vmem>>
      %dma_wait3A_434 = arith.constant 0 : i32
      %dma_wait3A_435 = arith.constant 0 : i32
      %dma_wait3A_436 = tpu.memref_slice %arg4[%dma_wait3A_434, %dma_wait3A_435] : memref<10000x16xf32, #tpu.memory_space<hbm>> -> memref<10000x16xf32, #tpu.memory_space<hbm>>
      %dma_wait3A_437 = tpu.memref_slice %arg15[%dma_wait3A_430] : memref<5x!tpu.dma_semaphore, #tpu.memory_space<semaphore_mem>> -> memref<1x!tpu.dma_semaphore, #tpu.memory_space<semaphore_mem>>
      %dma_wait3A_438 = tpu.memref_squeeze %dma_wait3A_437 : memref<1x!tpu.dma_semaphore, #tpu.memory_space<semaphore_mem>> -> memref<!tpu.dma_semaphore, #tpu.memory_space<semaphore_mem>>
      tpu.wait_indirect_dma semaphore(%dma_wait3A_438 : memref<!tpu.dma_semaphore, #tpu.memory_space<semaphore_mem>>) src(%dma_wait3A_436 : memref<10000x16xf32, #tpu.memory_space<hbm>>) dst(%arg10 : memref<128x16xf32, #tpu.memory_space<vmem>>)
      %sub3A_439 = arith.constant 1 : i32
      %sub3A_440 = arith.subi %add3A_414, %sub3A_439 : i32
      %dma_start3A_441 = arith.constant 2 : i32
      %dma_start3A_442 = arith.constant 0 : i32
      %dma_start3A_443 = tpu.memref_slice %arg7[%sub3A_440, %dma_start3A_442] : memref<80x128xi32, #tpu.memory_space<vmem>> -> memref<1x128xi32, #tpu.memory_space<vmem>>
      %dma_start3A_444 = tpu.memref_squeeze %dma_start3A_443 : memref<1x128xi32, #tpu.memory_space<vmem>> -> memref<128xi32, #tpu.memory_space<vmem>>
      %dma_start3A_445 = arith.constant 0 : i32
      %dma_start3A_446 = arith.constant 0 : i32
      %dma_start3A_447 = tpu.memref_slice %arg14[%dma_start3A_445, %dma_start3A_446] : memref<10240x16xf32, #tpu.memory_space<vmem_shared>> -> memref<10240x16xf32, #tpu.memory_space<vmem_shared>>
      %dma_start3A_448 = tpu.memref_slice %arg16[%dma_start3A_441] : memref<5x!tpu.dma_semaphore, #tpu.memory_space<semaphore_mem>> -> memref<1x!tpu.dma_semaphore, #tpu.memory_space<semaphore_mem>>
      %dma_start3A_449 = tpu.memref_squeeze %dma_start3A_448 : memref<1x!tpu.dma_semaphore, #tpu.memory_space<semaphore_mem>> -> memref<!tpu.dma_semaphore, #tpu.memory_space<semaphore_mem>>
      tpu.enqueue_indirect_dma source(%arg10 : memref<128x16xf32, #tpu.memory_space<vmem>>) target(%dma_start3A_447 : memref<10240x16xf32, #tpu.memory_space<vmem_shared>>) offsets(%dma_start3A_444 : memref<128xi32, #tpu.memory_space<vmem>>) semaphore(%dma_start3A_449 : memref<!tpu.dma_semaphore, #tpu.memory_space<semaphore_mem>>) {add = true}
      %mul3A_450 = arith.constant 5 : i32
      %mul3A_451 = arith.muli %scan3A_311, %mul3A_450 : i32
      %add3A_452 = arith.constant 4 : i32
      %add3A_453 = arith.addi %mul3A_451, %add3A_452 : i32
      %ge3A_454 = arith.constant 1 : i32
      %ge3A_455 = arith.cmpi sge, %scan3A_311, %ge3A_454 : i32
      %convert_element_type3A_456 = arith.extui %ge3A_455 : i1 to i32
      %cond3A_457 = arith.constant 0 : i32
      %cond3A_458 = arith.cmpi ne, %convert_element_type3A_456, %cond3A_457 : i32
      scf.if %cond3A_458 {
        %dma_wait3A_489 = arith.constant 0 : i32
        %dma_wait3A_490 = arith.constant 4 : i32
        %dma_wait3A_491 = arith.constant 0 : i32
        %dma_wait3A_492 = tpu.memref_slice %arg7[%dma_wait3A_489, %dma_wait3A_491] : memref<80x128xi32, #tpu.memory_space<vmem>> -> memref<1x128xi32, #tpu.memory_space<vmem>>
        %dma_wait3A_493 = tpu.memref_squeeze %dma_wait3A_492 : memref<1x128xi32, #tpu.memory_space<vmem>> -> memref<128xi32, #tpu.memory_space<vmem>>
        %dma_wait3A_494 = arith.constant 0 : i32
        %dma_wait3A_495 = arith.constant 0 : i32
        %dma_wait3A_496 = tpu.memref_slice %arg14[%dma_wait3A_494, %dma_wait3A_495] : memref<10240x16xf32, #tpu.memory_space<vmem_shared>> -> memref<10240x16xf32, #tpu.memory_space<vmem_shared>>
        %dma_wait3A_497 = tpu.memref_slice %arg16[%dma_wait3A_490] : memref<5x!tpu.dma_semaphore, #tpu.memory_space<semaphore_mem>> -> memref<1x!tpu.dma_semaphore, #tpu.memory_space<semaphore_mem>>
        %dma_wait3A_498 = tpu.memref_squeeze %dma_wait3A_497 : memref<1x!tpu.dma_semaphore, #tpu.memory_space<semaphore_mem>> -> memref<!tpu.dma_semaphore, #tpu.memory_space<semaphore_mem>>
        tpu.wait_indirect_dma semaphore(%dma_wait3A_498 : memref<!tpu.dma_semaphore, #tpu.memory_space<semaphore_mem>>) src(%arg12 : memref<128x16xf32, #tpu.memory_space<vmem>>) dst(%dma_wait3A_496 : memref<10240x16xf32, #tpu.memory_space<vmem_shared>>)
      } else {
      }
      %dma_start3A_459 = arith.constant 4 : i32
      %dma_start3A_460 = arith.constant 0 : i32
      %dma_start3A_461 = tpu.memref_slice %arg6[%add3A_453, %dma_start3A_460] : memref<80x128xi32, #tpu.memory_space<vmem>> -> memref<1x128xi32, #tpu.memory_space<vmem>>
      %dma_start3A_462 = tpu.memref_squeeze %dma_start3A_461 : memref<1x128xi32, #tpu.memory_space<vmem>> -> memref<128xi32, #tpu.memory_space<vmem>>
      %dma_start3A_463 = arith.constant 0 : i32
      %dma_start3A_464 = arith.constant 0 : i32
      %dma_start3A_465 = tpu.memref_slice %arg4[%dma_start3A_463, %dma_start3A_464] : memref<10000x16xf32, #tpu.memory_space<hbm>> -> memref<10000x16xf32, #tpu.memory_space<hbm>>
      %dma_start3A_466 = tpu.memref_slice %arg15[%dma_start3A_459] : memref<5x!tpu.dma_semaphore, #tpu.memory_space<semaphore_mem>> -> memref<1x!tpu.dma_semaphore, #tpu.memory_space<semaphore_mem>>
      %dma_start3A_467 = tpu.memref_squeeze %dma_start3A_466 : memref<1x!tpu.dma_semaphore, #tpu.memory_space<semaphore_mem>> -> memref<!tpu.dma_semaphore, #tpu.memory_space<semaphore_mem>>
      tpu.enqueue_indirect_dma source(%dma_start3A_465 : memref<10000x16xf32, #tpu.memory_space<hbm>>) target(%arg12 : memref<128x16xf32, #tpu.memory_space<vmem>>) offsets(%dma_start3A_462 : memref<128xi32, #tpu.memory_space<vmem>>) semaphore(%dma_start3A_467 : memref<!tpu.dma_semaphore, #tpu.memory_space<semaphore_mem>>)
      %dma_wait3A_468 = arith.constant 0 : i32
      %dma_wait3A_469 = arith.constant 3 : i32
      %dma_wait3A_470 = arith.constant 0 : i32
      %dma_wait3A_471 = tpu.memref_slice %arg6[%dma_wait3A_468, %dma_wait3A_470] : memref<80x128xi32, #tpu.memory_space<vmem>> -> memref<1x128xi32, #tpu.memory_space<vmem>>
      %dma_wait3A_472 = tpu.memref_squeeze %dma_wait3A_471 : memref<1x128xi32, #tpu.memory_space<vmem>> -> memref<128xi32, #tpu.memory_space<vmem>>
      %dma_wait3A_473 = arith.constant 0 : i32
      %dma_wait3A_474 = arith.constant 0 : i32
      %dma_wait3A_475 = tpu.memref_slice %arg4[%dma_wait3A_473, %dma_wait3A_474] : memref<10000x16xf32, #tpu.memory_space<hbm>> -> memref<10000x16xf32, #tpu.memory_space<hbm>>
      %dma_wait3A_476 = tpu.memref_slice %arg15[%dma_wait3A_469] : memref<5x!tpu.dma_semaphore, #tpu.memory_space<semaphore_mem>> -> memref<1x!tpu.dma_semaphore, #tpu.memory_space<semaphore_mem>>
      %dma_wait3A_477 = tpu.memref_squeeze %dma_wait3A_476 : memref<1x!tpu.dma_semaphore, #tpu.memory_space<semaphore_mem>> -> memref<!tpu.dma_semaphore, #tpu.memory_space<semaphore_mem>>
      tpu.wait_indirect_dma semaphore(%dma_wait3A_477 : memref<!tpu.dma_semaphore, #tpu.memory_space<semaphore_mem>>) src(%dma_wait3A_475 : memref<10000x16xf32, #tpu.memory_space<hbm>>) dst(%arg11 : memref<128x16xf32, #tpu.memory_space<vmem>>)
      %sub3A_478 = arith.constant 1 : i32
      %sub3A_479 = arith.subi %add3A_453, %sub3A_478 : i32
      %dma_start3A_480 = arith.constant 3 : i32
      %dma_start3A_481 = arith.constant 0 : i32
      %dma_start3A_482 = tpu.memref_slice %arg7[%sub3A_479, %dma_start3A_481] : memref<80x128xi32, #tpu.memory_space<vmem>> -> memref<1x128xi32, #tpu.memory_space<vmem>>
      %dma_start3A_483 = tpu.memref_squeeze %dma_start3A_482 : memref<1x128xi32, #tpu.memory_space<vmem>> -> memref<128xi32, #tpu.memory_space<vmem>>
      %dma_start3A_484 = arith.constant 0 : i32
      %dma_start3A_485 = arith.constant 0 : i32
      %dma_start3A_486 = tpu.memref_slice %arg14[%dma_start3A_484, %dma_start3A_485] : memref<10240x16xf32, #tpu.memory_space<vmem_shared>> -> memref<10240x16xf32, #tpu.memory_space<vmem_shared>>
      %dma_start3A_487 = tpu.memref_slice %arg16[%dma_start3A_480] : memref<5x!tpu.dma_semaphore, #tpu.memory_space<semaphore_mem>> -> memref<1x!tpu.dma_semaphore, #tpu.memory_space<semaphore_mem>>
      %dma_start3A_488 = tpu.memref_squeeze %dma_start3A_487 : memref<1x!tpu.dma_semaphore, #tpu.memory_space<semaphore_mem>> -> memref<!tpu.dma_semaphore, #tpu.memory_space<semaphore_mem>>
      tpu.enqueue_indirect_dma source(%arg11 : memref<128x16xf32, #tpu.memory_space<vmem>>) target(%dma_start3A_486 : memref<10240x16xf32, #tpu.memory_space<vmem_shared>>) offsets(%dma_start3A_483 : memref<128xi32, #tpu.memory_space<vmem>>) semaphore(%dma_start3A_488 : memref<!tpu.dma_semaphore, #tpu.memory_space<semaphore_mem>>) {add = true}
    }
    %scan3A_233 = arith.constant 16 : i32
    %dma_wait3A_234 = arith.constant 0 : i32
    %dma_wait3A_235 = arith.constant 4 : i32
    %dma_wait3A_236 = arith.constant 0 : i32
    %dma_wait3A_237 = tpu.memref_slice %arg6[%dma_wait3A_234, %dma_wait3A_236] : memref<80x128xi32, #tpu.memory_space<vmem>> -> memref<1x128xi32, #tpu.memory_space<vmem>>
    %dma_wait3A_238 = tpu.memref_squeeze %dma_wait3A_237 : memref<1x128xi32, #tpu.memory_space<vmem>> -> memref<128xi32, #tpu.memory_space<vmem>>
    %dma_wait3A_239 = arith.constant 0 : i32
    %dma_wait3A_240 = arith.constant 0 : i32
    %dma_wait3A_241 = tpu.memref_slice %arg4[%dma_wait3A_239, %dma_wait3A_240] : memref<10000x16xf32, #tpu.memory_space<hbm>> -> memref<10000x16xf32, #tpu.memory_space<hbm>>
    %dma_wait3A_242 = tpu.memref_slice %arg15[%dma_wait3A_235] : memref<5x!tpu.dma_semaphore, #tpu.memory_space<semaphore_mem>> -> memref<1x!tpu.dma_semaphore, #tpu.memory_space<semaphore_mem>>
    %dma_wait3A_243 = tpu.memref_squeeze %dma_wait3A_242 : memref<1x!tpu.dma_semaphore, #tpu.memory_space<semaphore_mem>> -> memref<!tpu.dma_semaphore, #tpu.memory_space<semaphore_mem>>
    tpu.wait_indirect_dma semaphore(%dma_wait3A_243 : memref<!tpu.dma_semaphore, #tpu.memory_space<semaphore_mem>>) src(%dma_wait3A_241 : memref<10000x16xf32, #tpu.memory_space<hbm>>) dst(%arg12 : memref<128x16xf32, #tpu.memory_space<vmem>>)
    %dma_start3A_244 = arith.constant 79 : i32
    %dma_start3A_245 = arith.constant 4 : i32
    %dma_start3A_246 = arith.constant 0 : i32
    %dma_start3A_247 = tpu.memref_slice %arg7[%dma_start3A_244, %dma_start3A_246] : memref<80x128xi32, #tpu.memory_space<vmem>> -> memref<1x128xi32, #tpu.memory_space<vmem>>
    %dma_start3A_248 = tpu.memref_squeeze %dma_start3A_247 : memref<1x128xi32, #tpu.memory_space<vmem>> -> memref<128xi32, #tpu.memory_space<vmem>>
    %dma_start3A_249 = arith.constant 0 : i32
    %dma_start3A_250 = arith.constant 0 : i32
    %dma_start3A_251 = tpu.memref_slice %arg14[%dma_start3A_249, %dma_start3A_250] : memref<10240x16xf32, #tpu.memory_space<vmem_shared>> -> memref<10240x16xf32, #tpu.memory_space<vmem_shared>>
    %dma_start3A_252 = tpu.memref_slice %arg16[%dma_start3A_245] : memref<5x!tpu.dma_semaphore, #tpu.memory_space<semaphore_mem>> -> memref<1x!tpu.dma_semaphore, #tpu.memory_space<semaphore_mem>>
    %dma_start3A_253 = tpu.memref_squeeze %dma_start3A_252 : memref<1x!tpu.dma_semaphore, #tpu.memory_space<semaphore_mem>> -> memref<!tpu.dma_semaphore, #tpu.memory_space<semaphore_mem>>
    tpu.enqueue_indirect_dma source(%arg12 : memref<128x16xf32, #tpu.memory_space<vmem>>) target(%dma_start3A_251 : memref<10240x16xf32, #tpu.memory_space<vmem_shared>>) offsets(%dma_start3A_248 : memref<128xi32, #tpu.memory_space<vmem>>) semaphore(%dma_start3A_253 : memref<!tpu.dma_semaphore, #tpu.memory_space<semaphore_mem>>) {add = true}
    %dma_wait3A_254 = arith.constant 0 : i32
    %dma_wait3A_255 = arith.constant 0 : i32
    %dma_wait3A_256 = arith.constant 0 : i32
    %dma_wait3A_257 = tpu.memref_slice %arg7[%dma_wait3A_254, %dma_wait3A_256] : memref<80x128xi32, #tpu.memory_space<vmem>> -> memref<1x128xi32, #tpu.memory_space<vmem>>
    %dma_wait3A_258 = tpu.memref_squeeze %dma_wait3A_257 : memref<1x128xi32, #tpu.memory_space<vmem>> -> memref<128xi32, #tpu.memory_space<vmem>>
    %dma_wait3A_259 = arith.constant 0 : i32
    %dma_wait3A_260 = arith.constant 0 : i32
    %dma_wait3A_261 = tpu.memref_slice %arg14[%dma_wait3A_259, %dma_wait3A_260] : memref<10240x16xf32, #tpu.memory_space<vmem_shared>> -> memref<10240x16xf32, #tpu.memory_space<vmem_shared>>
    %dma_wait3A_262 = tpu.memref_slice %arg16[%dma_wait3A_255] : memref<5x!tpu.dma_semaphore, #tpu.memory_space<semaphore_mem>> -> memref<1x!tpu.dma_semaphore, #tpu.memory_space<semaphore_mem>>
    %dma_wait3A_263 = tpu.memref_squeeze %dma_wait3A_262 : memref<1x!tpu.dma_semaphore, #tpu.memory_space<semaphore_mem>> -> memref<!tpu.dma_semaphore, #tpu.memory_space<semaphore_mem>>
    tpu.wait_indirect_dma semaphore(%dma_wait3A_263 : memref<!tpu.dma_semaphore, #tpu.memory_space<semaphore_mem>>) src(%arg8 : memref<128x16xf32, #tpu.memory_space<vmem>>) dst(%dma_wait3A_261 : memref<10240x16xf32, #tpu.memory_space<vmem_shared>>)
    %dma_wait3A_264 = arith.constant 0 : i32
    %dma_wait3A_265 = arith.constant 1 : i32
    %dma_wait3A_266 = arith.constant 0 : i32
    %dma_wait3A_267 = tpu.memref_slice %arg7[%dma_wait3A_264, %dma_wait3A_266] : memref<80x128xi32, #tpu.memory_space<vmem>> -> memref<1x128xi32, #tpu.memory_space<vmem>>
    %dma_wait3A_268 = tpu.memref_squeeze %dma_wait3A_267 : memref<1x128xi32, #tpu.memory_space<vmem>> -> memref<128xi32, #tpu.memory_space<vmem>>
    %dma_wait3A_269 = arith.constant 0 : i32
    %dma_wait3A_270 = arith.constant 0 : i32
    %dma_wait3A_271 = tpu.memref_slice %arg14[%dma_wait3A_269, %dma_wait3A_270] : memref<10240x16xf32, #tpu.memory_space<vmem_shared>> -> memref<10240x16xf32, #tpu.memory_space<vmem_shared>>
    %dma_wait3A_272 = tpu.memref_slice %arg16[%dma_wait3A_265] : memref<5x!tpu.dma_semaphore, #tpu.memory_space<semaphore_mem>> -> memref<1x!tpu.dma_semaphore, #tpu.memory_space<semaphore_mem>>
    %dma_wait3A_273 = tpu.memref_squeeze %dma_wait3A_272 : memref<1x!tpu.dma_semaphore, #tpu.memory_space<semaphore_mem>> -> memref<!tpu.dma_semaphore, #tpu.memory_space<semaphore_mem>>
    tpu.wait_indirect_dma semaphore(%dma_wait3A_273 : memref<!tpu.dma_semaphore, #tpu.memory_space<semaphore_mem>>) src(%arg9 : memref<128x16xf32, #tpu.memory_space<vmem>>) dst(%dma_wait3A_271 : memref<10240x16xf32, #tpu.memory_space<vmem_shared>>)
    %dma_wait3A_274 = arith.constant 0 : i32
    %dma_wait3A_275 = arith.constant 2 : i32
    %dma_wait3A_276 = arith.constant 0 : i32
    %dma_wait3A_277 = tpu.memref_slice %arg7[%dma_wait3A_274, %dma_wait3A_276] : memref<80x128xi32, #tpu.memory_space<vmem>> -> memref<1x128xi32, #tpu.memory_space<vmem>>
    %dma_wait3A_278 = tpu.memref_squeeze %dma_wait3A_277 : memref<1x128xi32, #tpu.memory_space<vmem>> -> memref<128xi32, #tpu.memory_space<vmem>>
    %dma_wait3A_279 = arith.constant 0 : i32
    %dma_wait3A_280 = arith.constant 0 : i32
    %dma_wait3A_281 = tpu.memref_slice %arg14[%dma_wait3A_279, %dma_wait3A_280] : memref<10240x16xf32, #tpu.memory_space<vmem_shared>> -> memref<10240x16xf32, #tpu.memory_space<vmem_shared>>
    %dma_wait3A_282 = tpu.memref_slice %arg16[%dma_wait3A_275] : memref<5x!tpu.dma_semaphore, #tpu.memory_space<semaphore_mem>> -> memref<1x!tpu.dma_semaphore, #tpu.memory_space<semaphore_mem>>
    %dma_wait3A_283 = tpu.memref_squeeze %dma_wait3A_282 : memref<1x!tpu.dma_semaphore, #tpu.memory_space<semaphore_mem>> -> memref<!tpu.dma_semaphore, #tpu.memory_space<semaphore_mem>>
    tpu.wait_indirect_dma semaphore(%dma_wait3A_283 : memref<!tpu.dma_semaphore, #tpu.memory_space<semaphore_mem>>) src(%arg10 : memref<128x16xf32, #tpu.memory_space<vmem>>) dst(%dma_wait3A_281 : memref<10240x16xf32, #tpu.memory_space<vmem_shared>>)
    %dma_wait3A_284 = arith.constant 0 : i32
    %dma_wait3A_285 = arith.constant 3 : i32
    %dma_wait3A_286 = arith.constant 0 : i32
    %dma_wait3A_287 = tpu.memref_slice %arg7[%dma_wait3A_284, %dma_wait3A_286] : memref<80x128xi32, #tpu.memory_space<vmem>> -> memref<1x128xi32, #tpu.memory_space<vmem>>
    %dma_wait3A_288 = tpu.memref_squeeze %dma_wait3A_287 : memref<1x128xi32, #tpu.memory_space<vmem>> -> memref<128xi32, #tpu.memory_space<vmem>>
    %dma_wait3A_289 = arith.constant 0 : i32
    %dma_wait3A_290 = arith.constant 0 : i32
    %dma_wait3A_291 = tpu.memref_slice %arg14[%dma_wait3A_289, %dma_wait3A_290] : memref<10240x16xf32, #tpu.memory_space<vmem_shared>> -> memref<10240x16xf32, #tpu.memory_space<vmem_shared>>
    %dma_wait3A_292 = tpu.memref_slice %arg16[%dma_wait3A_285] : memref<5x!tpu.dma_semaphore, #tpu.memory_space<semaphore_mem>> -> memref<1x!tpu.dma_semaphore, #tpu.memory_space<semaphore_mem>>
    %dma_wait3A_293 = tpu.memref_squeeze %dma_wait3A_292 : memref<1x!tpu.dma_semaphore, #tpu.memory_space<semaphore_mem>> -> memref<!tpu.dma_semaphore, #tpu.memory_space<semaphore_mem>>
    tpu.wait_indirect_dma semaphore(%dma_wait3A_293 : memref<!tpu.dma_semaphore, #tpu.memory_space<semaphore_mem>>) src(%arg11 : memref<128x16xf32, #tpu.memory_space<vmem>>) dst(%dma_wait3A_291 : memref<10240x16xf32, #tpu.memory_space<vmem_shared>>)
    %dma_wait3A_294 = arith.constant 0 : i32
    %dma_wait3A_295 = arith.constant 4 : i32
    %dma_wait3A_296 = arith.constant 0 : i32
    %dma_wait3A_297 = tpu.memref_slice %arg7[%dma_wait3A_294, %dma_wait3A_296] : memref<80x128xi32, #tpu.memory_space<vmem>> -> memref<1x128xi32, #tpu.memory_space<vmem>>
    %dma_wait3A_298 = tpu.memref_squeeze %dma_wait3A_297 : memref<1x128xi32, #tpu.memory_space<vmem>> -> memref<128xi32, #tpu.memory_space<vmem>>
    %dma_wait3A_299 = arith.constant 0 : i32
    %dma_wait3A_300 = arith.constant 0 : i32
    %dma_wait3A_301 = tpu.memref_slice %arg14[%dma_wait3A_299, %dma_wait3A_300] : memref<10240x16xf32, #tpu.memory_space<vmem_shared>> -> memref<10240x16xf32, #tpu.memory_space<vmem_shared>>
    %dma_wait3A_302 = tpu.memref_slice %arg16[%dma_wait3A_295] : memref<5x!tpu.dma_semaphore, #tpu.memory_space<semaphore_mem>> -> memref<1x!tpu.dma_semaphore, #tpu.memory_space<semaphore_mem>>
    %dma_wait3A_303 = tpu.memref_squeeze %dma_wait3A_302 : memref<1x!tpu.dma_semaphore, #tpu.memory_space<semaphore_mem>> -> memref<!tpu.dma_semaphore, #tpu.memory_space<semaphore_mem>>
    tpu.wait_indirect_dma semaphore(%dma_wait3A_303 : memref<!tpu.dma_semaphore, #tpu.memory_space<semaphore_mem>>) src(%arg12 : memref<128x16xf32, #tpu.memory_space<vmem>>) dst(%dma_wait3A_301 : memref<10240x16xf32, #tpu.memory_space<vmem_shared>>)
    %barrier3A_304 = arith.constant 0 : index
    tpu.barrier barrier_id(%barrier3A_304)
    %lt3A = arith.constant 15 : i32
    %lt3A_305 = arith.cmpi slt, %arg1, %lt3A : i32
    %convert_element_type3A = arith.extui %lt3A_305 : i1 to i32
    %cond3A = arith.constant 0 : i32
    %cond3A_306 = arith.cmpi ne, %convert_element_type3A, %cond3A : i32
    scf.if %cond3A_306 {
      %mul3A_311 = arith.constant 640 : i32
      %mul3A_312 = arith.muli %arg1, %mul3A_311 : i32
      %mul3A_313 = arith.constant 640 : i32
      %mul3A_314 = arith.muli %arg1, %mul3A_313 : i32
      "tpu.region"() ({
        %run_scoped3A = tpu.sem_alloc : memref<!tpu.dma_semaphore, #tpu.memory_space<semaphore_mem>>
        %dma_start3A_315 = arith.constant 0 : i32
        %dma_start3A_316 = arith.constant 0 : i32
        %dma_start3A_317 = tpu.memref_slice %arg5[%arg0, %dma_start3A_315, %dma_start3A_316] : memref<2x10000x16xf32, #tpu.memory_space<hbm>> -> memref<1x10000x16xf32, #tpu.memory_space<hbm>>
        %dma_start3A_318 = tpu.memref_squeeze %dma_start3A_317 : memref<1x10000x16xf32, #tpu.memory_space<hbm>> -> memref<10000x16xf32, #tpu.memory_space<hbm>>
        %dma_start3A_319 = arith.constant 0 : i32
        %dma_start3A_320 = tpu.memref_slice %dma_start3A_318[%mul3A_314, %dma_start3A_319] : memref<10000x16xf32, #tpu.memory_space<hbm>> -> memref<640x16xf32, #tpu.memory_space<hbm>>
        %dma_start3A_321 = arith.constant 0 : i32
        %dma_start3A_322 = tpu.memref_slice %arg14[%mul3A_312, %dma_start3A_321] : memref<10240x16xf32, #tpu.memory_space<vmem_shared>> -> memref<640x16xf32, #tpu.memory_space<vmem_shared>>
        tpu.enqueue_dma source(%dma_start3A_322 : memref<640x16xf32, #tpu.memory_space<vmem_shared>>) target(%dma_start3A_320 : memref<640x16xf32, #tpu.memory_space<hbm>>) target_semaphore(%run_scoped3A : memref<!tpu.dma_semaphore, #tpu.memory_space<semaphore_mem>>)
        %dma_wait3A_323 = arith.constant 0 : i32
        %dma_wait3A_324 = arith.constant 0 : i32
        %dma_wait3A_325 = tpu.memref_slice %arg5[%arg0, %dma_wait3A_323, %dma_wait3A_324] : memref<2x10000x16xf32, #tpu.memory_space<hbm>> -> memref<1x10000x16xf32, #tpu.memory_space<hbm>>
        %dma_wait3A_326 = tpu.memref_squeeze %dma_wait3A_325 : memref<1x10000x16xf32, #tpu.memory_space<hbm>> -> memref<10000x16xf32, #tpu.memory_space<hbm>>
        %dma_wait3A_327 = arith.constant 0 : i32
        %dma_wait3A_328 = tpu.memref_slice %dma_wait3A_326[%mul3A_314, %dma_wait3A_327] : memref<10000x16xf32, #tpu.memory_space<hbm>> -> memref<640x16xf32, #tpu.memory_space<hbm>>
        %dma_wait3A_329 = arith.constant 0 : i32
        %dma_wait3A_330 = tpu.memref_slice %arg14[%mul3A_312, %dma_wait3A_329] : memref<10240x16xf32, #tpu.memory_space<vmem_shared>> -> memref<640x16xf32, #tpu.memory_space<vmem_shared>>
        tpu.wait_dma2 semaphore(%run_scoped3A : memref<!tpu.dma_semaphore, #tpu.memory_space<semaphore_mem>>) src(%dma_wait3A_330 : memref<640x16xf32, #tpu.memory_space<vmem_shared>>) dst(%dma_wait3A_328 : memref<640x16xf32, #tpu.memory_space<hbm>>)
        tpu.yield
      }) : () -> ()
    } else {
    }
    %eq3A = arith.constant 15 : i32
    %eq3A_307 = arith.cmpi eq, %arg1, %eq3A : i32
    %convert_element_type3A_308 = arith.extui %eq3A_307 : i1 to i32
    %cond3A_309 = arith.constant 0 : i32
    %cond3A_310 = arith.cmpi ne, %convert_element_type3A_308, %cond3A_309 : i32
    scf.if %cond3A_310 {
      "tpu.region"() ({
        %run_scoped3A = tpu.sem_alloc : memref<!tpu.dma_semaphore, #tpu.memory_space<semaphore_mem>>
        %dma_start3A_311 = arith.constant 0 : i32
        %dma_start3A_312 = arith.constant 0 : i32
        %dma_start3A_313 = tpu.memref_slice %arg5[%arg0, %dma_start3A_311, %dma_start3A_312] : memref<2x10000x16xf32, #tpu.memory_space<hbm>> -> memref<1x10000x16xf32, #tpu.memory_space<hbm>>
        %dma_start3A_314 = tpu.memref_squeeze %dma_start3A_313 : memref<1x10000x16xf32, #tpu.memory_space<hbm>> -> memref<10000x16xf32, #tpu.memory_space<hbm>>
        %dma_start3A_315 = arith.constant 9600 : i32
        %dma_start3A_316 = arith.constant 0 : i32
        %dma_start3A_317 = tpu.memref_slice %dma_start3A_314[%dma_start3A_315, %dma_start3A_316] : memref<10000x16xf32, #tpu.memory_space<hbm>> -> memref<400x16xf32, #tpu.memory_space<hbm>>
        %dma_start3A_318 = arith.constant 9600 : i32
        %dma_start3A_319 = arith.constant 0 : i32
        %dma_start3A_320 = tpu.memref_slice %arg14[%dma_start3A_318, %dma_start3A_319] : memref<10240x16xf32, #tpu.memory_space<vmem_shared>> -> memref<400x16xf32, #tpu.memory_space<vmem_shared>>
        tpu.enqueue_dma source(%dma_start3A_320 : memref<400x16xf32, #tpu.memory_space<vmem_shared>>) target(%dma_start3A_317 : memref<400x16xf32, #tpu.memory_space<hbm>>) target_semaphore(%run_scoped3A : memref<!tpu.dma_semaphore, #tpu.memory_space<semaphore_mem>>)
        %dma_wait3A_321 = arith.constant 0 : i32
        %dma_wait3A_322 = arith.constant 0 : i32
        %dma_wait3A_323 = tpu.memref_slice %arg5[%arg0, %dma_wait3A_321, %dma_wait3A_322] : memref<2x10000x16xf32, #tpu.memory_space<hbm>> -> memref<1x10000x16xf32, #tpu.memory_space<hbm>>
        %dma_wait3A_324 = tpu.memref_squeeze %dma_wait3A_323 : memref<1x10000x16xf32, #tpu.memory_space<hbm>> -> memref<10000x16xf32, #tpu.memory_space<hbm>>
        %dma_wait3A_325 = arith.constant 9600 : i32
        %dma_wait3A_326 = arith.constant 0 : i32
        %dma_wait3A_327 = tpu.memref_slice %dma_wait3A_324[%dma_wait3A_325, %dma_wait3A_326] : memref<10000x16xf32, #tpu.memory_space<hbm>> -> memref<400x16xf32, #tpu.memory_space<hbm>>
        %dma_wait3A_328 = arith.constant 9600 : i32
        %dma_wait3A_329 = arith.constant 0 : i32
        %dma_wait3A_330 = tpu.memref_slice %arg14[%dma_wait3A_328, %dma_wait3A_329] : memref<10240x16xf32, #tpu.memory_space<vmem_shared>> -> memref<400x16xf32, #tpu.memory_space<vmem_shared>>
        tpu.wait_dma2 semaphore(%run_scoped3A : memref<!tpu.dma_semaphore, #tpu.memory_space<semaphore_mem>>) src(%dma_wait3A_330 : memref<400x16xf32, #tpu.memory_space<vmem_shared>>) dst(%dma_wait3A_327 : memref<400x16xf32, #tpu.memory_space<hbm>>)
        tpu.yield
      }) : () -> ()
    } else {
    }
    return
  }
}

#map = affine_map<(d0, d1) -> (0, 0, 0)>
#map1 = affine_map<(d0, d1) -> (0, 0)>
module attributes {stable_mosaic.version = 14 : i64} {
  func.func @segw(%arg0: i32, %arg1: i32, %arg2: memref<16x160x128xi32, #tpu.memory_space<hbm>>, %arg3: memref<16x160x128xi32, #tpu.memory_space<hbm>>, %arg4: memref<20000x64xf32, #tpu.memory_space<hbm>>, %arg5: memref<2x10000x64xf32, #tpu.memory_space<hbm>>, %arg6: memref<160x128xi32, #tpu.memory_space<vmem>>, %arg7: memref<160x128xi32, #tpu.memory_space<vmem>>, %arg8: memref<128x64xf32, #tpu.memory_space<vmem>>, %arg9: memref<128x64xf32, #tpu.memory_space<vmem>>, %arg10: memref<128x64xf32, #tpu.memory_space<vmem>>, %arg11: memref<128x64xf32, #tpu.memory_space<vmem>>, %arg12: memref<128x64xf32, #tpu.memory_space<vmem>>, %arg13: memref<64x64xf32, #tpu.memory_space<vmem>>, %arg14: memref<10240x64xf32, #tpu.memory_space<vmem_shared>>, %arg15: memref<5x!tpu.dma_semaphore, #tpu.memory_space<semaphore_mem>>, %arg16: memref<5x!tpu.dma_semaphore, #tpu.memory_space<semaphore_mem>>) attributes {dimension_semantics = [#tpu.dimension_semantics<core_parallel>, #tpu.dimension_semantics<subcore_parallel>], iteration_bounds = array<i64: 2, 16>, scalar_prefetch = 0 : i64, scratch_operands = 11 : i64, tpu.core_type = #tpu.core_type<sc_vector_subcore>, window_params = [{transform_indices = #map}, {transform_indices = #map}, {transform_indices = #map1}, {transform_indices = #map}]} {
    %scan3A = arith.constant 0 : i32
    %scan3A_0 = arith.constant 0 : i32
    %scan3A_1 = arith.constant 64 : i32
    %scan3A_2 = arith.addi %scan3A_0, %scan3A_1 : i32
    %scan3A_3 = arith.constant 1 : i32
    scf.for %scan3A_314 = %scan3A_0 to %scan3A_2 step %scan3A_3  : i32 {
      %broadcast_in_dim3A = arith.constant 0.000000e+00 : f32
      %broadcast_in_dim3A_315 = vector.broadcast %broadcast_in_dim3A : f32 to vector<16xf32>
      %swap3A = arith.index_cast %scan3A_314 : i32 to index
      %swap3A_316 = arith.constant 0 : index
      %swap3A_317 = tpu.vector_load %arg13[%swap3A, %swap3A_316] {strides = array<i32>} : memref<64x64xf32, #tpu.memory_space<vmem>>, vector<1x16xf32>,
      %swap3A_318 = vector.shape_cast %swap3A_317 : vector<1x16xf32> to vector<16xf32>
      %swap3A_319 = vector.shape_cast %broadcast_in_dim3A_315 : vector<16xf32> to vector<1x16xf32>
      tpu.vector_store %arg13[%swap3A, %swap3A_316], %swap3A_319 {strides = array<i32>} : memref<64x64xf32, #tpu.memory_space<vmem>>, vector<1x16xf32>,
      %broadcast_in_dim3A_320 = arith.constant 0.000000e+00 : f32
      %broadcast_in_dim3A_321 = vector.broadcast %broadcast_in_dim3A_320 : f32 to vector<16xf32>
      %swap3A_322 = arith.index_cast %scan3A_314 : i32 to index
      %swap3A_323 = arith.constant 16 : index
      %swap3A_324 = tpu.vector_load %arg13[%swap3A_322, %swap3A_323] {strides = array<i32>} : memref<64x64xf32, #tpu.memory_space<vmem>>, vector<1x16xf32>,
      %swap3A_325 = vector.shape_cast %swap3A_324 : vector<1x16xf32> to vector<16xf32>
      %swap3A_326 = vector.shape_cast %broadcast_in_dim3A_321 : vector<16xf32> to vector<1x16xf32>
      tpu.vector_store %arg13[%swap3A_322, %swap3A_323], %swap3A_326 {strides = array<i32>} : memref<64x64xf32, #tpu.memory_space<vmem>>, vector<1x16xf32>,
      %broadcast_in_dim3A_327 = arith.constant 0.000000e+00 : f32
      %broadcast_in_dim3A_328 = vector.broadcast %broadcast_in_dim3A_327 : f32 to vector<16xf32>
      %swap3A_329 = arith.index_cast %scan3A_314 : i32 to index
      %swap3A_330 = arith.constant 32 : index
      %swap3A_331 = tpu.vector_load %arg13[%swap3A_329, %swap3A_330] {strides = array<i32>} : memref<64x64xf32, #tpu.memory_space<vmem>>, vector<1x16xf32>,
      %swap3A_332 = vector.shape_cast %swap3A_331 : vector<1x16xf32> to vector<16xf32>
      %swap3A_333 = vector.shape_cast %broadcast_in_dim3A_328 : vector<16xf32> to vector<1x16xf32>
      tpu.vector_store %arg13[%swap3A_329, %swap3A_330], %swap3A_333 {strides = array<i32>} : memref<64x64xf32, #tpu.memory_space<vmem>>, vector<1x16xf32>,
      %broadcast_in_dim3A_334 = arith.constant 0.000000e+00 : f32
      %broadcast_in_dim3A_335 = vector.broadcast %broadcast_in_dim3A_334 : f32 to vector<16xf32>
      %swap3A_336 = arith.index_cast %scan3A_314 : i32 to index
      %swap3A_337 = arith.constant 48 : index
      %swap3A_338 = tpu.vector_load %arg13[%swap3A_336, %swap3A_337] {strides = array<i32>} : memref<64x64xf32, #tpu.memory_space<vmem>>, vector<1x16xf32>,
      %swap3A_339 = vector.shape_cast %swap3A_338 : vector<1x16xf32> to vector<16xf32>
      %swap3A_340 = vector.shape_cast %broadcast_in_dim3A_335 : vector<16xf32> to vector<1x16xf32>
      tpu.vector_store %arg13[%swap3A_336, %swap3A_337], %swap3A_340 {strides = array<i32>} : memref<64x64xf32, #tpu.memory_space<vmem>>, vector<1x16xf32>,
    }
    %scan3A_4 = arith.constant 64 : i32
    %mul3A = arith.constant 640 : i32
    %mul3A_5 = arith.muli %arg1, %mul3A : i32
    %add3A = arith.constant 0 : i32
    %add3A_6 = arith.addi %mul3A_5, %add3A : i32
    %dma_start3A = arith.constant 0 : i32
    %dma_start3A_7 = arith.constant 0 : i32
    %dma_start3A_8 = tpu.memref_slice %arg14[%add3A_6, %dma_start3A_7] : memref<10240x64xf32, #tpu.memory_space<vmem_shared>> -> memref<64x64xf32, #tpu.memory_space<vmem_shared>>
    %dma_start3A_9 = tpu.memref_slice %arg15[%dma_start3A] : memref<5x!tpu.dma_semaphore, #tpu.memory_space<semaphore_mem>> -> memref<1x!tpu.dma_semaphore, #tpu.memory_space<semaphore_mem>>
    %dma_start3A_10 = tpu.memref_squeeze %dma_start3A_9 : memref<1x!tpu.dma_semaphore, #tpu.memory_space<semaphore_mem>> -> memref<!tpu.dma_semaphore, #tpu.memory_space<semaphore_mem>>
    %dma_start3A_11 = arith.constant 0 : i32
    %dma_start3A_12 = tpu.memref_slice %arg14[%add3A_6, %dma_start3A_11] : memref<10240x64xf32, #tpu.memory_space<vmem_shared>> -> memref<64x64xf32, #tpu.memory_space<vmem_shared>>
    tpu.enqueue_dma source(%arg13 : memref<64x64xf32, #tpu.memory_space<vmem>>) target(%dma_start3A_12 : memref<64x64xf32, #tpu.memory_space<vmem_shared>>) target_semaphore(%dma_start3A_10 : memref<!tpu.dma_semaphore, #tpu.memory_space<semaphore_mem>>)
    %mul3A_13 = arith.constant 640 : i32
    %mul3A_14 = arith.muli %arg1, %mul3A_13 : i32
    %add3A_15 = arith.constant 64 : i32
    %add3A_16 = arith.addi %mul3A_14, %add3A_15 : i32
    %dma_start3A_17 = arith.constant 1 : i32
    %dma_start3A_18 = arith.constant 0 : i32
    %dma_start3A_19 = tpu.memref_slice %arg14[%add3A_16, %dma_start3A_18] : memref<10240x64xf32, #tpu.memory_space<vmem_shared>> -> memref<64x64xf32, #tpu.memory_space<vmem_shared>>
    %dma_start3A_20 = tpu.memref_slice %arg15[%dma_start3A_17] : memref<5x!tpu.dma_semaphore, #tpu.memory_space<semaphore_mem>> -> memref<1x!tpu.dma_semaphore, #tpu.memory_space<semaphore_mem>>
    %dma_start3A_21 = tpu.memref_squeeze %dma_start3A_20 : memref<1x!tpu.dma_semaphore, #tpu.memory_space<semaphore_mem>> -> memref<!tpu.dma_semaphore, #tpu.memory_space<semaphore_mem>>
    %dma_start3A_22 = arith.constant 0 : i32
    %dma_start3A_23 = tpu.memref_slice %arg14[%add3A_16, %dma_start3A_22] : memref<10240x64xf32, #tpu.memory_space<vmem_shared>> -> memref<64x64xf32, #tpu.memory_space<vmem_shared>>
    tpu.enqueue_dma source(%arg13 : memref<64x64xf32, #tpu.memory_space<vmem>>) target(%dma_start3A_23 : memref<64x64xf32, #tpu.memory_space<vmem_shared>>) target_semaphore(%dma_start3A_21 : memref<!tpu.dma_semaphore, #tpu.memory_space<semaphore_mem>>)
    %mul3A_24 = arith.constant 640 : i32
    %mul3A_25 = arith.muli %arg1, %mul3A_24 : i32
    %add3A_26 = arith.constant 128 : i32
    %add3A_27 = arith.addi %mul3A_25, %add3A_26 : i32
    %dma_start3A_28 = arith.constant 2 : i32
    %dma_start3A_29 = arith.constant 0 : i32
    %dma_start3A_30 = tpu.memref_slice %arg14[%add3A_27, %dma_start3A_29] : memref<10240x64xf32, #tpu.memory_space<vmem_shared>> -> memref<64x64xf32, #tpu.memory_space<vmem_shared>>
    %dma_start3A_31 = tpu.memref_slice %arg15[%dma_start3A_28] : memref<5x!tpu.dma_semaphore, #tpu.memory_space<semaphore_mem>> -> memref<1x!tpu.dma_semaphore, #tpu.memory_space<semaphore_mem>>
    %dma_start3A_32 = tpu.memref_squeeze %dma_start3A_31 : memref<1x!tpu.dma_semaphore, #tpu.memory_space<semaphore_mem>> -> memref<!tpu.dma_semaphore, #tpu.memory_space<semaphore_mem>>
    %dma_start3A_33 = arith.constant 0 : i32
    %dma_start3A_34 = tpu.memref_slice %arg14[%add3A_27, %dma_start3A_33] : memref<10240x64xf32, #tpu.memory_space<vmem_shared>> -> memref<64x64xf32, #tpu.memory_space<vmem_shared>>
    tpu.enqueue_dma source(%arg13 : memref<64x64xf32, #tpu.memory_space<vmem>>) target(%dma_start3A_34 : memref<64x64xf32, #tpu.memory_space<vmem_shared>>) target_semaphore(%dma_start3A_32 : memref<!tpu.dma_semaphore, #tpu.memory_space<semaphore_mem>>)
    %mul3A_35 = arith.constant 640 : i32
    %mul3A_36 = arith.muli %arg1, %mul3A_35 : i32
    %add3A_37 = arith.constant 192 : i32
    %add3A_38 = arith.addi %mul3A_36, %add3A_37 : i32
    %dma_start3A_39 = arith.constant 3 : i32
    %dma_start3A_40 = arith.constant 0 : i32
    %dma_start3A_41 = tpu.memref_slice %arg14[%add3A_38, %dma_start3A_40] : memref<10240x64xf32, #tpu.memory_space<vmem_shared>> -> memref<64x64xf32, #tpu.memory_space<vmem_shared>>
    %dma_start3A_42 = tpu.memref_slice %arg15[%dma_start3A_39] : memref<5x!tpu.dma_semaphore, #tpu.memory_space<semaphore_mem>> -> memref<1x!tpu.dma_semaphore, #tpu.memory_space<semaphore_mem>>
    %dma_start3A_43 = tpu.memref_squeeze %dma_start3A_42 : memref<1x!tpu.dma_semaphore, #tpu.memory_space<semaphore_mem>> -> memref<!tpu.dma_semaphore, #tpu.memory_space<semaphore_mem>>
    %dma_start3A_44 = arith.constant 0 : i32
    %dma_start3A_45 = tpu.memref_slice %arg14[%add3A_38, %dma_start3A_44] : memref<10240x64xf32, #tpu.memory_space<vmem_shared>> -> memref<64x64xf32, #tpu.memory_space<vmem_shared>>
    tpu.enqueue_dma source(%arg13 : memref<64x64xf32, #tpu.memory_space<vmem>>) target(%dma_start3A_45 : memref<64x64xf32, #tpu.memory_space<vmem_shared>>) target_semaphore(%dma_start3A_43 : memref<!tpu.dma_semaphore, #tpu.memory_space<semaphore_mem>>)
    %mul3A_46 = arith.constant 640 : i32
    %mul3A_47 = arith.muli %arg1, %mul3A_46 : i32
    %add3A_48 = arith.constant 256 : i32
    %add3A_49 = arith.addi %mul3A_47, %add3A_48 : i32
    %dma_start3A_50 = arith.constant 4 : i32
    %dma_start3A_51 = arith.constant 0 : i32
    %dma_start3A_52 = tpu.memref_slice %arg14[%add3A_49, %dma_start3A_51] : memref<10240x64xf32, #tpu.memory_space<vmem_shared>> -> memref<64x64xf32, #tpu.memory_space<vmem_shared>>
    %dma_start3A_53 = tpu.memref_slice %arg15[%dma_start3A_50] : memref<5x!tpu.dma_semaphore, #tpu.memory_space<semaphore_mem>> -> memref<1x!tpu.dma_semaphore, #tpu.memory_space<semaphore_mem>>
    %dma_start3A_54 = tpu.memref_squeeze %dma_start3A_53 : memref<1x!tpu.dma_semaphore, #tpu.memory_space<semaphore_mem>> -> memref<!tpu.dma_semaphore, #tpu.memory_space<semaphore_mem>>
    %dma_start3A_55 = arith.constant 0 : i32
    %dma_start3A_56 = tpu.memref_slice %arg14[%add3A_49, %dma_start3A_55] : memref<10240x64xf32, #tpu.memory_space<vmem_shared>> -> memref<64x64xf32, #tpu.memory_space<vmem_shared>>
    tpu.enqueue_dma source(%arg13 : memref<64x64xf32, #tpu.memory_space<vmem>>) target(%dma_start3A_56 : memref<64x64xf32, #tpu.memory_space<vmem_shared>>) target_semaphore(%dma_start3A_54 : memref<!tpu.dma_semaphore, #tpu.memory_space<semaphore_mem>>)
    %mul3A_57 = arith.constant 640 : i32
    %mul3A_58 = arith.muli %arg1, %mul3A_57 : i32
    %add3A_59 = arith.constant 320 : i32
    %add3A_60 = arith.addi %mul3A_58, %add3A_59 : i32
    %dma_start3A_61 = arith.constant 0 : i32
    %dma_start3A_62 = arith.constant 0 : i32
    %dma_start3A_63 = tpu.memref_slice %arg14[%add3A_60, %dma_start3A_62] : memref<10240x64xf32, #tpu.memory_space<vmem_shared>> -> memref<64x64xf32, #tpu.memory_space<vmem_shared>>
    %dma_start3A_64 = tpu.memref_slice %arg15[%dma_start3A_61] : memref<5x!tpu.dma_semaphore, #tpu.memory_space<semaphore_mem>> -> memref<1x!tpu.dma_semaphore, #tpu.memory_space<semaphore_mem>>
    %dma_start3A_65 = tpu.memref_squeeze %dma_start3A_64 : memref<1x!tpu.dma_semaphore, #tpu.memory_space<semaphore_mem>> -> memref<!tpu.dma_semaphore, #tpu.memory_space<semaphore_mem>>
    %dma_start3A_66 = arith.constant 0 : i32
    %dma_start3A_67 = tpu.memref_slice %arg14[%add3A_60, %dma_start3A_66] : memref<10240x64xf32, #tpu.memory_space<vmem_shared>> -> memref<64x64xf32, #tpu.memory_space<vmem_shared>>
    tpu.enqueue_dma source(%arg13 : memref<64x64xf32, #tpu.memory_space<vmem>>) target(%dma_start3A_67 : memref<64x64xf32, #tpu.memory_space<vmem_shared>>) target_semaphore(%dma_start3A_65 : memref<!tpu.dma_semaphore, #tpu.memory_space<semaphore_mem>>)
    %mul3A_68 = arith.constant 640 : i32
    %mul3A_69 = arith.muli %arg1, %mul3A_68 : i32
    %add3A_70 = arith.constant 384 : i32
    %add3A_71 = arith.addi %mul3A_69, %add3A_70 : i32
    %dma_start3A_72 = arith.constant 1 : i32
    %dma_start3A_73 = arith.constant 0 : i32
    %dma_start3A_74 = tpu.memref_slice %arg14[%add3A_71, %dma_start3A_73] : memref<10240x64xf32, #tpu.memory_space<vmem_shared>> -> memref<64x64xf32, #tpu.memory_space<vmem_shared>>
    %dma_start3A_75 = tpu.memref_slice %arg15[%dma_start3A_72] : memref<5x!tpu.dma_semaphore, #tpu.memory_space<semaphore_mem>> -> memref<1x!tpu.dma_semaphore, #tpu.memory_space<semaphore_mem>>
    %dma_start3A_76 = tpu.memref_squeeze %dma_start3A_75 : memref<1x!tpu.dma_semaphore, #tpu.memory_space<semaphore_mem>> -> memref<!tpu.dma_semaphore, #tpu.memory_space<semaphore_mem>>
    %dma_start3A_77 = arith.constant 0 : i32
    %dma_start3A_78 = tpu.memref_slice %arg14[%add3A_71, %dma_start3A_77] : memref<10240x64xf32, #tpu.memory_space<vmem_shared>> -> memref<64x64xf32, #tpu.memory_space<vmem_shared>>
    tpu.enqueue_dma source(%arg13 : memref<64x64xf32, #tpu.memory_space<vmem>>) target(%dma_start3A_78 : memref<64x64xf32, #tpu.memory_space<vmem_shared>>) target_semaphore(%dma_start3A_76 : memref<!tpu.dma_semaphore, #tpu.memory_space<semaphore_mem>>)
    %mul3A_79 = arith.constant 640 : i32
    %mul3A_80 = arith.muli %arg1, %mul3A_79 : i32
    %add3A_81 = arith.constant 448 : i32
    %add3A_82 = arith.addi %mul3A_80, %add3A_81 : i32
    %dma_start3A_83 = arith.constant 2 : i32
    %dma_start3A_84 = arith.constant 0 : i32
    %dma_start3A_85 = tpu.memref_slice %arg14[%add3A_82, %dma_start3A_84] : memref<10240x64xf32, #tpu.memory_space<vmem_shared>> -> memref<64x64xf32, #tpu.memory_space<vmem_shared>>
    %dma_start3A_86 = tpu.memref_slice %arg15[%dma_start3A_83] : memref<5x!tpu.dma_semaphore, #tpu.memory_space<semaphore_mem>> -> memref<1x!tpu.dma_semaphore, #tpu.memory_space<semaphore_mem>>
    %dma_start3A_87 = tpu.memref_squeeze %dma_start3A_86 : memref<1x!tpu.dma_semaphore, #tpu.memory_space<semaphore_mem>> -> memref<!tpu.dma_semaphore, #tpu.memory_space<semaphore_mem>>
    %dma_start3A_88 = arith.constant 0 : i32
    %dma_start3A_89 = tpu.memref_slice %arg14[%add3A_82, %dma_start3A_88] : memref<10240x64xf32, #tpu.memory_space<vmem_shared>> -> memref<64x64xf32, #tpu.memory_space<vmem_shared>>
    tpu.enqueue_dma source(%arg13 : memref<64x64xf32, #tpu.memory_space<vmem>>) target(%dma_start3A_89 : memref<64x64xf32, #tpu.memory_space<vmem_shared>>) target_semaphore(%dma_start3A_87 : memref<!tpu.dma_semaphore, #tpu.memory_space<semaphore_mem>>)
    %mul3A_90 = arith.constant 640 : i32
    %mul3A_91 = arith.muli %arg1, %mul3A_90 : i32
    %add3A_92 = arith.constant 512 : i32
    %add3A_93 = arith.addi %mul3A_91, %add3A_92 : i32
    %dma_start3A_94 = arith.constant 3 : i32
    %dma_start3A_95 = arith.constant 0 : i32
    %dma_start3A_96 = tpu.memref_slice %arg14[%add3A_93, %dma_start3A_95] : memref<10240x64xf32, #tpu.memory_space<vmem_shared>> -> memref<64x64xf32, #tpu.memory_space<vmem_shared>>
    %dma_start3A_97 = tpu.memref_slice %arg15[%dma_start3A_94] : memref<5x!tpu.dma_semaphore, #tpu.memory_space<semaphore_mem>> -> memref<1x!tpu.dma_semaphore, #tpu.memory_space<semaphore_mem>>
    %dma_start3A_98 = tpu.memref_squeeze %dma_start3A_97 : memref<1x!tpu.dma_semaphore, #tpu.memory_space<semaphore_mem>> -> memref<!tpu.dma_semaphore, #tpu.memory_space<semaphore_mem>>
    %dma_start3A_99 = arith.constant 0 : i32
    %dma_start3A_100 = tpu.memref_slice %arg14[%add3A_93, %dma_start3A_99] : memref<10240x64xf32, #tpu.memory_space<vmem_shared>> -> memref<64x64xf32, #tpu.memory_space<vmem_shared>>
    tpu.enqueue_dma source(%arg13 : memref<64x64xf32, #tpu.memory_space<vmem>>) target(%dma_start3A_100 : memref<64x64xf32, #tpu.memory_space<vmem_shared>>) target_semaphore(%dma_start3A_98 : memref<!tpu.dma_semaphore, #tpu.memory_space<semaphore_mem>>)
    %mul3A_101 = arith.constant 640 : i32
    %mul3A_102 = arith.muli %arg1, %mul3A_101 : i32
    %add3A_103 = arith.constant 576 : i32
    %add3A_104 = arith.addi %mul3A_102, %add3A_103 : i32
    %dma_start3A_105 = arith.constant 4 : i32
    %dma_start3A_106 = arith.constant 0 : i32
    %dma_start3A_107 = tpu.memref_slice %arg14[%add3A_104, %dma_start3A_106] : memref<10240x64xf32, #tpu.memory_space<vmem_shared>> -> memref<64x64xf32, #tpu.memory_space<vmem_shared>>
    %dma_start3A_108 = tpu.memref_slice %arg15[%dma_start3A_105] : memref<5x!tpu.dma_semaphore, #tpu.memory_space<semaphore_mem>> -> memref<1x!tpu.dma_semaphore, #tpu.memory_space<semaphore_mem>>
    %dma_start3A_109 = tpu.memref_squeeze %dma_start3A_108 : memref<1x!tpu.dma_semaphore, #tpu.memory_space<semaphore_mem>> -> memref<!tpu.dma_semaphore, #tpu.memory_space<semaphore_mem>>
    %dma_start3A_110 = arith.constant 0 : i32
    %dma_start3A_111 = tpu.memref_slice %arg14[%add3A_104, %dma_start3A_110] : memref<10240x64xf32, #tpu.memory_space<vmem_shared>> -> memref<64x64xf32, #tpu.memory_space<vmem_shared>>
    tpu.enqueue_dma source(%arg13 : memref<64x64xf32, #tpu.memory_space<vmem>>) target(%dma_start3A_111 : memref<64x64xf32, #tpu.memory_space<vmem_shared>>) target_semaphore(%dma_start3A_109 : memref<!tpu.dma_semaphore, #tpu.memory_space<semaphore_mem>>)
    %dma_start3A_112 = arith.constant 0 : i32
    %dma_start3A_113 = arith.constant 0 : i32
    %dma_start3A_114 = arith.constant 0 : i32
    %dma_start3A_115 = tpu.memref_slice %arg2[%arg1, %dma_start3A_113, %dma_start3A_114] : memref<16x160x128xi32, #tpu.memory_space<hbm>> -> memref<1x160x128xi32, #tpu.memory_space<hbm>>
    %dma_start3A_116 = tpu.memref_squeeze %dma_start3A_115 : memref<1x160x128xi32, #tpu.memory_space<hbm>> -> memref<160x128xi32, #tpu.memory_space<hbm>>
    %dma_start3A_117 = tpu.memref_slice %arg16[%dma_start3A_112] : memref<5x!tpu.dma_semaphore, #tpu.memory_space<semaphore_mem>> -> memref<1x!tpu.dma_semaphore, #tpu.memory_space<semaphore_mem>>
    %dma_start3A_118 = tpu.memref_squeeze %dma_start3A_117 : memref<1x!tpu.dma_semaphore, #tpu.memory_space<semaphore_mem>> -> memref<!tpu.dma_semaphore, #tpu.memory_space<semaphore_mem>>
    %dma_start3A_119 = arith.constant 0 : i32
    %dma_start3A_120 = arith.constant 0 : i32
    %dma_start3A_121 = tpu.memref_slice %arg2[%arg1, %dma_start3A_119, %dma_start3A_120] : memref<16x160x128xi32, #tpu.memory_space<hbm>> -> memref<1x160x128xi32, #tpu.memory_space<hbm>>
    %dma_start3A_122 = tpu.memref_squeeze %dma_start3A_121 : memref<1x160x128xi32, #tpu.memory_space<hbm>> -> memref<160x128xi32, #tpu.memory_space<hbm>>
    tpu.enqueue_dma source(%dma_start3A_122 : memref<160x128xi32, #tpu.memory_space<hbm>>) target(%arg6 : memref<160x128xi32, #tpu.memory_space<vmem>>) target_semaphore(%dma_start3A_118 : memref<!tpu.dma_semaphore, #tpu.memory_space<semaphore_mem>>)
    %dma_start3A_123 = arith.constant 1 : i32
    %dma_start3A_124 = arith.constant 0 : i32
    %dma_start3A_125 = arith.constant 0 : i32
    %dma_start3A_126 = tpu.memref_slice %arg3[%arg1, %dma_start3A_124, %dma_start3A_125] : memref<16x160x128xi32, #tpu.memory_space<hbm>> -> memref<1x160x128xi32, #tpu.memory_space<hbm>>
    %dma_start3A_127 = tpu.memref_squeeze %dma_start3A_126 : memref<1x160x128xi32, #tpu.memory_space<hbm>> -> memref<160x128xi32, #tpu.memory_space<hbm>>
    %dma_start3A_128 = tpu.memref_slice %arg16[%dma_start3A_123] : memref<5x!tpu.dma_semaphore, #tpu.memory_space<semaphore_mem>> -> memref<1x!tpu.dma_semaphore, #tpu.memory_space<semaphore_mem>>
    %dma_start3A_129 = tpu.memref_squeeze %dma_start3A_128 : memref<1x!tpu.dma_semaphore, #tpu.memory_space<semaphore_mem>> -> memref<!tpu.dma_semaphore, #tpu.memory_space<semaphore_mem>>
    %dma_start3A_130 = arith.constant 0 : i32
    %dma_start3A_131 = arith.constant 0 : i32
    %dma_start3A_132 = tpu.memref_slice %arg3[%arg1, %dma_start3A_130, %dma_start3A_131] : memref<16x160x128xi32, #tpu.memory_space<hbm>> -> memref<1x160x128xi32, #tpu.memory_space<hbm>>
    %dma_start3A_133 = tpu.memref_squeeze %dma_start3A_132 : memref<1x160x128xi32, #tpu.memory_space<hbm>> -> memref<160x128xi32, #tpu.memory_space<hbm>>
    tpu.enqueue_dma source(%dma_start3A_133 : memref<160x128xi32, #tpu.memory_space<hbm>>) target(%arg7 : memref<160x128xi32, #tpu.memory_space<vmem>>) target_semaphore(%dma_start3A_129 : memref<!tpu.dma_semaphore, #tpu.memory_space<semaphore_mem>>)
    %dma_wait3A = arith.constant 0 : i32
    %dma_wait3A_134 = arith.constant 0 : i32
    %dma_wait3A_135 = tpu.memref_slice %arg14[%add3A_6, %dma_wait3A_134] : memref<10240x64xf32, #tpu.memory_space<vmem_shared>> -> memref<64x64xf32, #tpu.memory_space<vmem_shared>>
    %dma_wait3A_136 = tpu.memref_slice %arg15[%dma_wait3A] : memref<5x!tpu.dma_semaphore, #tpu.memory_space<semaphore_mem>> -> memref<1x!tpu.dma_semaphore, #tpu.memory_space<semaphore_mem>>
    %dma_wait3A_137 = tpu.memref_squeeze %dma_wait3A_136 : memref<1x!tpu.dma_semaphore, #tpu.memory_space<semaphore_mem>> -> memref<!tpu.dma_semaphore, #tpu.memory_space<semaphore_mem>>
    %dma_wait3A_138 = arith.constant 0 : i32
    %dma_wait3A_139 = tpu.memref_slice %arg14[%add3A_6, %dma_wait3A_138] : memref<10240x64xf32, #tpu.memory_space<vmem_shared>> -> memref<64x64xf32, #tpu.memory_space<vmem_shared>>
    tpu.wait_dma2 semaphore(%dma_wait3A_137 : memref<!tpu.dma_semaphore, #tpu.memory_space<semaphore_mem>>) src(%arg13 : memref<64x64xf32, #tpu.memory_space<vmem>>) dst(%dma_wait3A_139 : memref<64x64xf32, #tpu.memory_space<vmem_shared>>)
    %dma_wait3A_140 = arith.constant 1 : i32
    %dma_wait3A_141 = arith.constant 0 : i32
    %dma_wait3A_142 = tpu.memref_slice %arg14[%add3A_16, %dma_wait3A_141] : memref<10240x64xf32, #tpu.memory_space<vmem_shared>> -> memref<64x64xf32, #tpu.memory_space<vmem_shared>>
    %dma_wait3A_143 = tpu.memref_slice %arg15[%dma_wait3A_140] : memref<5x!tpu.dma_semaphore, #tpu.memory_space<semaphore_mem>> -> memref<1x!tpu.dma_semaphore, #tpu.memory_space<semaphore_mem>>
    %dma_wait3A_144 = tpu.memref_squeeze %dma_wait3A_143 : memref<1x!tpu.dma_semaphore, #tpu.memory_space<semaphore_mem>> -> memref<!tpu.dma_semaphore, #tpu.memory_space<semaphore_mem>>
    %dma_wait3A_145 = arith.constant 0 : i32
    %dma_wait3A_146 = tpu.memref_slice %arg14[%add3A_16, %dma_wait3A_145] : memref<10240x64xf32, #tpu.memory_space<vmem_shared>> -> memref<64x64xf32, #tpu.memory_space<vmem_shared>>
    tpu.wait_dma2 semaphore(%dma_wait3A_144 : memref<!tpu.dma_semaphore, #tpu.memory_space<semaphore_mem>>) src(%arg13 : memref<64x64xf32, #tpu.memory_space<vmem>>) dst(%dma_wait3A_146 : memref<64x64xf32, #tpu.memory_space<vmem_shared>>)
    %dma_wait3A_147 = arith.constant 2 : i32
    %dma_wait3A_148 = arith.constant 0 : i32
    %dma_wait3A_149 = tpu.memref_slice %arg14[%add3A_27, %dma_wait3A_148] : memref<10240x64xf32, #tpu.memory_space<vmem_shared>> -> memref<64x64xf32, #tpu.memory_space<vmem_shared>>
    %dma_wait3A_150 = tpu.memref_slice %arg15[%dma_wait3A_147] : memref<5x!tpu.dma_semaphore, #tpu.memory_space<semaphore_mem>> -> memref<1x!tpu.dma_semaphore, #tpu.memory_space<semaphore_mem>>
    %dma_wait3A_151 = tpu.memref_squeeze %dma_wait3A_150 : memref<1x!tpu.dma_semaphore, #tpu.memory_space<semaphore_mem>> -> memref<!tpu.dma_semaphore, #tpu.memory_space<semaphore_mem>>
    %dma_wait3A_152 = arith.constant 0 : i32
    %dma_wait3A_153 = tpu.memref_slice %arg14[%add3A_27, %dma_wait3A_152] : memref<10240x64xf32, #tpu.memory_space<vmem_shared>> -> memref<64x64xf32, #tpu.memory_space<vmem_shared>>
    tpu.wait_dma2 semaphore(%dma_wait3A_151 : memref<!tpu.dma_semaphore, #tpu.memory_space<semaphore_mem>>) src(%arg13 : memref<64x64xf32, #tpu.memory_space<vmem>>) dst(%dma_wait3A_153 : memref<64x64xf32, #tpu.memory_space<vmem_shared>>)
    %dma_wait3A_154 = arith.constant 3 : i32
    %dma_wait3A_155 = arith.constant 0 : i32
    %dma_wait3A_156 = tpu.memref_slice %arg14[%add3A_38, %dma_wait3A_155] : memref<10240x64xf32, #tpu.memory_space<vmem_shared>> -> memref<64x64xf32, #tpu.memory_space<vmem_shared>>
    %dma_wait3A_157 = tpu.memref_slice %arg15[%dma_wait3A_154] : memref<5x!tpu.dma_semaphore, #tpu.memory_space<semaphore_mem>> -> memref<1x!tpu.dma_semaphore, #tpu.memory_space<semaphore_mem>>
    %dma_wait3A_158 = tpu.memref_squeeze %dma_wait3A_157 : memref<1x!tpu.dma_semaphore, #tpu.memory_space<semaphore_mem>> -> memref<!tpu.dma_semaphore, #tpu.memory_space<semaphore_mem>>
    %dma_wait3A_159 = arith.constant 0 : i32
    %dma_wait3A_160 = tpu.memref_slice %arg14[%add3A_38, %dma_wait3A_159] : memref<10240x64xf32, #tpu.memory_space<vmem_shared>> -> memref<64x64xf32, #tpu.memory_space<vmem_shared>>
    tpu.wait_dma2 semaphore(%dma_wait3A_158 : memref<!tpu.dma_semaphore, #tpu.memory_space<semaphore_mem>>) src(%arg13 : memref<64x64xf32, #tpu.memory_space<vmem>>) dst(%dma_wait3A_160 : memref<64x64xf32, #tpu.memory_space<vmem_shared>>)
    %dma_wait3A_161 = arith.constant 4 : i32
    %dma_wait3A_162 = arith.constant 0 : i32
    %dma_wait3A_163 = tpu.memref_slice %arg14[%add3A_49, %dma_wait3A_162] : memref<10240x64xf32, #tpu.memory_space<vmem_shared>> -> memref<64x64xf32, #tpu.memory_space<vmem_shared>>
    %dma_wait3A_164 = tpu.memref_slice %arg15[%dma_wait3A_161] : memref<5x!tpu.dma_semaphore, #tpu.memory_space<semaphore_mem>> -> memref<1x!tpu.dma_semaphore, #tpu.memory_space<semaphore_mem>>
    %dma_wait3A_165 = tpu.memref_squeeze %dma_wait3A_164 : memref<1x!tpu.dma_semaphore, #tpu.memory_space<semaphore_mem>> -> memref<!tpu.dma_semaphore, #tpu.memory_space<semaphore_mem>>
    %dma_wait3A_166 = arith.constant 0 : i32
    %dma_wait3A_167 = tpu.memref_slice %arg14[%add3A_49, %dma_wait3A_166] : memref<10240x64xf32, #tpu.memory_space<vmem_shared>> -> memref<64x64xf32, #tpu.memory_space<vmem_shared>>
    tpu.wait_dma2 semaphore(%dma_wait3A_165 : memref<!tpu.dma_semaphore, #tpu.memory_space<semaphore_mem>>) src(%arg13 : memref<64x64xf32, #tpu.memory_space<vmem>>) dst(%dma_wait3A_167 : memref<64x64xf32, #tpu.memory_space<vmem_shared>>)
    %dma_wait3A_168 = arith.constant 0 : i32
    %dma_wait3A_169 = arith.constant 0 : i32
    %dma_wait3A_170 = tpu.memref_slice %arg14[%add3A_60, %dma_wait3A_169] : memref<10240x64xf32, #tpu.memory_space<vmem_shared>> -> memref<64x64xf32, #tpu.memory_space<vmem_shared>>
    %dma_wait3A_171 = tpu.memref_slice %arg15[%dma_wait3A_168] : memref<5x!tpu.dma_semaphore, #tpu.memory_space<semaphore_mem>> -> memref<1x!tpu.dma_semaphore, #tpu.memory_space<semaphore_mem>>
    %dma_wait3A_172 = tpu.memref_squeeze %dma_wait3A_171 : memref<1x!tpu.dma_semaphore, #tpu.memory_space<semaphore_mem>> -> memref<!tpu.dma_semaphore, #tpu.memory_space<semaphore_mem>>
    %dma_wait3A_173 = arith.constant 0 : i32
    %dma_wait3A_174 = tpu.memref_slice %arg14[%add3A_60, %dma_wait3A_173] : memref<10240x64xf32, #tpu.memory_space<vmem_shared>> -> memref<64x64xf32, #tpu.memory_space<vmem_shared>>
    tpu.wait_dma2 semaphore(%dma_wait3A_172 : memref<!tpu.dma_semaphore, #tpu.memory_space<semaphore_mem>>) src(%arg13 : memref<64x64xf32, #tpu.memory_space<vmem>>) dst(%dma_wait3A_174 : memref<64x64xf32, #tpu.memory_space<vmem_shared>>)
    %dma_wait3A_175 = arith.constant 1 : i32
    %dma_wait3A_176 = arith.constant 0 : i32
    %dma_wait3A_177 = tpu.memref_slice %arg14[%add3A_71, %dma_wait3A_176] : memref<10240x64xf32, #tpu.memory_space<vmem_shared>> -> memref<64x64xf32, #tpu.memory_space<vmem_shared>>
    %dma_wait3A_178 = tpu.memref_slice %arg15[%dma_wait3A_175] : memref<5x!tpu.dma_semaphore, #tpu.memory_space<semaphore_mem>> -> memref<1x!tpu.dma_semaphore, #tpu.memory_space<semaphore_mem>>
    %dma_wait3A_179 = tpu.memref_squeeze %dma_wait3A_178 : memref<1x!tpu.dma_semaphore, #tpu.memory_space<semaphore_mem>> -> memref<!tpu.dma_semaphore, #tpu.memory_space<semaphore_mem>>
    %dma_wait3A_180 = arith.constant 0 : i32
    %dma_wait3A_181 = tpu.memref_slice %arg14[%add3A_71, %dma_wait3A_180] : memref<10240x64xf32, #tpu.memory_space<vmem_shared>> -> memref<64x64xf32, #tpu.memory_space<vmem_shared>>
    tpu.wait_dma2 semaphore(%dma_wait3A_179 : memref<!tpu.dma_semaphore, #tpu.memory_space<semaphore_mem>>) src(%arg13 : memref<64x64xf32, #tpu.memory_space<vmem>>) dst(%dma_wait3A_181 : memref<64x64xf32, #tpu.memory_space<vmem_shared>>)
    %dma_wait3A_182 = arith.constant 2 : i32
    %dma_wait3A_183 = arith.constant 0 : i32
    %dma_wait3A_184 = tpu.memref_slice %arg14[%add3A_82, %dma_wait3A_183] : memref<10240x64xf32, #tpu.memory_space<vmem_shared>> -> memref<64x64xf32, #tpu.memory_space<vmem_shared>>
    %dma_wait3A_185 = tpu.memref_slice %arg15[%dma_wait3A_182] : memref<5x!tpu.dma_semaphore, #tpu.memory_space<semaphore_mem>> -> memref<1x!tpu.dma_semaphore, #tpu.memory_space<semaphore_mem>>
    %dma_wait3A_186 = tpu.memref_squeeze %dma_wait3A_185 : memref<1x!tpu.dma_semaphore, #tpu.memory_space<semaphore_mem>> -> memref<!tpu.dma_semaphore, #tpu.memory_space<semaphore_mem>>
    %dma_wait3A_187 = arith.constant 0 : i32
    %dma_wait3A_188 = tpu.memref_slice %arg14[%add3A_82, %dma_wait3A_187] : memref<10240x64xf32, #tpu.memory_space<vmem_shared>> -> memref<64x64xf32, #tpu.memory_space<vmem_shared>>
    tpu.wait_dma2 semaphore(%dma_wait3A_186 : memref<!tpu.dma_semaphore, #tpu.memory_space<semaphore_mem>>) src(%arg13 : memref<64x64xf32, #tpu.memory_space<vmem>>) dst(%dma_wait3A_188 : memref<64x64xf32, #tpu.memory_space<vmem_shared>>)
    %dma_wait3A_189 = arith.constant 3 : i32
    %dma_wait3A_190 = arith.constant 0 : i32
    %dma_wait3A_191 = tpu.memref_slice %arg14[%add3A_93, %dma_wait3A_190] : memref<10240x64xf32, #tpu.memory_space<vmem_shared>> -> memref<64x64xf32, #tpu.memory_space<vmem_shared>>
    %dma_wait3A_192 = tpu.memref_slice %arg15[%dma_wait3A_189] : memref<5x!tpu.dma_semaphore, #tpu.memory_space<semaphore_mem>> -> memref<1x!tpu.dma_semaphore, #tpu.memory_space<semaphore_mem>>
    %dma_wait3A_193 = tpu.memref_squeeze %dma_wait3A_192 : memref<1x!tpu.dma_semaphore, #tpu.memory_space<semaphore_mem>> -> memref<!tpu.dma_semaphore, #tpu.memory_space<semaphore_mem>>
    %dma_wait3A_194 = arith.constant 0 : i32
    %dma_wait3A_195 = tpu.memref_slice %arg14[%add3A_93, %dma_wait3A_194] : memref<10240x64xf32, #tpu.memory_space<vmem_shared>> -> memref<64x64xf32, #tpu.memory_space<vmem_shared>>
    tpu.wait_dma2 semaphore(%dma_wait3A_193 : memref<!tpu.dma_semaphore, #tpu.memory_space<semaphore_mem>>) src(%arg13 : memref<64x64xf32, #tpu.memory_space<vmem>>) dst(%dma_wait3A_195 : memref<64x64xf32, #tpu.memory_space<vmem_shared>>)
    %dma_wait3A_196 = arith.constant 4 : i32
    %dma_wait3A_197 = arith.constant 0 : i32
    %dma_wait3A_198 = tpu.memref_slice %arg14[%add3A_104, %dma_wait3A_197] : memref<10240x64xf32, #tpu.memory_space<vmem_shared>> -> memref<64x64xf32, #tpu.memory_space<vmem_shared>>
    %dma_wait3A_199 = tpu.memref_slice %arg15[%dma_wait3A_196] : memref<5x!tpu.dma_semaphore, #tpu.memory_space<semaphore_mem>> -> memref<1x!tpu.dma_semaphore, #tpu.memory_space<semaphore_mem>>
    %dma_wait3A_200 = tpu.memref_squeeze %dma_wait3A_199 : memref<1x!tpu.dma_semaphore, #tpu.memory_space<semaphore_mem>> -> memref<!tpu.dma_semaphore, #tpu.memory_space<semaphore_mem>>
    %dma_wait3A_201 = arith.constant 0 : i32
    %dma_wait3A_202 = tpu.memref_slice %arg14[%add3A_104, %dma_wait3A_201] : memref<10240x64xf32, #tpu.memory_space<vmem_shared>> -> memref<64x64xf32, #tpu.memory_space<vmem_shared>>
    tpu.wait_dma2 semaphore(%dma_wait3A_200 : memref<!tpu.dma_semaphore, #tpu.memory_space<semaphore_mem>>) src(%arg13 : memref<64x64xf32, #tpu.memory_space<vmem>>) dst(%dma_wait3A_202 : memref<64x64xf32, #tpu.memory_space<vmem_shared>>)
    %dma_wait3A_203 = arith.constant 0 : i32
    %dma_wait3A_204 = arith.constant 0 : i32
    %dma_wait3A_205 = arith.constant 0 : i32
    %dma_wait3A_206 = tpu.memref_slice %arg2[%arg1, %dma_wait3A_204, %dma_wait3A_205] : memref<16x160x128xi32, #tpu.memory_space<hbm>> -> memref<1x160x128xi32, #tpu.memory_space<hbm>>
    %dma_wait3A_207 = tpu.memref_squeeze %dma_wait3A_206 : memref<1x160x128xi32, #tpu.memory_space<hbm>> -> memref<160x128xi32, #tpu.memory_space<hbm>>
    %dma_wait3A_208 = tpu.memref_slice %arg16[%dma_wait3A_203] : memref<5x!tpu.dma_semaphore, #tpu.memory_space<semaphore_mem>> -> memref<1x!tpu.dma_semaphore, #tpu.memory_space<semaphore_mem>>
    %dma_wait3A_209 = tpu.memref_squeeze %dma_wait3A_208 : memref<1x!tpu.dma_semaphore, #tpu.memory_space<semaphore_mem>> -> memref<!tpu.dma_semaphore, #tpu.memory_space<semaphore_mem>>
    %dma_wait3A_210 = arith.constant 0 : i32
    %dma_wait3A_211 = arith.constant 0 : i32
    %dma_wait3A_212 = tpu.memref_slice %arg2[%arg1, %dma_wait3A_210, %dma_wait3A_211] : memref<16x160x128xi32, #tpu.memory_space<hbm>> -> memref<1x160x128xi32, #tpu.memory_space<hbm>>
    %dma_wait3A_213 = tpu.memref_squeeze %dma_wait3A_212 : memref<1x160x128xi32, #tpu.memory_space<hbm>> -> memref<160x128xi32, #tpu.memory_space<hbm>>
    tpu.wait_dma2 semaphore(%dma_wait3A_209 : memref<!tpu.dma_semaphore, #tpu.memory_space<semaphore_mem>>) src(%dma_wait3A_213 : memref<160x128xi32, #tpu.memory_space<hbm>>) dst(%arg6 : memref<160x128xi32, #tpu.memory_space<vmem>>)
    %dma_wait3A_214 = arith.constant 1 : i32
    %dma_wait3A_215 = arith.constant 0 : i32
    %dma_wait3A_216 = arith.constant 0 : i32
    %dma_wait3A_217 = tpu.memref_slice %arg3[%arg1, %dma_wait3A_215, %dma_wait3A_216] : memref<16x160x128xi32, #tpu.memory_space<hbm>> -> memref<1x160x128xi32, #tpu.memory_space<hbm>>
    %dma_wait3A_218 = tpu.memref_squeeze %dma_wait3A_217 : memref<1x160x128xi32, #tpu.memory_space<hbm>> -> memref<160x128xi32, #tpu.memory_space<hbm>>
    %dma_wait3A_219 = tpu.memref_slice %arg16[%dma_wait3A_214] : memref<5x!tpu.dma_semaphore, #tpu.memory_space<semaphore_mem>> -> memref<1x!tpu.dma_semaphore, #tpu.memory_space<semaphore_mem>>
    %dma_wait3A_220 = tpu.memref_squeeze %dma_wait3A_219 : memref<1x!tpu.dma_semaphore, #tpu.memory_space<semaphore_mem>> -> memref<!tpu.dma_semaphore, #tpu.memory_space<semaphore_mem>>
    %dma_wait3A_221 = arith.constant 0 : i32
    %dma_wait3A_222 = arith.constant 0 : i32
    %dma_wait3A_223 = tpu.memref_slice %arg3[%arg1, %dma_wait3A_221, %dma_wait3A_222] : memref<16x160x128xi32, #tpu.memory_space<hbm>> -> memref<1x160x128xi32, #tpu.memory_space<hbm>>
    %dma_wait3A_224 = tpu.memref_squeeze %dma_wait3A_223 : memref<1x160x128xi32, #tpu.memory_space<hbm>> -> memref<160x128xi32, #tpu.memory_space<hbm>>
    tpu.wait_dma2 semaphore(%dma_wait3A_220 : memref<!tpu.dma_semaphore, #tpu.memory_space<semaphore_mem>>) src(%dma_wait3A_224 : memref<160x128xi32, #tpu.memory_space<hbm>>) dst(%arg7 : memref<160x128xi32, #tpu.memory_space<vmem>>)
    %scan3A_225 = arith.constant 0 : i32
    %scan3A_226 = arith.constant 0 : i32
    %scan3A_227 = arith.constant 160 : i32
    %scan3A_228 = arith.addi %scan3A_226, %scan3A_227 : i32
    %scan3A_229 = arith.constant 1 : i32
    scf.for %scan3A_314 = %scan3A_226 to %scan3A_228 step %scan3A_229  : i32 {
      %get3A = arith.index_cast %scan3A_314 : i32 to index
      %get3A_315 = arith.constant 0 : index
      %get3A_316 = tpu.vector_load %arg6[%get3A, %get3A_315] {strides = array<i32>} : memref<160x128xi32, #tpu.memory_space<vmem>>, vector<1x16xi32>,
      %get3A_317 = vector.shape_cast %get3A_316 : vector<1x16xi32> to vector<16xi32>
      %mul3A_318 = arith.constant 2 : i32
      %mul3A_319 = vector.broadcast %mul3A_318 : i32 to vector<16xi32>
      %mul3A_320 = arith.muli %get3A_317, %mul3A_319 : vector<16xi32>
      %add3A_321 = vector.broadcast %arg0 : i32 to vector<16xi32>
      %add3A_322 = arith.addi %mul3A_320, %add3A_321 : vector<16xi32>
      %swap3A = arith.index_cast %scan3A_314 : i32 to index
      %swap3A_323 = arith.constant 0 : index
      %swap3A_324 = tpu.vector_load %arg6[%swap3A, %swap3A_323] {strides = array<i32>} : memref<160x128xi32, #tpu.memory_space<vmem>>, vector<1x16xi32>,
      %swap3A_325 = vector.shape_cast %swap3A_324 : vector<1x16xi32> to vector<16xi32>
      %swap3A_326 = vector.shape_cast %add3A_322 : vector<16xi32> to vector<1x16xi32>
      tpu.vector_store %arg6[%swap3A, %swap3A_323], %swap3A_326 {strides = array<i32>} : memref<160x128xi32, #tpu.memory_space<vmem>>, vector<1x16xi32>,
      %get3A_327 = arith.index_cast %scan3A_314 : i32 to index
      %get3A_328 = arith.constant 16 : index
      %get3A_329 = tpu.vector_load %arg6[%get3A_327, %get3A_328] {strides = array<i32>} : memref<160x128xi32, #tpu.memory_space<vmem>>, vector<1x16xi32>,
      %get3A_330 = vector.shape_cast %get3A_329 : vector<1x16xi32> to vector<16xi32>
      %mul3A_331 = arith.constant 2 : i32
      %mul3A_332 = vector.broadcast %mul3A_331 : i32 to vector<16xi32>
      %mul3A_333 = arith.muli %get3A_330, %mul3A_332 : vector<16xi32>
      %add3A_334 = vector.broadcast %arg0 : i32 to vector<16xi32>
      %add3A_335 = arith.addi %mul3A_333, %add3A_334 : vector<16xi32>
      %swap3A_336 = arith.index_cast %scan3A_314 : i32 to index
      %swap3A_337 = arith.constant 16 : index
      %swap3A_338 = tpu.vector_load %arg6[%swap3A_336, %swap3A_337] {strides = array<i32>} : memref<160x128xi32, #tpu.memory_space<vmem>>, vector<1x16xi32>,
      %swap3A_339 = vector.shape_cast %swap3A_338 : vector<1x16xi32> to vector<16xi32>
      %swap3A_340 = vector.shape_cast %add3A_335 : vector<16xi32> to vector<1x16xi32>
      tpu.vector_store %arg6[%swap3A_336, %swap3A_337], %swap3A_340 {strides = array<i32>} : memref<160x128xi32, #tpu.memory_space<vmem>>, vector<1x16xi32>,
      %get3A_341 = arith.index_cast %scan3A_314 : i32 to index
      %get3A_342 = arith.constant 32 : index
      %get3A_343 = tpu.vector_load %arg6[%get3A_341, %get3A_342] {strides = array<i32>} : memref<160x128xi32, #tpu.memory_space<vmem>>, vector<1x16xi32>,
      %get3A_344 = vector.shape_cast %get3A_343 : vector<1x16xi32> to vector<16xi32>
      %mul3A_345 = arith.constant 2 : i32
      %mul3A_346 = vector.broadcast %mul3A_345 : i32 to vector<16xi32>
      %mul3A_347 = arith.muli %get3A_344, %mul3A_346 : vector<16xi32>
      %add3A_348 = vector.broadcast %arg0 : i32 to vector<16xi32>
      %add3A_349 = arith.addi %mul3A_347, %add3A_348 : vector<16xi32>
      %swap3A_350 = arith.index_cast %scan3A_314 : i32 to index
      %swap3A_351 = arith.constant 32 : index
      %swap3A_352 = tpu.vector_load %arg6[%swap3A_350, %swap3A_351] {strides = array<i32>} : memref<160x128xi32, #tpu.memory_space<vmem>>, vector<1x16xi32>,
      %swap3A_353 = vector.shape_cast %swap3A_352 : vector<1x16xi32> to vector<16xi32>
      %swap3A_354 = vector.shape_cast %add3A_349 : vector<16xi32> to vector<1x16xi32>
      tpu.vector_store %arg6[%swap3A_350, %swap3A_351], %swap3A_354 {strides = array<i32>} : memref<160x128xi32, #tpu.memory_space<vmem>>, vector<1x16xi32>,
      %get3A_355 = arith.index_cast %scan3A_314 : i32 to index
      %get3A_356 = arith.constant 48 : index
      %get3A_357 = tpu.vector_load %arg6[%get3A_355, %get3A_356] {strides = array<i32>} : memref<160x128xi32, #tpu.memory_space<vmem>>, vector<1x16xi32>,
      %get3A_358 = vector.shape_cast %get3A_357 : vector<1x16xi32> to vector<16xi32>
      %mul3A_359 = arith.constant 2 : i32
      %mul3A_360 = vector.broadcast %mul3A_359 : i32 to vector<16xi32>
      %mul3A_361 = arith.muli %get3A_358, %mul3A_360 : vector<16xi32>
      %add3A_362 = vector.broadcast %arg0 : i32 to vector<16xi32>
      %add3A_363 = arith.addi %mul3A_361, %add3A_362 : vector<16xi32>
      %swap3A_364 = arith.index_cast %scan3A_314 : i32 to index
      %swap3A_365 = arith.constant 48 : index
      %swap3A_366 = tpu.vector_load %arg6[%swap3A_364, %swap3A_365] {strides = array<i32>} : memref<160x128xi32, #tpu.memory_space<vmem>>, vector<1x16xi32>,
      %swap3A_367 = vector.shape_cast %swap3A_366 : vector<1x16xi32> to vector<16xi32>
      %swap3A_368 = vector.shape_cast %add3A_363 : vector<16xi32> to vector<1x16xi32>
      tpu.vector_store %arg6[%swap3A_364, %swap3A_365], %swap3A_368 {strides = array<i32>} : memref<160x128xi32, #tpu.memory_space<vmem>>, vector<1x16xi32>,
      %get3A_369 = arith.index_cast %scan3A_314 : i32 to index
      %get3A_370 = arith.constant 64 : index
      %get3A_371 = tpu.vector_load %arg6[%get3A_369, %get3A_370] {strides = array<i32>} : memref<160x128xi32, #tpu.memory_space<vmem>>, vector<1x16xi32>,
      %get3A_372 = vector.shape_cast %get3A_371 : vector<1x16xi32> to vector<16xi32>
      %mul3A_373 = arith.constant 2 : i32
      %mul3A_374 = vector.broadcast %mul3A_373 : i32 to vector<16xi32>
      %mul3A_375 = arith.muli %get3A_372, %mul3A_374 : vector<16xi32>
      %add3A_376 = vector.broadcast %arg0 : i32 to vector<16xi32>
      %add3A_377 = arith.addi %mul3A_375, %add3A_376 : vector<16xi32>
      %swap3A_378 = arith.index_cast %scan3A_314 : i32 to index
      %swap3A_379 = arith.constant 64 : index
      %swap3A_380 = tpu.vector_load %arg6[%swap3A_378, %swap3A_379] {strides = array<i32>} : memref<160x128xi32, #tpu.memory_space<vmem>>, vector<1x16xi32>,
      %swap3A_381 = vector.shape_cast %swap3A_380 : vector<1x16xi32> to vector<16xi32>
      %swap3A_382 = vector.shape_cast %add3A_377 : vector<16xi32> to vector<1x16xi32>
      tpu.vector_store %arg6[%swap3A_378, %swap3A_379], %swap3A_382 {strides = array<i32>} : memref<160x128xi32, #tpu.memory_space<vmem>>, vector<1x16xi32>,
      %get3A_383 = arith.index_cast %scan3A_314 : i32 to index
      %get3A_384 = arith.constant 80 : index
      %get3A_385 = tpu.vector_load %arg6[%get3A_383, %get3A_384] {strides = array<i32>} : memref<160x128xi32, #tpu.memory_space<vmem>>, vector<1x16xi32>,
      %get3A_386 = vector.shape_cast %get3A_385 : vector<1x16xi32> to vector<16xi32>
      %mul3A_387 = arith.constant 2 : i32
      %mul3A_388 = vector.broadcast %mul3A_387 : i32 to vector<16xi32>
      %mul3A_389 = arith.muli %get3A_386, %mul3A_388 : vector<16xi32>
      %add3A_390 = vector.broadcast %arg0 : i32 to vector<16xi32>
      %add3A_391 = arith.addi %mul3A_389, %add3A_390 : vector<16xi32>
      %swap3A_392 = arith.index_cast %scan3A_314 : i32 to index
      %swap3A_393 = arith.constant 80 : index
      %swap3A_394 = tpu.vector_load %arg6[%swap3A_392, %swap3A_393] {strides = array<i32>} : memref<160x128xi32, #tpu.memory_space<vmem>>, vector<1x16xi32>,
      %swap3A_395 = vector.shape_cast %swap3A_394 : vector<1x16xi32> to vector<16xi32>
      %swap3A_396 = vector.shape_cast %add3A_391 : vector<16xi32> to vector<1x16xi32>
      tpu.vector_store %arg6[%swap3A_392, %swap3A_393], %swap3A_396 {strides = array<i32>} : memref<160x128xi32, #tpu.memory_space<vmem>>, vector<1x16xi32>,
      %get3A_397 = arith.index_cast %scan3A_314 : i32 to index
      %get3A_398 = arith.constant 96 : index
      %get3A_399 = tpu.vector_load %arg6[%get3A_397, %get3A_398] {strides = array<i32>} : memref<160x128xi32, #tpu.memory_space<vmem>>, vector<1x16xi32>,
      %get3A_400 = vector.shape_cast %get3A_399 : vector<1x16xi32> to vector<16xi32>
      %mul3A_401 = arith.constant 2 : i32
      %mul3A_402 = vector.broadcast %mul3A_401 : i32 to vector<16xi32>
      %mul3A_403 = arith.muli %get3A_400, %mul3A_402 : vector<16xi32>
      %add3A_404 = vector.broadcast %arg0 : i32 to vector<16xi32>
      %add3A_405 = arith.addi %mul3A_403, %add3A_404 : vector<16xi32>
      %swap3A_406 = arith.index_cast %scan3A_314 : i32 to index
      %swap3A_407 = arith.constant 96 : index
      %swap3A_408 = tpu.vector_load %arg6[%swap3A_406, %swap3A_407] {strides = array<i32>} : memref<160x128xi32, #tpu.memory_space<vmem>>, vector<1x16xi32>,
      %swap3A_409 = vector.shape_cast %swap3A_408 : vector<1x16xi32> to vector<16xi32>
      %swap3A_410 = vector.shape_cast %add3A_405 : vector<16xi32> to vector<1x16xi32>
      tpu.vector_store %arg6[%swap3A_406, %swap3A_407], %swap3A_410 {strides = array<i32>} : memref<160x128xi32, #tpu.memory_space<vmem>>, vector<1x16xi32>,
      %get3A_411 = arith.index_cast %scan3A_314 : i32 to index
      %get3A_412 = arith.constant 112 : index
      %get3A_413 = tpu.vector_load %arg6[%get3A_411, %get3A_412] {strides = array<i32>} : memref<160x128xi32, #tpu.memory_space<vmem>>, vector<1x16xi32>,
      %get3A_414 = vector.shape_cast %get3A_413 : vector<1x16xi32> to vector<16xi32>
      %mul3A_415 = arith.constant 2 : i32
      %mul3A_416 = vector.broadcast %mul3A_415 : i32 to vector<16xi32>
      %mul3A_417 = arith.muli %get3A_414, %mul3A_416 : vector<16xi32>
      %add3A_418 = vector.broadcast %arg0 : i32 to vector<16xi32>
      %add3A_419 = arith.addi %mul3A_417, %add3A_418 : vector<16xi32>
      %swap3A_420 = arith.index_cast %scan3A_314 : i32 to index
      %swap3A_421 = arith.constant 112 : index
      %swap3A_422 = tpu.vector_load %arg6[%swap3A_420, %swap3A_421] {strides = array<i32>} : memref<160x128xi32, #tpu.memory_space<vmem>>, vector<1x16xi32>,
      %swap3A_423 = vector.shape_cast %swap3A_422 : vector<1x16xi32> to vector<16xi32>
      %swap3A_424 = vector.shape_cast %add3A_419 : vector<16xi32> to vector<1x16xi32>
      tpu.vector_store %arg6[%swap3A_420, %swap3A_421], %swap3A_424 {strides = array<i32>} : memref<160x128xi32, #tpu.memory_space<vmem>>, vector<1x16xi32>,
    }
    %scan3A_230 = arith.constant 160 : i32
    %barrier3A = arith.constant 0 : index
    tpu.barrier barrier_id(%barrier3A)
    %scan3A_231 = arith.constant 0 : i32
    %scan3A_232 = arith.constant 0 : i32
    %scan3A_233 = arith.constant 32 : i32
    %scan3A_234 = arith.addi %scan3A_232, %scan3A_233 : i32
    %scan3A_235 = arith.constant 1 : i32
    scf.for %scan3A_314 = %scan3A_232 to %scan3A_234 step %scan3A_235  : i32 {
      %mul3A_315 = arith.constant 5 : i32
      %mul3A_316 = arith.muli %scan3A_314, %mul3A_315 : i32
      %add3A_317 = arith.constant 0 : i32
      %add3A_318 = arith.addi %mul3A_316, %add3A_317 : i32
      %ge3A = arith.constant 1 : i32
      %ge3A_319 = arith.cmpi sge, %scan3A_314, %ge3A : i32
      %convert_element_type3A_320 = arith.extui %ge3A_319 : i1 to i32
      %cond3A_321 = arith.constant 0 : i32
      %cond3A_322 = arith.cmpi ne, %convert_element_type3A_320, %cond3A_321 : i32
      scf.if %cond3A_322 {
        %dma_wait3A_492 = arith.constant 0 : i32
        %dma_wait3A_493 = arith.constant 0 : i32
        %dma_wait3A_494 = arith.constant 0 : i32
        %dma_wait3A_495 = tpu.memref_slice %arg7[%dma_wait3A_492, %dma_wait3A_494] : memref<160x128xi32, #tpu.memory_space<vmem>> -> memref<1x128xi32, #tpu.memory_space<vmem>>
        %dma_wait3A_496 = tpu.memref_squeeze %dma_wait3A_495 : memref<1x128xi32, #tpu.memory_space<vmem>> -> memref<128xi32, #tpu.memory_space<vmem>>
        %dma_wait3A_497 = arith.constant 0 : i32
        %dma_wait3A_498 = arith.constant 0 : i32
        %dma_wait3A_499 = tpu.memref_slice %arg14[%dma_wait3A_497, %dma_wait3A_498] : memref<10240x64xf32, #tpu.memory_space<vmem_shared>> -> memref<10240x64xf32, #tpu.memory_space<vmem_shared>>
        %dma_wait3A_500 = tpu.memref_slice %arg16[%dma_wait3A_493] : memref<5x!tpu.dma_semaphore, #tpu.memory_space<semaphore_mem>> -> memref<1x!tpu.dma_semaphore, #tpu.memory_space<semaphore_mem>>
        %dma_wait3A_501 = tpu.memref_squeeze %dma_wait3A_500 : memref<1x!tpu.dma_semaphore, #tpu.memory_space<semaphore_mem>> -> memref<!tpu.dma_semaphore, #tpu.memory_space<semaphore_mem>>
        tpu.wait_indirect_dma semaphore(%dma_wait3A_501 : memref<!tpu.dma_semaphore, #tpu.memory_space<semaphore_mem>>) src(%arg8 : memref<128x64xf32, #tpu.memory_space<vmem>>) dst(%dma_wait3A_499 : memref<10240x64xf32, #tpu.memory_space<vmem_shared>>)
      } else {
      }
      %dma_start3A_323 = arith.constant 0 : i32
      %dma_start3A_324 = arith.constant 0 : i32
      %dma_start3A_325 = tpu.memref_slice %arg6[%add3A_318, %dma_start3A_324] : memref<160x128xi32, #tpu.memory_space<vmem>> -> memref<1x128xi32, #tpu.memory_space<vmem>>
      %dma_start3A_326 = tpu.memref_squeeze %dma_start3A_325 : memref<1x128xi32, #tpu.memory_space<vmem>> -> memref<128xi32, #tpu.memory_space<vmem>>
      %dma_start3A_327 = arith.constant 0 : i32
      %dma_start3A_328 = arith.constant 0 : i32
      %dma_start3A_329 = tpu.memref_slice %arg4[%dma_start3A_327, %dma_start3A_328] : memref<20000x64xf32, #tpu.memory_space<hbm>> -> memref<20000x64xf32, #tpu.memory_space<hbm>>
      %dma_start3A_330 = tpu.memref_slice %arg15[%dma_start3A_323] : memref<5x!tpu.dma_semaphore, #tpu.memory_space<semaphore_mem>> -> memref<1x!tpu.dma_semaphore, #tpu.memory_space<semaphore_mem>>
      %dma_start3A_331 = tpu.memref_squeeze %dma_start3A_330 : memref<1x!tpu.dma_semaphore, #tpu.memory_space<semaphore_mem>> -> memref<!tpu.dma_semaphore, #tpu.memory_space<semaphore_mem>>
      tpu.enqueue_indirect_dma source(%dma_start3A_329 : memref<20000x64xf32, #tpu.memory_space<hbm>>) target(%arg8 : memref<128x64xf32, #tpu.memory_space<vmem>>) offsets(%dma_start3A_326 : memref<128xi32, #tpu.memory_space<vmem>>) semaphore(%dma_start3A_331 : memref<!tpu.dma_semaphore, #tpu.memory_space<semaphore_mem>>)
      %ge3A_332 = arith.constant 1 : i32
      %ge3A_333 = arith.cmpi sge, %scan3A_314, %ge3A_332 : i32
      %convert_element_type3A_334 = arith.extui %ge3A_333 : i1 to i32
      %cond3A_335 = arith.constant 0 : i32
      %cond3A_336 = arith.cmpi ne, %convert_element_type3A_334, %cond3A_335 : i32
      scf.if %cond3A_336 {
        %dma_wait3A_492 = arith.constant 0 : i32
        %dma_wait3A_493 = arith.constant 4 : i32
        %dma_wait3A_494 = arith.constant 0 : i32
        %dma_wait3A_495 = tpu.memref_slice %arg6[%dma_wait3A_492, %dma_wait3A_494] : memref<160x128xi32, #tpu.memory_space<vmem>> -> memref<1x128xi32, #tpu.memory_space<vmem>>
        %dma_wait3A_496 = tpu.memref_squeeze %dma_wait3A_495 : memref<1x128xi32, #tpu.memory_space<vmem>> -> memref<128xi32, #tpu.memory_space<vmem>>
        %dma_wait3A_497 = arith.constant 0 : i32
        %dma_wait3A_498 = arith.constant 0 : i32
        %dma_wait3A_499 = tpu.memref_slice %arg4[%dma_wait3A_497, %dma_wait3A_498] : memref<20000x64xf32, #tpu.memory_space<hbm>> -> memref<20000x64xf32, #tpu.memory_space<hbm>>
        %dma_wait3A_500 = tpu.memref_slice %arg15[%dma_wait3A_493] : memref<5x!tpu.dma_semaphore, #tpu.memory_space<semaphore_mem>> -> memref<1x!tpu.dma_semaphore, #tpu.memory_space<semaphore_mem>>
        %dma_wait3A_501 = tpu.memref_squeeze %dma_wait3A_500 : memref<1x!tpu.dma_semaphore, #tpu.memory_space<semaphore_mem>> -> memref<!tpu.dma_semaphore, #tpu.memory_space<semaphore_mem>>
        tpu.wait_indirect_dma semaphore(%dma_wait3A_501 : memref<!tpu.dma_semaphore, #tpu.memory_space<semaphore_mem>>) src(%dma_wait3A_499 : memref<20000x64xf32, #tpu.memory_space<hbm>>) dst(%arg12 : memref<128x64xf32, #tpu.memory_space<vmem>>)
        %mul3A_502 = arith.constant 5 : i32
        %mul3A_503 = arith.muli %scan3A_314, %mul3A_502 : i32
        %sub3A_504 = arith.constant 1 : i32
        %sub3A_505 = arith.subi %mul3A_503, %sub3A_504 : i32
        %dma_start3A_506 = arith.constant 4 : i32
        %dma_start3A_507 = arith.constant 0 : i32
        %dma_start3A_508 = tpu.memref_slice %arg7[%sub3A_505, %dma_start3A_507] : memref<160x128xi32, #tpu.memory_space<vmem>> -> memref<1x128xi32, #tpu.memory_space<vmem>>
        %dma_start3A_509 = tpu.memref_squeeze %dma_start3A_508 : memref<1x128xi32, #tpu.memory_space<vmem>> -> memref<128xi32, #tpu.memory_space<vmem>>
        %dma_start3A_510 = arith.constant 0 : i32
        %dma_start3A_511 = arith.constant 0 : i32
        %dma_start3A_512 = tpu.memref_slice %arg14[%dma_start3A_510, %dma_start3A_511] : memref<10240x64xf32, #tpu.memory_space<vmem_shared>> -> memref<10240x64xf32, #tpu.memory_space<vmem_shared>>
        %dma_start3A_513 = tpu.memref_slice %arg16[%dma_start3A_506] : memref<5x!tpu.dma_semaphore, #tpu.memory_space<semaphore_mem>> -> memref<1x!tpu.dma_semaphore, #tpu.memory_space<semaphore_mem>>
        %dma_start3A_514 = tpu.memref_squeeze %dma_start3A_513 : memref<1x!tpu.dma_semaphore, #tpu.memory_space<semaphore_mem>> -> memref<!tpu.dma_semaphore, #tpu.memory_space<semaphore_mem>>
        tpu.enqueue_indirect_dma source(%arg12 : memref<128x64xf32, #tpu.memory_space<vmem>>) target(%dma_start3A_512 : memref<10240x64xf32, #tpu.memory_space<vmem_shared>>) offsets(%dma_start3A_509 : memref<128xi32, #tpu.memory_space<vmem>>) semaphore(%dma_start3A_514 : memref<!tpu.dma_semaphore, #tpu.memory_space<semaphore_mem>>) {add = true}
      } else {
      }
      %mul3A_337 = arith.constant 5 : i32
      %mul3A_338 = arith.muli %scan3A_314, %mul3A_337 : i32
      %add3A_339 = arith.constant 1 : i32
      %add3A_340 = arith.addi %mul3A_338, %add3A_339 : i32
      %ge3A_341 = arith.constant 1 : i32
      %ge3A_342 = arith.cmpi sge, %scan3A_314, %ge3A_341 : i32
      %convert_element_type3A_343 = arith.extui %ge3A_342 : i1 to i32
      %cond3A_344 = arith.constant 0 : i32
      %cond3A_345 = arith.cmpi ne, %convert_element_type3A_343, %cond3A_344 : i32
      scf.if %cond3A_345 {
        %dma_wait3A_492 = arith.constant 0 : i32
        %dma_wait3A_493 = arith.constant 1 : i32
        %dma_wait3A_494 = arith.constant 0 : i32
        %dma_wait3A_495 = tpu.memref_slice %arg7[%dma_wait3A_492, %dma_wait3A_494] : memref<160x128xi32, #tpu.memory_space<vmem>> -> memref<1x128xi32, #tpu.memory_space<vmem>>
        %dma_wait3A_496 = tpu.memref_squeeze %dma_wait3A_495 : memref<1x128xi32, #tpu.memory_space<vmem>> -> memref<128xi32, #tpu.memory_space<vmem>>
        %dma_wait3A_497 = arith.constant 0 : i32
        %dma_wait3A_498 = arith.constant 0 : i32
        %dma_wait3A_499 = tpu.memref_slice %arg14[%dma_wait3A_497, %dma_wait3A_498] : memref<10240x64xf32, #tpu.memory_space<vmem_shared>> -> memref<10240x64xf32, #tpu.memory_space<vmem_shared>>
        %dma_wait3A_500 = tpu.memref_slice %arg16[%dma_wait3A_493] : memref<5x!tpu.dma_semaphore, #tpu.memory_space<semaphore_mem>> -> memref<1x!tpu.dma_semaphore, #tpu.memory_space<semaphore_mem>>
        %dma_wait3A_501 = tpu.memref_squeeze %dma_wait3A_500 : memref<1x!tpu.dma_semaphore, #tpu.memory_space<semaphore_mem>> -> memref<!tpu.dma_semaphore, #tpu.memory_space<semaphore_mem>>
        tpu.wait_indirect_dma semaphore(%dma_wait3A_501 : memref<!tpu.dma_semaphore, #tpu.memory_space<semaphore_mem>>) src(%arg9 : memref<128x64xf32, #tpu.memory_space<vmem>>) dst(%dma_wait3A_499 : memref<10240x64xf32, #tpu.memory_space<vmem_shared>>)
      } else {
      }
      %dma_start3A_346 = arith.constant 1 : i32
      %dma_start3A_347 = arith.constant 0 : i32
      %dma_start3A_348 = tpu.memref_slice %arg6[%add3A_340, %dma_start3A_347] : memref<160x128xi32, #tpu.memory_space<vmem>> -> memref<1x128xi32, #tpu.memory_space<vmem>>
      %dma_start3A_349 = tpu.memref_squeeze %dma_start3A_348 : memref<1x128xi32, #tpu.memory_space<vmem>> -> memref<128xi32, #tpu.memory_space<vmem>>
      %dma_start3A_350 = arith.constant 0 : i32
      %dma_start3A_351 = arith.constant 0 : i32
      %dma_start3A_352 = tpu.memref_slice %arg4[%dma_start3A_350, %dma_start3A_351] : memref<20000x64xf32, #tpu.memory_space<hbm>> -> memref<20000x64xf32, #tpu.memory_space<hbm>>
      %dma_start3A_353 = tpu.memref_slice %arg15[%dma_start3A_346] : memref<5x!tpu.dma_semaphore, #tpu.memory_space<semaphore_mem>> -> memref<1x!tpu.dma_semaphore, #tpu.memory_space<semaphore_mem>>
      %dma_start3A_354 = tpu.memref_squeeze %dma_start3A_353 : memref<1x!tpu.dma_semaphore, #tpu.memory_space<semaphore_mem>> -> memref<!tpu.dma_semaphore, #tpu.memory_space<semaphore_mem>>
      tpu.enqueue_indirect_dma source(%dma_start3A_352 : memref<20000x64xf32, #tpu.memory_space<hbm>>) target(%arg9 : memref<128x64xf32, #tpu.memory_space<vmem>>) offsets(%dma_start3A_349 : memref<128xi32, #tpu.memory_space<vmem>>) semaphore(%dma_start3A_354 : memref<!tpu.dma_semaphore, #tpu.memory_space<semaphore_mem>>)
      %dma_wait3A_355 = arith.constant 0 : i32
      %dma_wait3A_356 = arith.constant 0 : i32
      %dma_wait3A_357 = arith.constant 0 : i32
      %dma_wait3A_358 = tpu.memref_slice %arg6[%dma_wait3A_355, %dma_wait3A_357] : memref<160x128xi32, #tpu.memory_space<vmem>> -> memref<1x128xi32, #tpu.memory_space<vmem>>
      %dma_wait3A_359 = tpu.memref_squeeze %dma_wait3A_358 : memref<1x128xi32, #tpu.memory_space<vmem>> -> memref<128xi32, #tpu.memory_space<vmem>>
      %dma_wait3A_360 = arith.constant 0 : i32
      %dma_wait3A_361 = arith.constant 0 : i32
      %dma_wait3A_362 = tpu.memref_slice %arg4[%dma_wait3A_360, %dma_wait3A_361] : memref<20000x64xf32, #tpu.memory_space<hbm>> -> memref<20000x64xf32, #tpu.memory_space<hbm>>
      %dma_wait3A_363 = tpu.memref_slice %arg15[%dma_wait3A_356] : memref<5x!tpu.dma_semaphore, #tpu.memory_space<semaphore_mem>> -> memref<1x!tpu.dma_semaphore, #tpu.memory_space<semaphore_mem>>
      %dma_wait3A_364 = tpu.memref_squeeze %dma_wait3A_363 : memref<1x!tpu.dma_semaphore, #tpu.memory_space<semaphore_mem>> -> memref<!tpu.dma_semaphore, #tpu.memory_space<semaphore_mem>>
      tpu.wait_indirect_dma semaphore(%dma_wait3A_364 : memref<!tpu.dma_semaphore, #tpu.memory_space<semaphore_mem>>) src(%dma_wait3A_362 : memref<20000x64xf32, #tpu.memory_space<hbm>>) dst(%arg8 : memref<128x64xf32, #tpu.memory_space<vmem>>)
      %sub3A = arith.constant 1 : i32
      %sub3A_365 = arith.subi %add3A_340, %sub3A : i32
      %dma_start3A_366 = arith.constant 0 : i32
      %dma_start3A_367 = arith.constant 0 : i32
      %dma_start3A_368 = tpu.memref_slice %arg7[%sub3A_365, %dma_start3A_367] : memref<160x128xi32, #tpu.memory_space<vmem>> -> memref<1x128xi32, #tpu.memory_space<vmem>>
      %dma_start3A_369 = tpu.memref_squeeze %dma_start3A_368 : memref<1x128xi32, #tpu.memory_space<vmem>> -> memref<128xi32, #tpu.memory_space<vmem>>
      %dma_start3A_370 = arith.constant 0 : i32
      %dma_start3A_371 = arith.constant 0 : i32
      %dma_start3A_372 = tpu.memref_slice %arg14[%dma_start3A_370, %dma_start3A_371] : memref<10240x64xf32, #tpu.memory_space<vmem_shared>> -> memref<10240x64xf32, #tpu.memory_space<vmem_shared>>
      %dma_start3A_373 = tpu.memref_slice %arg16[%dma_start3A_366] : memref<5x!tpu.dma_semaphore, #tpu.memory_space<semaphore_mem>> -> memref<1x!tpu.dma_semaphore, #tpu.memory_space<semaphore_mem>>
      %dma_start3A_374 = tpu.memref_squeeze %dma_start3A_373 : memref<1x!tpu.dma_semaphore, #tpu.memory_space<semaphore_mem>> -> memref<!tpu.dma_semaphore, #tpu.memory_space<semaphore_mem>>
      tpu.enqueue_indirect_dma source(%arg8 : memref<128x64xf32, #tpu.memory_space<vmem>>) target(%dma_start3A_372 : memref<10240x64xf32, #tpu.memory_space<vmem_shared>>) offsets(%dma_start3A_369 : memref<128xi32, #tpu.memory_space<vmem>>) semaphore(%dma_start3A_374 : memref<!tpu.dma_semaphore, #tpu.memory_space<semaphore_mem>>) {add = true}
      %mul3A_375 = arith.constant 5 : i32
      %mul3A_376 = arith.muli %scan3A_314, %mul3A_375 : i32
      %add3A_377 = arith.constant 2 : i32
      %add3A_378 = arith.addi %mul3A_376, %add3A_377 : i32
      %ge3A_379 = arith.constant 1 : i32
      %ge3A_380 = arith.cmpi sge, %scan3A_314, %ge3A_379 : i32
      %convert_element_type3A_381 = arith.extui %ge3A_380 : i1 to i32
      %cond3A_382 = arith.constant 0 : i32
      %cond3A_383 = arith.cmpi ne, %convert_element_type3A_381, %cond3A_382 : i32
      scf.if %cond3A_383 {
        %dma_wait3A_492 = arith.constant 0 : i32
        %dma_wait3A_493 = arith.constant 2 : i32
        %dma_wait3A_494 = arith.constant 0 : i32
        %dma_wait3A_495 = tpu.memref_slice %arg7[%dma_wait3A_492, %dma_wait3A_494] : memref<160x128xi32, #tpu.memory_space<vmem>> -> memref<1x128xi32, #tpu.memory_space<vmem>>
        %dma_wait3A_496 = tpu.memref_squeeze %dma_wait3A_495 : memref<1x128xi32, #tpu.memory_space<vmem>> -> memref<128xi32, #tpu.memory_space<vmem>>
        %dma_wait3A_497 = arith.constant 0 : i32
        %dma_wait3A_498 = arith.constant 0 : i32
        %dma_wait3A_499 = tpu.memref_slice %arg14[%dma_wait3A_497, %dma_wait3A_498] : memref<10240x64xf32, #tpu.memory_space<vmem_shared>> -> memref<10240x64xf32, #tpu.memory_space<vmem_shared>>
        %dma_wait3A_500 = tpu.memref_slice %arg16[%dma_wait3A_493] : memref<5x!tpu.dma_semaphore, #tpu.memory_space<semaphore_mem>> -> memref<1x!tpu.dma_semaphore, #tpu.memory_space<semaphore_mem>>
        %dma_wait3A_501 = tpu.memref_squeeze %dma_wait3A_500 : memref<1x!tpu.dma_semaphore, #tpu.memory_space<semaphore_mem>> -> memref<!tpu.dma_semaphore, #tpu.memory_space<semaphore_mem>>
        tpu.wait_indirect_dma semaphore(%dma_wait3A_501 : memref<!tpu.dma_semaphore, #tpu.memory_space<semaphore_mem>>) src(%arg10 : memref<128x64xf32, #tpu.memory_space<vmem>>) dst(%dma_wait3A_499 : memref<10240x64xf32, #tpu.memory_space<vmem_shared>>)
      } else {
      }
      %dma_start3A_384 = arith.constant 2 : i32
      %dma_start3A_385 = arith.constant 0 : i32
      %dma_start3A_386 = tpu.memref_slice %arg6[%add3A_378, %dma_start3A_385] : memref<160x128xi32, #tpu.memory_space<vmem>> -> memref<1x128xi32, #tpu.memory_space<vmem>>
      %dma_start3A_387 = tpu.memref_squeeze %dma_start3A_386 : memref<1x128xi32, #tpu.memory_space<vmem>> -> memref<128xi32, #tpu.memory_space<vmem>>
      %dma_start3A_388 = arith.constant 0 : i32
      %dma_start3A_389 = arith.constant 0 : i32
      %dma_start3A_390 = tpu.memref_slice %arg4[%dma_start3A_388, %dma_start3A_389] : memref<20000x64xf32, #tpu.memory_space<hbm>> -> memref<20000x64xf32, #tpu.memory_space<hbm>>
      %dma_start3A_391 = tpu.memref_slice %arg15[%dma_start3A_384] : memref<5x!tpu.dma_semaphore, #tpu.memory_space<semaphore_mem>> -> memref<1x!tpu.dma_semaphore, #tpu.memory_space<semaphore_mem>>
      %dma_start3A_392 = tpu.memref_squeeze %dma_start3A_391 : memref<1x!tpu.dma_semaphore, #tpu.memory_space<semaphore_mem>> -> memref<!tpu.dma_semaphore, #tpu.memory_space<semaphore_mem>>
      tpu.enqueue_indirect_dma source(%dma_start3A_390 : memref<20000x64xf32, #tpu.memory_space<hbm>>) target(%arg10 : memref<128x64xf32, #tpu.memory_space<vmem>>) offsets(%dma_start3A_387 : memref<128xi32, #tpu.memory_space<vmem>>) semaphore(%dma_start3A_392 : memref<!tpu.dma_semaphore, #tpu.memory_space<semaphore_mem>>)
      %dma_wait3A_393 = arith.constant 0 : i32
      %dma_wait3A_394 = arith.constant 1 : i32
      %dma_wait3A_395 = arith.constant 0 : i32
      %dma_wait3A_396 = tpu.memref_slice %arg6[%dma_wait3A_393, %dma_wait3A_395] : memref<160x128xi32, #tpu.memory_space<vmem>> -> memref<1x128xi32, #tpu.memory_space<vmem>>
      %dma_wait3A_397 = tpu.memref_squeeze %dma_wait3A_396 : memref<1x128xi32, #tpu.memory_space<vmem>> -> memref<128xi32, #tpu.memory_space<vmem>>
      %dma_wait3A_398 = arith.constant 0 : i32
      %dma_wait3A_399 = arith.constant 0 : i32
      %dma_wait3A_400 = tpu.memref_slice %arg4[%dma_wait3A_398, %dma_wait3A_399] : memref<20000x64xf32, #tpu.memory_space<hbm>> -> memref<20000x64xf32, #tpu.memory_space<hbm>>
      %dma_wait3A_401 = tpu.memref_slice %arg15[%dma_wait3A_394] : memref<5x!tpu.dma_semaphore, #tpu.memory_space<semaphore_mem>> -> memref<1x!tpu.dma_semaphore, #tpu.memory_space<semaphore_mem>>
      %dma_wait3A_402 = tpu.memref_squeeze %dma_wait3A_401 : memref<1x!tpu.dma_semaphore, #tpu.memory_space<semaphore_mem>> -> memref<!tpu.dma_semaphore, #tpu.memory_space<semaphore_mem>>
      tpu.wait_indirect_dma semaphore(%dma_wait3A_402 : memref<!tpu.dma_semaphore, #tpu.memory_space<semaphore_mem>>) src(%dma_wait3A_400 : memref<20000x64xf32, #tpu.memory_space<hbm>>) dst(%arg9 : memref<128x64xf32, #tpu.memory_space<vmem>>)
      %sub3A_403 = arith.constant 1 : i32
      %sub3A_404 = arith.subi %add3A_378, %sub3A_403 : i32
      %dma_start3A_405 = arith.constant 1 : i32
      %dma_start3A_406 = arith.constant 0 : i32
      %dma_start3A_407 = tpu.memref_slice %arg7[%sub3A_404, %dma_start3A_406] : memref<160x128xi32, #tpu.memory_space<vmem>> -> memref<1x128xi32, #tpu.memory_space<vmem>>
      %dma_start3A_408 = tpu.memref_squeeze %dma_start3A_407 : memref<1x128xi32, #tpu.memory_space<vmem>> -> memref<128xi32, #tpu.memory_space<vmem>>
      %dma_start3A_409 = arith.constant 0 : i32
      %dma_start3A_410 = arith.constant 0 : i32
      %dma_start3A_411 = tpu.memref_slice %arg14[%dma_start3A_409, %dma_start3A_410] : memref<10240x64xf32, #tpu.memory_space<vmem_shared>> -> memref<10240x64xf32, #tpu.memory_space<vmem_shared>>
      %dma_start3A_412 = tpu.memref_slice %arg16[%dma_start3A_405] : memref<5x!tpu.dma_semaphore, #tpu.memory_space<semaphore_mem>> -> memref<1x!tpu.dma_semaphore, #tpu.memory_space<semaphore_mem>>
      %dma_start3A_413 = tpu.memref_squeeze %dma_start3A_412 : memref<1x!tpu.dma_semaphore, #tpu.memory_space<semaphore_mem>> -> memref<!tpu.dma_semaphore, #tpu.memory_space<semaphore_mem>>
      tpu.enqueue_indirect_dma source(%arg9 : memref<128x64xf32, #tpu.memory_space<vmem>>) target(%dma_start3A_411 : memref<10240x64xf32, #tpu.memory_space<vmem_shared>>) offsets(%dma_start3A_408 : memref<128xi32, #tpu.memory_space<vmem>>) semaphore(%dma_start3A_413 : memref<!tpu.dma_semaphore, #tpu.memory_space<semaphore_mem>>) {add = true}
      %mul3A_414 = arith.constant 5 : i32
      %mul3A_415 = arith.muli %scan3A_314, %mul3A_414 : i32
      %add3A_416 = arith.constant 3 : i32
      %add3A_417 = arith.addi %mul3A_415, %add3A_416 : i32
      %ge3A_418 = arith.constant 1 : i32
      %ge3A_419 = arith.cmpi sge, %scan3A_314, %ge3A_418 : i32
      %convert_element_type3A_420 = arith.extui %ge3A_419 : i1 to i32
      %cond3A_421 = arith.constant 0 : i32
      %cond3A_422 = arith.cmpi ne, %convert_element_type3A_420, %cond3A_421 : i32
      scf.if %cond3A_422 {
        %dma_wait3A_492 = arith.constant 0 : i32
        %dma_wait3A_493 = arith.constant 3 : i32
        %dma_wait3A_494 = arith.constant 0 : i32
        %dma_wait3A_495 = tpu.memref_slice %arg7[%dma_wait3A_492, %dma_wait3A_494] : memref<160x128xi32, #tpu.memory_space<vmem>> -> memref<1x128xi32, #tpu.memory_space<vmem>>
        %dma_wait3A_496 = tpu.memref_squeeze %dma_wait3A_495 : memref<1x128xi32, #tpu.memory_space<vmem>> -> memref<128xi32, #tpu.memory_space<vmem>>
        %dma_wait3A_497 = arith.constant 0 : i32
        %dma_wait3A_498 = arith.constant 0 : i32
        %dma_wait3A_499 = tpu.memref_slice %arg14[%dma_wait3A_497, %dma_wait3A_498] : memref<10240x64xf32, #tpu.memory_space<vmem_shared>> -> memref<10240x64xf32, #tpu.memory_space<vmem_shared>>
        %dma_wait3A_500 = tpu.memref_slice %arg16[%dma_wait3A_493] : memref<5x!tpu.dma_semaphore, #tpu.memory_space<semaphore_mem>> -> memref<1x!tpu.dma_semaphore, #tpu.memory_space<semaphore_mem>>
        %dma_wait3A_501 = tpu.memref_squeeze %dma_wait3A_500 : memref<1x!tpu.dma_semaphore, #tpu.memory_space<semaphore_mem>> -> memref<!tpu.dma_semaphore, #tpu.memory_space<semaphore_mem>>
        tpu.wait_indirect_dma semaphore(%dma_wait3A_501 : memref<!tpu.dma_semaphore, #tpu.memory_space<semaphore_mem>>) src(%arg11 : memref<128x64xf32, #tpu.memory_space<vmem>>) dst(%dma_wait3A_499 : memref<10240x64xf32, #tpu.memory_space<vmem_shared>>)
      } else {
      }
      %dma_start3A_423 = arith.constant 3 : i32
      %dma_start3A_424 = arith.constant 0 : i32
      %dma_start3A_425 = tpu.memref_slice %arg6[%add3A_417, %dma_start3A_424] : memref<160x128xi32, #tpu.memory_space<vmem>> -> memref<1x128xi32, #tpu.memory_space<vmem>>
      %dma_start3A_426 = tpu.memref_squeeze %dma_start3A_425 : memref<1x128xi32, #tpu.memory_space<vmem>> -> memref<128xi32, #tpu.memory_space<vmem>>
      %dma_start3A_427 = arith.constant 0 : i32
      %dma_start3A_428 = arith.constant 0 : i32
      %dma_start3A_429 = tpu.memref_slice %arg4[%dma_start3A_427, %dma_start3A_428] : memref<20000x64xf32, #tpu.memory_space<hbm>> -> memref<20000x64xf32, #tpu.memory_space<hbm>>
      %dma_start3A_430 = tpu.memref_slice %arg15[%dma_start3A_423] : memref<5x!tpu.dma_semaphore, #tpu.memory_space<semaphore_mem>> -> memref<1x!tpu.dma_semaphore, #tpu.memory_space<semaphore_mem>>
      %dma_start3A_431 = tpu.memref_squeeze %dma_start3A_430 : memref<1x!tpu.dma_semaphore, #tpu.memory_space<semaphore_mem>> -> memref<!tpu.dma_semaphore, #tpu.memory_space<semaphore_mem>>
      tpu.enqueue_indirect_dma source(%dma_start3A_429 : memref<20000x64xf32, #tpu.memory_space<hbm>>) target(%arg11 : memref<128x64xf32, #tpu.memory_space<vmem>>) offsets(%dma_start3A_426 : memref<128xi32, #tpu.memory_space<vmem>>) semaphore(%dma_start3A_431 : memref<!tpu.dma_semaphore, #tpu.memory_space<semaphore_mem>>)
      %dma_wait3A_432 = arith.constant 0 : i32
      %dma_wait3A_433 = arith.constant 2 : i32
      %dma_wait3A_434 = arith.constant 0 : i32
      %dma_wait3A_435 = tpu.memref_slice %arg6[%dma_wait3A_432, %dma_wait3A_434] : memref<160x128xi32, #tpu.memory_space<vmem>> -> memref<1x128xi32, #tpu.memory_space<vmem>>
      %dma_wait3A_436 = tpu.memref_squeeze %dma_wait3A_435 : memref<1x128xi32, #tpu.memory_space<vmem>> -> memref<128xi32, #tpu.memory_space<vmem>>
      %dma_wait3A_437 = arith.constant 0 : i32
      %dma_wait3A_438 = arith.constant 0 : i32
      %dma_wait3A_439 = tpu.memref_slice %arg4[%dma_wait3A_437, %dma_wait3A_438] : memref<20000x64xf32, #tpu.memory_space<hbm>> -> memref<20000x64xf32, #tpu.memory_space<hbm>>
      %dma_wait3A_440 = tpu.memref_slice %arg15[%dma_wait3A_433] : memref<5x!tpu.dma_semaphore, #tpu.memory_space<semaphore_mem>> -> memref<1x!tpu.dma_semaphore, #tpu.memory_space<semaphore_mem>>
      %dma_wait3A_441 = tpu.memref_squeeze %dma_wait3A_440 : memref<1x!tpu.dma_semaphore, #tpu.memory_space<semaphore_mem>> -> memref<!tpu.dma_semaphore, #tpu.memory_space<semaphore_mem>>
      tpu.wait_indirect_dma semaphore(%dma_wait3A_441 : memref<!tpu.dma_semaphore, #tpu.memory_space<semaphore_mem>>) src(%dma_wait3A_439 : memref<20000x64xf32, #tpu.memory_space<hbm>>) dst(%arg10 : memref<128x64xf32, #tpu.memory_space<vmem>>)
      %sub3A_442 = arith.constant 1 : i32
      %sub3A_443 = arith.subi %add3A_417, %sub3A_442 : i32
      %dma_start3A_444 = arith.constant 2 : i32
      %dma_start3A_445 = arith.constant 0 : i32
      %dma_start3A_446 = tpu.memref_slice %arg7[%sub3A_443, %dma_start3A_445] : memref<160x128xi32, #tpu.memory_space<vmem>> -> memref<1x128xi32, #tpu.memory_space<vmem>>
      %dma_start3A_447 = tpu.memref_squeeze %dma_start3A_446 : memref<1x128xi32, #tpu.memory_space<vmem>> -> memref<128xi32, #tpu.memory_space<vmem>>
      %dma_start3A_448 = arith.constant 0 : i32
      %dma_start3A_449 = arith.constant 0 : i32
      %dma_start3A_450 = tpu.memref_slice %arg14[%dma_start3A_448, %dma_start3A_449] : memref<10240x64xf32, #tpu.memory_space<vmem_shared>> -> memref<10240x64xf32, #tpu.memory_space<vmem_shared>>
      %dma_start3A_451 = tpu.memref_slice %arg16[%dma_start3A_444] : memref<5x!tpu.dma_semaphore, #tpu.memory_space<semaphore_mem>> -> memref<1x!tpu.dma_semaphore, #tpu.memory_space<semaphore_mem>>
      %dma_start3A_452 = tpu.memref_squeeze %dma_start3A_451 : memref<1x!tpu.dma_semaphore, #tpu.memory_space<semaphore_mem>> -> memref<!tpu.dma_semaphore, #tpu.memory_space<semaphore_mem>>
      tpu.enqueue_indirect_dma source(%arg10 : memref<128x64xf32, #tpu.memory_space<vmem>>) target(%dma_start3A_450 : memref<10240x64xf32, #tpu.memory_space<vmem_shared>>) offsets(%dma_start3A_447 : memref<128xi32, #tpu.memory_space<vmem>>) semaphore(%dma_start3A_452 : memref<!tpu.dma_semaphore, #tpu.memory_space<semaphore_mem>>) {add = true}
      %mul3A_453 = arith.constant 5 : i32
      %mul3A_454 = arith.muli %scan3A_314, %mul3A_453 : i32
      %add3A_455 = arith.constant 4 : i32
      %add3A_456 = arith.addi %mul3A_454, %add3A_455 : i32
      %ge3A_457 = arith.constant 1 : i32
      %ge3A_458 = arith.cmpi sge, %scan3A_314, %ge3A_457 : i32
      %convert_element_type3A_459 = arith.extui %ge3A_458 : i1 to i32
      %cond3A_460 = arith.constant 0 : i32
      %cond3A_461 = arith.cmpi ne, %convert_element_type3A_459, %cond3A_460 : i32
      scf.if %cond3A_461 {
        %dma_wait3A_492 = arith.constant 0 : i32
        %dma_wait3A_493 = arith.constant 4 : i32
        %dma_wait3A_494 = arith.constant 0 : i32
        %dma_wait3A_495 = tpu.memref_slice %arg7[%dma_wait3A_492, %dma_wait3A_494] : memref<160x128xi32, #tpu.memory_space<vmem>> -> memref<1x128xi32, #tpu.memory_space<vmem>>
        %dma_wait3A_496 = tpu.memref_squeeze %dma_wait3A_495 : memref<1x128xi32, #tpu.memory_space<vmem>> -> memref<128xi32, #tpu.memory_space<vmem>>
        %dma_wait3A_497 = arith.constant 0 : i32
        %dma_wait3A_498 = arith.constant 0 : i32
        %dma_wait3A_499 = tpu.memref_slice %arg14[%dma_wait3A_497, %dma_wait3A_498] : memref<10240x64xf32, #tpu.memory_space<vmem_shared>> -> memref<10240x64xf32, #tpu.memory_space<vmem_shared>>
        %dma_wait3A_500 = tpu.memref_slice %arg16[%dma_wait3A_493] : memref<5x!tpu.dma_semaphore, #tpu.memory_space<semaphore_mem>> -> memref<1x!tpu.dma_semaphore, #tpu.memory_space<semaphore_mem>>
        %dma_wait3A_501 = tpu.memref_squeeze %dma_wait3A_500 : memref<1x!tpu.dma_semaphore, #tpu.memory_space<semaphore_mem>> -> memref<!tpu.dma_semaphore, #tpu.memory_space<semaphore_mem>>
        tpu.wait_indirect_dma semaphore(%dma_wait3A_501 : memref<!tpu.dma_semaphore, #tpu.memory_space<semaphore_mem>>) src(%arg12 : memref<128x64xf32, #tpu.memory_space<vmem>>) dst(%dma_wait3A_499 : memref<10240x64xf32, #tpu.memory_space<vmem_shared>>)
      } else {
      }
      %dma_start3A_462 = arith.constant 4 : i32
      %dma_start3A_463 = arith.constant 0 : i32
      %dma_start3A_464 = tpu.memref_slice %arg6[%add3A_456, %dma_start3A_463] : memref<160x128xi32, #tpu.memory_space<vmem>> -> memref<1x128xi32, #tpu.memory_space<vmem>>
      %dma_start3A_465 = tpu.memref_squeeze %dma_start3A_464 : memref<1x128xi32, #tpu.memory_space<vmem>> -> memref<128xi32, #tpu.memory_space<vmem>>
      %dma_start3A_466 = arith.constant 0 : i32
      %dma_start3A_467 = arith.constant 0 : i32
      %dma_start3A_468 = tpu.memref_slice %arg4[%dma_start3A_466, %dma_start3A_467] : memref<20000x64xf32, #tpu.memory_space<hbm>> -> memref<20000x64xf32, #tpu.memory_space<hbm>>
      %dma_start3A_469 = tpu.memref_slice %arg15[%dma_start3A_462] : memref<5x!tpu.dma_semaphore, #tpu.memory_space<semaphore_mem>> -> memref<1x!tpu.dma_semaphore, #tpu.memory_space<semaphore_mem>>
      %dma_start3A_470 = tpu.memref_squeeze %dma_start3A_469 : memref<1x!tpu.dma_semaphore, #tpu.memory_space<semaphore_mem>> -> memref<!tpu.dma_semaphore, #tpu.memory_space<semaphore_mem>>
      tpu.enqueue_indirect_dma source(%dma_start3A_468 : memref<20000x64xf32, #tpu.memory_space<hbm>>) target(%arg12 : memref<128x64xf32, #tpu.memory_space<vmem>>) offsets(%dma_start3A_465 : memref<128xi32, #tpu.memory_space<vmem>>) semaphore(%dma_start3A_470 : memref<!tpu.dma_semaphore, #tpu.memory_space<semaphore_mem>>)
      %dma_wait3A_471 = arith.constant 0 : i32
      %dma_wait3A_472 = arith.constant 3 : i32
      %dma_wait3A_473 = arith.constant 0 : i32
      %dma_wait3A_474 = tpu.memref_slice %arg6[%dma_wait3A_471, %dma_wait3A_473] : memref<160x128xi32, #tpu.memory_space<vmem>> -> memref<1x128xi32, #tpu.memory_space<vmem>>
      %dma_wait3A_475 = tpu.memref_squeeze %dma_wait3A_474 : memref<1x128xi32, #tpu.memory_space<vmem>> -> memref<128xi32, #tpu.memory_space<vmem>>
      %dma_wait3A_476 = arith.constant 0 : i32
      %dma_wait3A_477 = arith.constant 0 : i32
      %dma_wait3A_478 = tpu.memref_slice %arg4[%dma_wait3A_476, %dma_wait3A_477] : memref<20000x64xf32, #tpu.memory_space<hbm>> -> memref<20000x64xf32, #tpu.memory_space<hbm>>
      %dma_wait3A_479 = tpu.memref_slice %arg15[%dma_wait3A_472] : memref<5x!tpu.dma_semaphore, #tpu.memory_space<semaphore_mem>> -> memref<1x!tpu.dma_semaphore, #tpu.memory_space<semaphore_mem>>
      %dma_wait3A_480 = tpu.memref_squeeze %dma_wait3A_479 : memref<1x!tpu.dma_semaphore, #tpu.memory_space<semaphore_mem>> -> memref<!tpu.dma_semaphore, #tpu.memory_space<semaphore_mem>>
      tpu.wait_indirect_dma semaphore(%dma_wait3A_480 : memref<!tpu.dma_semaphore, #tpu.memory_space<semaphore_mem>>) src(%dma_wait3A_478 : memref<20000x64xf32, #tpu.memory_space<hbm>>) dst(%arg11 : memref<128x64xf32, #tpu.memory_space<vmem>>)
      %sub3A_481 = arith.constant 1 : i32
      %sub3A_482 = arith.subi %add3A_456, %sub3A_481 : i32
      %dma_start3A_483 = arith.constant 3 : i32
      %dma_start3A_484 = arith.constant 0 : i32
      %dma_start3A_485 = tpu.memref_slice %arg7[%sub3A_482, %dma_start3A_484] : memref<160x128xi32, #tpu.memory_space<vmem>> -> memref<1x128xi32, #tpu.memory_space<vmem>>
      %dma_start3A_486 = tpu.memref_squeeze %dma_start3A_485 : memref<1x128xi32, #tpu.memory_space<vmem>> -> memref<128xi32, #tpu.memory_space<vmem>>
      %dma_start3A_487 = arith.constant 0 : i32
      %dma_start3A_488 = arith.constant 0 : i32
      %dma_start3A_489 = tpu.memref_slice %arg14[%dma_start3A_487, %dma_start3A_488] : memref<10240x64xf32, #tpu.memory_space<vmem_shared>> -> memref<10240x64xf32, #tpu.memory_space<vmem_shared>>
      %dma_start3A_490 = tpu.memref_slice %arg16[%dma_start3A_483] : memref<5x!tpu.dma_semaphore, #tpu.memory_space<semaphore_mem>> -> memref<1x!tpu.dma_semaphore, #tpu.memory_space<semaphore_mem>>
      %dma_start3A_491 = tpu.memref_squeeze %dma_start3A_490 : memref<1x!tpu.dma_semaphore, #tpu.memory_space<semaphore_mem>> -> memref<!tpu.dma_semaphore, #tpu.memory_space<semaphore_mem>>
      tpu.enqueue_indirect_dma source(%arg11 : memref<128x64xf32, #tpu.memory_space<vmem>>) target(%dma_start3A_489 : memref<10240x64xf32, #tpu.memory_space<vmem_shared>>) offsets(%dma_start3A_486 : memref<128xi32, #tpu.memory_space<vmem>>) semaphore(%dma_start3A_491 : memref<!tpu.dma_semaphore, #tpu.memory_space<semaphore_mem>>) {add = true}
    }
    %scan3A_236 = arith.constant 32 : i32
    %dma_wait3A_237 = arith.constant 0 : i32
    %dma_wait3A_238 = arith.constant 4 : i32
    %dma_wait3A_239 = arith.constant 0 : i32
    %dma_wait3A_240 = tpu.memref_slice %arg6[%dma_wait3A_237, %dma_wait3A_239] : memref<160x128xi32, #tpu.memory_space<vmem>> -> memref<1x128xi32, #tpu.memory_space<vmem>>
    %dma_wait3A_241 = tpu.memref_squeeze %dma_wait3A_240 : memref<1x128xi32, #tpu.memory_space<vmem>> -> memref<128xi32, #tpu.memory_space<vmem>>
    %dma_wait3A_242 = arith.constant 0 : i32
    %dma_wait3A_243 = arith.constant 0 : i32
    %dma_wait3A_244 = tpu.memref_slice %arg4[%dma_wait3A_242, %dma_wait3A_243] : memref<20000x64xf32, #tpu.memory_space<hbm>> -> memref<20000x64xf32, #tpu.memory_space<hbm>>
    %dma_wait3A_245 = tpu.memref_slice %arg15[%dma_wait3A_238] : memref<5x!tpu.dma_semaphore, #tpu.memory_space<semaphore_mem>> -> memref<1x!tpu.dma_semaphore, #tpu.memory_space<semaphore_mem>>
    %dma_wait3A_246 = tpu.memref_squeeze %dma_wait3A_245 : memref<1x!tpu.dma_semaphore, #tpu.memory_space<semaphore_mem>> -> memref<!tpu.dma_semaphore, #tpu.memory_space<semaphore_mem>>
    tpu.wait_indirect_dma semaphore(%dma_wait3A_246 : memref<!tpu.dma_semaphore, #tpu.memory_space<semaphore_mem>>) src(%dma_wait3A_244 : memref<20000x64xf32, #tpu.memory_space<hbm>>) dst(%arg12 : memref<128x64xf32, #tpu.memory_space<vmem>>)
    %dma_start3A_247 = arith.constant 159 : i32
    %dma_start3A_248 = arith.constant 4 : i32
    %dma_start3A_249 = arith.constant 0 : i32
    %dma_start3A_250 = tpu.memref_slice %arg7[%dma_start3A_247, %dma_start3A_249] : memref<160x128xi32, #tpu.memory_space<vmem>> -> memref<1x128xi32, #tpu.memory_space<vmem>>
    %dma_start3A_251 = tpu.memref_squeeze %dma_start3A_250 : memref<1x128xi32, #tpu.memory_space<vmem>> -> memref<128xi32, #tpu.memory_space<vmem>>
    %dma_start3A_252 = arith.constant 0 : i32
    %dma_start3A_253 = arith.constant 0 : i32
    %dma_start3A_254 = tpu.memref_slice %arg14[%dma_start3A_252, %dma_start3A_253] : memref<10240x64xf32, #tpu.memory_space<vmem_shared>> -> memref<10240x64xf32, #tpu.memory_space<vmem_shared>>
    %dma_start3A_255 = tpu.memref_slice %arg16[%dma_start3A_248] : memref<5x!tpu.dma_semaphore, #tpu.memory_space<semaphore_mem>> -> memref<1x!tpu.dma_semaphore, #tpu.memory_space<semaphore_mem>>
    %dma_start3A_256 = tpu.memref_squeeze %dma_start3A_255 : memref<1x!tpu.dma_semaphore, #tpu.memory_space<semaphore_mem>> -> memref<!tpu.dma_semaphore, #tpu.memory_space<semaphore_mem>>
    tpu.enqueue_indirect_dma source(%arg12 : memref<128x64xf32, #tpu.memory_space<vmem>>) target(%dma_start3A_254 : memref<10240x64xf32, #tpu.memory_space<vmem_shared>>) offsets(%dma_start3A_251 : memref<128xi32, #tpu.memory_space<vmem>>) semaphore(%dma_start3A_256 : memref<!tpu.dma_semaphore, #tpu.memory_space<semaphore_mem>>) {add = true}
    %dma_wait3A_257 = arith.constant 0 : i32
    %dma_wait3A_258 = arith.constant 0 : i32
    %dma_wait3A_259 = arith.constant 0 : i32
    %dma_wait3A_260 = tpu.memref_slice %arg7[%dma_wait3A_257, %dma_wait3A_259] : memref<160x128xi32, #tpu.memory_space<vmem>> -> memref<1x128xi32, #tpu.memory_space<vmem>>
    %dma_wait3A_261 = tpu.memref_squeeze %dma_wait3A_260 : memref<1x128xi32, #tpu.memory_space<vmem>> -> memref<128xi32, #tpu.memory_space<vmem>>
    %dma_wait3A_262 = arith.constant 0 : i32
    %dma_wait3A_263 = arith.constant 0 : i32
    %dma_wait3A_264 = tpu.memref_slice %arg14[%dma_wait3A_262, %dma_wait3A_263] : memref<10240x64xf32, #tpu.memory_space<vmem_shared>> -> memref<10240x64xf32, #tpu.memory_space<vmem_shared>>
    %dma_wait3A_265 = tpu.memref_slice %arg16[%dma_wait3A_258] : memref<5x!tpu.dma_semaphore, #tpu.memory_space<semaphore_mem>> -> memref<1x!tpu.dma_semaphore, #tpu.memory_space<semaphore_mem>>
    %dma_wait3A_266 = tpu.memref_squeeze %dma_wait3A_265 : memref<1x!tpu.dma_semaphore, #tpu.memory_space<semaphore_mem>> -> memref<!tpu.dma_semaphore, #tpu.memory_space<semaphore_mem>>
    tpu.wait_indirect_dma semaphore(%dma_wait3A_266 : memref<!tpu.dma_semaphore, #tpu.memory_space<semaphore_mem>>) src(%arg8 : memref<128x64xf32, #tpu.memory_space<vmem>>) dst(%dma_wait3A_264 : memref<10240x64xf32, #tpu.memory_space<vmem_shared>>)
    %dma_wait3A_267 = arith.constant 0 : i32
    %dma_wait3A_268 = arith.constant 1 : i32
    %dma_wait3A_269 = arith.constant 0 : i32
    %dma_wait3A_270 = tpu.memref_slice %arg7[%dma_wait3A_267, %dma_wait3A_269] : memref<160x128xi32, #tpu.memory_space<vmem>> -> memref<1x128xi32, #tpu.memory_space<vmem>>
    %dma_wait3A_271 = tpu.memref_squeeze %dma_wait3A_270 : memref<1x128xi32, #tpu.memory_space<vmem>> -> memref<128xi32, #tpu.memory_space<vmem>>
    %dma_wait3A_272 = arith.constant 0 : i32
    %dma_wait3A_273 = arith.constant 0 : i32
    %dma_wait3A_274 = tpu.memref_slice %arg14[%dma_wait3A_272, %dma_wait3A_273] : memref<10240x64xf32, #tpu.memory_space<vmem_shared>> -> memref<10240x64xf32, #tpu.memory_space<vmem_shared>>
    %dma_wait3A_275 = tpu.memref_slice %arg16[%dma_wait3A_268] : memref<5x!tpu.dma_semaphore, #tpu.memory_space<semaphore_mem>> -> memref<1x!tpu.dma_semaphore, #tpu.memory_space<semaphore_mem>>
    %dma_wait3A_276 = tpu.memref_squeeze %dma_wait3A_275 : memref<1x!tpu.dma_semaphore, #tpu.memory_space<semaphore_mem>> -> memref<!tpu.dma_semaphore, #tpu.memory_space<semaphore_mem>>
    tpu.wait_indirect_dma semaphore(%dma_wait3A_276 : memref<!tpu.dma_semaphore, #tpu.memory_space<semaphore_mem>>) src(%arg9 : memref<128x64xf32, #tpu.memory_space<vmem>>) dst(%dma_wait3A_274 : memref<10240x64xf32, #tpu.memory_space<vmem_shared>>)
    %dma_wait3A_277 = arith.constant 0 : i32
    %dma_wait3A_278 = arith.constant 2 : i32
    %dma_wait3A_279 = arith.constant 0 : i32
    %dma_wait3A_280 = tpu.memref_slice %arg7[%dma_wait3A_277, %dma_wait3A_279] : memref<160x128xi32, #tpu.memory_space<vmem>> -> memref<1x128xi32, #tpu.memory_space<vmem>>
    %dma_wait3A_281 = tpu.memref_squeeze %dma_wait3A_280 : memref<1x128xi32, #tpu.memory_space<vmem>> -> memref<128xi32, #tpu.memory_space<vmem>>
    %dma_wait3A_282 = arith.constant 0 : i32
    %dma_wait3A_283 = arith.constant 0 : i32
    %dma_wait3A_284 = tpu.memref_slice %arg14[%dma_wait3A_282, %dma_wait3A_283] : memref<10240x64xf32, #tpu.memory_space<vmem_shared>> -> memref<10240x64xf32, #tpu.memory_space<vmem_shared>>
    %dma_wait3A_285 = tpu.memref_slice %arg16[%dma_wait3A_278] : memref<5x!tpu.dma_semaphore, #tpu.memory_space<semaphore_mem>> -> memref<1x!tpu.dma_semaphore, #tpu.memory_space<semaphore_mem>>
    %dma_wait3A_286 = tpu.memref_squeeze %dma_wait3A_285 : memref<1x!tpu.dma_semaphore, #tpu.memory_space<semaphore_mem>> -> memref<!tpu.dma_semaphore, #tpu.memory_space<semaphore_mem>>
    tpu.wait_indirect_dma semaphore(%dma_wait3A_286 : memref<!tpu.dma_semaphore, #tpu.memory_space<semaphore_mem>>) src(%arg10 : memref<128x64xf32, #tpu.memory_space<vmem>>) dst(%dma_wait3A_284 : memref<10240x64xf32, #tpu.memory_space<vmem_shared>>)
    %dma_wait3A_287 = arith.constant 0 : i32
    %dma_wait3A_288 = arith.constant 3 : i32
    %dma_wait3A_289 = arith.constant 0 : i32
    %dma_wait3A_290 = tpu.memref_slice %arg7[%dma_wait3A_287, %dma_wait3A_289] : memref<160x128xi32, #tpu.memory_space<vmem>> -> memref<1x128xi32, #tpu.memory_space<vmem>>
    %dma_wait3A_291 = tpu.memref_squeeze %dma_wait3A_290 : memref<1x128xi32, #tpu.memory_space<vmem>> -> memref<128xi32, #tpu.memory_space<vmem>>
    %dma_wait3A_292 = arith.constant 0 : i32
    %dma_wait3A_293 = arith.constant 0 : i32
    %dma_wait3A_294 = tpu.memref_slice %arg14[%dma_wait3A_292, %dma_wait3A_293] : memref<10240x64xf32, #tpu.memory_space<vmem_shared>> -> memref<10240x64xf32, #tpu.memory_space<vmem_shared>>
    %dma_wait3A_295 = tpu.memref_slice %arg16[%dma_wait3A_288] : memref<5x!tpu.dma_semaphore, #tpu.memory_space<semaphore_mem>> -> memref<1x!tpu.dma_semaphore, #tpu.memory_space<semaphore_mem>>
    %dma_wait3A_296 = tpu.memref_squeeze %dma_wait3A_295 : memref<1x!tpu.dma_semaphore, #tpu.memory_space<semaphore_mem>> -> memref<!tpu.dma_semaphore, #tpu.memory_space<semaphore_mem>>
    tpu.wait_indirect_dma semaphore(%dma_wait3A_296 : memref<!tpu.dma_semaphore, #tpu.memory_space<semaphore_mem>>) src(%arg11 : memref<128x64xf32, #tpu.memory_space<vmem>>) dst(%dma_wait3A_294 : memref<10240x64xf32, #tpu.memory_space<vmem_shared>>)
    %dma_wait3A_297 = arith.constant 0 : i32
    %dma_wait3A_298 = arith.constant 4 : i32
    %dma_wait3A_299 = arith.constant 0 : i32
    %dma_wait3A_300 = tpu.memref_slice %arg7[%dma_wait3A_297, %dma_wait3A_299] : memref<160x128xi32, #tpu.memory_space<vmem>> -> memref<1x128xi32, #tpu.memory_space<vmem>>
    %dma_wait3A_301 = tpu.memref_squeeze %dma_wait3A_300 : memref<1x128xi32, #tpu.memory_space<vmem>> -> memref<128xi32, #tpu.memory_space<vmem>>
    %dma_wait3A_302 = arith.constant 0 : i32
    %dma_wait3A_303 = arith.constant 0 : i32
    %dma_wait3A_304 = tpu.memref_slice %arg14[%dma_wait3A_302, %dma_wait3A_303] : memref<10240x64xf32, #tpu.memory_space<vmem_shared>> -> memref<10240x64xf32, #tpu.memory_space<vmem_shared>>
    %dma_wait3A_305 = tpu.memref_slice %arg16[%dma_wait3A_298] : memref<5x!tpu.dma_semaphore, #tpu.memory_space<semaphore_mem>> -> memref<1x!tpu.dma_semaphore, #tpu.memory_space<semaphore_mem>>
    %dma_wait3A_306 = tpu.memref_squeeze %dma_wait3A_305 : memref<1x!tpu.dma_semaphore, #tpu.memory_space<semaphore_mem>> -> memref<!tpu.dma_semaphore, #tpu.memory_space<semaphore_mem>>
    tpu.wait_indirect_dma semaphore(%dma_wait3A_306 : memref<!tpu.dma_semaphore, #tpu.memory_space<semaphore_mem>>) src(%arg12 : memref<128x64xf32, #tpu.memory_space<vmem>>) dst(%dma_wait3A_304 : memref<10240x64xf32, #tpu.memory_space<vmem_shared>>)
    %barrier3A_307 = arith.constant 0 : index
    tpu.barrier barrier_id(%barrier3A_307)
    %lt3A = arith.constant 15 : i32
    %lt3A_308 = arith.cmpi slt, %arg1, %lt3A : i32
    %convert_element_type3A = arith.extui %lt3A_308 : i1 to i32
    %cond3A = arith.constant 0 : i32
    %cond3A_309 = arith.cmpi ne, %convert_element_type3A, %cond3A : i32
    scf.if %cond3A_309 {
      %mul3A_314 = arith.constant 640 : i32
      %mul3A_315 = arith.muli %arg1, %mul3A_314 : i32
      %mul3A_316 = arith.constant 640 : i32
      %mul3A_317 = arith.muli %arg1, %mul3A_316 : i32
      "tpu.region"() ({
        %run_scoped3A = tpu.sem_alloc : memref<!tpu.dma_semaphore, #tpu.memory_space<semaphore_mem>>
        %dma_start3A_318 = arith.constant 0 : i32
        %dma_start3A_319 = arith.constant 0 : i32
        %dma_start3A_320 = tpu.memref_slice %arg5[%arg0, %dma_start3A_318, %dma_start3A_319] : memref<2x10000x64xf32, #tpu.memory_space<hbm>> -> memref<1x10000x64xf32, #tpu.memory_space<hbm>>
        %dma_start3A_321 = tpu.memref_squeeze %dma_start3A_320 : memref<1x10000x64xf32, #tpu.memory_space<hbm>> -> memref<10000x64xf32, #tpu.memory_space<hbm>>
        %dma_start3A_322 = arith.constant 0 : i32
        %dma_start3A_323 = tpu.memref_slice %dma_start3A_321[%mul3A_317, %dma_start3A_322] : memref<10000x64xf32, #tpu.memory_space<hbm>> -> memref<640x64xf32, #tpu.memory_space<hbm>>
        %dma_start3A_324 = arith.constant 0 : i32
        %dma_start3A_325 = tpu.memref_slice %arg14[%mul3A_315, %dma_start3A_324] : memref<10240x64xf32, #tpu.memory_space<vmem_shared>> -> memref<640x64xf32, #tpu.memory_space<vmem_shared>>
        tpu.enqueue_dma source(%dma_start3A_325 : memref<640x64xf32, #tpu.memory_space<vmem_shared>>) target(%dma_start3A_323 : memref<640x64xf32, #tpu.memory_space<hbm>>) target_semaphore(%run_scoped3A : memref<!tpu.dma_semaphore, #tpu.memory_space<semaphore_mem>>)
        %dma_wait3A_326 = arith.constant 0 : i32
        %dma_wait3A_327 = arith.constant 0 : i32
        %dma_wait3A_328 = tpu.memref_slice %arg5[%arg0, %dma_wait3A_326, %dma_wait3A_327] : memref<2x10000x64xf32, #tpu.memory_space<hbm>> -> memref<1x10000x64xf32, #tpu.memory_space<hbm>>
        %dma_wait3A_329 = tpu.memref_squeeze %dma_wait3A_328 : memref<1x10000x64xf32, #tpu.memory_space<hbm>> -> memref<10000x64xf32, #tpu.memory_space<hbm>>
        %dma_wait3A_330 = arith.constant 0 : i32
        %dma_wait3A_331 = tpu.memref_slice %dma_wait3A_329[%mul3A_317, %dma_wait3A_330] : memref<10000x64xf32, #tpu.memory_space<hbm>> -> memref<640x64xf32, #tpu.memory_space<hbm>>
        %dma_wait3A_332 = arith.constant 0 : i32
        %dma_wait3A_333 = tpu.memref_slice %arg14[%mul3A_315, %dma_wait3A_332] : memref<10240x64xf32, #tpu.memory_space<vmem_shared>> -> memref<640x64xf32, #tpu.memory_space<vmem_shared>>
        tpu.wait_dma2 semaphore(%run_scoped3A : memref<!tpu.dma_semaphore, #tpu.memory_space<semaphore_mem>>) src(%dma_wait3A_333 : memref<640x64xf32, #tpu.memory_space<vmem_shared>>) dst(%dma_wait3A_331 : memref<640x64xf32, #tpu.memory_space<hbm>>)
        tpu.yield
      }) : () -> ()
    } else {
    }
    %eq3A = arith.constant 15 : i32
    %eq3A_310 = arith.cmpi eq, %arg1, %eq3A : i32
    %convert_element_type3A_311 = arith.extui %eq3A_310 : i1 to i32
    %cond3A_312 = arith.constant 0 : i32
    %cond3A_313 = arith.cmpi ne, %convert_element_type3A_311, %cond3A_312 : i32
    scf.if %cond3A_313 {
      "tpu.region"() ({
        %run_scoped3A = tpu.sem_alloc : memref<!tpu.dma_semaphore, #tpu.memory_space<semaphore_mem>>
        %dma_start3A_314 = arith.constant 0 : i32
        %dma_start3A_315 = arith.constant 0 : i32
        %dma_start3A_316 = tpu.memref_slice %arg5[%arg0, %dma_start3A_314, %dma_start3A_315] : memref<2x10000x64xf32, #tpu.memory_space<hbm>> -> memref<1x10000x64xf32, #tpu.memory_space<hbm>>
        %dma_start3A_317 = tpu.memref_squeeze %dma_start3A_316 : memref<1x10000x64xf32, #tpu.memory_space<hbm>> -> memref<10000x64xf32, #tpu.memory_space<hbm>>
        %dma_start3A_318 = arith.constant 9600 : i32
        %dma_start3A_319 = arith.constant 0 : i32
        %dma_start3A_320 = tpu.memref_slice %dma_start3A_317[%dma_start3A_318, %dma_start3A_319] : memref<10000x64xf32, #tpu.memory_space<hbm>> -> memref<400x64xf32, #tpu.memory_space<hbm>>
        %dma_start3A_321 = arith.constant 9600 : i32
        %dma_start3A_322 = arith.constant 0 : i32
        %dma_start3A_323 = tpu.memref_slice %arg14[%dma_start3A_321, %dma_start3A_322] : memref<10240x64xf32, #tpu.memory_space<vmem_shared>> -> memref<400x64xf32, #tpu.memory_space<vmem_shared>>
        tpu.enqueue_dma source(%dma_start3A_323 : memref<400x64xf32, #tpu.memory_space<vmem_shared>>) target(%dma_start3A_320 : memref<400x64xf32, #tpu.memory_space<hbm>>) target_semaphore(%run_scoped3A : memref<!tpu.dma_semaphore, #tpu.memory_space<semaphore_mem>>)
        %dma_wait3A_324 = arith.constant 0 : i32
        %dma_wait3A_325 = arith.constant 0 : i32
        %dma_wait3A_326 = tpu.memref_slice %arg5[%arg0, %dma_wait3A_324, %dma_wait3A_325] : memref<2x10000x64xf32, #tpu.memory_space<hbm>> -> memref<1x10000x64xf32, #tpu.memory_space<hbm>>
        %dma_wait3A_327 = tpu.memref_squeeze %dma_wait3A_326 : memref<1x10000x64xf32, #tpu.memory_space<hbm>> -> memref<10000x64xf32, #tpu.memory_space<hbm>>
        %dma_wait3A_328 = arith.constant 9600 : i32
        %dma_wait3A_329 = arith.constant 0 : i32
        %dma_wait3A_330 = tpu.memref_slice %dma_wait3A_327[%dma_wait3A_328, %dma_wait3A_329] : memref<10000x64xf32, #tpu.memory_space<hbm>> -> memref<400x64xf32, #tpu.memory_space<hbm>>
        %dma_wait3A_331 = arith.constant 9600 : i32
        %dma_wait3A_332 = arith.constant 0 : i32
        %dma_wait3A_333 = tpu.memref_slice %arg14[%dma_wait3A_331, %dma_wait3A_332] : memref<10240x64xf32, #tpu.memory_space<vmem_shared>> -> memref<400x64xf32, #tpu.memory_space<vmem_shared>>
        tpu.wait_dma2 semaphore(%run_scoped3A : memref<!tpu.dma_semaphore, #tpu.memory_space<semaphore_mem>>) src(%dma_wait3A_333 : memref<400x64xf32, #tpu.memory_space<vmem_shared>>) dst(%dma_wait3A_330 : memref<400x64xf32, #tpu.memory_space<hbm>>)
        tpu.yield
      }) : () -> ()
    } else {
    }
    return
  }
}

#map = affine_map<(d0, d1) -> (0, 0, 0)>
#map1 = affine_map<(d0, d1) -> (0, 0)>
module attributes {stable_mosaic.version = 14 : i64} {
  func.func @segw(%arg0: i32, %arg1: i32, %arg2: memref<16x160x128xi32, #tpu.memory_space<hbm>>, %arg3: memref<16x160x128xi32, #tpu.memory_space<hbm>>, %arg4: memref<20000x64xf32, #tpu.memory_space<hbm>>, %arg5: memref<2x10000x64xf32, #tpu.memory_space<hbm>>, %arg6: memref<160x128xi32, #tpu.memory_space<vmem>>, %arg7: memref<160x128xi32, #tpu.memory_space<vmem>>, %arg8: memref<128x64xf32, #tpu.memory_space<vmem>>, %arg9: memref<128x64xf32, #tpu.memory_space<vmem>>, %arg10: memref<128x64xf32, #tpu.memory_space<vmem>>, %arg11: memref<128x64xf32, #tpu.memory_space<vmem>>, %arg12: memref<128x64xf32, #tpu.memory_space<vmem>>, %arg13: memref<64x64xf32, #tpu.memory_space<vmem>>, %arg14: memref<10240x64xf32, #tpu.memory_space<vmem_shared>>, %arg15: memref<5x!tpu.dma_semaphore, #tpu.memory_space<semaphore_mem>>, %arg16: memref<5x!tpu.dma_semaphore, #tpu.memory_space<semaphore_mem>>) attributes {dimension_semantics = [#tpu.dimension_semantics<core_parallel>, #tpu.dimension_semantics<subcore_parallel>], iteration_bounds = array<i64: 2, 16>, scalar_prefetch = 0 : i64, scratch_operands = 11 : i64, tpu.core_type = #tpu.core_type<sc_vector_subcore>, window_params = [{transform_indices = #map}, {transform_indices = #map}, {transform_indices = #map1}, {transform_indices = #map}]} {
    %scan3A = arith.constant 0 : i32
    %scan3A_0 = arith.constant 0 : i32
    %scan3A_1 = arith.constant 64 : i32
    %scan3A_2 = arith.addi %scan3A_0, %scan3A_1 : i32
    %scan3A_3 = arith.constant 1 : i32
    scf.for %scan3A_314 = %scan3A_0 to %scan3A_2 step %scan3A_3  : i32 {
      %broadcast_in_dim3A = arith.constant 0.000000e+00 : f32
      %broadcast_in_dim3A_315 = vector.broadcast %broadcast_in_dim3A : f32 to vector<16xf32>
      %swap3A = arith.index_cast %scan3A_314 : i32 to index
      %swap3A_316 = arith.constant 0 : index
      %swap3A_317 = tpu.vector_load %arg13[%swap3A, %swap3A_316] {strides = array<i32>} : memref<64x64xf32, #tpu.memory_space<vmem>>, vector<1x16xf32>,
      %swap3A_318 = vector.shape_cast %swap3A_317 : vector<1x16xf32> to vector<16xf32>
      %swap3A_319 = vector.shape_cast %broadcast_in_dim3A_315 : vector<16xf32> to vector<1x16xf32>
      tpu.vector_store %arg13[%swap3A, %swap3A_316], %swap3A_319 {strides = array<i32>} : memref<64x64xf32, #tpu.memory_space<vmem>>, vector<1x16xf32>,
      %broadcast_in_dim3A_320 = arith.constant 0.000000e+00 : f32
      %broadcast_in_dim3A_321 = vector.broadcast %broadcast_in_dim3A_320 : f32 to vector<16xf32>
      %swap3A_322 = arith.index_cast %scan3A_314 : i32 to index
      %swap3A_323 = arith.constant 16 : index
      %swap3A_324 = tpu.vector_load %arg13[%swap3A_322, %swap3A_323] {strides = array<i32>} : memref<64x64xf32, #tpu.memory_space<vmem>>, vector<1x16xf32>,
      %swap3A_325 = vector.shape_cast %swap3A_324 : vector<1x16xf32> to vector<16xf32>
      %swap3A_326 = vector.shape_cast %broadcast_in_dim3A_321 : vector<16xf32> to vector<1x16xf32>
      tpu.vector_store %arg13[%swap3A_322, %swap3A_323], %swap3A_326 {strides = array<i32>} : memref<64x64xf32, #tpu.memory_space<vmem>>, vector<1x16xf32>,
      %broadcast_in_dim3A_327 = arith.constant 0.000000e+00 : f32
      %broadcast_in_dim3A_328 = vector.broadcast %broadcast_in_dim3A_327 : f32 to vector<16xf32>
      %swap3A_329 = arith.index_cast %scan3A_314 : i32 to index
      %swap3A_330 = arith.constant 32 : index
      %swap3A_331 = tpu.vector_load %arg13[%swap3A_329, %swap3A_330] {strides = array<i32>} : memref<64x64xf32, #tpu.memory_space<vmem>>, vector<1x16xf32>,
      %swap3A_332 = vector.shape_cast %swap3A_331 : vector<1x16xf32> to vector<16xf32>
      %swap3A_333 = vector.shape_cast %broadcast_in_dim3A_328 : vector<16xf32> to vector<1x16xf32>
      tpu.vector_store %arg13[%swap3A_329, %swap3A_330], %swap3A_333 {strides = array<i32>} : memref<64x64xf32, #tpu.memory_space<vmem>>, vector<1x16xf32>,
      %broadcast_in_dim3A_334 = arith.constant 0.000000e+00 : f32
      %broadcast_in_dim3A_335 = vector.broadcast %broadcast_in_dim3A_334 : f32 to vector<16xf32>
      %swap3A_336 = arith.index_cast %scan3A_314 : i32 to index
      %swap3A_337 = arith.constant 48 : index
      %swap3A_338 = tpu.vector_load %arg13[%swap3A_336, %swap3A_337] {strides = array<i32>} : memref<64x64xf32, #tpu.memory_space<vmem>>, vector<1x16xf32>,
      %swap3A_339 = vector.shape_cast %swap3A_338 : vector<1x16xf32> to vector<16xf32>
      %swap3A_340 = vector.shape_cast %broadcast_in_dim3A_335 : vector<16xf32> to vector<1x16xf32>
      tpu.vector_store %arg13[%swap3A_336, %swap3A_337], %swap3A_340 {strides = array<i32>} : memref<64x64xf32, #tpu.memory_space<vmem>>, vector<1x16xf32>,
    }
    %scan3A_4 = arith.constant 64 : i32
    %mul3A = arith.constant 640 : i32
    %mul3A_5 = arith.muli %arg1, %mul3A : i32
    %add3A = arith.constant 0 : i32
    %add3A_6 = arith.addi %mul3A_5, %add3A : i32
    %dma_start3A = arith.constant 0 : i32
    %dma_start3A_7 = arith.constant 0 : i32
    %dma_start3A_8 = tpu.memref_slice %arg14[%add3A_6, %dma_start3A_7] : memref<10240x64xf32, #tpu.memory_space<vmem_shared>> -> memref<64x64xf32, #tpu.memory_space<vmem_shared>>
    %dma_start3A_9 = tpu.memref_slice %arg15[%dma_start3A] : memref<5x!tpu.dma_semaphore, #tpu.memory_space<semaphore_mem>> -> memref<1x!tpu.dma_semaphore, #tpu.memory_space<semaphore_mem>>
    %dma_start3A_10 = tpu.memref_squeeze %dma_start3A_9 : memref<1x!tpu.dma_semaphore, #tpu.memory_space<semaphore_mem>> -> memref<!tpu.dma_semaphore, #tpu.memory_space<semaphore_mem>>
    %dma_start3A_11 = arith.constant 0 : i32
    %dma_start3A_12 = tpu.memref_slice %arg14[%add3A_6, %dma_start3A_11] : memref<10240x64xf32, #tpu.memory_space<vmem_shared>> -> memref<64x64xf32, #tpu.memory_space<vmem_shared>>
    tpu.enqueue_dma source(%arg13 : memref<64x64xf32, #tpu.memory_space<vmem>>) target(%dma_start3A_12 : memref<64x64xf32, #tpu.memory_space<vmem_shared>>) target_semaphore(%dma_start3A_10 : memref<!tpu.dma_semaphore, #tpu.memory_space<semaphore_mem>>)
    %mul3A_13 = arith.constant 640 : i32
    %mul3A_14 = arith.muli %arg1, %mul3A_13 : i32
    %add3A_15 = arith.constant 64 : i32
    %add3A_16 = arith.addi %mul3A_14, %add3A_15 : i32
    %dma_start3A_17 = arith.constant 1 : i32
    %dma_start3A_18 = arith.constant 0 : i32
    %dma_start3A_19 = tpu.memref_slice %arg14[%add3A_16, %dma_start3A_18] : memref<10240x64xf32, #tpu.memory_space<vmem_shared>> -> memref<64x64xf32, #tpu.memory_space<vmem_shared>>
    %dma_start3A_20 = tpu.memref_slice %arg15[%dma_start3A_17] : memref<5x!tpu.dma_semaphore, #tpu.memory_space<semaphore_mem>> -> memref<1x!tpu.dma_semaphore, #tpu.memory_space<semaphore_mem>>
    %dma_start3A_21 = tpu.memref_squeeze %dma_start3A_20 : memref<1x!tpu.dma_semaphore, #tpu.memory_space<semaphore_mem>> -> memref<!tpu.dma_semaphore, #tpu.memory_space<semaphore_mem>>
    %dma_start3A_22 = arith.constant 0 : i32
    %dma_start3A_23 = tpu.memref_slice %arg14[%add3A_16, %dma_start3A_22] : memref<10240x64xf32, #tpu.memory_space<vmem_shared>> -> memref<64x64xf32, #tpu.memory_space<vmem_shared>>
    tpu.enqueue_dma source(%arg13 : memref<64x64xf32, #tpu.memory_space<vmem>>) target(%dma_start3A_23 : memref<64x64xf32, #tpu.memory_space<vmem_shared>>) target_semaphore(%dma_start3A_21 : memref<!tpu.dma_semaphore, #tpu.memory_space<semaphore_mem>>)
    %mul3A_24 = arith.constant 640 : i32
    %mul3A_25 = arith.muli %arg1, %mul3A_24 : i32
    %add3A_26 = arith.constant 128 : i32
    %add3A_27 = arith.addi %mul3A_25, %add3A_26 : i32
    %dma_start3A_28 = arith.constant 2 : i32
    %dma_start3A_29 = arith.constant 0 : i32
    %dma_start3A_30 = tpu.memref_slice %arg14[%add3A_27, %dma_start3A_29] : memref<10240x64xf32, #tpu.memory_space<vmem_shared>> -> memref<64x64xf32, #tpu.memory_space<vmem_shared>>
    %dma_start3A_31 = tpu.memref_slice %arg15[%dma_start3A_28] : memref<5x!tpu.dma_semaphore, #tpu.memory_space<semaphore_mem>> -> memref<1x!tpu.dma_semaphore, #tpu.memory_space<semaphore_mem>>
    %dma_start3A_32 = tpu.memref_squeeze %dma_start3A_31 : memref<1x!tpu.dma_semaphore, #tpu.memory_space<semaphore_mem>> -> memref<!tpu.dma_semaphore, #tpu.memory_space<semaphore_mem>>
    %dma_start3A_33 = arith.constant 0 : i32
    %dma_start3A_34 = tpu.memref_slice %arg14[%add3A_27, %dma_start3A_33] : memref<10240x64xf32, #tpu.memory_space<vmem_shared>> -> memref<64x64xf32, #tpu.memory_space<vmem_shared>>
    tpu.enqueue_dma source(%arg13 : memref<64x64xf32, #tpu.memory_space<vmem>>) target(%dma_start3A_34 : memref<64x64xf32, #tpu.memory_space<vmem_shared>>) target_semaphore(%dma_start3A_32 : memref<!tpu.dma_semaphore, #tpu.memory_space<semaphore_mem>>)
    %mul3A_35 = arith.constant 640 : i32
    %mul3A_36 = arith.muli %arg1, %mul3A_35 : i32
    %add3A_37 = arith.constant 192 : i32
    %add3A_38 = arith.addi %mul3A_36, %add3A_37 : i32
    %dma_start3A_39 = arith.constant 3 : i32
    %dma_start3A_40 = arith.constant 0 : i32
    %dma_start3A_41 = tpu.memref_slice %arg14[%add3A_38, %dma_start3A_40] : memref<10240x64xf32, #tpu.memory_space<vmem_shared>> -> memref<64x64xf32, #tpu.memory_space<vmem_shared>>
    %dma_start3A_42 = tpu.memref_slice %arg15[%dma_start3A_39] : memref<5x!tpu.dma_semaphore, #tpu.memory_space<semaphore_mem>> -> memref<1x!tpu.dma_semaphore, #tpu.memory_space<semaphore_mem>>
    %dma_start3A_43 = tpu.memref_squeeze %dma_start3A_42 : memref<1x!tpu.dma_semaphore, #tpu.memory_space<semaphore_mem>> -> memref<!tpu.dma_semaphore, #tpu.memory_space<semaphore_mem>>
    %dma_start3A_44 = arith.constant 0 : i32
    %dma_start3A_45 = tpu.memref_slice %arg14[%add3A_38, %dma_start3A_44] : memref<10240x64xf32, #tpu.memory_space<vmem_shared>> -> memref<64x64xf32, #tpu.memory_space<vmem_shared>>
    tpu.enqueue_dma source(%arg13 : memref<64x64xf32, #tpu.memory_space<vmem>>) target(%dma_start3A_45 : memref<64x64xf32, #tpu.memory_space<vmem_shared>>) target_semaphore(%dma_start3A_43 : memref<!tpu.dma_semaphore, #tpu.memory_space<semaphore_mem>>)
    %mul3A_46 = arith.constant 640 : i32
    %mul3A_47 = arith.muli %arg1, %mul3A_46 : i32
    %add3A_48 = arith.constant 256 : i32
    %add3A_49 = arith.addi %mul3A_47, %add3A_48 : i32
    %dma_start3A_50 = arith.constant 4 : i32
    %dma_start3A_51 = arith.constant 0 : i32
    %dma_start3A_52 = tpu.memref_slice %arg14[%add3A_49, %dma_start3A_51] : memref<10240x64xf32, #tpu.memory_space<vmem_shared>> -> memref<64x64xf32, #tpu.memory_space<vmem_shared>>
    %dma_start3A_53 = tpu.memref_slice %arg15[%dma_start3A_50] : memref<5x!tpu.dma_semaphore, #tpu.memory_space<semaphore_mem>> -> memref<1x!tpu.dma_semaphore, #tpu.memory_space<semaphore_mem>>
    %dma_start3A_54 = tpu.memref_squeeze %dma_start3A_53 : memref<1x!tpu.dma_semaphore, #tpu.memory_space<semaphore_mem>> -> memref<!tpu.dma_semaphore, #tpu.memory_space<semaphore_mem>>
    %dma_start3A_55 = arith.constant 0 : i32
    %dma_start3A_56 = tpu.memref_slice %arg14[%add3A_49, %dma_start3A_55] : memref<10240x64xf32, #tpu.memory_space<vmem_shared>> -> memref<64x64xf32, #tpu.memory_space<vmem_shared>>
    tpu.enqueue_dma source(%arg13 : memref<64x64xf32, #tpu.memory_space<vmem>>) target(%dma_start3A_56 : memref<64x64xf32, #tpu.memory_space<vmem_shared>>) target_semaphore(%dma_start3A_54 : memref<!tpu.dma_semaphore, #tpu.memory_space<semaphore_mem>>)
    %mul3A_57 = arith.constant 640 : i32
    %mul3A_58 = arith.muli %arg1, %mul3A_57 : i32
    %add3A_59 = arith.constant 320 : i32
    %add3A_60 = arith.addi %mul3A_58, %add3A_59 : i32
    %dma_start3A_61 = arith.constant 0 : i32
    %dma_start3A_62 = arith.constant 0 : i32
    %dma_start3A_63 = tpu.memref_slice %arg14[%add3A_60, %dma_start3A_62] : memref<10240x64xf32, #tpu.memory_space<vmem_shared>> -> memref<64x64xf32, #tpu.memory_space<vmem_shared>>
    %dma_start3A_64 = tpu.memref_slice %arg15[%dma_start3A_61] : memref<5x!tpu.dma_semaphore, #tpu.memory_space<semaphore_mem>> -> memref<1x!tpu.dma_semaphore, #tpu.memory_space<semaphore_mem>>
    %dma_start3A_65 = tpu.memref_squeeze %dma_start3A_64 : memref<1x!tpu.dma_semaphore, #tpu.memory_space<semaphore_mem>> -> memref<!tpu.dma_semaphore, #tpu.memory_space<semaphore_mem>>
    %dma_start3A_66 = arith.constant 0 : i32
    %dma_start3A_67 = tpu.memref_slice %arg14[%add3A_60, %dma_start3A_66] : memref<10240x64xf32, #tpu.memory_space<vmem_shared>> -> memref<64x64xf32, #tpu.memory_space<vmem_shared>>
    tpu.enqueue_dma source(%arg13 : memref<64x64xf32, #tpu.memory_space<vmem>>) target(%dma_start3A_67 : memref<64x64xf32, #tpu.memory_space<vmem_shared>>) target_semaphore(%dma_start3A_65 : memref<!tpu.dma_semaphore, #tpu.memory_space<semaphore_mem>>)
    %mul3A_68 = arith.constant 640 : i32
    %mul3A_69 = arith.muli %arg1, %mul3A_68 : i32
    %add3A_70 = arith.constant 384 : i32
    %add3A_71 = arith.addi %mul3A_69, %add3A_70 : i32
    %dma_start3A_72 = arith.constant 1 : i32
    %dma_start3A_73 = arith.constant 0 : i32
    %dma_start3A_74 = tpu.memref_slice %arg14[%add3A_71, %dma_start3A_73] : memref<10240x64xf32, #tpu.memory_space<vmem_shared>> -> memref<64x64xf32, #tpu.memory_space<vmem_shared>>
    %dma_start3A_75 = tpu.memref_slice %arg15[%dma_start3A_72] : memref<5x!tpu.dma_semaphore, #tpu.memory_space<semaphore_mem>> -> memref<1x!tpu.dma_semaphore, #tpu.memory_space<semaphore_mem>>
    %dma_start3A_76 = tpu.memref_squeeze %dma_start3A_75 : memref<1x!tpu.dma_semaphore, #tpu.memory_space<semaphore_mem>> -> memref<!tpu.dma_semaphore, #tpu.memory_space<semaphore_mem>>
    %dma_start3A_77 = arith.constant 0 : i32
    %dma_start3A_78 = tpu.memref_slice %arg14[%add3A_71, %dma_start3A_77] : memref<10240x64xf32, #tpu.memory_space<vmem_shared>> -> memref<64x64xf32, #tpu.memory_space<vmem_shared>>
    tpu.enqueue_dma source(%arg13 : memref<64x64xf32, #tpu.memory_space<vmem>>) target(%dma_start3A_78 : memref<64x64xf32, #tpu.memory_space<vmem_shared>>) target_semaphore(%dma_start3A_76 : memref<!tpu.dma_semaphore, #tpu.memory_space<semaphore_mem>>)
    %mul3A_79 = arith.constant 640 : i32
    %mul3A_80 = arith.muli %arg1, %mul3A_79 : i32
    %add3A_81 = arith.constant 448 : i32
    %add3A_82 = arith.addi %mul3A_80, %add3A_81 : i32
    %dma_start3A_83 = arith.constant 2 : i32
    %dma_start3A_84 = arith.constant 0 : i32
    %dma_start3A_85 = tpu.memref_slice %arg14[%add3A_82, %dma_start3A_84] : memref<10240x64xf32, #tpu.memory_space<vmem_shared>> -> memref<64x64xf32, #tpu.memory_space<vmem_shared>>
    %dma_start3A_86 = tpu.memref_slice %arg15[%dma_start3A_83] : memref<5x!tpu.dma_semaphore, #tpu.memory_space<semaphore_mem>> -> memref<1x!tpu.dma_semaphore, #tpu.memory_space<semaphore_mem>>
    %dma_start3A_87 = tpu.memref_squeeze %dma_start3A_86 : memref<1x!tpu.dma_semaphore, #tpu.memory_space<semaphore_mem>> -> memref<!tpu.dma_semaphore, #tpu.memory_space<semaphore_mem>>
    %dma_start3A_88 = arith.constant 0 : i32
    %dma_start3A_89 = tpu.memref_slice %arg14[%add3A_82, %dma_start3A_88] : memref<10240x64xf32, #tpu.memory_space<vmem_shared>> -> memref<64x64xf32, #tpu.memory_space<vmem_shared>>
    tpu.enqueue_dma source(%arg13 : memref<64x64xf32, #tpu.memory_space<vmem>>) target(%dma_start3A_89 : memref<64x64xf32, #tpu.memory_space<vmem_shared>>) target_semaphore(%dma_start3A_87 : memref<!tpu.dma_semaphore, #tpu.memory_space<semaphore_mem>>)
    %mul3A_90 = arith.constant 640 : i32
    %mul3A_91 = arith.muli %arg1, %mul3A_90 : i32
    %add3A_92 = arith.constant 512 : i32
    %add3A_93 = arith.addi %mul3A_91, %add3A_92 : i32
    %dma_start3A_94 = arith.constant 3 : i32
    %dma_start3A_95 = arith.constant 0 : i32
    %dma_start3A_96 = tpu.memref_slice %arg14[%add3A_93, %dma_start3A_95] : memref<10240x64xf32, #tpu.memory_space<vmem_shared>> -> memref<64x64xf32, #tpu.memory_space<vmem_shared>>
    %dma_start3A_97 = tpu.memref_slice %arg15[%dma_start3A_94] : memref<5x!tpu.dma_semaphore, #tpu.memory_space<semaphore_mem>> -> memref<1x!tpu.dma_semaphore, #tpu.memory_space<semaphore_mem>>
    %dma_start3A_98 = tpu.memref_squeeze %dma_start3A_97 : memref<1x!tpu.dma_semaphore, #tpu.memory_space<semaphore_mem>> -> memref<!tpu.dma_semaphore, #tpu.memory_space<semaphore_mem>>
    %dma_start3A_99 = arith.constant 0 : i32
    %dma_start3A_100 = tpu.memref_slice %arg14[%add3A_93, %dma_start3A_99] : memref<10240x64xf32, #tpu.memory_space<vmem_shared>> -> memref<64x64xf32, #tpu.memory_space<vmem_shared>>
    tpu.enqueue_dma source(%arg13 : memref<64x64xf32, #tpu.memory_space<vmem>>) target(%dma_start3A_100 : memref<64x64xf32, #tpu.memory_space<vmem_shared>>) target_semaphore(%dma_start3A_98 : memref<!tpu.dma_semaphore, #tpu.memory_space<semaphore_mem>>)
    %mul3A_101 = arith.constant 640 : i32
    %mul3A_102 = arith.muli %arg1, %mul3A_101 : i32
    %add3A_103 = arith.constant 576 : i32
    %add3A_104 = arith.addi %mul3A_102, %add3A_103 : i32
    %dma_start3A_105 = arith.constant 4 : i32
    %dma_start3A_106 = arith.constant 0 : i32
    %dma_start3A_107 = tpu.memref_slice %arg14[%add3A_104, %dma_start3A_106] : memref<10240x64xf32, #tpu.memory_space<vmem_shared>> -> memref<64x64xf32, #tpu.memory_space<vmem_shared>>
    %dma_start3A_108 = tpu.memref_slice %arg15[%dma_start3A_105] : memref<5x!tpu.dma_semaphore, #tpu.memory_space<semaphore_mem>> -> memref<1x!tpu.dma_semaphore, #tpu.memory_space<semaphore_mem>>
    %dma_start3A_109 = tpu.memref_squeeze %dma_start3A_108 : memref<1x!tpu.dma_semaphore, #tpu.memory_space<semaphore_mem>> -> memref<!tpu.dma_semaphore, #tpu.memory_space<semaphore_mem>>
    %dma_start3A_110 = arith.constant 0 : i32
    %dma_start3A_111 = tpu.memref_slice %arg14[%add3A_104, %dma_start3A_110] : memref<10240x64xf32, #tpu.memory_space<vmem_shared>> -> memref<64x64xf32, #tpu.memory_space<vmem_shared>>
    tpu.enqueue_dma source(%arg13 : memref<64x64xf32, #tpu.memory_space<vmem>>) target(%dma_start3A_111 : memref<64x64xf32, #tpu.memory_space<vmem_shared>>) target_semaphore(%dma_start3A_109 : memref<!tpu.dma_semaphore, #tpu.memory_space<semaphore_mem>>)
    %dma_start3A_112 = arith.constant 0 : i32
    %dma_start3A_113 = arith.constant 0 : i32
    %dma_start3A_114 = arith.constant 0 : i32
    %dma_start3A_115 = tpu.memref_slice %arg2[%arg1, %dma_start3A_113, %dma_start3A_114] : memref<16x160x128xi32, #tpu.memory_space<hbm>> -> memref<1x160x128xi32, #tpu.memory_space<hbm>>
    %dma_start3A_116 = tpu.memref_squeeze %dma_start3A_115 : memref<1x160x128xi32, #tpu.memory_space<hbm>> -> memref<160x128xi32, #tpu.memory_space<hbm>>
    %dma_start3A_117 = tpu.memref_slice %arg16[%dma_start3A_112] : memref<5x!tpu.dma_semaphore, #tpu.memory_space<semaphore_mem>> -> memref<1x!tpu.dma_semaphore, #tpu.memory_space<semaphore_mem>>
    %dma_start3A_118 = tpu.memref_squeeze %dma_start3A_117 : memref<1x!tpu.dma_semaphore, #tpu.memory_space<semaphore_mem>> -> memref<!tpu.dma_semaphore, #tpu.memory_space<semaphore_mem>>
    %dma_start3A_119 = arith.constant 0 : i32
    %dma_start3A_120 = arith.constant 0 : i32
    %dma_start3A_121 = tpu.memref_slice %arg2[%arg1, %dma_start3A_119, %dma_start3A_120] : memref<16x160x128xi32, #tpu.memory_space<hbm>> -> memref<1x160x128xi32, #tpu.memory_space<hbm>>
    %dma_start3A_122 = tpu.memref_squeeze %dma_start3A_121 : memref<1x160x128xi32, #tpu.memory_space<hbm>> -> memref<160x128xi32, #tpu.memory_space<hbm>>
    tpu.enqueue_dma source(%dma_start3A_122 : memref<160x128xi32, #tpu.memory_space<hbm>>) target(%arg6 : memref<160x128xi32, #tpu.memory_space<vmem>>) target_semaphore(%dma_start3A_118 : memref<!tpu.dma_semaphore, #tpu.memory_space<semaphore_mem>>)
    %dma_start3A_123 = arith.constant 1 : i32
    %dma_start3A_124 = arith.constant 0 : i32
    %dma_start3A_125 = arith.constant 0 : i32
    %dma_start3A_126 = tpu.memref_slice %arg3[%arg1, %dma_start3A_124, %dma_start3A_125] : memref<16x160x128xi32, #tpu.memory_space<hbm>> -> memref<1x160x128xi32, #tpu.memory_space<hbm>>
    %dma_start3A_127 = tpu.memref_squeeze %dma_start3A_126 : memref<1x160x128xi32, #tpu.memory_space<hbm>> -> memref<160x128xi32, #tpu.memory_space<hbm>>
    %dma_start3A_128 = tpu.memref_slice %arg16[%dma_start3A_123] : memref<5x!tpu.dma_semaphore, #tpu.memory_space<semaphore_mem>> -> memref<1x!tpu.dma_semaphore, #tpu.memory_space<semaphore_mem>>
    %dma_start3A_129 = tpu.memref_squeeze %dma_start3A_128 : memref<1x!tpu.dma_semaphore, #tpu.memory_space<semaphore_mem>> -> memref<!tpu.dma_semaphore, #tpu.memory_space<semaphore_mem>>
    %dma_start3A_130 = arith.constant 0 : i32
    %dma_start3A_131 = arith.constant 0 : i32
    %dma_start3A_132 = tpu.memref_slice %arg3[%arg1, %dma_start3A_130, %dma_start3A_131] : memref<16x160x128xi32, #tpu.memory_space<hbm>> -> memref<1x160x128xi32, #tpu.memory_space<hbm>>
    %dma_start3A_133 = tpu.memref_squeeze %dma_start3A_132 : memref<1x160x128xi32, #tpu.memory_space<hbm>> -> memref<160x128xi32, #tpu.memory_space<hbm>>
    tpu.enqueue_dma source(%dma_start3A_133 : memref<160x128xi32, #tpu.memory_space<hbm>>) target(%arg7 : memref<160x128xi32, #tpu.memory_space<vmem>>) target_semaphore(%dma_start3A_129 : memref<!tpu.dma_semaphore, #tpu.memory_space<semaphore_mem>>)
    %dma_wait3A = arith.constant 0 : i32
    %dma_wait3A_134 = arith.constant 0 : i32
    %dma_wait3A_135 = tpu.memref_slice %arg14[%add3A_6, %dma_wait3A_134] : memref<10240x64xf32, #tpu.memory_space<vmem_shared>> -> memref<64x64xf32, #tpu.memory_space<vmem_shared>>
    %dma_wait3A_136 = tpu.memref_slice %arg15[%dma_wait3A] : memref<5x!tpu.dma_semaphore, #tpu.memory_space<semaphore_mem>> -> memref<1x!tpu.dma_semaphore, #tpu.memory_space<semaphore_mem>>
    %dma_wait3A_137 = tpu.memref_squeeze %dma_wait3A_136 : memref<1x!tpu.dma_semaphore, #tpu.memory_space<semaphore_mem>> -> memref<!tpu.dma_semaphore, #tpu.memory_space<semaphore_mem>>
    %dma_wait3A_138 = arith.constant 0 : i32
    %dma_wait3A_139 = tpu.memref_slice %arg14[%add3A_6, %dma_wait3A_138] : memref<10240x64xf32, #tpu.memory_space<vmem_shared>> -> memref<64x64xf32, #tpu.memory_space<vmem_shared>>
    tpu.wait_dma2 semaphore(%dma_wait3A_137 : memref<!tpu.dma_semaphore, #tpu.memory_space<semaphore_mem>>) src(%arg13 : memref<64x64xf32, #tpu.memory_space<vmem>>) dst(%dma_wait3A_139 : memref<64x64xf32, #tpu.memory_space<vmem_shared>>)
    %dma_wait3A_140 = arith.constant 1 : i32
    %dma_wait3A_141 = arith.constant 0 : i32
    %dma_wait3A_142 = tpu.memref_slice %arg14[%add3A_16, %dma_wait3A_141] : memref<10240x64xf32, #tpu.memory_space<vmem_shared>> -> memref<64x64xf32, #tpu.memory_space<vmem_shared>>
    %dma_wait3A_143 = tpu.memref_slice %arg15[%dma_wait3A_140] : memref<5x!tpu.dma_semaphore, #tpu.memory_space<semaphore_mem>> -> memref<1x!tpu.dma_semaphore, #tpu.memory_space<semaphore_mem>>
    %dma_wait3A_144 = tpu.memref_squeeze %dma_wait3A_143 : memref<1x!tpu.dma_semaphore, #tpu.memory_space<semaphore_mem>> -> memref<!tpu.dma_semaphore, #tpu.memory_space<semaphore_mem>>
    %dma_wait3A_145 = arith.constant 0 : i32
    %dma_wait3A_146 = tpu.memref_slice %arg14[%add3A_16, %dma_wait3A_145] : memref<10240x64xf32, #tpu.memory_space<vmem_shared>> -> memref<64x64xf32, #tpu.memory_space<vmem_shared>>
    tpu.wait_dma2 semaphore(%dma_wait3A_144 : memref<!tpu.dma_semaphore, #tpu.memory_space<semaphore_mem>>) src(%arg13 : memref<64x64xf32, #tpu.memory_space<vmem>>) dst(%dma_wait3A_146 : memref<64x64xf32, #tpu.memory_space<vmem_shared>>)
    %dma_wait3A_147 = arith.constant 2 : i32
    %dma_wait3A_148 = arith.constant 0 : i32
    %dma_wait3A_149 = tpu.memref_slice %arg14[%add3A_27, %dma_wait3A_148] : memref<10240x64xf32, #tpu.memory_space<vmem_shared>> -> memref<64x64xf32, #tpu.memory_space<vmem_shared>>
    %dma_wait3A_150 = tpu.memref_slice %arg15[%dma_wait3A_147] : memref<5x!tpu.dma_semaphore, #tpu.memory_space<semaphore_mem>> -> memref<1x!tpu.dma_semaphore, #tpu.memory_space<semaphore_mem>>
    %dma_wait3A_151 = tpu.memref_squeeze %dma_wait3A_150 : memref<1x!tpu.dma_semaphore, #tpu.memory_space<semaphore_mem>> -> memref<!tpu.dma_semaphore, #tpu.memory_space<semaphore_mem>>
    %dma_wait3A_152 = arith.constant 0 : i32
    %dma_wait3A_153 = tpu.memref_slice %arg14[%add3A_27, %dma_wait3A_152] : memref<10240x64xf32, #tpu.memory_space<vmem_shared>> -> memref<64x64xf32, #tpu.memory_space<vmem_shared>>
    tpu.wait_dma2 semaphore(%dma_wait3A_151 : memref<!tpu.dma_semaphore, #tpu.memory_space<semaphore_mem>>) src(%arg13 : memref<64x64xf32, #tpu.memory_space<vmem>>) dst(%dma_wait3A_153 : memref<64x64xf32, #tpu.memory_space<vmem_shared>>)
    %dma_wait3A_154 = arith.constant 3 : i32
    %dma_wait3A_155 = arith.constant 0 : i32
    %dma_wait3A_156 = tpu.memref_slice %arg14[%add3A_38, %dma_wait3A_155] : memref<10240x64xf32, #tpu.memory_space<vmem_shared>> -> memref<64x64xf32, #tpu.memory_space<vmem_shared>>
    %dma_wait3A_157 = tpu.memref_slice %arg15[%dma_wait3A_154] : memref<5x!tpu.dma_semaphore, #tpu.memory_space<semaphore_mem>> -> memref<1x!tpu.dma_semaphore, #tpu.memory_space<semaphore_mem>>
    %dma_wait3A_158 = tpu.memref_squeeze %dma_wait3A_157 : memref<1x!tpu.dma_semaphore, #tpu.memory_space<semaphore_mem>> -> memref<!tpu.dma_semaphore, #tpu.memory_space<semaphore_mem>>
    %dma_wait3A_159 = arith.constant 0 : i32
    %dma_wait3A_160 = tpu.memref_slice %arg14[%add3A_38, %dma_wait3A_159] : memref<10240x64xf32, #tpu.memory_space<vmem_shared>> -> memref<64x64xf32, #tpu.memory_space<vmem_shared>>
    tpu.wait_dma2 semaphore(%dma_wait3A_158 : memref<!tpu.dma_semaphore, #tpu.memory_space<semaphore_mem>>) src(%arg13 : memref<64x64xf32, #tpu.memory_space<vmem>>) dst(%dma_wait3A_160 : memref<64x64xf32, #tpu.memory_space<vmem_shared>>)
    %dma_wait3A_161 = arith.constant 4 : i32
    %dma_wait3A_162 = arith.constant 0 : i32
    %dma_wait3A_163 = tpu.memref_slice %arg14[%add3A_49, %dma_wait3A_162] : memref<10240x64xf32, #tpu.memory_space<vmem_shared>> -> memref<64x64xf32, #tpu.memory_space<vmem_shared>>
    %dma_wait3A_164 = tpu.memref_slice %arg15[%dma_wait3A_161] : memref<5x!tpu.dma_semaphore, #tpu.memory_space<semaphore_mem>> -> memref<1x!tpu.dma_semaphore, #tpu.memory_space<semaphore_mem>>
    %dma_wait3A_165 = tpu.memref_squeeze %dma_wait3A_164 : memref<1x!tpu.dma_semaphore, #tpu.memory_space<semaphore_mem>> -> memref<!tpu.dma_semaphore, #tpu.memory_space<semaphore_mem>>
    %dma_wait3A_166 = arith.constant 0 : i32
    %dma_wait3A_167 = tpu.memref_slice %arg14[%add3A_49, %dma_wait3A_166] : memref<10240x64xf32, #tpu.memory_space<vmem_shared>> -> memref<64x64xf32, #tpu.memory_space<vmem_shared>>
    tpu.wait_dma2 semaphore(%dma_wait3A_165 : memref<!tpu.dma_semaphore, #tpu.memory_space<semaphore_mem>>) src(%arg13 : memref<64x64xf32, #tpu.memory_space<vmem>>) dst(%dma_wait3A_167 : memref<64x64xf32, #tpu.memory_space<vmem_shared>>)
    %dma_wait3A_168 = arith.constant 0 : i32
    %dma_wait3A_169 = arith.constant 0 : i32
    %dma_wait3A_170 = tpu.memref_slice %arg14[%add3A_60, %dma_wait3A_169] : memref<10240x64xf32, #tpu.memory_space<vmem_shared>> -> memref<64x64xf32, #tpu.memory_space<vmem_shared>>
    %dma_wait3A_171 = tpu.memref_slice %arg15[%dma_wait3A_168] : memref<5x!tpu.dma_semaphore, #tpu.memory_space<semaphore_mem>> -> memref<1x!tpu.dma_semaphore, #tpu.memory_space<semaphore_mem>>
    %dma_wait3A_172 = tpu.memref_squeeze %dma_wait3A_171 : memref<1x!tpu.dma_semaphore, #tpu.memory_space<semaphore_mem>> -> memref<!tpu.dma_semaphore, #tpu.memory_space<semaphore_mem>>
    %dma_wait3A_173 = arith.constant 0 : i32
    %dma_wait3A_174 = tpu.memref_slice %arg14[%add3A_60, %dma_wait3A_173] : memref<10240x64xf32, #tpu.memory_space<vmem_shared>> -> memref<64x64xf32, #tpu.memory_space<vmem_shared>>
    tpu.wait_dma2 semaphore(%dma_wait3A_172 : memref<!tpu.dma_semaphore, #tpu.memory_space<semaphore_mem>>) src(%arg13 : memref<64x64xf32, #tpu.memory_space<vmem>>) dst(%dma_wait3A_174 : memref<64x64xf32, #tpu.memory_space<vmem_shared>>)
    %dma_wait3A_175 = arith.constant 1 : i32
    %dma_wait3A_176 = arith.constant 0 : i32
    %dma_wait3A_177 = tpu.memref_slice %arg14[%add3A_71, %dma_wait3A_176] : memref<10240x64xf32, #tpu.memory_space<vmem_shared>> -> memref<64x64xf32, #tpu.memory_space<vmem_shared>>
    %dma_wait3A_178 = tpu.memref_slice %arg15[%dma_wait3A_175] : memref<5x!tpu.dma_semaphore, #tpu.memory_space<semaphore_mem>> -> memref<1x!tpu.dma_semaphore, #tpu.memory_space<semaphore_mem>>
    %dma_wait3A_179 = tpu.memref_squeeze %dma_wait3A_178 : memref<1x!tpu.dma_semaphore, #tpu.memory_space<semaphore_mem>> -> memref<!tpu.dma_semaphore, #tpu.memory_space<semaphore_mem>>
    %dma_wait3A_180 = arith.constant 0 : i32
    %dma_wait3A_181 = tpu.memref_slice %arg14[%add3A_71, %dma_wait3A_180] : memref<10240x64xf32, #tpu.memory_space<vmem_shared>> -> memref<64x64xf32, #tpu.memory_space<vmem_shared>>
    tpu.wait_dma2 semaphore(%dma_wait3A_179 : memref<!tpu.dma_semaphore, #tpu.memory_space<semaphore_mem>>) src(%arg13 : memref<64x64xf32, #tpu.memory_space<vmem>>) dst(%dma_wait3A_181 : memref<64x64xf32, #tpu.memory_space<vmem_shared>>)
    %dma_wait3A_182 = arith.constant 2 : i32
    %dma_wait3A_183 = arith.constant 0 : i32
    %dma_wait3A_184 = tpu.memref_slice %arg14[%add3A_82, %dma_wait3A_183] : memref<10240x64xf32, #tpu.memory_space<vmem_shared>> -> memref<64x64xf32, #tpu.memory_space<vmem_shared>>
    %dma_wait3A_185 = tpu.memref_slice %arg15[%dma_wait3A_182] : memref<5x!tpu.dma_semaphore, #tpu.memory_space<semaphore_mem>> -> memref<1x!tpu.dma_semaphore, #tpu.memory_space<semaphore_mem>>
    %dma_wait3A_186 = tpu.memref_squeeze %dma_wait3A_185 : memref<1x!tpu.dma_semaphore, #tpu.memory_space<semaphore_mem>> -> memref<!tpu.dma_semaphore, #tpu.memory_space<semaphore_mem>>
    %dma_wait3A_187 = arith.constant 0 : i32
    %dma_wait3A_188 = tpu.memref_slice %arg14[%add3A_82, %dma_wait3A_187] : memref<10240x64xf32, #tpu.memory_space<vmem_shared>> -> memref<64x64xf32, #tpu.memory_space<vmem_shared>>
    tpu.wait_dma2 semaphore(%dma_wait3A_186 : memref<!tpu.dma_semaphore, #tpu.memory_space<semaphore_mem>>) src(%arg13 : memref<64x64xf32, #tpu.memory_space<vmem>>) dst(%dma_wait3A_188 : memref<64x64xf32, #tpu.memory_space<vmem_shared>>)
    %dma_wait3A_189 = arith.constant 3 : i32
    %dma_wait3A_190 = arith.constant 0 : i32
    %dma_wait3A_191 = tpu.memref_slice %arg14[%add3A_93, %dma_wait3A_190] : memref<10240x64xf32, #tpu.memory_space<vmem_shared>> -> memref<64x64xf32, #tpu.memory_space<vmem_shared>>
    %dma_wait3A_192 = tpu.memref_slice %arg15[%dma_wait3A_189] : memref<5x!tpu.dma_semaphore, #tpu.memory_space<semaphore_mem>> -> memref<1x!tpu.dma_semaphore, #tpu.memory_space<semaphore_mem>>
    %dma_wait3A_193 = tpu.memref_squeeze %dma_wait3A_192 : memref<1x!tpu.dma_semaphore, #tpu.memory_space<semaphore_mem>> -> memref<!tpu.dma_semaphore, #tpu.memory_space<semaphore_mem>>
    %dma_wait3A_194 = arith.constant 0 : i32
    %dma_wait3A_195 = tpu.memref_slice %arg14[%add3A_93, %dma_wait3A_194] : memref<10240x64xf32, #tpu.memory_space<vmem_shared>> -> memref<64x64xf32, #tpu.memory_space<vmem_shared>>
    tpu.wait_dma2 semaphore(%dma_wait3A_193 : memref<!tpu.dma_semaphore, #tpu.memory_space<semaphore_mem>>) src(%arg13 : memref<64x64xf32, #tpu.memory_space<vmem>>) dst(%dma_wait3A_195 : memref<64x64xf32, #tpu.memory_space<vmem_shared>>)
    %dma_wait3A_196 = arith.constant 4 : i32
    %dma_wait3A_197 = arith.constant 0 : i32
    %dma_wait3A_198 = tpu.memref_slice %arg14[%add3A_104, %dma_wait3A_197] : memref<10240x64xf32, #tpu.memory_space<vmem_shared>> -> memref<64x64xf32, #tpu.memory_space<vmem_shared>>
    %dma_wait3A_199 = tpu.memref_slice %arg15[%dma_wait3A_196] : memref<5x!tpu.dma_semaphore, #tpu.memory_space<semaphore_mem>> -> memref<1x!tpu.dma_semaphore, #tpu.memory_space<semaphore_mem>>
    %dma_wait3A_200 = tpu.memref_squeeze %dma_wait3A_199 : memref<1x!tpu.dma_semaphore, #tpu.memory_space<semaphore_mem>> -> memref<!tpu.dma_semaphore, #tpu.memory_space<semaphore_mem>>
    %dma_wait3A_201 = arith.constant 0 : i32
    %dma_wait3A_202 = tpu.memref_slice %arg14[%add3A_104, %dma_wait3A_201] : memref<10240x64xf32, #tpu.memory_space<vmem_shared>> -> memref<64x64xf32, #tpu.memory_space<vmem_shared>>
    tpu.wait_dma2 semaphore(%dma_wait3A_200 : memref<!tpu.dma_semaphore, #tpu.memory_space<semaphore_mem>>) src(%arg13 : memref<64x64xf32, #tpu.memory_space<vmem>>) dst(%dma_wait3A_202 : memref<64x64xf32, #tpu.memory_space<vmem_shared>>)
    %dma_wait3A_203 = arith.constant 0 : i32
    %dma_wait3A_204 = arith.constant 0 : i32
    %dma_wait3A_205 = arith.constant 0 : i32
    %dma_wait3A_206 = tpu.memref_slice %arg2[%arg1, %dma_wait3A_204, %dma_wait3A_205] : memref<16x160x128xi32, #tpu.memory_space<hbm>> -> memref<1x160x128xi32, #tpu.memory_space<hbm>>
    %dma_wait3A_207 = tpu.memref_squeeze %dma_wait3A_206 : memref<1x160x128xi32, #tpu.memory_space<hbm>> -> memref<160x128xi32, #tpu.memory_space<hbm>>
    %dma_wait3A_208 = tpu.memref_slice %arg16[%dma_wait3A_203] : memref<5x!tpu.dma_semaphore, #tpu.memory_space<semaphore_mem>> -> memref<1x!tpu.dma_semaphore, #tpu.memory_space<semaphore_mem>>
    %dma_wait3A_209 = tpu.memref_squeeze %dma_wait3A_208 : memref<1x!tpu.dma_semaphore, #tpu.memory_space<semaphore_mem>> -> memref<!tpu.dma_semaphore, #tpu.memory_space<semaphore_mem>>
    %dma_wait3A_210 = arith.constant 0 : i32
    %dma_wait3A_211 = arith.constant 0 : i32
    %dma_wait3A_212 = tpu.memref_slice %arg2[%arg1, %dma_wait3A_210, %dma_wait3A_211] : memref<16x160x128xi32, #tpu.memory_space<hbm>> -> memref<1x160x128xi32, #tpu.memory_space<hbm>>
    %dma_wait3A_213 = tpu.memref_squeeze %dma_wait3A_212 : memref<1x160x128xi32, #tpu.memory_space<hbm>> -> memref<160x128xi32, #tpu.memory_space<hbm>>
    tpu.wait_dma2 semaphore(%dma_wait3A_209 : memref<!tpu.dma_semaphore, #tpu.memory_space<semaphore_mem>>) src(%dma_wait3A_213 : memref<160x128xi32, #tpu.memory_space<hbm>>) dst(%arg6 : memref<160x128xi32, #tpu.memory_space<vmem>>)
    %dma_wait3A_214 = arith.constant 1 : i32
    %dma_wait3A_215 = arith.constant 0 : i32
    %dma_wait3A_216 = arith.constant 0 : i32
    %dma_wait3A_217 = tpu.memref_slice %arg3[%arg1, %dma_wait3A_215, %dma_wait3A_216] : memref<16x160x128xi32, #tpu.memory_space<hbm>> -> memref<1x160x128xi32, #tpu.memory_space<hbm>>
    %dma_wait3A_218 = tpu.memref_squeeze %dma_wait3A_217 : memref<1x160x128xi32, #tpu.memory_space<hbm>> -> memref<160x128xi32, #tpu.memory_space<hbm>>
    %dma_wait3A_219 = tpu.memref_slice %arg16[%dma_wait3A_214] : memref<5x!tpu.dma_semaphore, #tpu.memory_space<semaphore_mem>> -> memref<1x!tpu.dma_semaphore, #tpu.memory_space<semaphore_mem>>
    %dma_wait3A_220 = tpu.memref_squeeze %dma_wait3A_219 : memref<1x!tpu.dma_semaphore, #tpu.memory_space<semaphore_mem>> -> memref<!tpu.dma_semaphore, #tpu.memory_space<semaphore_mem>>
    %dma_wait3A_221 = arith.constant 0 : i32
    %dma_wait3A_222 = arith.constant 0 : i32
    %dma_wait3A_223 = tpu.memref_slice %arg3[%arg1, %dma_wait3A_221, %dma_wait3A_222] : memref<16x160x128xi32, #tpu.memory_space<hbm>> -> memref<1x160x128xi32, #tpu.memory_space<hbm>>
    %dma_wait3A_224 = tpu.memref_squeeze %dma_wait3A_223 : memref<1x160x128xi32, #tpu.memory_space<hbm>> -> memref<160x128xi32, #tpu.memory_space<hbm>>
    tpu.wait_dma2 semaphore(%dma_wait3A_220 : memref<!tpu.dma_semaphore, #tpu.memory_space<semaphore_mem>>) src(%dma_wait3A_224 : memref<160x128xi32, #tpu.memory_space<hbm>>) dst(%arg7 : memref<160x128xi32, #tpu.memory_space<vmem>>)
    %scan3A_225 = arith.constant 0 : i32
    %scan3A_226 = arith.constant 0 : i32
    %scan3A_227 = arith.constant 160 : i32
    %scan3A_228 = arith.addi %scan3A_226, %scan3A_227 : i32
    %scan3A_229 = arith.constant 1 : i32
    scf.for %scan3A_314 = %scan3A_226 to %scan3A_228 step %scan3A_229  : i32 {
      %get3A = arith.index_cast %scan3A_314 : i32 to index
      %get3A_315 = arith.constant 0 : index
      %get3A_316 = tpu.vector_load %arg6[%get3A, %get3A_315] {strides = array<i32>} : memref<160x128xi32, #tpu.memory_space<vmem>>, vector<1x16xi32>,
      %get3A_317 = vector.shape_cast %get3A_316 : vector<1x16xi32> to vector<16xi32>
      %mul3A_318 = arith.constant 2 : i32
      %mul3A_319 = vector.broadcast %mul3A_318 : i32 to vector<16xi32>
      %mul3A_320 = arith.muli %get3A_317, %mul3A_319 : vector<16xi32>
      %add3A_321 = vector.broadcast %arg0 : i32 to vector<16xi32>
      %add3A_322 = arith.addi %mul3A_320, %add3A_321 : vector<16xi32>
      %swap3A = arith.index_cast %scan3A_314 : i32 to index
      %swap3A_323 = arith.constant 0 : index
      %swap3A_324 = tpu.vector_load %arg6[%swap3A, %swap3A_323] {strides = array<i32>} : memref<160x128xi32, #tpu.memory_space<vmem>>, vector<1x16xi32>,
      %swap3A_325 = vector.shape_cast %swap3A_324 : vector<1x16xi32> to vector<16xi32>
      %swap3A_326 = vector.shape_cast %add3A_322 : vector<16xi32> to vector<1x16xi32>
      tpu.vector_store %arg6[%swap3A, %swap3A_323], %swap3A_326 {strides = array<i32>} : memref<160x128xi32, #tpu.memory_space<vmem>>, vector<1x16xi32>,
      %get3A_327 = arith.index_cast %scan3A_314 : i32 to index
      %get3A_328 = arith.constant 16 : index
      %get3A_329 = tpu.vector_load %arg6[%get3A_327, %get3A_328] {strides = array<i32>} : memref<160x128xi32, #tpu.memory_space<vmem>>, vector<1x16xi32>,
      %get3A_330 = vector.shape_cast %get3A_329 : vector<1x16xi32> to vector<16xi32>
      %mul3A_331 = arith.constant 2 : i32
      %mul3A_332 = vector.broadcast %mul3A_331 : i32 to vector<16xi32>
      %mul3A_333 = arith.muli %get3A_330, %mul3A_332 : vector<16xi32>
      %add3A_334 = vector.broadcast %arg0 : i32 to vector<16xi32>
      %add3A_335 = arith.addi %mul3A_333, %add3A_334 : vector<16xi32>
      %swap3A_336 = arith.index_cast %scan3A_314 : i32 to index
      %swap3A_337 = arith.constant 16 : index
      %swap3A_338 = tpu.vector_load %arg6[%swap3A_336, %swap3A_337] {strides = array<i32>} : memref<160x128xi32, #tpu.memory_space<vmem>>, vector<1x16xi32>,
      %swap3A_339 = vector.shape_cast %swap3A_338 : vector<1x16xi32> to vector<16xi32>
      %swap3A_340 = vector.shape_cast %add3A_335 : vector<16xi32> to vector<1x16xi32>
      tpu.vector_store %arg6[%swap3A_336, %swap3A_337], %swap3A_340 {strides = array<i32>} : memref<160x128xi32, #tpu.memory_space<vmem>>, vector<1x16xi32>,
      %get3A_341 = arith.index_cast %scan3A_314 : i32 to index
      %get3A_342 = arith.constant 32 : index
      %get3A_343 = tpu.vector_load %arg6[%get3A_341, %get3A_342] {strides = array<i32>} : memref<160x128xi32, #tpu.memory_space<vmem>>, vector<1x16xi32>,
      %get3A_344 = vector.shape_cast %get3A_343 : vector<1x16xi32> to vector<16xi32>
      %mul3A_345 = arith.constant 2 : i32
      %mul3A_346 = vector.broadcast %mul3A_345 : i32 to vector<16xi32>
      %mul3A_347 = arith.muli %get3A_344, %mul3A_346 : vector<16xi32>
      %add3A_348 = vector.broadcast %arg0 : i32 to vector<16xi32>
      %add3A_349 = arith.addi %mul3A_347, %add3A_348 : vector<16xi32>
      %swap3A_350 = arith.index_cast %scan3A_314 : i32 to index
      %swap3A_351 = arith.constant 32 : index
      %swap3A_352 = tpu.vector_load %arg6[%swap3A_350, %swap3A_351] {strides = array<i32>} : memref<160x128xi32, #tpu.memory_space<vmem>>, vector<1x16xi32>,
      %swap3A_353 = vector.shape_cast %swap3A_352 : vector<1x16xi32> to vector<16xi32>
      %swap3A_354 = vector.shape_cast %add3A_349 : vector<16xi32> to vector<1x16xi32>
      tpu.vector_store %arg6[%swap3A_350, %swap3A_351], %swap3A_354 {strides = array<i32>} : memref<160x128xi32, #tpu.memory_space<vmem>>, vector<1x16xi32>,
      %get3A_355 = arith.index_cast %scan3A_314 : i32 to index
      %get3A_356 = arith.constant 48 : index
      %get3A_357 = tpu.vector_load %arg6[%get3A_355, %get3A_356] {strides = array<i32>} : memref<160x128xi32, #tpu.memory_space<vmem>>, vector<1x16xi32>,
      %get3A_358 = vector.shape_cast %get3A_357 : vector<1x16xi32> to vector<16xi32>
      %mul3A_359 = arith.constant 2 : i32
      %mul3A_360 = vector.broadcast %mul3A_359 : i32 to vector<16xi32>
      %mul3A_361 = arith.muli %get3A_358, %mul3A_360 : vector<16xi32>
      %add3A_362 = vector.broadcast %arg0 : i32 to vector<16xi32>
      %add3A_363 = arith.addi %mul3A_361, %add3A_362 : vector<16xi32>
      %swap3A_364 = arith.index_cast %scan3A_314 : i32 to index
      %swap3A_365 = arith.constant 48 : index
      %swap3A_366 = tpu.vector_load %arg6[%swap3A_364, %swap3A_365] {strides = array<i32>} : memref<160x128xi32, #tpu.memory_space<vmem>>, vector<1x16xi32>,
      %swap3A_367 = vector.shape_cast %swap3A_366 : vector<1x16xi32> to vector<16xi32>
      %swap3A_368 = vector.shape_cast %add3A_363 : vector<16xi32> to vector<1x16xi32>
      tpu.vector_store %arg6[%swap3A_364, %swap3A_365], %swap3A_368 {strides = array<i32>} : memref<160x128xi32, #tpu.memory_space<vmem>>, vector<1x16xi32>,
      %get3A_369 = arith.index_cast %scan3A_314 : i32 to index
      %get3A_370 = arith.constant 64 : index
      %get3A_371 = tpu.vector_load %arg6[%get3A_369, %get3A_370] {strides = array<i32>} : memref<160x128xi32, #tpu.memory_space<vmem>>, vector<1x16xi32>,
      %get3A_372 = vector.shape_cast %get3A_371 : vector<1x16xi32> to vector<16xi32>
      %mul3A_373 = arith.constant 2 : i32
      %mul3A_374 = vector.broadcast %mul3A_373 : i32 to vector<16xi32>
      %mul3A_375 = arith.muli %get3A_372, %mul3A_374 : vector<16xi32>
      %add3A_376 = vector.broadcast %arg0 : i32 to vector<16xi32>
      %add3A_377 = arith.addi %mul3A_375, %add3A_376 : vector<16xi32>
      %swap3A_378 = arith.index_cast %scan3A_314 : i32 to index
      %swap3A_379 = arith.constant 64 : index
      %swap3A_380 = tpu.vector_load %arg6[%swap3A_378, %swap3A_379] {strides = array<i32>} : memref<160x128xi32, #tpu.memory_space<vmem>>, vector<1x16xi32>,
      %swap3A_381 = vector.shape_cast %swap3A_380 : vector<1x16xi32> to vector<16xi32>
      %swap3A_382 = vector.shape_cast %add3A_377 : vector<16xi32> to vector<1x16xi32>
      tpu.vector_store %arg6[%swap3A_378, %swap3A_379], %swap3A_382 {strides = array<i32>} : memref<160x128xi32, #tpu.memory_space<vmem>>, vector<1x16xi32>,
      %get3A_383 = arith.index_cast %scan3A_314 : i32 to index
      %get3A_384 = arith.constant 80 : index
      %get3A_385 = tpu.vector_load %arg6[%get3A_383, %get3A_384] {strides = array<i32>} : memref<160x128xi32, #tpu.memory_space<vmem>>, vector<1x16xi32>,
      %get3A_386 = vector.shape_cast %get3A_385 : vector<1x16xi32> to vector<16xi32>
      %mul3A_387 = arith.constant 2 : i32
      %mul3A_388 = vector.broadcast %mul3A_387 : i32 to vector<16xi32>
      %mul3A_389 = arith.muli %get3A_386, %mul3A_388 : vector<16xi32>
      %add3A_390 = vector.broadcast %arg0 : i32 to vector<16xi32>
      %add3A_391 = arith.addi %mul3A_389, %add3A_390 : vector<16xi32>
      %swap3A_392 = arith.index_cast %scan3A_314 : i32 to index
      %swap3A_393 = arith.constant 80 : index
      %swap3A_394 = tpu.vector_load %arg6[%swap3A_392, %swap3A_393] {strides = array<i32>} : memref<160x128xi32, #tpu.memory_space<vmem>>, vector<1x16xi32>,
      %swap3A_395 = vector.shape_cast %swap3A_394 : vector<1x16xi32> to vector<16xi32>
      %swap3A_396 = vector.shape_cast %add3A_391 : vector<16xi32> to vector<1x16xi32>
      tpu.vector_store %arg6[%swap3A_392, %swap3A_393], %swap3A_396 {strides = array<i32>} : memref<160x128xi32, #tpu.memory_space<vmem>>, vector<1x16xi32>,
      %get3A_397 = arith.index_cast %scan3A_314 : i32 to index
      %get3A_398 = arith.constant 96 : index
      %get3A_399 = tpu.vector_load %arg6[%get3A_397, %get3A_398] {strides = array<i32>} : memref<160x128xi32, #tpu.memory_space<vmem>>, vector<1x16xi32>,
      %get3A_400 = vector.shape_cast %get3A_399 : vector<1x16xi32> to vector<16xi32>
      %mul3A_401 = arith.constant 2 : i32
      %mul3A_402 = vector.broadcast %mul3A_401 : i32 to vector<16xi32>
      %mul3A_403 = arith.muli %get3A_400, %mul3A_402 : vector<16xi32>
      %add3A_404 = vector.broadcast %arg0 : i32 to vector<16xi32>
      %add3A_405 = arith.addi %mul3A_403, %add3A_404 : vector<16xi32>
      %swap3A_406 = arith.index_cast %scan3A_314 : i32 to index
      %swap3A_407 = arith.constant 96 : index
      %swap3A_408 = tpu.vector_load %arg6[%swap3A_406, %swap3A_407] {strides = array<i32>} : memref<160x128xi32, #tpu.memory_space<vmem>>, vector<1x16xi32>,
      %swap3A_409 = vector.shape_cast %swap3A_408 : vector<1x16xi32> to vector<16xi32>
      %swap3A_410 = vector.shape_cast %add3A_405 : vector<16xi32> to vector<1x16xi32>
      tpu.vector_store %arg6[%swap3A_406, %swap3A_407], %swap3A_410 {strides = array<i32>} : memref<160x128xi32, #tpu.memory_space<vmem>>, vector<1x16xi32>,
      %get3A_411 = arith.index_cast %scan3A_314 : i32 to index
      %get3A_412 = arith.constant 112 : index
      %get3A_413 = tpu.vector_load %arg6[%get3A_411, %get3A_412] {strides = array<i32>} : memref<160x128xi32, #tpu.memory_space<vmem>>, vector<1x16xi32>,
      %get3A_414 = vector.shape_cast %get3A_413 : vector<1x16xi32> to vector<16xi32>
      %mul3A_415 = arith.constant 2 : i32
      %mul3A_416 = vector.broadcast %mul3A_415 : i32 to vector<16xi32>
      %mul3A_417 = arith.muli %get3A_414, %mul3A_416 : vector<16xi32>
      %add3A_418 = vector.broadcast %arg0 : i32 to vector<16xi32>
      %add3A_419 = arith.addi %mul3A_417, %add3A_418 : vector<16xi32>
      %swap3A_420 = arith.index_cast %scan3A_314 : i32 to index
      %swap3A_421 = arith.constant 112 : index
      %swap3A_422 = tpu.vector_load %arg6[%swap3A_420, %swap3A_421] {strides = array<i32>} : memref<160x128xi32, #tpu.memory_space<vmem>>, vector<1x16xi32>,
      %swap3A_423 = vector.shape_cast %swap3A_422 : vector<1x16xi32> to vector<16xi32>
      %swap3A_424 = vector.shape_cast %add3A_419 : vector<16xi32> to vector<1x16xi32>
      tpu.vector_store %arg6[%swap3A_420, %swap3A_421], %swap3A_424 {strides = array<i32>} : memref<160x128xi32, #tpu.memory_space<vmem>>, vector<1x16xi32>,
    }
    %scan3A_230 = arith.constant 160 : i32
    %barrier3A = arith.constant 0 : index
    tpu.barrier barrier_id(%barrier3A)
    %scan3A_231 = arith.constant 0 : i32
    %scan3A_232 = arith.constant 0 : i32
    %scan3A_233 = arith.constant 32 : i32
    %scan3A_234 = arith.addi %scan3A_232, %scan3A_233 : i32
    %scan3A_235 = arith.constant 1 : i32
    scf.for %scan3A_314 = %scan3A_232 to %scan3A_234 step %scan3A_235  : i32 {
      %mul3A_315 = arith.constant 5 : i32
      %mul3A_316 = arith.muli %scan3A_314, %mul3A_315 : i32
      %add3A_317 = arith.constant 0 : i32
      %add3A_318 = arith.addi %mul3A_316, %add3A_317 : i32
      %ge3A = arith.constant 1 : i32
      %ge3A_319 = arith.cmpi sge, %scan3A_314, %ge3A : i32
      %convert_element_type3A_320 = arith.extui %ge3A_319 : i1 to i32
      %cond3A_321 = arith.constant 0 : i32
      %cond3A_322 = arith.cmpi ne, %convert_element_type3A_320, %cond3A_321 : i32
      scf.if %cond3A_322 {
        %dma_wait3A_492 = arith.constant 0 : i32
        %dma_wait3A_493 = arith.constant 0 : i32
        %dma_wait3A_494 = arith.constant 0 : i32
        %dma_wait3A_495 = tpu.memref_slice %arg7[%dma_wait3A_492, %dma_wait3A_494] : memref<160x128xi32, #tpu.memory_space<vmem>> -> memref<1x128xi32, #tpu.memory_space<vmem>>
        %dma_wait3A_496 = tpu.memref_squeeze %dma_wait3A_495 : memref<1x128xi32, #tpu.memory_space<vmem>> -> memref<128xi32, #tpu.memory_space<vmem>>
        %dma_wait3A_497 = arith.constant 0 : i32
        %dma_wait3A_498 = arith.constant 0 : i32
        %dma_wait3A_499 = tpu.memref_slice %arg14[%dma_wait3A_497, %dma_wait3A_498] : memref<10240x64xf32, #tpu.memory_space<vmem_shared>> -> memref<10240x64xf32, #tpu.memory_space<vmem_shared>>
        %dma_wait3A_500 = tpu.memref_slice %arg16[%dma_wait3A_493] : memref<5x!tpu.dma_semaphore, #tpu.memory_space<semaphore_mem>> -> memref<1x!tpu.dma_semaphore, #tpu.memory_space<semaphore_mem>>
        %dma_wait3A_501 = tpu.memref_squeeze %dma_wait3A_500 : memref<1x!tpu.dma_semaphore, #tpu.memory_space<semaphore_mem>> -> memref<!tpu.dma_semaphore, #tpu.memory_space<semaphore_mem>>
        tpu.wait_indirect_dma semaphore(%dma_wait3A_501 : memref<!tpu.dma_semaphore, #tpu.memory_space<semaphore_mem>>) src(%arg8 : memref<128x64xf32, #tpu.memory_space<vmem>>) dst(%dma_wait3A_499 : memref<10240x64xf32, #tpu.memory_space<vmem_shared>>)
      } else {
      }
      %dma_start3A_323 = arith.constant 0 : i32
      %dma_start3A_324 = arith.constant 0 : i32
      %dma_start3A_325 = tpu.memref_slice %arg6[%add3A_318, %dma_start3A_324] : memref<160x128xi32, #tpu.memory_space<vmem>> -> memref<1x128xi32, #tpu.memory_space<vmem>>
      %dma_start3A_326 = tpu.memref_squeeze %dma_start3A_325 : memref<1x128xi32, #tpu.memory_space<vmem>> -> memref<128xi32, #tpu.memory_space<vmem>>
      %dma_start3A_327 = arith.constant 0 : i32
      %dma_start3A_328 = arith.constant 0 : i32
      %dma_start3A_329 = tpu.memref_slice %arg4[%dma_start3A_327, %dma_start3A_328] : memref<20000x64xf32, #tpu.memory_space<hbm>> -> memref<20000x64xf32, #tpu.memory_space<hbm>>
      %dma_start3A_330 = tpu.memref_slice %arg15[%dma_start3A_323] : memref<5x!tpu.dma_semaphore, #tpu.memory_space<semaphore_mem>> -> memref<1x!tpu.dma_semaphore, #tpu.memory_space<semaphore_mem>>
      %dma_start3A_331 = tpu.memref_squeeze %dma_start3A_330 : memref<1x!tpu.dma_semaphore, #tpu.memory_space<semaphore_mem>> -> memref<!tpu.dma_semaphore, #tpu.memory_space<semaphore_mem>>
      tpu.enqueue_indirect_dma source(%dma_start3A_329 : memref<20000x64xf32, #tpu.memory_space<hbm>>) target(%arg8 : memref<128x64xf32, #tpu.memory_space<vmem>>) offsets(%dma_start3A_326 : memref<128xi32, #tpu.memory_space<vmem>>) semaphore(%dma_start3A_331 : memref<!tpu.dma_semaphore, #tpu.memory_space<semaphore_mem>>)
      %ge3A_332 = arith.constant 1 : i32
      %ge3A_333 = arith.cmpi sge, %scan3A_314, %ge3A_332 : i32
      %convert_element_type3A_334 = arith.extui %ge3A_333 : i1 to i32
      %cond3A_335 = arith.constant 0 : i32
      %cond3A_336 = arith.cmpi ne, %convert_element_type3A_334, %cond3A_335 : i32
      scf.if %cond3A_336 {
        %dma_wait3A_492 = arith.constant 0 : i32
        %dma_wait3A_493 = arith.constant 4 : i32
        %dma_wait3A_494 = arith.constant 0 : i32
        %dma_wait3A_495 = tpu.memref_slice %arg6[%dma_wait3A_492, %dma_wait3A_494] : memref<160x128xi32, #tpu.memory_space<vmem>> -> memref<1x128xi32, #tpu.memory_space<vmem>>
        %dma_wait3A_496 = tpu.memref_squeeze %dma_wait3A_495 : memref<1x128xi32, #tpu.memory_space<vmem>> -> memref<128xi32, #tpu.memory_space<vmem>>
        %dma_wait3A_497 = arith.constant 0 : i32
        %dma_wait3A_498 = arith.constant 0 : i32
        %dma_wait3A_499 = tpu.memref_slice %arg4[%dma_wait3A_497, %dma_wait3A_498] : memref<20000x64xf32, #tpu.memory_space<hbm>> -> memref<20000x64xf32, #tpu.memory_space<hbm>>
        %dma_wait3A_500 = tpu.memref_slice %arg15[%dma_wait3A_493] : memref<5x!tpu.dma_semaphore, #tpu.memory_space<semaphore_mem>> -> memref<1x!tpu.dma_semaphore, #tpu.memory_space<semaphore_mem>>
        %dma_wait3A_501 = tpu.memref_squeeze %dma_wait3A_500 : memref<1x!tpu.dma_semaphore, #tpu.memory_space<semaphore_mem>> -> memref<!tpu.dma_semaphore, #tpu.memory_space<semaphore_mem>>
        tpu.wait_indirect_dma semaphore(%dma_wait3A_501 : memref<!tpu.dma_semaphore, #tpu.memory_space<semaphore_mem>>) src(%dma_wait3A_499 : memref<20000x64xf32, #tpu.memory_space<hbm>>) dst(%arg12 : memref<128x64xf32, #tpu.memory_space<vmem>>)
        %mul3A_502 = arith.constant 5 : i32
        %mul3A_503 = arith.muli %scan3A_314, %mul3A_502 : i32
        %sub3A_504 = arith.constant 1 : i32
        %sub3A_505 = arith.subi %mul3A_503, %sub3A_504 : i32
        %dma_start3A_506 = arith.constant 4 : i32
        %dma_start3A_507 = arith.constant 0 : i32
        %dma_start3A_508 = tpu.memref_slice %arg7[%sub3A_505, %dma_start3A_507] : memref<160x128xi32, #tpu.memory_space<vmem>> -> memref<1x128xi32, #tpu.memory_space<vmem>>
        %dma_start3A_509 = tpu.memref_squeeze %dma_start3A_508 : memref<1x128xi32, #tpu.memory_space<vmem>> -> memref<128xi32, #tpu.memory_space<vmem>>
        %dma_start3A_510 = arith.constant 0 : i32
        %dma_start3A_511 = arith.constant 0 : i32
        %dma_start3A_512 = tpu.memref_slice %arg14[%dma_start3A_510, %dma_start3A_511] : memref<10240x64xf32, #tpu.memory_space<vmem_shared>> -> memref<10240x64xf32, #tpu.memory_space<vmem_shared>>
        %dma_start3A_513 = tpu.memref_slice %arg16[%dma_start3A_506] : memref<5x!tpu.dma_semaphore, #tpu.memory_space<semaphore_mem>> -> memref<1x!tpu.dma_semaphore, #tpu.memory_space<semaphore_mem>>
        %dma_start3A_514 = tpu.memref_squeeze %dma_start3A_513 : memref<1x!tpu.dma_semaphore, #tpu.memory_space<semaphore_mem>> -> memref<!tpu.dma_semaphore, #tpu.memory_space<semaphore_mem>>
        tpu.enqueue_indirect_dma source(%arg12 : memref<128x64xf32, #tpu.memory_space<vmem>>) target(%dma_start3A_512 : memref<10240x64xf32, #tpu.memory_space<vmem_shared>>) offsets(%dma_start3A_509 : memref<128xi32, #tpu.memory_space<vmem>>) semaphore(%dma_start3A_514 : memref<!tpu.dma_semaphore, #tpu.memory_space<semaphore_mem>>) {add = true}
      } else {
      }
      %mul3A_337 = arith.constant 5 : i32
      %mul3A_338 = arith.muli %scan3A_314, %mul3A_337 : i32
      %add3A_339 = arith.constant 1 : i32
      %add3A_340 = arith.addi %mul3A_338, %add3A_339 : i32
      %ge3A_341 = arith.constant 1 : i32
      %ge3A_342 = arith.cmpi sge, %scan3A_314, %ge3A_341 : i32
      %convert_element_type3A_343 = arith.extui %ge3A_342 : i1 to i32
      %cond3A_344 = arith.constant 0 : i32
      %cond3A_345 = arith.cmpi ne, %convert_element_type3A_343, %cond3A_344 : i32
      scf.if %cond3A_345 {
        %dma_wait3A_492 = arith.constant 0 : i32
        %dma_wait3A_493 = arith.constant 1 : i32
        %dma_wait3A_494 = arith.constant 0 : i32
        %dma_wait3A_495 = tpu.memref_slice %arg7[%dma_wait3A_492, %dma_wait3A_494] : memref<160x128xi32, #tpu.memory_space<vmem>> -> memref<1x128xi32, #tpu.memory_space<vmem>>
        %dma_wait3A_496 = tpu.memref_squeeze %dma_wait3A_495 : memref<1x128xi32, #tpu.memory_space<vmem>> -> memref<128xi32, #tpu.memory_space<vmem>>
        %dma_wait3A_497 = arith.constant 0 : i32
        %dma_wait3A_498 = arith.constant 0 : i32
        %dma_wait3A_499 = tpu.memref_slice %arg14[%dma_wait3A_497, %dma_wait3A_498] : memref<10240x64xf32, #tpu.memory_space<vmem_shared>> -> memref<10240x64xf32, #tpu.memory_space<vmem_shared>>
        %dma_wait3A_500 = tpu.memref_slice %arg16[%dma_wait3A_493] : memref<5x!tpu.dma_semaphore, #tpu.memory_space<semaphore_mem>> -> memref<1x!tpu.dma_semaphore, #tpu.memory_space<semaphore_mem>>
        %dma_wait3A_501 = tpu.memref_squeeze %dma_wait3A_500 : memref<1x!tpu.dma_semaphore, #tpu.memory_space<semaphore_mem>> -> memref<!tpu.dma_semaphore, #tpu.memory_space<semaphore_mem>>
        tpu.wait_indirect_dma semaphore(%dma_wait3A_501 : memref<!tpu.dma_semaphore, #tpu.memory_space<semaphore_mem>>) src(%arg9 : memref<128x64xf32, #tpu.memory_space<vmem>>) dst(%dma_wait3A_499 : memref<10240x64xf32, #tpu.memory_space<vmem_shared>>)
      } else {
      }
      %dma_start3A_346 = arith.constant 1 : i32
      %dma_start3A_347 = arith.constant 0 : i32
      %dma_start3A_348 = tpu.memref_slice %arg6[%add3A_340, %dma_start3A_347] : memref<160x128xi32, #tpu.memory_space<vmem>> -> memref<1x128xi32, #tpu.memory_space<vmem>>
      %dma_start3A_349 = tpu.memref_squeeze %dma_start3A_348 : memref<1x128xi32, #tpu.memory_space<vmem>> -> memref<128xi32, #tpu.memory_space<vmem>>
      %dma_start3A_350 = arith.constant 0 : i32
      %dma_start3A_351 = arith.constant 0 : i32
      %dma_start3A_352 = tpu.memref_slice %arg4[%dma_start3A_350, %dma_start3A_351] : memref<20000x64xf32, #tpu.memory_space<hbm>> -> memref<20000x64xf32, #tpu.memory_space<hbm>>
      %dma_start3A_353 = tpu.memref_slice %arg15[%dma_start3A_346] : memref<5x!tpu.dma_semaphore, #tpu.memory_space<semaphore_mem>> -> memref<1x!tpu.dma_semaphore, #tpu.memory_space<semaphore_mem>>
      %dma_start3A_354 = tpu.memref_squeeze %dma_start3A_353 : memref<1x!tpu.dma_semaphore, #tpu.memory_space<semaphore_mem>> -> memref<!tpu.dma_semaphore, #tpu.memory_space<semaphore_mem>>
      tpu.enqueue_indirect_dma source(%dma_start3A_352 : memref<20000x64xf32, #tpu.memory_space<hbm>>) target(%arg9 : memref<128x64xf32, #tpu.memory_space<vmem>>) offsets(%dma_start3A_349 : memref<128xi32, #tpu.memory_space<vmem>>) semaphore(%dma_start3A_354 : memref<!tpu.dma_semaphore, #tpu.memory_space<semaphore_mem>>)
      %dma_wait3A_355 = arith.constant 0 : i32
      %dma_wait3A_356 = arith.constant 0 : i32
      %dma_wait3A_357 = arith.constant 0 : i32
      %dma_wait3A_358 = tpu.memref_slice %arg6[%dma_wait3A_355, %dma_wait3A_357] : memref<160x128xi32, #tpu.memory_space<vmem>> -> memref<1x128xi32, #tpu.memory_space<vmem>>
      %dma_wait3A_359 = tpu.memref_squeeze %dma_wait3A_358 : memref<1x128xi32, #tpu.memory_space<vmem>> -> memref<128xi32, #tpu.memory_space<vmem>>
      %dma_wait3A_360 = arith.constant 0 : i32
      %dma_wait3A_361 = arith.constant 0 : i32
      %dma_wait3A_362 = tpu.memref_slice %arg4[%dma_wait3A_360, %dma_wait3A_361] : memref<20000x64xf32, #tpu.memory_space<hbm>> -> memref<20000x64xf32, #tpu.memory_space<hbm>>
      %dma_wait3A_363 = tpu.memref_slice %arg15[%dma_wait3A_356] : memref<5x!tpu.dma_semaphore, #tpu.memory_space<semaphore_mem>> -> memref<1x!tpu.dma_semaphore, #tpu.memory_space<semaphore_mem>>
      %dma_wait3A_364 = tpu.memref_squeeze %dma_wait3A_363 : memref<1x!tpu.dma_semaphore, #tpu.memory_space<semaphore_mem>> -> memref<!tpu.dma_semaphore, #tpu.memory_space<semaphore_mem>>
      tpu.wait_indirect_dma semaphore(%dma_wait3A_364 : memref<!tpu.dma_semaphore, #tpu.memory_space<semaphore_mem>>) src(%dma_wait3A_362 : memref<20000x64xf32, #tpu.memory_space<hbm>>) dst(%arg8 : memref<128x64xf32, #tpu.memory_space<vmem>>)
      %sub3A = arith.constant 1 : i32
      %sub3A_365 = arith.subi %add3A_340, %sub3A : i32
      %dma_start3A_366 = arith.constant 0 : i32
      %dma_start3A_367 = arith.constant 0 : i32
      %dma_start3A_368 = tpu.memref_slice %arg7[%sub3A_365, %dma_start3A_367] : memref<160x128xi32, #tpu.memory_space<vmem>> -> memref<1x128xi32, #tpu.memory_space<vmem>>
      %dma_start3A_369 = tpu.memref_squeeze %dma_start3A_368 : memref<1x128xi32, #tpu.memory_space<vmem>> -> memref<128xi32, #tpu.memory_space<vmem>>
      %dma_start3A_370 = arith.constant 0 : i32
      %dma_start3A_371 = arith.constant 0 : i32
      %dma_start3A_372 = tpu.memref_slice %arg14[%dma_start3A_370, %dma_start3A_371] : memref<10240x64xf32, #tpu.memory_space<vmem_shared>> -> memref<10240x64xf32, #tpu.memory_space<vmem_shared>>
      %dma_start3A_373 = tpu.memref_slice %arg16[%dma_start3A_366] : memref<5x!tpu.dma_semaphore, #tpu.memory_space<semaphore_mem>> -> memref<1x!tpu.dma_semaphore, #tpu.memory_space<semaphore_mem>>
      %dma_start3A_374 = tpu.memref_squeeze %dma_start3A_373 : memref<1x!tpu.dma_semaphore, #tpu.memory_space<semaphore_mem>> -> memref<!tpu.dma_semaphore, #tpu.memory_space<semaphore_mem>>
      tpu.enqueue_indirect_dma source(%arg8 : memref<128x64xf32, #tpu.memory_space<vmem>>) target(%dma_start3A_372 : memref<10240x64xf32, #tpu.memory_space<vmem_shared>>) offsets(%dma_start3A_369 : memref<128xi32, #tpu.memory_space<vmem>>) semaphore(%dma_start3A_374 : memref<!tpu.dma_semaphore, #tpu.memory_space<semaphore_mem>>) {add = true}
      %mul3A_375 = arith.constant 5 : i32
      %mul3A_376 = arith.muli %scan3A_314, %mul3A_375 : i32
      %add3A_377 = arith.constant 2 : i32
      %add3A_378 = arith.addi %mul3A_376, %add3A_377 : i32
      %ge3A_379 = arith.constant 1 : i32
      %ge3A_380 = arith.cmpi sge, %scan3A_314, %ge3A_379 : i32
      %convert_element_type3A_381 = arith.extui %ge3A_380 : i1 to i32
      %cond3A_382 = arith.constant 0 : i32
      %cond3A_383 = arith.cmpi ne, %convert_element_type3A_381, %cond3A_382 : i32
      scf.if %cond3A_383 {
        %dma_wait3A_492 = arith.constant 0 : i32
        %dma_wait3A_493 = arith.constant 2 : i32
        %dma_wait3A_494 = arith.constant 0 : i32
        %dma_wait3A_495 = tpu.memref_slice %arg7[%dma_wait3A_492, %dma_wait3A_494] : memref<160x128xi32, #tpu.memory_space<vmem>> -> memref<1x128xi32, #tpu.memory_space<vmem>>
        %dma_wait3A_496 = tpu.memref_squeeze %dma_wait3A_495 : memref<1x128xi32, #tpu.memory_space<vmem>> -> memref<128xi32, #tpu.memory_space<vmem>>
        %dma_wait3A_497 = arith.constant 0 : i32
        %dma_wait3A_498 = arith.constant 0 : i32
        %dma_wait3A_499 = tpu.memref_slice %arg14[%dma_wait3A_497, %dma_wait3A_498] : memref<10240x64xf32, #tpu.memory_space<vmem_shared>> -> memref<10240x64xf32, #tpu.memory_space<vmem_shared>>
        %dma_wait3A_500 = tpu.memref_slice %arg16[%dma_wait3A_493] : memref<5x!tpu.dma_semaphore, #tpu.memory_space<semaphore_mem>> -> memref<1x!tpu.dma_semaphore, #tpu.memory_space<semaphore_mem>>
        %dma_wait3A_501 = tpu.memref_squeeze %dma_wait3A_500 : memref<1x!tpu.dma_semaphore, #tpu.memory_space<semaphore_mem>> -> memref<!tpu.dma_semaphore, #tpu.memory_space<semaphore_mem>>
        tpu.wait_indirect_dma semaphore(%dma_wait3A_501 : memref<!tpu.dma_semaphore, #tpu.memory_space<semaphore_mem>>) src(%arg10 : memref<128x64xf32, #tpu.memory_space<vmem>>) dst(%dma_wait3A_499 : memref<10240x64xf32, #tpu.memory_space<vmem_shared>>)
      } else {
      }
      %dma_start3A_384 = arith.constant 2 : i32
      %dma_start3A_385 = arith.constant 0 : i32
      %dma_start3A_386 = tpu.memref_slice %arg6[%add3A_378, %dma_start3A_385] : memref<160x128xi32, #tpu.memory_space<vmem>> -> memref<1x128xi32, #tpu.memory_space<vmem>>
      %dma_start3A_387 = tpu.memref_squeeze %dma_start3A_386 : memref<1x128xi32, #tpu.memory_space<vmem>> -> memref<128xi32, #tpu.memory_space<vmem>>
      %dma_start3A_388 = arith.constant 0 : i32
      %dma_start3A_389 = arith.constant 0 : i32
      %dma_start3A_390 = tpu.memref_slice %arg4[%dma_start3A_388, %dma_start3A_389] : memref<20000x64xf32, #tpu.memory_space<hbm>> -> memref<20000x64xf32, #tpu.memory_space<hbm>>
      %dma_start3A_391 = tpu.memref_slice %arg15[%dma_start3A_384] : memref<5x!tpu.dma_semaphore, #tpu.memory_space<semaphore_mem>> -> memref<1x!tpu.dma_semaphore, #tpu.memory_space<semaphore_mem>>
      %dma_start3A_392 = tpu.memref_squeeze %dma_start3A_391 : memref<1x!tpu.dma_semaphore, #tpu.memory_space<semaphore_mem>> -> memref<!tpu.dma_semaphore, #tpu.memory_space<semaphore_mem>>
      tpu.enqueue_indirect_dma source(%dma_start3A_390 : memref<20000x64xf32, #tpu.memory_space<hbm>>) target(%arg10 : memref<128x64xf32, #tpu.memory_space<vmem>>) offsets(%dma_start3A_387 : memref<128xi32, #tpu.memory_space<vmem>>) semaphore(%dma_start3A_392 : memref<!tpu.dma_semaphore, #tpu.memory_space<semaphore_mem>>)
      %dma_wait3A_393 = arith.constant 0 : i32
      %dma_wait3A_394 = arith.constant 1 : i32
      %dma_wait3A_395 = arith.constant 0 : i32
      %dma_wait3A_396 = tpu.memref_slice %arg6[%dma_wait3A_393, %dma_wait3A_395] : memref<160x128xi32, #tpu.memory_space<vmem>> -> memref<1x128xi32, #tpu.memory_space<vmem>>
      %dma_wait3A_397 = tpu.memref_squeeze %dma_wait3A_396 : memref<1x128xi32, #tpu.memory_space<vmem>> -> memref<128xi32, #tpu.memory_space<vmem>>
      %dma_wait3A_398 = arith.constant 0 : i32
      %dma_wait3A_399 = arith.constant 0 : i32
      %dma_wait3A_400 = tpu.memref_slice %arg4[%dma_wait3A_398, %dma_wait3A_399] : memref<20000x64xf32, #tpu.memory_space<hbm>> -> memref<20000x64xf32, #tpu.memory_space<hbm>>
      %dma_wait3A_401 = tpu.memref_slice %arg15[%dma_wait3A_394] : memref<5x!tpu.dma_semaphore, #tpu.memory_space<semaphore_mem>> -> memref<1x!tpu.dma_semaphore, #tpu.memory_space<semaphore_mem>>
      %dma_wait3A_402 = tpu.memref_squeeze %dma_wait3A_401 : memref<1x!tpu.dma_semaphore, #tpu.memory_space<semaphore_mem>> -> memref<!tpu.dma_semaphore, #tpu.memory_space<semaphore_mem>>
      tpu.wait_indirect_dma semaphore(%dma_wait3A_402 : memref<!tpu.dma_semaphore, #tpu.memory_space<semaphore_mem>>) src(%dma_wait3A_400 : memref<20000x64xf32, #tpu.memory_space<hbm>>) dst(%arg9 : memref<128x64xf32, #tpu.memory_space<vmem>>)
      %sub3A_403 = arith.constant 1 : i32
      %sub3A_404 = arith.subi %add3A_378, %sub3A_403 : i32
      %dma_start3A_405 = arith.constant 1 : i32
      %dma_start3A_406 = arith.constant 0 : i32
      %dma_start3A_407 = tpu.memref_slice %arg7[%sub3A_404, %dma_start3A_406] : memref<160x128xi32, #tpu.memory_space<vmem>> -> memref<1x128xi32, #tpu.memory_space<vmem>>
      %dma_start3A_408 = tpu.memref_squeeze %dma_start3A_407 : memref<1x128xi32, #tpu.memory_space<vmem>> -> memref<128xi32, #tpu.memory_space<vmem>>
      %dma_start3A_409 = arith.constant 0 : i32
      %dma_start3A_410 = arith.constant 0 : i32
      %dma_start3A_411 = tpu.memref_slice %arg14[%dma_start3A_409, %dma_start3A_410] : memref<10240x64xf32, #tpu.memory_space<vmem_shared>> -> memref<10240x64xf32, #tpu.memory_space<vmem_shared>>
      %dma_start3A_412 = tpu.memref_slice %arg16[%dma_start3A_405] : memref<5x!tpu.dma_semaphore, #tpu.memory_space<semaphore_mem>> -> memref<1x!tpu.dma_semaphore, #tpu.memory_space<semaphore_mem>>
      %dma_start3A_413 = tpu.memref_squeeze %dma_start3A_412 : memref<1x!tpu.dma_semaphore, #tpu.memory_space<semaphore_mem>> -> memref<!tpu.dma_semaphore, #tpu.memory_space<semaphore_mem>>
      tpu.enqueue_indirect_dma source(%arg9 : memref<128x64xf32, #tpu.memory_space<vmem>>) target(%dma_start3A_411 : memref<10240x64xf32, #tpu.memory_space<vmem_shared>>) offsets(%dma_start3A_408 : memref<128xi32, #tpu.memory_space<vmem>>) semaphore(%dma_start3A_413 : memref<!tpu.dma_semaphore, #tpu.memory_space<semaphore_mem>>) {add = true}
      %mul3A_414 = arith.constant 5 : i32
      %mul3A_415 = arith.muli %scan3A_314, %mul3A_414 : i32
      %add3A_416 = arith.constant 3 : i32
      %add3A_417 = arith.addi %mul3A_415, %add3A_416 : i32
      %ge3A_418 = arith.constant 1 : i32
      %ge3A_419 = arith.cmpi sge, %scan3A_314, %ge3A_418 : i32
      %convert_element_type3A_420 = arith.extui %ge3A_419 : i1 to i32
      %cond3A_421 = arith.constant 0 : i32
      %cond3A_422 = arith.cmpi ne, %convert_element_type3A_420, %cond3A_421 : i32
      scf.if %cond3A_422 {
        %dma_wait3A_492 = arith.constant 0 : i32
        %dma_wait3A_493 = arith.constant 3 : i32
        %dma_wait3A_494 = arith.constant 0 : i32
        %dma_wait3A_495 = tpu.memref_slice %arg7[%dma_wait3A_492, %dma_wait3A_494] : memref<160x128xi32, #tpu.memory_space<vmem>> -> memref<1x128xi32, #tpu.memory_space<vmem>>
        %dma_wait3A_496 = tpu.memref_squeeze %dma_wait3A_495 : memref<1x128xi32, #tpu.memory_space<vmem>> -> memref<128xi32, #tpu.memory_space<vmem>>
        %dma_wait3A_497 = arith.constant 0 : i32
        %dma_wait3A_498 = arith.constant 0 : i32
        %dma_wait3A_499 = tpu.memref_slice %arg14[%dma_wait3A_497, %dma_wait3A_498] : memref<10240x64xf32, #tpu.memory_space<vmem_shared>> -> memref<10240x64xf32, #tpu.memory_space<vmem_shared>>
        %dma_wait3A_500 = tpu.memref_slice %arg16[%dma_wait3A_493] : memref<5x!tpu.dma_semaphore, #tpu.memory_space<semaphore_mem>> -> memref<1x!tpu.dma_semaphore, #tpu.memory_space<semaphore_mem>>
        %dma_wait3A_501 = tpu.memref_squeeze %dma_wait3A_500 : memref<1x!tpu.dma_semaphore, #tpu.memory_space<semaphore_mem>> -> memref<!tpu.dma_semaphore, #tpu.memory_space<semaphore_mem>>
        tpu.wait_indirect_dma semaphore(%dma_wait3A_501 : memref<!tpu.dma_semaphore, #tpu.memory_space<semaphore_mem>>) src(%arg11 : memref<128x64xf32, #tpu.memory_space<vmem>>) dst(%dma_wait3A_499 : memref<10240x64xf32, #tpu.memory_space<vmem_shared>>)
      } else {
      }
      %dma_start3A_423 = arith.constant 3 : i32
      %dma_start3A_424 = arith.constant 0 : i32
      %dma_start3A_425 = tpu.memref_slice %arg6[%add3A_417, %dma_start3A_424] : memref<160x128xi32, #tpu.memory_space<vmem>> -> memref<1x128xi32, #tpu.memory_space<vmem>>
      %dma_start3A_426 = tpu.memref_squeeze %dma_start3A_425 : memref<1x128xi32, #tpu.memory_space<vmem>> -> memref<128xi32, #tpu.memory_space<vmem>>
      %dma_start3A_427 = arith.constant 0 : i32
      %dma_start3A_428 = arith.constant 0 : i32
      %dma_start3A_429 = tpu.memref_slice %arg4[%dma_start3A_427, %dma_start3A_428] : memref<20000x64xf32, #tpu.memory_space<hbm>> -> memref<20000x64xf32, #tpu.memory_space<hbm>>
      %dma_start3A_430 = tpu.memref_slice %arg15[%dma_start3A_423] : memref<5x!tpu.dma_semaphore, #tpu.memory_space<semaphore_mem>> -> memref<1x!tpu.dma_semaphore, #tpu.memory_space<semaphore_mem>>
      %dma_start3A_431 = tpu.memref_squeeze %dma_start3A_430 : memref<1x!tpu.dma_semaphore, #tpu.memory_space<semaphore_mem>> -> memref<!tpu.dma_semaphore, #tpu.memory_space<semaphore_mem>>
      tpu.enqueue_indirect_dma source(%dma_start3A_429 : memref<20000x64xf32, #tpu.memory_space<hbm>>) target(%arg11 : memref<128x64xf32, #tpu.memory_space<vmem>>) offsets(%dma_start3A_426 : memref<128xi32, #tpu.memory_space<vmem>>) semaphore(%dma_start3A_431 : memref<!tpu.dma_semaphore, #tpu.memory_space<semaphore_mem>>)
      %dma_wait3A_432 = arith.constant 0 : i32
      %dma_wait3A_433 = arith.constant 2 : i32
      %dma_wait3A_434 = arith.constant 0 : i32
      %dma_wait3A_435 = tpu.memref_slice %arg6[%dma_wait3A_432, %dma_wait3A_434] : memref<160x128xi32, #tpu.memory_space<vmem>> -> memref<1x128xi32, #tpu.memory_space<vmem>>
      %dma_wait3A_436 = tpu.memref_squeeze %dma_wait3A_435 : memref<1x128xi32, #tpu.memory_space<vmem>> -> memref<128xi32, #tpu.memory_space<vmem>>
      %dma_wait3A_437 = arith.constant 0 : i32
      %dma_wait3A_438 = arith.constant 0 : i32
      %dma_wait3A_439 = tpu.memref_slice %arg4[%dma_wait3A_437, %dma_wait3A_438] : memref<20000x64xf32, #tpu.memory_space<hbm>> -> memref<20000x64xf32, #tpu.memory_space<hbm>>
      %dma_wait3A_440 = tpu.memref_slice %arg15[%dma_wait3A_433] : memref<5x!tpu.dma_semaphore, #tpu.memory_space<semaphore_mem>> -> memref<1x!tpu.dma_semaphore, #tpu.memory_space<semaphore_mem>>
      %dma_wait3A_441 = tpu.memref_squeeze %dma_wait3A_440 : memref<1x!tpu.dma_semaphore, #tpu.memory_space<semaphore_mem>> -> memref<!tpu.dma_semaphore, #tpu.memory_space<semaphore_mem>>
      tpu.wait_indirect_dma semaphore(%dma_wait3A_441 : memref<!tpu.dma_semaphore, #tpu.memory_space<semaphore_mem>>) src(%dma_wait3A_439 : memref<20000x64xf32, #tpu.memory_space<hbm>>) dst(%arg10 : memref<128x64xf32, #tpu.memory_space<vmem>>)
      %sub3A_442 = arith.constant 1 : i32
      %sub3A_443 = arith.subi %add3A_417, %sub3A_442 : i32
      %dma_start3A_444 = arith.constant 2 : i32
      %dma_start3A_445 = arith.constant 0 : i32
      %dma_start3A_446 = tpu.memref_slice %arg7[%sub3A_443, %dma_start3A_445] : memref<160x128xi32, #tpu.memory_space<vmem>> -> memref<1x128xi32, #tpu.memory_space<vmem>>
      %dma_start3A_447 = tpu.memref_squeeze %dma_start3A_446 : memref<1x128xi32, #tpu.memory_space<vmem>> -> memref<128xi32, #tpu.memory_space<vmem>>
      %dma_start3A_448 = arith.constant 0 : i32
      %dma_start3A_449 = arith.constant 0 : i32
      %dma_start3A_450 = tpu.memref_slice %arg14[%dma_start3A_448, %dma_start3A_449] : memref<10240x64xf32, #tpu.memory_space<vmem_shared>> -> memref<10240x64xf32, #tpu.memory_space<vmem_shared>>
      %dma_start3A_451 = tpu.memref_slice %arg16[%dma_start3A_444] : memref<5x!tpu.dma_semaphore, #tpu.memory_space<semaphore_mem>> -> memref<1x!tpu.dma_semaphore, #tpu.memory_space<semaphore_mem>>
      %dma_start3A_452 = tpu.memref_squeeze %dma_start3A_451 : memref<1x!tpu.dma_semaphore, #tpu.memory_space<semaphore_mem>> -> memref<!tpu.dma_semaphore, #tpu.memory_space<semaphore_mem>>
      tpu.enqueue_indirect_dma source(%arg10 : memref<128x64xf32, #tpu.memory_space<vmem>>) target(%dma_start3A_450 : memref<10240x64xf32, #tpu.memory_space<vmem_shared>>) offsets(%dma_start3A_447 : memref<128xi32, #tpu.memory_space<vmem>>) semaphore(%dma_start3A_452 : memref<!tpu.dma_semaphore, #tpu.memory_space<semaphore_mem>>) {add = true}
      %mul3A_453 = arith.constant 5 : i32
      %mul3A_454 = arith.muli %scan3A_314, %mul3A_453 : i32
      %add3A_455 = arith.constant 4 : i32
      %add3A_456 = arith.addi %mul3A_454, %add3A_455 : i32
      %ge3A_457 = arith.constant 1 : i32
      %ge3A_458 = arith.cmpi sge, %scan3A_314, %ge3A_457 : i32
      %convert_element_type3A_459 = arith.extui %ge3A_458 : i1 to i32
      %cond3A_460 = arith.constant 0 : i32
      %cond3A_461 = arith.cmpi ne, %convert_element_type3A_459, %cond3A_460 : i32
      scf.if %cond3A_461 {
        %dma_wait3A_492 = arith.constant 0 : i32
        %dma_wait3A_493 = arith.constant 4 : i32
        %dma_wait3A_494 = arith.constant 0 : i32
        %dma_wait3A_495 = tpu.memref_slice %arg7[%dma_wait3A_492, %dma_wait3A_494] : memref<160x128xi32, #tpu.memory_space<vmem>> -> memref<1x128xi32, #tpu.memory_space<vmem>>
        %dma_wait3A_496 = tpu.memref_squeeze %dma_wait3A_495 : memref<1x128xi32, #tpu.memory_space<vmem>> -> memref<128xi32, #tpu.memory_space<vmem>>
        %dma_wait3A_497 = arith.constant 0 : i32
        %dma_wait3A_498 = arith.constant 0 : i32
        %dma_wait3A_499 = tpu.memref_slice %arg14[%dma_wait3A_497, %dma_wait3A_498] : memref<10240x64xf32, #tpu.memory_space<vmem_shared>> -> memref<10240x64xf32, #tpu.memory_space<vmem_shared>>
        %dma_wait3A_500 = tpu.memref_slice %arg16[%dma_wait3A_493] : memref<5x!tpu.dma_semaphore, #tpu.memory_space<semaphore_mem>> -> memref<1x!tpu.dma_semaphore, #tpu.memory_space<semaphore_mem>>
        %dma_wait3A_501 = tpu.memref_squeeze %dma_wait3A_500 : memref<1x!tpu.dma_semaphore, #tpu.memory_space<semaphore_mem>> -> memref<!tpu.dma_semaphore, #tpu.memory_space<semaphore_mem>>
        tpu.wait_indirect_dma semaphore(%dma_wait3A_501 : memref<!tpu.dma_semaphore, #tpu.memory_space<semaphore_mem>>) src(%arg12 : memref<128x64xf32, #tpu.memory_space<vmem>>) dst(%dma_wait3A_499 : memref<10240x64xf32, #tpu.memory_space<vmem_shared>>)
      } else {
      }
      %dma_start3A_462 = arith.constant 4 : i32
      %dma_start3A_463 = arith.constant 0 : i32
      %dma_start3A_464 = tpu.memref_slice %arg6[%add3A_456, %dma_start3A_463] : memref<160x128xi32, #tpu.memory_space<vmem>> -> memref<1x128xi32, #tpu.memory_space<vmem>>
      %dma_start3A_465 = tpu.memref_squeeze %dma_start3A_464 : memref<1x128xi32, #tpu.memory_space<vmem>> -> memref<128xi32, #tpu.memory_space<vmem>>
      %dma_start3A_466 = arith.constant 0 : i32
      %dma_start3A_467 = arith.constant 0 : i32
      %dma_start3A_468 = tpu.memref_slice %arg4[%dma_start3A_466, %dma_start3A_467] : memref<20000x64xf32, #tpu.memory_space<hbm>> -> memref<20000x64xf32, #tpu.memory_space<hbm>>
      %dma_start3A_469 = tpu.memref_slice %arg15[%dma_start3A_462] : memref<5x!tpu.dma_semaphore, #tpu.memory_space<semaphore_mem>> -> memref<1x!tpu.dma_semaphore, #tpu.memory_space<semaphore_mem>>
      %dma_start3A_470 = tpu.memref_squeeze %dma_start3A_469 : memref<1x!tpu.dma_semaphore, #tpu.memory_space<semaphore_mem>> -> memref<!tpu.dma_semaphore, #tpu.memory_space<semaphore_mem>>
      tpu.enqueue_indirect_dma source(%dma_start3A_468 : memref<20000x64xf32, #tpu.memory_space<hbm>>) target(%arg12 : memref<128x64xf32, #tpu.memory_space<vmem>>) offsets(%dma_start3A_465 : memref<128xi32, #tpu.memory_space<vmem>>) semaphore(%dma_start3A_470 : memref<!tpu.dma_semaphore, #tpu.memory_space<semaphore_mem>>)
      %dma_wait3A_471 = arith.constant 0 : i32
      %dma_wait3A_472 = arith.constant 3 : i32
      %dma_wait3A_473 = arith.constant 0 : i32
      %dma_wait3A_474 = tpu.memref_slice %arg6[%dma_wait3A_471, %dma_wait3A_473] : memref<160x128xi32, #tpu.memory_space<vmem>> -> memref<1x128xi32, #tpu.memory_space<vmem>>
      %dma_wait3A_475 = tpu.memref_squeeze %dma_wait3A_474 : memref<1x128xi32, #tpu.memory_space<vmem>> -> memref<128xi32, #tpu.memory_space<vmem>>
      %dma_wait3A_476 = arith.constant 0 : i32
      %dma_wait3A_477 = arith.constant 0 : i32
      %dma_wait3A_478 = tpu.memref_slice %arg4[%dma_wait3A_476, %dma_wait3A_477] : memref<20000x64xf32, #tpu.memory_space<hbm>> -> memref<20000x64xf32, #tpu.memory_space<hbm>>
      %dma_wait3A_479 = tpu.memref_slice %arg15[%dma_wait3A_472] : memref<5x!tpu.dma_semaphore, #tpu.memory_space<semaphore_mem>> -> memref<1x!tpu.dma_semaphore, #tpu.memory_space<semaphore_mem>>
      %dma_wait3A_480 = tpu.memref_squeeze %dma_wait3A_479 : memref<1x!tpu.dma_semaphore, #tpu.memory_space<semaphore_mem>> -> memref<!tpu.dma_semaphore, #tpu.memory_space<semaphore_mem>>
      tpu.wait_indirect_dma semaphore(%dma_wait3A_480 : memref<!tpu.dma_semaphore, #tpu.memory_space<semaphore_mem>>) src(%dma_wait3A_478 : memref<20000x64xf32, #tpu.memory_space<hbm>>) dst(%arg11 : memref<128x64xf32, #tpu.memory_space<vmem>>)
      %sub3A_481 = arith.constant 1 : i32
      %sub3A_482 = arith.subi %add3A_456, %sub3A_481 : i32
      %dma_start3A_483 = arith.constant 3 : i32
      %dma_start3A_484 = arith.constant 0 : i32
      %dma_start3A_485 = tpu.memref_slice %arg7[%sub3A_482, %dma_start3A_484] : memref<160x128xi32, #tpu.memory_space<vmem>> -> memref<1x128xi32, #tpu.memory_space<vmem>>
      %dma_start3A_486 = tpu.memref_squeeze %dma_start3A_485 : memref<1x128xi32, #tpu.memory_space<vmem>> -> memref<128xi32, #tpu.memory_space<vmem>>
      %dma_start3A_487 = arith.constant 0 : i32
      %dma_start3A_488 = arith.constant 0 : i32
      %dma_start3A_489 = tpu.memref_slice %arg14[%dma_start3A_487, %dma_start3A_488] : memref<10240x64xf32, #tpu.memory_space<vmem_shared>> -> memref<10240x64xf32, #tpu.memory_space<vmem_shared>>
      %dma_start3A_490 = tpu.memref_slice %arg16[%dma_start3A_483] : memref<5x!tpu.dma_semaphore, #tpu.memory_space<semaphore_mem>> -> memref<1x!tpu.dma_semaphore, #tpu.memory_space<semaphore_mem>>
      %dma_start3A_491 = tpu.memref_squeeze %dma_start3A_490 : memref<1x!tpu.dma_semaphore, #tpu.memory_space<semaphore_mem>> -> memref<!tpu.dma_semaphore, #tpu.memory_space<semaphore_mem>>
      tpu.enqueue_indirect_dma source(%arg11 : memref<128x64xf32, #tpu.memory_space<vmem>>) target(%dma_start3A_489 : memref<10240x64xf32, #tpu.memory_space<vmem_shared>>) offsets(%dma_start3A_486 : memref<128xi32, #tpu.memory_space<vmem>>) semaphore(%dma_start3A_491 : memref<!tpu.dma_semaphore, #tpu.memory_space<semaphore_mem>>) {add = true}
    }
    %scan3A_236 = arith.constant 32 : i32
    %dma_wait3A_237 = arith.constant 0 : i32
    %dma_wait3A_238 = arith.constant 4 : i32
    %dma_wait3A_239 = arith.constant 0 : i32
    %dma_wait3A_240 = tpu.memref_slice %arg6[%dma_wait3A_237, %dma_wait3A_239] : memref<160x128xi32, #tpu.memory_space<vmem>> -> memref<1x128xi32, #tpu.memory_space<vmem>>
    %dma_wait3A_241 = tpu.memref_squeeze %dma_wait3A_240 : memref<1x128xi32, #tpu.memory_space<vmem>> -> memref<128xi32, #tpu.memory_space<vmem>>
    %dma_wait3A_242 = arith.constant 0 : i32
    %dma_wait3A_243 = arith.constant 0 : i32
    %dma_wait3A_244 = tpu.memref_slice %arg4[%dma_wait3A_242, %dma_wait3A_243] : memref<20000x64xf32, #tpu.memory_space<hbm>> -> memref<20000x64xf32, #tpu.memory_space<hbm>>
    %dma_wait3A_245 = tpu.memref_slice %arg15[%dma_wait3A_238] : memref<5x!tpu.dma_semaphore, #tpu.memory_space<semaphore_mem>> -> memref<1x!tpu.dma_semaphore, #tpu.memory_space<semaphore_mem>>
    %dma_wait3A_246 = tpu.memref_squeeze %dma_wait3A_245 : memref<1x!tpu.dma_semaphore, #tpu.memory_space<semaphore_mem>> -> memref<!tpu.dma_semaphore, #tpu.memory_space<semaphore_mem>>
    tpu.wait_indirect_dma semaphore(%dma_wait3A_246 : memref<!tpu.dma_semaphore, #tpu.memory_space<semaphore_mem>>) src(%dma_wait3A_244 : memref<20000x64xf32, #tpu.memory_space<hbm>>) dst(%arg12 : memref<128x64xf32, #tpu.memory_space<vmem>>)
    %dma_start3A_247 = arith.constant 159 : i32
    %dma_start3A_248 = arith.constant 4 : i32
    %dma_start3A_249 = arith.constant 0 : i32
    %dma_start3A_250 = tpu.memref_slice %arg7[%dma_start3A_247, %dma_start3A_249] : memref<160x128xi32, #tpu.memory_space<vmem>> -> memref<1x128xi32, #tpu.memory_space<vmem>>
    %dma_start3A_251 = tpu.memref_squeeze %dma_start3A_250 : memref<1x128xi32, #tpu.memory_space<vmem>> -> memref<128xi32, #tpu.memory_space<vmem>>
    %dma_start3A_252 = arith.constant 0 : i32
    %dma_start3A_253 = arith.constant 0 : i32
    %dma_start3A_254 = tpu.memref_slice %arg14[%dma_start3A_252, %dma_start3A_253] : memref<10240x64xf32, #tpu.memory_space<vmem_shared>> -> memref<10240x64xf32, #tpu.memory_space<vmem_shared>>
    %dma_start3A_255 = tpu.memref_slice %arg16[%dma_start3A_248] : memref<5x!tpu.dma_semaphore, #tpu.memory_space<semaphore_mem>> -> memref<1x!tpu.dma_semaphore, #tpu.memory_space<semaphore_mem>>
    %dma_start3A_256 = tpu.memref_squeeze %dma_start3A_255 : memref<1x!tpu.dma_semaphore, #tpu.memory_space<semaphore_mem>> -> memref<!tpu.dma_semaphore, #tpu.memory_space<semaphore_mem>>
    tpu.enqueue_indirect_dma source(%arg12 : memref<128x64xf32, #tpu.memory_space<vmem>>) target(%dma_start3A_254 : memref<10240x64xf32, #tpu.memory_space<vmem_shared>>) offsets(%dma_start3A_251 : memref<128xi32, #tpu.memory_space<vmem>>) semaphore(%dma_start3A_256 : memref<!tpu.dma_semaphore, #tpu.memory_space<semaphore_mem>>) {add = true}
    %dma_wait3A_257 = arith.constant 0 : i32
    %dma_wait3A_258 = arith.constant 0 : i32
    %dma_wait3A_259 = arith.constant 0 : i32
    %dma_wait3A_260 = tpu.memref_slice %arg7[%dma_wait3A_257, %dma_wait3A_259] : memref<160x128xi32, #tpu.memory_space<vmem>> -> memref<1x128xi32, #tpu.memory_space<vmem>>
    %dma_wait3A_261 = tpu.memref_squeeze %dma_wait3A_260 : memref<1x128xi32, #tpu.memory_space<vmem>> -> memref<128xi32, #tpu.memory_space<vmem>>
    %dma_wait3A_262 = arith.constant 0 : i32
    %dma_wait3A_263 = arith.constant 0 : i32
    %dma_wait3A_264 = tpu.memref_slice %arg14[%dma_wait3A_262, %dma_wait3A_263] : memref<10240x64xf32, #tpu.memory_space<vmem_shared>> -> memref<10240x64xf32, #tpu.memory_space<vmem_shared>>
    %dma_wait3A_265 = tpu.memref_slice %arg16[%dma_wait3A_258] : memref<5x!tpu.dma_semaphore, #tpu.memory_space<semaphore_mem>> -> memref<1x!tpu.dma_semaphore, #tpu.memory_space<semaphore_mem>>
    %dma_wait3A_266 = tpu.memref_squeeze %dma_wait3A_265 : memref<1x!tpu.dma_semaphore, #tpu.memory_space<semaphore_mem>> -> memref<!tpu.dma_semaphore, #tpu.memory_space<semaphore_mem>>
    tpu.wait_indirect_dma semaphore(%dma_wait3A_266 : memref<!tpu.dma_semaphore, #tpu.memory_space<semaphore_mem>>) src(%arg8 : memref<128x64xf32, #tpu.memory_space<vmem>>) dst(%dma_wait3A_264 : memref<10240x64xf32, #tpu.memory_space<vmem_shared>>)
    %dma_wait3A_267 = arith.constant 0 : i32
    %dma_wait3A_268 = arith.constant 1 : i32
    %dma_wait3A_269 = arith.constant 0 : i32
    %dma_wait3A_270 = tpu.memref_slice %arg7[%dma_wait3A_267, %dma_wait3A_269] : memref<160x128xi32, #tpu.memory_space<vmem>> -> memref<1x128xi32, #tpu.memory_space<vmem>>
    %dma_wait3A_271 = tpu.memref_squeeze %dma_wait3A_270 : memref<1x128xi32, #tpu.memory_space<vmem>> -> memref<128xi32, #tpu.memory_space<vmem>>
    %dma_wait3A_272 = arith.constant 0 : i32
    %dma_wait3A_273 = arith.constant 0 : i32
    %dma_wait3A_274 = tpu.memref_slice %arg14[%dma_wait3A_272, %dma_wait3A_273] : memref<10240x64xf32, #tpu.memory_space<vmem_shared>> -> memref<10240x64xf32, #tpu.memory_space<vmem_shared>>
    %dma_wait3A_275 = tpu.memref_slice %arg16[%dma_wait3A_268] : memref<5x!tpu.dma_semaphore, #tpu.memory_space<semaphore_mem>> -> memref<1x!tpu.dma_semaphore, #tpu.memory_space<semaphore_mem>>
    %dma_wait3A_276 = tpu.memref_squeeze %dma_wait3A_275 : memref<1x!tpu.dma_semaphore, #tpu.memory_space<semaphore_mem>> -> memref<!tpu.dma_semaphore, #tpu.memory_space<semaphore_mem>>
    tpu.wait_indirect_dma semaphore(%dma_wait3A_276 : memref<!tpu.dma_semaphore, #tpu.memory_space<semaphore_mem>>) src(%arg9 : memref<128x64xf32, #tpu.memory_space<vmem>>) dst(%dma_wait3A_274 : memref<10240x64xf32, #tpu.memory_space<vmem_shared>>)
    %dma_wait3A_277 = arith.constant 0 : i32
    %dma_wait3A_278 = arith.constant 2 : i32
    %dma_wait3A_279 = arith.constant 0 : i32
    %dma_wait3A_280 = tpu.memref_slice %arg7[%dma_wait3A_277, %dma_wait3A_279] : memref<160x128xi32, #tpu.memory_space<vmem>> -> memref<1x128xi32, #tpu.memory_space<vmem>>
    %dma_wait3A_281 = tpu.memref_squeeze %dma_wait3A_280 : memref<1x128xi32, #tpu.memory_space<vmem>> -> memref<128xi32, #tpu.memory_space<vmem>>
    %dma_wait3A_282 = arith.constant 0 : i32
    %dma_wait3A_283 = arith.constant 0 : i32
    %dma_wait3A_284 = tpu.memref_slice %arg14[%dma_wait3A_282, %dma_wait3A_283] : memref<10240x64xf32, #tpu.memory_space<vmem_shared>> -> memref<10240x64xf32, #tpu.memory_space<vmem_shared>>
    %dma_wait3A_285 = tpu.memref_slice %arg16[%dma_wait3A_278] : memref<5x!tpu.dma_semaphore, #tpu.memory_space<semaphore_mem>> -> memref<1x!tpu.dma_semaphore, #tpu.memory_space<semaphore_mem>>
    %dma_wait3A_286 = tpu.memref_squeeze %dma_wait3A_285 : memref<1x!tpu.dma_semaphore, #tpu.memory_space<semaphore_mem>> -> memref<!tpu.dma_semaphore, #tpu.memory_space<semaphore_mem>>
    tpu.wait_indirect_dma semaphore(%dma_wait3A_286 : memref<!tpu.dma_semaphore, #tpu.memory_space<semaphore_mem>>) src(%arg10 : memref<128x64xf32, #tpu.memory_space<vmem>>) dst(%dma_wait3A_284 : memref<10240x64xf32, #tpu.memory_space<vmem_shared>>)
    %dma_wait3A_287 = arith.constant 0 : i32
    %dma_wait3A_288 = arith.constant 3 : i32
    %dma_wait3A_289 = arith.constant 0 : i32
    %dma_wait3A_290 = tpu.memref_slice %arg7[%dma_wait3A_287, %dma_wait3A_289] : memref<160x128xi32, #tpu.memory_space<vmem>> -> memref<1x128xi32, #tpu.memory_space<vmem>>
    %dma_wait3A_291 = tpu.memref_squeeze %dma_wait3A_290 : memref<1x128xi32, #tpu.memory_space<vmem>> -> memref<128xi32, #tpu.memory_space<vmem>>
    %dma_wait3A_292 = arith.constant 0 : i32
    %dma_wait3A_293 = arith.constant 0 : i32
    %dma_wait3A_294 = tpu.memref_slice %arg14[%dma_wait3A_292, %dma_wait3A_293] : memref<10240x64xf32, #tpu.memory_space<vmem_shared>> -> memref<10240x64xf32, #tpu.memory_space<vmem_shared>>
    %dma_wait3A_295 = tpu.memref_slice %arg16[%dma_wait3A_288] : memref<5x!tpu.dma_semaphore, #tpu.memory_space<semaphore_mem>> -> memref<1x!tpu.dma_semaphore, #tpu.memory_space<semaphore_mem>>
    %dma_wait3A_296 = tpu.memref_squeeze %dma_wait3A_295 : memref<1x!tpu.dma_semaphore, #tpu.memory_space<semaphore_mem>> -> memref<!tpu.dma_semaphore, #tpu.memory_space<semaphore_mem>>
    tpu.wait_indirect_dma semaphore(%dma_wait3A_296 : memref<!tpu.dma_semaphore, #tpu.memory_space<semaphore_mem>>) src(%arg11 : memref<128x64xf32, #tpu.memory_space<vmem>>) dst(%dma_wait3A_294 : memref<10240x64xf32, #tpu.memory_space<vmem_shared>>)
    %dma_wait3A_297 = arith.constant 0 : i32
    %dma_wait3A_298 = arith.constant 4 : i32
    %dma_wait3A_299 = arith.constant 0 : i32
    %dma_wait3A_300 = tpu.memref_slice %arg7[%dma_wait3A_297, %dma_wait3A_299] : memref<160x128xi32, #tpu.memory_space<vmem>> -> memref<1x128xi32, #tpu.memory_space<vmem>>
    %dma_wait3A_301 = tpu.memref_squeeze %dma_wait3A_300 : memref<1x128xi32, #tpu.memory_space<vmem>> -> memref<128xi32, #tpu.memory_space<vmem>>
    %dma_wait3A_302 = arith.constant 0 : i32
    %dma_wait3A_303 = arith.constant 0 : i32
    %dma_wait3A_304 = tpu.memref_slice %arg14[%dma_wait3A_302, %dma_wait3A_303] : memref<10240x64xf32, #tpu.memory_space<vmem_shared>> -> memref<10240x64xf32, #tpu.memory_space<vmem_shared>>
    %dma_wait3A_305 = tpu.memref_slice %arg16[%dma_wait3A_298] : memref<5x!tpu.dma_semaphore, #tpu.memory_space<semaphore_mem>> -> memref<1x!tpu.dma_semaphore, #tpu.memory_space<semaphore_mem>>
    %dma_wait3A_306 = tpu.memref_squeeze %dma_wait3A_305 : memref<1x!tpu.dma_semaphore, #tpu.memory_space<semaphore_mem>> -> memref<!tpu.dma_semaphore, #tpu.memory_space<semaphore_mem>>
    tpu.wait_indirect_dma semaphore(%dma_wait3A_306 : memref<!tpu.dma_semaphore, #tpu.memory_space<semaphore_mem>>) src(%arg12 : memref<128x64xf32, #tpu.memory_space<vmem>>) dst(%dma_wait3A_304 : memref<10240x64xf32, #tpu.memory_space<vmem_shared>>)
    %barrier3A_307 = arith.constant 0 : index
    tpu.barrier barrier_id(%barrier3A_307)
    %lt3A = arith.constant 15 : i32
    %lt3A_308 = arith.cmpi slt, %arg1, %lt3A : i32
    %convert_element_type3A = arith.extui %lt3A_308 : i1 to i32
    %cond3A = arith.constant 0 : i32
    %cond3A_309 = arith.cmpi ne, %convert_element_type3A, %cond3A : i32
    scf.if %cond3A_309 {
      %mul3A_314 = arith.constant 640 : i32
      %mul3A_315 = arith.muli %arg1, %mul3A_314 : i32
      %mul3A_316 = arith.constant 640 : i32
      %mul3A_317 = arith.muli %arg1, %mul3A_316 : i32
      "tpu.region"() ({
        %run_scoped3A = tpu.sem_alloc : memref<!tpu.dma_semaphore, #tpu.memory_space<semaphore_mem>>
        %dma_start3A_318 = arith.constant 0 : i32
        %dma_start3A_319 = arith.constant 0 : i32
        %dma_start3A_320 = tpu.memref_slice %arg5[%arg0, %dma_start3A_318, %dma_start3A_319] : memref<2x10000x64xf32, #tpu.memory_space<hbm>> -> memref<1x10000x64xf32, #tpu.memory_space<hbm>>
        %dma_start3A_321 = tpu.memref_squeeze %dma_start3A_320 : memref<1x10000x64xf32, #tpu.memory_space<hbm>> -> memref<10000x64xf32, #tpu.memory_space<hbm>>
        %dma_start3A_322 = arith.constant 0 : i32
        %dma_start3A_323 = tpu.memref_slice %dma_start3A_321[%mul3A_317, %dma_start3A_322] : memref<10000x64xf32, #tpu.memory_space<hbm>> -> memref<640x64xf32, #tpu.memory_space<hbm>>
        %dma_start3A_324 = arith.constant 0 : i32
        %dma_start3A_325 = tpu.memref_slice %arg14[%mul3A_315, %dma_start3A_324] : memref<10240x64xf32, #tpu.memory_space<vmem_shared>> -> memref<640x64xf32, #tpu.memory_space<vmem_shared>>
        tpu.enqueue_dma source(%dma_start3A_325 : memref<640x64xf32, #tpu.memory_space<vmem_shared>>) target(%dma_start3A_323 : memref<640x64xf32, #tpu.memory_space<hbm>>) target_semaphore(%run_scoped3A : memref<!tpu.dma_semaphore, #tpu.memory_space<semaphore_mem>>)
        %dma_wait3A_326 = arith.constant 0 : i32
        %dma_wait3A_327 = arith.constant 0 : i32
        %dma_wait3A_328 = tpu.memref_slice %arg5[%arg0, %dma_wait3A_326, %dma_wait3A_327] : memref<2x10000x64xf32, #tpu.memory_space<hbm>> -> memref<1x10000x64xf32, #tpu.memory_space<hbm>>
        %dma_wait3A_329 = tpu.memref_squeeze %dma_wait3A_328 : memref<1x10000x64xf32, #tpu.memory_space<hbm>> -> memref<10000x64xf32, #tpu.memory_space<hbm>>
        %dma_wait3A_330 = arith.constant 0 : i32
        %dma_wait3A_331 = tpu.memref_slice %dma_wait3A_329[%mul3A_317, %dma_wait3A_330] : memref<10000x64xf32, #tpu.memory_space<hbm>> -> memref<640x64xf32, #tpu.memory_space<hbm>>
        %dma_wait3A_332 = arith.constant 0 : i32
        %dma_wait3A_333 = tpu.memref_slice %arg14[%mul3A_315, %dma_wait3A_332] : memref<10240x64xf32, #tpu.memory_space<vmem_shared>> -> memref<640x64xf32, #tpu.memory_space<vmem_shared>>
        tpu.wait_dma2 semaphore(%run_scoped3A : memref<!tpu.dma_semaphore, #tpu.memory_space<semaphore_mem>>) src(%dma_wait3A_333 : memref<640x64xf32, #tpu.memory_space<vmem_shared>>) dst(%dma_wait3A_331 : memref<640x64xf32, #tpu.memory_space<hbm>>)
        tpu.yield
      }) : () -> ()
    } else {
    }
    %eq3A = arith.constant 15 : i32
    %eq3A_310 = arith.cmpi eq, %arg1, %eq3A : i32
    %convert_element_type3A_311 = arith.extui %eq3A_310 : i1 to i32
    %cond3A_312 = arith.constant 0 : i32
    %cond3A_313 = arith.cmpi ne, %convert_element_type3A_311, %cond3A_312 : i32
    scf.if %cond3A_313 {
      "tpu.region"() ({
        %run_scoped3A = tpu.sem_alloc : memref<!tpu.dma_semaphore, #tpu.memory_space<semaphore_mem>>
        %dma_start3A_314 = arith.constant 0 : i32
        %dma_start3A_315 = arith.constant 0 : i32
        %dma_start3A_316 = tpu.memref_slice %arg5[%arg0, %dma_start3A_314, %dma_start3A_315] : memref<2x10000x64xf32, #tpu.memory_space<hbm>> -> memref<1x10000x64xf32, #tpu.memory_space<hbm>>
        %dma_start3A_317 = tpu.memref_squeeze %dma_start3A_316 : memref<1x10000x64xf32, #tpu.memory_space<hbm>> -> memref<10000x64xf32, #tpu.memory_space<hbm>>
        %dma_start3A_318 = arith.constant 9600 : i32
        %dma_start3A_319 = arith.constant 0 : i32
        %dma_start3A_320 = tpu.memref_slice %dma_start3A_317[%dma_start3A_318, %dma_start3A_319] : memref<10000x64xf32, #tpu.memory_space<hbm>> -> memref<400x64xf32, #tpu.memory_space<hbm>>
        %dma_start3A_321 = arith.constant 9600 : i32
        %dma_start3A_322 = arith.constant 0 : i32
        %dma_start3A_323 = tpu.memref_slice %arg14[%dma_start3A_321, %dma_start3A_322] : memref<10240x64xf32, #tpu.memory_space<vmem_shared>> -> memref<400x64xf32, #tpu.memory_space<vmem_shared>>
        tpu.enqueue_dma source(%dma_start3A_323 : memref<400x64xf32, #tpu.memory_space<vmem_shared>>) target(%dma_start3A_320 : memref<400x64xf32, #tpu.memory_space<hbm>>) target_semaphore(%run_scoped3A : memref<!tpu.dma_semaphore, #tpu.memory_space<semaphore_mem>>)
        %dma_wait3A_324 = arith.constant 0 : i32
        %dma_wait3A_325 = arith.constant 0 : i32
        %dma_wait3A_326 = tpu.memref_slice %arg5[%arg0, %dma_wait3A_324, %dma_wait3A_325] : memref<2x10000x64xf32, #tpu.memory_space<hbm>> -> memref<1x10000x64xf32, #tpu.memory_space<hbm>>
        %dma_wait3A_327 = tpu.memref_squeeze %dma_wait3A_326 : memref<1x10000x64xf32, #tpu.memory_space<hbm>> -> memref<10000x64xf32, #tpu.memory_space<hbm>>
        %dma_wait3A_328 = arith.constant 9600 : i32
        %dma_wait3A_329 = arith.constant 0 : i32
        %dma_wait3A_330 = tpu.memref_slice %dma_wait3A_327[%dma_wait3A_328, %dma_wait3A_329] : memref<10000x64xf32, #tpu.memory_space<hbm>> -> memref<400x64xf32, #tpu.memory_space<hbm>>
        %dma_wait3A_331 = arith.constant 9600 : i32
        %dma_wait3A_332 = arith.constant 0 : i32
        %dma_wait3A_333 = tpu.memref_slice %arg14[%dma_wait3A_331, %dma_wait3A_332] : memref<10240x64xf32, #tpu.memory_space<vmem_shared>> -> memref<400x64xf32, #tpu.memory_space<vmem_shared>>
        tpu.wait_dma2 semaphore(%run_scoped3A : memref<!tpu.dma_semaphore, #tpu.memory_space<semaphore_mem>>) src(%dma_wait3A_333 : memref<400x64xf32, #tpu.memory_space<vmem_shared>>) dst(%dma_wait3A_330 : memref<400x64xf32, #tpu.memory_space<hbm>>)
        tpu.yield
      }) : () -> ()
    } else {
    }
    return
  }
}

#map = affine_map<(d0, d1) -> (0, 0, 0)>
module attributes {stable_mosaic.version = 14 : i64} {
  func.func @_deg_body(%arg0: i32, %arg1: i32, %arg2: memref<32x80x128xi32, #tpu.memory_space<hbm>>, %arg3: memref<2x10000x16xf32, #tpu.memory_space<hbm>>, %arg4: memref<80x128xi32, #tpu.memory_space<vmem>>, %arg5: memref<128x16xf32, #tpu.memory_space<vmem>>, %arg6: memref<64x16xf32, #tpu.memory_space<vmem>>, %arg7: memref<10240x16xf32, #tpu.memory_space<vmem_shared>>, %arg8: memref<5x!tpu.dma_semaphore, #tpu.memory_space<semaphore_mem>>) attributes {dimension_semantics = [#tpu.dimension_semantics<core_parallel>, #tpu.dimension_semantics<subcore_parallel>], iteration_bounds = array<i64: 2, 16>, scalar_prefetch = 0 : i64, scratch_operands = 5 : i64, tpu.core_type = #tpu.core_type<sc_vector_subcore>, window_params = [{transform_indices = #map}, {transform_indices = #map}]} {
    %mul3A = arith.constant 16 : i32
    %mul3A_0 = arith.muli %arg0, %mul3A : i32
    %add3A = arith.addi %mul3A_0, %arg1 : i32
    %scan3A = arith.constant 0 : i32
    %scan3A_1 = arith.constant 0 : i32
    %scan3A_2 = arith.constant 64 : i32
    %scan3A_3 = arith.addi %scan3A_1, %scan3A_2 : i32
    %scan3A_4 = arith.constant 1 : i32
    scf.for %scan3A_275 = %scan3A_1 to %scan3A_3 step %scan3A_4  : i32 {
      %broadcast_in_dim3A = arith.constant 0.000000e+00 : f32
      %broadcast_in_dim3A_276 = vector.broadcast %broadcast_in_dim3A : f32 to vector<16xf32>
      %swap3A = arith.index_cast %scan3A_275 : i32 to index
      %swap3A_277 = arith.constant 0 : index
      %swap3A_278 = tpu.vector_load %arg6[%swap3A, %swap3A_277] {strides = array<i32>} : memref<64x16xf32, #tpu.memory_space<vmem>>, vector<1x16xf32>,
      %swap3A_279 = vector.shape_cast %swap3A_278 : vector<1x16xf32> to vector<16xf32>
      %swap3A_280 = vector.shape_cast %broadcast_in_dim3A_276 : vector<16xf32> to vector<1x16xf32>
      tpu.vector_store %arg6[%swap3A, %swap3A_277], %swap3A_280 {strides = array<i32>} : memref<64x16xf32, #tpu.memory_space<vmem>>, vector<1x16xf32>,
    }
    %scan3A_5 = arith.constant 64 : i32
    %scan3A_6 = arith.constant 0 : i32
    %scan3A_7 = arith.constant 0 : i32
    %scan3A_8 = arith.constant 128 : i32
    %scan3A_9 = arith.addi %scan3A_7, %scan3A_8 : i32
    %scan3A_10 = arith.constant 1 : i32
    scf.for %scan3A_275 = %scan3A_7 to %scan3A_9 step %scan3A_10  : i32 {
      %broadcast_in_dim3A = arith.constant 1.000000e+00 : f32
      %broadcast_in_dim3A_276 = vector.broadcast %broadcast_in_dim3A : f32 to vector<16xf32>
      %swap3A = arith.index_cast %scan3A_275 : i32 to index
      %swap3A_277 = arith.constant 0 : index
      %swap3A_278 = tpu.vector_load %arg5[%swap3A, %swap3A_277] {strides = array<i32>} : memref<128x16xf32, #tpu.memory_space<vmem>>, vector<1x16xf32>,
      %swap3A_279 = vector.shape_cast %swap3A_278 : vector<1x16xf32> to vector<16xf32>
      %swap3A_280 = vector.shape_cast %broadcast_in_dim3A_276 : vector<16xf32> to vector<1x16xf32>
      tpu.vector_store %arg5[%swap3A, %swap3A_277], %swap3A_280 {strides = array<i32>} : memref<128x16xf32, #tpu.memory_space<vmem>>, vector<1x16xf32>,
    }
    %scan3A_11 = arith.constant 128 : i32
    %dma_start3A = arith.constant 0 : i32
    %dma_start3A_12 = arith.constant 0 : i32
    %dma_start3A_13 = arith.constant 0 : i32
    %dma_start3A_14 = tpu.memref_slice %arg2[%add3A, %dma_start3A_12, %dma_start3A_13] : memref<32x80x128xi32, #tpu.memory_space<hbm>> -> memref<1x80x128xi32, #tpu.memory_space<hbm>>
    %dma_start3A_15 = tpu.memref_squeeze %dma_start3A_14 : memref<1x80x128xi32, #tpu.memory_space<hbm>> -> memref<80x128xi32, #tpu.memory_space<hbm>>
    %dma_start3A_16 = tpu.memref_slice %arg8[%dma_start3A] : memref<5x!tpu.dma_semaphore, #tpu.memory_space<semaphore_mem>> -> memref<1x!tpu.dma_semaphore, #tpu.memory_space<semaphore_mem>>
    %dma_start3A_17 = tpu.memref_squeeze %dma_start3A_16 : memref<1x!tpu.dma_semaphore, #tpu.memory_space<semaphore_mem>> -> memref<!tpu.dma_semaphore, #tpu.memory_space<semaphore_mem>>
    %dma_start3A_18 = arith.constant 0 : i32
    %dma_start3A_19 = arith.constant 0 : i32
    %dma_start3A_20 = tpu.memref_slice %arg2[%add3A, %dma_start3A_18, %dma_start3A_19] : memref<32x80x128xi32, #tpu.memory_space<hbm>> -> memref<1x80x128xi32, #tpu.memory_space<hbm>>
    %dma_start3A_21 = tpu.memref_squeeze %dma_start3A_20 : memref<1x80x128xi32, #tpu.memory_space<hbm>> -> memref<80x128xi32, #tpu.memory_space<hbm>>
    tpu.enqueue_dma source(%dma_start3A_21 : memref<80x128xi32, #tpu.memory_space<hbm>>) target(%arg4 : memref<80x128xi32, #tpu.memory_space<vmem>>) target_semaphore(%dma_start3A_17 : memref<!tpu.dma_semaphore, #tpu.memory_space<semaphore_mem>>)
    %mul3A_22 = arith.constant 640 : i32
    %mul3A_23 = arith.muli %arg1, %mul3A_22 : i32
    %add3A_24 = arith.constant 0 : i32
    %add3A_25 = arith.addi %mul3A_23, %add3A_24 : i32
    %dma_start3A_26 = arith.constant 1 : i32
    %dma_start3A_27 = arith.constant 0 : i32
    %dma_start3A_28 = tpu.memref_slice %arg7[%add3A_25, %dma_start3A_27] : memref<10240x16xf32, #tpu.memory_space<vmem_shared>> -> memref<64x16xf32, #tpu.memory_space<vmem_shared>>
    %dma_start3A_29 = tpu.memref_slice %arg8[%dma_start3A_26] : memref<5x!tpu.dma_semaphore, #tpu.memory_space<semaphore_mem>> -> memref<1x!tpu.dma_semaphore, #tpu.memory_space<semaphore_mem>>
    %dma_start3A_30 = tpu.memref_squeeze %dma_start3A_29 : memref<1x!tpu.dma_semaphore, #tpu.memory_space<semaphore_mem>> -> memref<!tpu.dma_semaphore, #tpu.memory_space<semaphore_mem>>
    %dma_start3A_31 = arith.constant 0 : i32
    %dma_start3A_32 = tpu.memref_slice %arg7[%add3A_25, %dma_start3A_31] : memref<10240x16xf32, #tpu.memory_space<vmem_shared>> -> memref<64x16xf32, #tpu.memory_space<vmem_shared>>
    tpu.enqueue_dma source(%arg6 : memref<64x16xf32, #tpu.memory_space<vmem>>) target(%dma_start3A_32 : memref<64x16xf32, #tpu.memory_space<vmem_shared>>) target_semaphore(%dma_start3A_30 : memref<!tpu.dma_semaphore, #tpu.memory_space<semaphore_mem>>)
    %mul3A_33 = arith.constant 640 : i32
    %mul3A_34 = arith.muli %arg1, %mul3A_33 : i32
    %add3A_35 = arith.constant 64 : i32
    %add3A_36 = arith.addi %mul3A_34, %add3A_35 : i32
    %dma_start3A_37 = arith.constant 2 : i32
    %dma_start3A_38 = arith.constant 0 : i32
    %dma_start3A_39 = tpu.memref_slice %arg7[%add3A_36, %dma_start3A_38] : memref<10240x16xf32, #tpu.memory_space<vmem_shared>> -> memref<64x16xf32, #tpu.memory_space<vmem_shared>>
    %dma_start3A_40 = tpu.memref_slice %arg8[%dma_start3A_37] : memref<5x!tpu.dma_semaphore, #tpu.memory_space<semaphore_mem>> -> memref<1x!tpu.dma_semaphore, #tpu.memory_space<semaphore_mem>>
    %dma_start3A_41 = tpu.memref_squeeze %dma_start3A_40 : memref<1x!tpu.dma_semaphore, #tpu.memory_space<semaphore_mem>> -> memref<!tpu.dma_semaphore, #tpu.memory_space<semaphore_mem>>
    %dma_start3A_42 = arith.constant 0 : i32
    %dma_start3A_43 = tpu.memref_slice %arg7[%add3A_36, %dma_start3A_42] : memref<10240x16xf32, #tpu.memory_space<vmem_shared>> -> memref<64x16xf32, #tpu.memory_space<vmem_shared>>
    tpu.enqueue_dma source(%arg6 : memref<64x16xf32, #tpu.memory_space<vmem>>) target(%dma_start3A_43 : memref<64x16xf32, #tpu.memory_space<vmem_shared>>) target_semaphore(%dma_start3A_41 : memref<!tpu.dma_semaphore, #tpu.memory_space<semaphore_mem>>)
    %mul3A_44 = arith.constant 640 : i32
    %mul3A_45 = arith.muli %arg1, %mul3A_44 : i32
    %add3A_46 = arith.constant 128 : i32
    %add3A_47 = arith.addi %mul3A_45, %add3A_46 : i32
    %dma_start3A_48 = arith.constant 3 : i32
    %dma_start3A_49 = arith.constant 0 : i32
    %dma_start3A_50 = tpu.memref_slice %arg7[%add3A_47, %dma_start3A_49] : memref<10240x16xf32, #tpu.memory_space<vmem_shared>> -> memref<64x16xf32, #tpu.memory_space<vmem_shared>>
    %dma_start3A_51 = tpu.memref_slice %arg8[%dma_start3A_48] : memref<5x!tpu.dma_semaphore, #tpu.memory_space<semaphore_mem>> -> memref<1x!tpu.dma_semaphore, #tpu.memory_space<semaphore_mem>>
    %dma_start3A_52 = tpu.memref_squeeze %dma_start3A_51 : memref<1x!tpu.dma_semaphore, #tpu.memory_space<semaphore_mem>> -> memref<!tpu.dma_semaphore, #tpu.memory_space<semaphore_mem>>
    %dma_start3A_53 = arith.constant 0 : i32
    %dma_start3A_54 = tpu.memref_slice %arg7[%add3A_47, %dma_start3A_53] : memref<10240x16xf32, #tpu.memory_space<vmem_shared>> -> memref<64x16xf32, #tpu.memory_space<vmem_shared>>
    tpu.enqueue_dma source(%arg6 : memref<64x16xf32, #tpu.memory_space<vmem>>) target(%dma_start3A_54 : memref<64x16xf32, #tpu.memory_space<vmem_shared>>) target_semaphore(%dma_start3A_52 : memref<!tpu.dma_semaphore, #tpu.memory_space<semaphore_mem>>)
    %mul3A_55 = arith.constant 640 : i32
    %mul3A_56 = arith.muli %arg1, %mul3A_55 : i32
    %add3A_57 = arith.constant 192 : i32
    %add3A_58 = arith.addi %mul3A_56, %add3A_57 : i32
    %dma_start3A_59 = arith.constant 4 : i32
    %dma_start3A_60 = arith.constant 0 : i32
    %dma_start3A_61 = tpu.memref_slice %arg7[%add3A_58, %dma_start3A_60] : memref<10240x16xf32, #tpu.memory_space<vmem_shared>> -> memref<64x16xf32, #tpu.memory_space<vmem_shared>>
    %dma_start3A_62 = tpu.memref_slice %arg8[%dma_start3A_59] : memref<5x!tpu.dma_semaphore, #tpu.memory_space<semaphore_mem>> -> memref<1x!tpu.dma_semaphore, #tpu.memory_space<semaphore_mem>>
    %dma_start3A_63 = tpu.memref_squeeze %dma_start3A_62 : memref<1x!tpu.dma_semaphore, #tpu.memory_space<semaphore_mem>> -> memref<!tpu.dma_semaphore, #tpu.memory_space<semaphore_mem>>
    %dma_start3A_64 = arith.constant 0 : i32
    %dma_start3A_65 = tpu.memref_slice %arg7[%add3A_58, %dma_start3A_64] : memref<10240x16xf32, #tpu.memory_space<vmem_shared>> -> memref<64x16xf32, #tpu.memory_space<vmem_shared>>
    tpu.enqueue_dma source(%arg6 : memref<64x16xf32, #tpu.memory_space<vmem>>) target(%dma_start3A_65 : memref<64x16xf32, #tpu.memory_space<vmem_shared>>) target_semaphore(%dma_start3A_63 : memref<!tpu.dma_semaphore, #tpu.memory_space<semaphore_mem>>)
    %mul3A_66 = arith.constant 640 : i32
    %mul3A_67 = arith.muli %arg1, %mul3A_66 : i32
    %add3A_68 = arith.constant 256 : i32
    %add3A_69 = arith.addi %mul3A_67, %add3A_68 : i32
    %dma_start3A_70 = arith.constant 1 : i32
    %dma_start3A_71 = arith.constant 0 : i32
    %dma_start3A_72 = tpu.memref_slice %arg7[%add3A_69, %dma_start3A_71] : memref<10240x16xf32, #tpu.memory_space<vmem_shared>> -> memref<64x16xf32, #tpu.memory_space<vmem_shared>>
    %dma_start3A_73 = tpu.memref_slice %arg8[%dma_start3A_70] : memref<5x!tpu.dma_semaphore, #tpu.memory_space<semaphore_mem>> -> memref<1x!tpu.dma_semaphore, #tpu.memory_space<semaphore_mem>>
    %dma_start3A_74 = tpu.memref_squeeze %dma_start3A_73 : memref<1x!tpu.dma_semaphore, #tpu.memory_space<semaphore_mem>> -> memref<!tpu.dma_semaphore, #tpu.memory_space<semaphore_mem>>
    %dma_start3A_75 = arith.constant 0 : i32
    %dma_start3A_76 = tpu.memref_slice %arg7[%add3A_69, %dma_start3A_75] : memref<10240x16xf32, #tpu.memory_space<vmem_shared>> -> memref<64x16xf32, #tpu.memory_space<vmem_shared>>
    tpu.enqueue_dma source(%arg6 : memref<64x16xf32, #tpu.memory_space<vmem>>) target(%dma_start3A_76 : memref<64x16xf32, #tpu.memory_space<vmem_shared>>) target_semaphore(%dma_start3A_74 : memref<!tpu.dma_semaphore, #tpu.memory_space<semaphore_mem>>)
    %mul3A_77 = arith.constant 640 : i32
    %mul3A_78 = arith.muli %arg1, %mul3A_77 : i32
    %add3A_79 = arith.constant 320 : i32
    %add3A_80 = arith.addi %mul3A_78, %add3A_79 : i32
    %dma_start3A_81 = arith.constant 2 : i32
    %dma_start3A_82 = arith.constant 0 : i32
    %dma_start3A_83 = tpu.memref_slice %arg7[%add3A_80, %dma_start3A_82] : memref<10240x16xf32, #tpu.memory_space<vmem_shared>> -> memref<64x16xf32, #tpu.memory_space<vmem_shared>>
    %dma_start3A_84 = tpu.memref_slice %arg8[%dma_start3A_81] : memref<5x!tpu.dma_semaphore, #tpu.memory_space<semaphore_mem>> -> memref<1x!tpu.dma_semaphore, #tpu.memory_space<semaphore_mem>>
    %dma_start3A_85 = tpu.memref_squeeze %dma_start3A_84 : memref<1x!tpu.dma_semaphore, #tpu.memory_space<semaphore_mem>> -> memref<!tpu.dma_semaphore, #tpu.memory_space<semaphore_mem>>
    %dma_start3A_86 = arith.constant 0 : i32
    %dma_start3A_87 = tpu.memref_slice %arg7[%add3A_80, %dma_start3A_86] : memref<10240x16xf32, #tpu.memory_space<vmem_shared>> -> memref<64x16xf32, #tpu.memory_space<vmem_shared>>
    tpu.enqueue_dma source(%arg6 : memref<64x16xf32, #tpu.memory_space<vmem>>) target(%dma_start3A_87 : memref<64x16xf32, #tpu.memory_space<vmem_shared>>) target_semaphore(%dma_start3A_85 : memref<!tpu.dma_semaphore, #tpu.memory_space<semaphore_mem>>)
    %mul3A_88 = arith.constant 640 : i32
    %mul3A_89 = arith.muli %arg1, %mul3A_88 : i32
    %add3A_90 = arith.constant 384 : i32
    %add3A_91 = arith.addi %mul3A_89, %add3A_90 : i32
    %dma_start3A_92 = arith.constant 3 : i32
    %dma_start3A_93 = arith.constant 0 : i32
    %dma_start3A_94 = tpu.memref_slice %arg7[%add3A_91, %dma_start3A_93] : memref<10240x16xf32, #tpu.memory_space<vmem_shared>> -> memref<64x16xf32, #tpu.memory_space<vmem_shared>>
    %dma_start3A_95 = tpu.memref_slice %arg8[%dma_start3A_92] : memref<5x!tpu.dma_semaphore, #tpu.memory_space<semaphore_mem>> -> memref<1x!tpu.dma_semaphore, #tpu.memory_space<semaphore_mem>>
    %dma_start3A_96 = tpu.memref_squeeze %dma_start3A_95 : memref<1x!tpu.dma_semaphore, #tpu.memory_space<semaphore_mem>> -> memref<!tpu.dma_semaphore, #tpu.memory_space<semaphore_mem>>
    %dma_start3A_97 = arith.constant 0 : i32
    %dma_start3A_98 = tpu.memref_slice %arg7[%add3A_91, %dma_start3A_97] : memref<10240x16xf32, #tpu.memory_space<vmem_shared>> -> memref<64x16xf32, #tpu.memory_space<vmem_shared>>
    tpu.enqueue_dma source(%arg6 : memref<64x16xf32, #tpu.memory_space<vmem>>) target(%dma_start3A_98 : memref<64x16xf32, #tpu.memory_space<vmem_shared>>) target_semaphore(%dma_start3A_96 : memref<!tpu.dma_semaphore, #tpu.memory_space<semaphore_mem>>)
    %mul3A_99 = arith.constant 640 : i32
    %mul3A_100 = arith.muli %arg1, %mul3A_99 : i32
    %add3A_101 = arith.constant 448 : i32
    %add3A_102 = arith.addi %mul3A_100, %add3A_101 : i32
    %dma_start3A_103 = arith.constant 4 : i32
    %dma_start3A_104 = arith.constant 0 : i32
    %dma_start3A_105 = tpu.memref_slice %arg7[%add3A_102, %dma_start3A_104] : memref<10240x16xf32, #tpu.memory_space<vmem_shared>> -> memref<64x16xf32, #tpu.memory_space<vmem_shared>>
    %dma_start3A_106 = tpu.memref_slice %arg8[%dma_start3A_103] : memref<5x!tpu.dma_semaphore, #tpu.memory_space<semaphore_mem>> -> memref<1x!tpu.dma_semaphore, #tpu.memory_space<semaphore_mem>>
    %dma_start3A_107 = tpu.memref_squeeze %dma_start3A_106 : memref<1x!tpu.dma_semaphore, #tpu.memory_space<semaphore_mem>> -> memref<!tpu.dma_semaphore, #tpu.memory_space<semaphore_mem>>
    %dma_start3A_108 = arith.constant 0 : i32
    %dma_start3A_109 = tpu.memref_slice %arg7[%add3A_102, %dma_start3A_108] : memref<10240x16xf32, #tpu.memory_space<vmem_shared>> -> memref<64x16xf32, #tpu.memory_space<vmem_shared>>
    tpu.enqueue_dma source(%arg6 : memref<64x16xf32, #tpu.memory_space<vmem>>) target(%dma_start3A_109 : memref<64x16xf32, #tpu.memory_space<vmem_shared>>) target_semaphore(%dma_start3A_107 : memref<!tpu.dma_semaphore, #tpu.memory_space<semaphore_mem>>)
    %mul3A_110 = arith.constant 640 : i32
    %mul3A_111 = arith.muli %arg1, %mul3A_110 : i32
    %add3A_112 = arith.constant 512 : i32
    %add3A_113 = arith.addi %mul3A_111, %add3A_112 : i32
    %dma_start3A_114 = arith.constant 1 : i32
    %dma_start3A_115 = arith.constant 0 : i32
    %dma_start3A_116 = tpu.memref_slice %arg7[%add3A_113, %dma_start3A_115] : memref<10240x16xf32, #tpu.memory_space<vmem_shared>> -> memref<64x16xf32, #tpu.memory_space<vmem_shared>>
    %dma_start3A_117 = tpu.memref_slice %arg8[%dma_start3A_114] : memref<5x!tpu.dma_semaphore, #tpu.memory_space<semaphore_mem>> -> memref<1x!tpu.dma_semaphore, #tpu.memory_space<semaphore_mem>>
    %dma_start3A_118 = tpu.memref_squeeze %dma_start3A_117 : memref<1x!tpu.dma_semaphore, #tpu.memory_space<semaphore_mem>> -> memref<!tpu.dma_semaphore, #tpu.memory_space<semaphore_mem>>
    %dma_start3A_119 = arith.constant 0 : i32
    %dma_start3A_120 = tpu.memref_slice %arg7[%add3A_113, %dma_start3A_119] : memref<10240x16xf32, #tpu.memory_space<vmem_shared>> -> memref<64x16xf32, #tpu.memory_space<vmem_shared>>
    tpu.enqueue_dma source(%arg6 : memref<64x16xf32, #tpu.memory_space<vmem>>) target(%dma_start3A_120 : memref<64x16xf32, #tpu.memory_space<vmem_shared>>) target_semaphore(%dma_start3A_118 : memref<!tpu.dma_semaphore, #tpu.memory_space<semaphore_mem>>)
    %mul3A_121 = arith.constant 640 : i32
    %mul3A_122 = arith.muli %arg1, %mul3A_121 : i32
    %add3A_123 = arith.constant 576 : i32
    %add3A_124 = arith.addi %mul3A_122, %add3A_123 : i32
    %dma_start3A_125 = arith.constant 2 : i32
    %dma_start3A_126 = arith.constant 0 : i32
    %dma_start3A_127 = tpu.memref_slice %arg7[%add3A_124, %dma_start3A_126] : memref<10240x16xf32, #tpu.memory_space<vmem_shared>> -> memref<64x16xf32, #tpu.memory_space<vmem_shared>>
    %dma_start3A_128 = tpu.memref_slice %arg8[%dma_start3A_125] : memref<5x!tpu.dma_semaphore, #tpu.memory_space<semaphore_mem>> -> memref<1x!tpu.dma_semaphore, #tpu.memory_space<semaphore_mem>>
    %dma_start3A_129 = tpu.memref_squeeze %dma_start3A_128 : memref<1x!tpu.dma_semaphore, #tpu.memory_space<semaphore_mem>> -> memref<!tpu.dma_semaphore, #tpu.memory_space<semaphore_mem>>
    %dma_start3A_130 = arith.constant 0 : i32
    %dma_start3A_131 = tpu.memref_slice %arg7[%add3A_124, %dma_start3A_130] : memref<10240x16xf32, #tpu.memory_space<vmem_shared>> -> memref<64x16xf32, #tpu.memory_space<vmem_shared>>
    tpu.enqueue_dma source(%arg6 : memref<64x16xf32, #tpu.memory_space<vmem>>) target(%dma_start3A_131 : memref<64x16xf32, #tpu.memory_space<vmem_shared>>) target_semaphore(%dma_start3A_129 : memref<!tpu.dma_semaphore, #tpu.memory_space<semaphore_mem>>)
    %dma_wait3A = arith.constant 0 : i32
    %dma_wait3A_132 = arith.constant 0 : i32
    %dma_wait3A_133 = arith.constant 0 : i32
    %dma_wait3A_134 = tpu.memref_slice %arg2[%add3A, %dma_wait3A_132, %dma_wait3A_133] : memref<32x80x128xi32, #tpu.memory_space<hbm>> -> memref<1x80x128xi32, #tpu.memory_space<hbm>>
    %dma_wait3A_135 = tpu.memref_squeeze %dma_wait3A_134 : memref<1x80x128xi32, #tpu.memory_space<hbm>> -> memref<80x128xi32, #tpu.memory_space<hbm>>
    %dma_wait3A_136 = tpu.memref_slice %arg8[%dma_wait3A] : memref<5x!tpu.dma_semaphore, #tpu.memory_space<semaphore_mem>> -> memref<1x!tpu.dma_semaphore, #tpu.memory_space<semaphore_mem>>
    %dma_wait3A_137 = tpu.memref_squeeze %dma_wait3A_136 : memref<1x!tpu.dma_semaphore, #tpu.memory_space<semaphore_mem>> -> memref<!tpu.dma_semaphore, #tpu.memory_space<semaphore_mem>>
    %dma_wait3A_138 = arith.constant 0 : i32
    %dma_wait3A_139 = arith.constant 0 : i32
    %dma_wait3A_140 = tpu.memref_slice %arg2[%add3A, %dma_wait3A_138, %dma_wait3A_139] : memref<32x80x128xi32, #tpu.memory_space<hbm>> -> memref<1x80x128xi32, #tpu.memory_space<hbm>>
    %dma_wait3A_141 = tpu.memref_squeeze %dma_wait3A_140 : memref<1x80x128xi32, #tpu.memory_space<hbm>> -> memref<80x128xi32, #tpu.memory_space<hbm>>
    tpu.wait_dma2 semaphore(%dma_wait3A_137 : memref<!tpu.dma_semaphore, #tpu.memory_space<semaphore_mem>>) src(%dma_wait3A_141 : memref<80x128xi32, #tpu.memory_space<hbm>>) dst(%arg4 : memref<80x128xi32, #tpu.memory_space<vmem>>)
    %dma_wait3A_142 = arith.constant 1 : i32
    %dma_wait3A_143 = arith.constant 0 : i32
    %dma_wait3A_144 = tpu.memref_slice %arg7[%add3A_25, %dma_wait3A_143] : memref<10240x16xf32, #tpu.memory_space<vmem_shared>> -> memref<64x16xf32, #tpu.memory_space<vmem_shared>>
    %dma_wait3A_145 = tpu.memref_slice %arg8[%dma_wait3A_142] : memref<5x!tpu.dma_semaphore, #tpu.memory_space<semaphore_mem>> -> memref<1x!tpu.dma_semaphore, #tpu.memory_space<semaphore_mem>>
    %dma_wait3A_146 = tpu.memref_squeeze %dma_wait3A_145 : memref<1x!tpu.dma_semaphore, #tpu.memory_space<semaphore_mem>> -> memref<!tpu.dma_semaphore, #tpu.memory_space<semaphore_mem>>
    %dma_wait3A_147 = arith.constant 0 : i32
    %dma_wait3A_148 = tpu.memref_slice %arg7[%add3A_25, %dma_wait3A_147] : memref<10240x16xf32, #tpu.memory_space<vmem_shared>> -> memref<64x16xf32, #tpu.memory_space<vmem_shared>>
    tpu.wait_dma2 semaphore(%dma_wait3A_146 : memref<!tpu.dma_semaphore, #tpu.memory_space<semaphore_mem>>) src(%arg6 : memref<64x16xf32, #tpu.memory_space<vmem>>) dst(%dma_wait3A_148 : memref<64x16xf32, #tpu.memory_space<vmem_shared>>)
    %dma_wait3A_149 = arith.constant 2 : i32
    %dma_wait3A_150 = arith.constant 0 : i32
    %dma_wait3A_151 = tpu.memref_slice %arg7[%add3A_36, %dma_wait3A_150] : memref<10240x16xf32, #tpu.memory_space<vmem_shared>> -> memref<64x16xf32, #tpu.memory_space<vmem_shared>>
    %dma_wait3A_152 = tpu.memref_slice %arg8[%dma_wait3A_149] : memref<5x!tpu.dma_semaphore, #tpu.memory_space<semaphore_mem>> -> memref<1x!tpu.dma_semaphore, #tpu.memory_space<semaphore_mem>>
    %dma_wait3A_153 = tpu.memref_squeeze %dma_wait3A_152 : memref<1x!tpu.dma_semaphore, #tpu.memory_space<semaphore_mem>> -> memref<!tpu.dma_semaphore, #tpu.memory_space<semaphore_mem>>
    %dma_wait3A_154 = arith.constant 0 : i32
    %dma_wait3A_155 = tpu.memref_slice %arg7[%add3A_36, %dma_wait3A_154] : memref<10240x16xf32, #tpu.memory_space<vmem_shared>> -> memref<64x16xf32, #tpu.memory_space<vmem_shared>>
    tpu.wait_dma2 semaphore(%dma_wait3A_153 : memref<!tpu.dma_semaphore, #tpu.memory_space<semaphore_mem>>) src(%arg6 : memref<64x16xf32, #tpu.memory_space<vmem>>) dst(%dma_wait3A_155 : memref<64x16xf32, #tpu.memory_space<vmem_shared>>)
    %dma_wait3A_156 = arith.constant 3 : i32
    %dma_wait3A_157 = arith.constant 0 : i32
    %dma_wait3A_158 = tpu.memref_slice %arg7[%add3A_47, %dma_wait3A_157] : memref<10240x16xf32, #tpu.memory_space<vmem_shared>> -> memref<64x16xf32, #tpu.memory_space<vmem_shared>>
    %dma_wait3A_159 = tpu.memref_slice %arg8[%dma_wait3A_156] : memref<5x!tpu.dma_semaphore, #tpu.memory_space<semaphore_mem>> -> memref<1x!tpu.dma_semaphore, #tpu.memory_space<semaphore_mem>>
    %dma_wait3A_160 = tpu.memref_squeeze %dma_wait3A_159 : memref<1x!tpu.dma_semaphore, #tpu.memory_space<semaphore_mem>> -> memref<!tpu.dma_semaphore, #tpu.memory_space<semaphore_mem>>
    %dma_wait3A_161 = arith.constant 0 : i32
    %dma_wait3A_162 = tpu.memref_slice %arg7[%add3A_47, %dma_wait3A_161] : memref<10240x16xf32, #tpu.memory_space<vmem_shared>> -> memref<64x16xf32, #tpu.memory_space<vmem_shared>>
    tpu.wait_dma2 semaphore(%dma_wait3A_160 : memref<!tpu.dma_semaphore, #tpu.memory_space<semaphore_mem>>) src(%arg6 : memref<64x16xf32, #tpu.memory_space<vmem>>) dst(%dma_wait3A_162 : memref<64x16xf32, #tpu.memory_space<vmem_shared>>)
    %dma_wait3A_163 = arith.constant 4 : i32
    %dma_wait3A_164 = arith.constant 0 : i32
    %dma_wait3A_165 = tpu.memref_slice %arg7[%add3A_58, %dma_wait3A_164] : memref<10240x16xf32, #tpu.memory_space<vmem_shared>> -> memref<64x16xf32, #tpu.memory_space<vmem_shared>>
    %dma_wait3A_166 = tpu.memref_slice %arg8[%dma_wait3A_163] : memref<5x!tpu.dma_semaphore, #tpu.memory_space<semaphore_mem>> -> memref<1x!tpu.dma_semaphore, #tpu.memory_space<semaphore_mem>>
    %dma_wait3A_167 = tpu.memref_squeeze %dma_wait3A_166 : memref<1x!tpu.dma_semaphore, #tpu.memory_space<semaphore_mem>> -> memref<!tpu.dma_semaphore, #tpu.memory_space<semaphore_mem>>
    %dma_wait3A_168 = arith.constant 0 : i32
    %dma_wait3A_169 = tpu.memref_slice %arg7[%add3A_58, %dma_wait3A_168] : memref<10240x16xf32, #tpu.memory_space<vmem_shared>> -> memref<64x16xf32, #tpu.memory_space<vmem_shared>>
    tpu.wait_dma2 semaphore(%dma_wait3A_167 : memref<!tpu.dma_semaphore, #tpu.memory_space<semaphore_mem>>) src(%arg6 : memref<64x16xf32, #tpu.memory_space<vmem>>) dst(%dma_wait3A_169 : memref<64x16xf32, #tpu.memory_space<vmem_shared>>)
    %dma_wait3A_170 = arith.constant 1 : i32
    %dma_wait3A_171 = arith.constant 0 : i32
    %dma_wait3A_172 = tpu.memref_slice %arg7[%add3A_69, %dma_wait3A_171] : memref<10240x16xf32, #tpu.memory_space<vmem_shared>> -> memref<64x16xf32, #tpu.memory_space<vmem_shared>>
    %dma_wait3A_173 = tpu.memref_slice %arg8[%dma_wait3A_170] : memref<5x!tpu.dma_semaphore, #tpu.memory_space<semaphore_mem>> -> memref<1x!tpu.dma_semaphore, #tpu.memory_space<semaphore_mem>>
    %dma_wait3A_174 = tpu.memref_squeeze %dma_wait3A_173 : memref<1x!tpu.dma_semaphore, #tpu.memory_space<semaphore_mem>> -> memref<!tpu.dma_semaphore, #tpu.memory_space<semaphore_mem>>
    %dma_wait3A_175 = arith.constant 0 : i32
    %dma_wait3A_176 = tpu.memref_slice %arg7[%add3A_69, %dma_wait3A_175] : memref<10240x16xf32, #tpu.memory_space<vmem_shared>> -> memref<64x16xf32, #tpu.memory_space<vmem_shared>>
    tpu.wait_dma2 semaphore(%dma_wait3A_174 : memref<!tpu.dma_semaphore, #tpu.memory_space<semaphore_mem>>) src(%arg6 : memref<64x16xf32, #tpu.memory_space<vmem>>) dst(%dma_wait3A_176 : memref<64x16xf32, #tpu.memory_space<vmem_shared>>)
    %dma_wait3A_177 = arith.constant 2 : i32
    %dma_wait3A_178 = arith.constant 0 : i32
    %dma_wait3A_179 = tpu.memref_slice %arg7[%add3A_80, %dma_wait3A_178] : memref<10240x16xf32, #tpu.memory_space<vmem_shared>> -> memref<64x16xf32, #tpu.memory_space<vmem_shared>>
    %dma_wait3A_180 = tpu.memref_slice %arg8[%dma_wait3A_177] : memref<5x!tpu.dma_semaphore, #tpu.memory_space<semaphore_mem>> -> memref<1x!tpu.dma_semaphore, #tpu.memory_space<semaphore_mem>>
    %dma_wait3A_181 = tpu.memref_squeeze %dma_wait3A_180 : memref<1x!tpu.dma_semaphore, #tpu.memory_space<semaphore_mem>> -> memref<!tpu.dma_semaphore, #tpu.memory_space<semaphore_mem>>
    %dma_wait3A_182 = arith.constant 0 : i32
    %dma_wait3A_183 = tpu.memref_slice %arg7[%add3A_80, %dma_wait3A_182] : memref<10240x16xf32, #tpu.memory_space<vmem_shared>> -> memref<64x16xf32, #tpu.memory_space<vmem_shared>>
    tpu.wait_dma2 semaphore(%dma_wait3A_181 : memref<!tpu.dma_semaphore, #tpu.memory_space<semaphore_mem>>) src(%arg6 : memref<64x16xf32, #tpu.memory_space<vmem>>) dst(%dma_wait3A_183 : memref<64x16xf32, #tpu.memory_space<vmem_shared>>)
    %dma_wait3A_184 = arith.constant 3 : i32
    %dma_wait3A_185 = arith.constant 0 : i32
    %dma_wait3A_186 = tpu.memref_slice %arg7[%add3A_91, %dma_wait3A_185] : memref<10240x16xf32, #tpu.memory_space<vmem_shared>> -> memref<64x16xf32, #tpu.memory_space<vmem_shared>>
    %dma_wait3A_187 = tpu.memref_slice %arg8[%dma_wait3A_184] : memref<5x!tpu.dma_semaphore, #tpu.memory_space<semaphore_mem>> -> memref<1x!tpu.dma_semaphore, #tpu.memory_space<semaphore_mem>>
    %dma_wait3A_188 = tpu.memref_squeeze %dma_wait3A_187 : memref<1x!tpu.dma_semaphore, #tpu.memory_space<semaphore_mem>> -> memref<!tpu.dma_semaphore, #tpu.memory_space<semaphore_mem>>
    %dma_wait3A_189 = arith.constant 0 : i32
    %dma_wait3A_190 = tpu.memref_slice %arg7[%add3A_91, %dma_wait3A_189] : memref<10240x16xf32, #tpu.memory_space<vmem_shared>> -> memref<64x16xf32, #tpu.memory_space<vmem_shared>>
    tpu.wait_dma2 semaphore(%dma_wait3A_188 : memref<!tpu.dma_semaphore, #tpu.memory_space<semaphore_mem>>) src(%arg6 : memref<64x16xf32, #tpu.memory_space<vmem>>) dst(%dma_wait3A_190 : memref<64x16xf32, #tpu.memory_space<vmem_shared>>)
    %dma_wait3A_191 = arith.constant 4 : i32
    %dma_wait3A_192 = arith.constant 0 : i32
    %dma_wait3A_193 = tpu.memref_slice %arg7[%add3A_102, %dma_wait3A_192] : memref<10240x16xf32, #tpu.memory_space<vmem_shared>> -> memref<64x16xf32, #tpu.memory_space<vmem_shared>>
    %dma_wait3A_194 = tpu.memref_slice %arg8[%dma_wait3A_191] : memref<5x!tpu.dma_semaphore, #tpu.memory_space<semaphore_mem>> -> memref<1x!tpu.dma_semaphore, #tpu.memory_space<semaphore_mem>>
    %dma_wait3A_195 = tpu.memref_squeeze %dma_wait3A_194 : memref<1x!tpu.dma_semaphore, #tpu.memory_space<semaphore_mem>> -> memref<!tpu.dma_semaphore, #tpu.memory_space<semaphore_mem>>
    %dma_wait3A_196 = arith.constant 0 : i32
    %dma_wait3A_197 = tpu.memref_slice %arg7[%add3A_102, %dma_wait3A_196] : memref<10240x16xf32, #tpu.memory_space<vmem_shared>> -> memref<64x16xf32, #tpu.memory_space<vmem_shared>>
    tpu.wait_dma2 semaphore(%dma_wait3A_195 : memref<!tpu.dma_semaphore, #tpu.memory_space<semaphore_mem>>) src(%arg6 : memref<64x16xf32, #tpu.memory_space<vmem>>) dst(%dma_wait3A_197 : memref<64x16xf32, #tpu.memory_space<vmem_shared>>)
    %dma_wait3A_198 = arith.constant 1 : i32
    %dma_wait3A_199 = arith.constant 0 : i32
    %dma_wait3A_200 = tpu.memref_slice %arg7[%add3A_113, %dma_wait3A_199] : memref<10240x16xf32, #tpu.memory_space<vmem_shared>> -> memref<64x16xf32, #tpu.memory_space<vmem_shared>>
    %dma_wait3A_201 = tpu.memref_slice %arg8[%dma_wait3A_198] : memref<5x!tpu.dma_semaphore, #tpu.memory_space<semaphore_mem>> -> memref<1x!tpu.dma_semaphore, #tpu.memory_space<semaphore_mem>>
    %dma_wait3A_202 = tpu.memref_squeeze %dma_wait3A_201 : memref<1x!tpu.dma_semaphore, #tpu.memory_space<semaphore_mem>> -> memref<!tpu.dma_semaphore, #tpu.memory_space<semaphore_mem>>
    %dma_wait3A_203 = arith.constant 0 : i32
    %dma_wait3A_204 = tpu.memref_slice %arg7[%add3A_113, %dma_wait3A_203] : memref<10240x16xf32, #tpu.memory_space<vmem_shared>> -> memref<64x16xf32, #tpu.memory_space<vmem_shared>>
    tpu.wait_dma2 semaphore(%dma_wait3A_202 : memref<!tpu.dma_semaphore, #tpu.memory_space<semaphore_mem>>) src(%arg6 : memref<64x16xf32, #tpu.memory_space<vmem>>) dst(%dma_wait3A_204 : memref<64x16xf32, #tpu.memory_space<vmem_shared>>)
    %dma_wait3A_205 = arith.constant 2 : i32
    %dma_wait3A_206 = arith.constant 0 : i32
    %dma_wait3A_207 = tpu.memref_slice %arg7[%add3A_124, %dma_wait3A_206] : memref<10240x16xf32, #tpu.memory_space<vmem_shared>> -> memref<64x16xf32, #tpu.memory_space<vmem_shared>>
    %dma_wait3A_208 = tpu.memref_slice %arg8[%dma_wait3A_205] : memref<5x!tpu.dma_semaphore, #tpu.memory_space<semaphore_mem>> -> memref<1x!tpu.dma_semaphore, #tpu.memory_space<semaphore_mem>>
    %dma_wait3A_209 = tpu.memref_squeeze %dma_wait3A_208 : memref<1x!tpu.dma_semaphore, #tpu.memory_space<semaphore_mem>> -> memref<!tpu.dma_semaphore, #tpu.memory_space<semaphore_mem>>
    %dma_wait3A_210 = arith.constant 0 : i32
    %dma_wait3A_211 = tpu.memref_slice %arg7[%add3A_124, %dma_wait3A_210] : memref<10240x16xf32, #tpu.memory_space<vmem_shared>> -> memref<64x16xf32, #tpu.memory_space<vmem_shared>>
    tpu.wait_dma2 semaphore(%dma_wait3A_209 : memref<!tpu.dma_semaphore, #tpu.memory_space<semaphore_mem>>) src(%arg6 : memref<64x16xf32, #tpu.memory_space<vmem>>) dst(%dma_wait3A_211 : memref<64x16xf32, #tpu.memory_space<vmem_shared>>)
    %barrier3A = arith.constant 0 : index
    tpu.barrier barrier_id(%barrier3A)
    %scan3A_212 = arith.constant 0 : i32
    %scan3A_213 = arith.constant 0 : i32
    %scan3A_214 = arith.constant 80 : i32
    %scan3A_215 = arith.addi %scan3A_213, %scan3A_214 : i32
    %scan3A_216 = arith.constant 1 : i32
    scf.for %scan3A_275 = %scan3A_213 to %scan3A_215 step %scan3A_216  : i32 {
      %ge3A = arith.constant 5 : i32
      %ge3A_276 = arith.cmpi sge, %scan3A_275, %ge3A : i32
      %convert_element_type3A_277 = arith.extui %ge3A_276 : i1 to i32
      %cond3A_278 = arith.constant 0 : i32
      %cond3A_279 = arith.cmpi ne, %convert_element_type3A_277, %cond3A_278 : i32
      scf.if %cond3A_279 {
        %dma_wait3A_289 = arith.constant 0 : i32
        %dma_wait3A_290 = arith.constant 0 : i32
        %dma_wait3A_291 = arith.constant 0 : i32
        %dma_wait3A_292 = tpu.memref_slice %arg4[%dma_wait3A_289, %dma_wait3A_291] : memref<80x128xi32, #tpu.memory_space<vmem>> -> memref<1x128xi32, #tpu.memory_space<vmem>>
        %dma_wait3A_293 = tpu.memref_squeeze %dma_wait3A_292 : memref<1x128xi32, #tpu.memory_space<vmem>> -> memref<128xi32, #tpu.memory_space<vmem>>
        %dma_wait3A_294 = arith.constant 0 : i32
        %dma_wait3A_295 = arith.constant 0 : i32
        %dma_wait3A_296 = tpu.memref_slice %arg7[%dma_wait3A_294, %dma_wait3A_295] : memref<10240x16xf32, #tpu.memory_space<vmem_shared>> -> memref<10240x16xf32, #tpu.memory_space<vmem_shared>>
        %dma_wait3A_297 = tpu.memref_slice %arg8[%dma_wait3A_290] : memref<5x!tpu.dma_semaphore, #tpu.memory_space<semaphore_mem>> -> memref<1x!tpu.dma_semaphore, #tpu.memory_space<semaphore_mem>>
        %dma_wait3A_298 = tpu.memref_squeeze %dma_wait3A_297 : memref<1x!tpu.dma_semaphore, #tpu.memory_space<semaphore_mem>> -> memref<!tpu.dma_semaphore, #tpu.memory_space<semaphore_mem>>
        tpu.wait_indirect_dma semaphore(%dma_wait3A_298 : memref<!tpu.dma_semaphore, #tpu.memory_space<semaphore_mem>>) src(%arg5 : memref<128x16xf32, #tpu.memory_space<vmem>>) dst(%dma_wait3A_296 : memref<10240x16xf32, #tpu.memory_space<vmem_shared>>)
      } else {
      }
      %dma_start3A_280 = arith.constant 0 : i32
      %dma_start3A_281 = arith.constant 0 : i32
      %dma_start3A_282 = tpu.memref_slice %arg4[%scan3A_275, %dma_start3A_281] : memref<80x128xi32, #tpu.memory_space<vmem>> -> memref<1x128xi32, #tpu.memory_space<vmem>>
      %dma_start3A_283 = tpu.memref_squeeze %dma_start3A_282 : memref<1x128xi32, #tpu.memory_space<vmem>> -> memref<128xi32, #tpu.memory_space<vmem>>
      %dma_start3A_284 = arith.constant 0 : i32
      %dma_start3A_285 = arith.constant 0 : i32
      %dma_start3A_286 = tpu.memref_slice %arg7[%dma_start3A_284, %dma_start3A_285] : memref<10240x16xf32, #tpu.memory_space<vmem_shared>> -> memref<10240x16xf32, #tpu.memory_space<vmem_shared>>
      %dma_start3A_287 = tpu.memref_slice %arg8[%dma_start3A_280] : memref<5x!tpu.dma_semaphore, #tpu.memory_space<semaphore_mem>> -> memref<1x!tpu.dma_semaphore, #tpu.memory_space<semaphore_mem>>
      %dma_start3A_288 = tpu.memref_squeeze %dma_start3A_287 : memref<1x!tpu.dma_semaphore, #tpu.memory_space<semaphore_mem>> -> memref<!tpu.dma_semaphore, #tpu.memory_space<semaphore_mem>>
      tpu.enqueue_indirect_dma source(%arg5 : memref<128x16xf32, #tpu.memory_space<vmem>>) target(%dma_start3A_286 : memref<10240x16xf32, #tpu.memory_space<vmem_shared>>) offsets(%dma_start3A_283 : memref<128xi32, #tpu.memory_space<vmem>>) semaphore(%dma_start3A_288 : memref<!tpu.dma_semaphore, #tpu.memory_space<semaphore_mem>>) {add = true}
    }
    %scan3A_217 = arith.constant 80 : i32
    %dma_wait3A_218 = arith.constant 0 : i32
    %dma_wait3A_219 = arith.constant 0 : i32
    %dma_wait3A_220 = arith.constant 0 : i32
    %dma_wait3A_221 = tpu.memref_slice %arg4[%dma_wait3A_218, %dma_wait3A_220] : memref<80x128xi32, #tpu.memory_space<vmem>> -> memref<1x128xi32, #tpu.memory_space<vmem>>
    %dma_wait3A_222 = tpu.memref_squeeze %dma_wait3A_221 : memref<1x128xi32, #tpu.memory_space<vmem>> -> memref<128xi32, #tpu.memory_space<vmem>>
    %dma_wait3A_223 = arith.constant 0 : i32
    %dma_wait3A_224 = arith.constant 0 : i32
    %dma_wait3A_225 = tpu.memref_slice %arg7[%dma_wait3A_223, %dma_wait3A_224] : memref<10240x16xf32, #tpu.memory_space<vmem_shared>> -> memref<10240x16xf32, #tpu.memory_space<vmem_shared>>
    %dma_wait3A_226 = tpu.memref_slice %arg8[%dma_wait3A_219] : memref<5x!tpu.dma_semaphore, #tpu.memory_space<semaphore_mem>> -> memref<1x!tpu.dma_semaphore, #tpu.memory_space<semaphore_mem>>
    %dma_wait3A_227 = tpu.memref_squeeze %dma_wait3A_226 : memref<1x!tpu.dma_semaphore, #tpu.memory_space<semaphore_mem>> -> memref<!tpu.dma_semaphore, #tpu.memory_space<semaphore_mem>>
    tpu.wait_indirect_dma semaphore(%dma_wait3A_227 : memref<!tpu.dma_semaphore, #tpu.memory_space<semaphore_mem>>) src(%arg5 : memref<128x16xf32, #tpu.memory_space<vmem>>) dst(%dma_wait3A_225 : memref<10240x16xf32, #tpu.memory_space<vmem_shared>>)
    %dma_wait3A_228 = arith.constant 0 : i32
    %dma_wait3A_229 = arith.constant 0 : i32
    %dma_wait3A_230 = arith.constant 0 : i32
    %dma_wait3A_231 = tpu.memref_slice %arg4[%dma_wait3A_228, %dma_wait3A_230] : memref<80x128xi32, #tpu.memory_space<vmem>> -> memref<1x128xi32, #tpu.memory_space<vmem>>
    %dma_wait3A_232 = tpu.memref_squeeze %dma_wait3A_231 : memref<1x128xi32, #tpu.memory_space<vmem>> -> memref<128xi32, #tpu.memory_space<vmem>>
    %dma_wait3A_233 = arith.constant 0 : i32
    %dma_wait3A_234 = arith.constant 0 : i32
    %dma_wait3A_235 = tpu.memref_slice %arg7[%dma_wait3A_233, %dma_wait3A_234] : memref<10240x16xf32, #tpu.memory_space<vmem_shared>> -> memref<10240x16xf32, #tpu.memory_space<vmem_shared>>
    %dma_wait3A_236 = tpu.memref_slice %arg8[%dma_wait3A_229] : memref<5x!tpu.dma_semaphore, #tpu.memory_space<semaphore_mem>> -> memref<1x!tpu.dma_semaphore, #tpu.memory_space<semaphore_mem>>
    %dma_wait3A_237 = tpu.memref_squeeze %dma_wait3A_236 : memref<1x!tpu.dma_semaphore, #tpu.memory_space<semaphore_mem>> -> memref<!tpu.dma_semaphore, #tpu.memory_space<semaphore_mem>>
    tpu.wait_indirect_dma semaphore(%dma_wait3A_237 : memref<!tpu.dma_semaphore, #tpu.memory_space<semaphore_mem>>) src(%arg5 : memref<128x16xf32, #tpu.memory_space<vmem>>) dst(%dma_wait3A_235 : memref<10240x16xf32, #tpu.memory_space<vmem_shared>>)
    %dma_wait3A_238 = arith.constant 0 : i32
    %dma_wait3A_239 = arith.constant 0 : i32
    %dma_wait3A_240 = arith.constant 0 : i32
    %dma_wait3A_241 = tpu.memref_slice %arg4[%dma_wait3A_238, %dma_wait3A_240] : memref<80x128xi32, #tpu.memory_space<vmem>> -> memref<1x128xi32, #tpu.memory_space<vmem>>
    %dma_wait3A_242 = tpu.memref_squeeze %dma_wait3A_241 : memref<1x128xi32, #tpu.memory_space<vmem>> -> memref<128xi32, #tpu.memory_space<vmem>>
    %dma_wait3A_243 = arith.constant 0 : i32
    %dma_wait3A_244 = arith.constant 0 : i32
    %dma_wait3A_245 = tpu.memref_slice %arg7[%dma_wait3A_243, %dma_wait3A_244] : memref<10240x16xf32, #tpu.memory_space<vmem_shared>> -> memref<10240x16xf32, #tpu.memory_space<vmem_shared>>
    %dma_wait3A_246 = tpu.memref_slice %arg8[%dma_wait3A_239] : memref<5x!tpu.dma_semaphore, #tpu.memory_space<semaphore_mem>> -> memref<1x!tpu.dma_semaphore, #tpu.memory_space<semaphore_mem>>
    %dma_wait3A_247 = tpu.memref_squeeze %dma_wait3A_246 : memref<1x!tpu.dma_semaphore, #tpu.memory_space<semaphore_mem>> -> memref<!tpu.dma_semaphore, #tpu.memory_space<semaphore_mem>>
    tpu.wait_indirect_dma semaphore(%dma_wait3A_247 : memref<!tpu.dma_semaphore, #tpu.memory_space<semaphore_mem>>) src(%arg5 : memref<128x16xf32, #tpu.memory_space<vmem>>) dst(%dma_wait3A_245 : memref<10240x16xf32, #tpu.memory_space<vmem_shared>>)
    %dma_wait3A_248 = arith.constant 0 : i32
    %dma_wait3A_249 = arith.constant 0 : i32
    %dma_wait3A_250 = arith.constant 0 : i32
    %dma_wait3A_251 = tpu.memref_slice %arg4[%dma_wait3A_248, %dma_wait3A_250] : memref<80x128xi32, #tpu.memory_space<vmem>> -> memref<1x128xi32, #tpu.memory_space<vmem>>
    %dma_wait3A_252 = tpu.memref_squeeze %dma_wait3A_251 : memref<1x128xi32, #tpu.memory_space<vmem>> -> memref<128xi32, #tpu.memory_space<vmem>>
    %dma_wait3A_253 = arith.constant 0 : i32
    %dma_wait3A_254 = arith.constant 0 : i32
    %dma_wait3A_255 = tpu.memref_slice %arg7[%dma_wait3A_253, %dma_wait3A_254] : memref<10240x16xf32, #tpu.memory_space<vmem_shared>> -> memref<10240x16xf32, #tpu.memory_space<vmem_shared>>
    %dma_wait3A_256 = tpu.memref_slice %arg8[%dma_wait3A_249] : memref<5x!tpu.dma_semaphore, #tpu.memory_space<semaphore_mem>> -> memref<1x!tpu.dma_semaphore, #tpu.memory_space<semaphore_mem>>
    %dma_wait3A_257 = tpu.memref_squeeze %dma_wait3A_256 : memref<1x!tpu.dma_semaphore, #tpu.memory_space<semaphore_mem>> -> memref<!tpu.dma_semaphore, #tpu.memory_space<semaphore_mem>>
    tpu.wait_indirect_dma semaphore(%dma_wait3A_257 : memref<!tpu.dma_semaphore, #tpu.memory_space<semaphore_mem>>) src(%arg5 : memref<128x16xf32, #tpu.memory_space<vmem>>) dst(%dma_wait3A_255 : memref<10240x16xf32, #tpu.memory_space<vmem_shared>>)
    %dma_wait3A_258 = arith.constant 0 : i32
    %dma_wait3A_259 = arith.constant 0 : i32
    %dma_wait3A_260 = arith.constant 0 : i32
    %dma_wait3A_261 = tpu.memref_slice %arg4[%dma_wait3A_258, %dma_wait3A_260] : memref<80x128xi32, #tpu.memory_space<vmem>> -> memref<1x128xi32, #tpu.memory_space<vmem>>
    %dma_wait3A_262 = tpu.memref_squeeze %dma_wait3A_261 : memref<1x128xi32, #tpu.memory_space<vmem>> -> memref<128xi32, #tpu.memory_space<vmem>>
    %dma_wait3A_263 = arith.constant 0 : i32
    %dma_wait3A_264 = arith.constant 0 : i32
    %dma_wait3A_265 = tpu.memref_slice %arg7[%dma_wait3A_263, %dma_wait3A_264] : memref<10240x16xf32, #tpu.memory_space<vmem_shared>> -> memref<10240x16xf32, #tpu.memory_space<vmem_shared>>
    %dma_wait3A_266 = tpu.memref_slice %arg8[%dma_wait3A_259] : memref<5x!tpu.dma_semaphore, #tpu.memory_space<semaphore_mem>> -> memref<1x!tpu.dma_semaphore, #tpu.memory_space<semaphore_mem>>
    %dma_wait3A_267 = tpu.memref_squeeze %dma_wait3A_266 : memref<1x!tpu.dma_semaphore, #tpu.memory_space<semaphore_mem>> -> memref<!tpu.dma_semaphore, #tpu.memory_space<semaphore_mem>>
    tpu.wait_indirect_dma semaphore(%dma_wait3A_267 : memref<!tpu.dma_semaphore, #tpu.memory_space<semaphore_mem>>) src(%arg5 : memref<128x16xf32, #tpu.memory_space<vmem>>) dst(%dma_wait3A_265 : memref<10240x16xf32, #tpu.memory_space<vmem_shared>>)
    %barrier3A_268 = arith.constant 0 : index
    tpu.barrier barrier_id(%barrier3A_268)
    %lt3A = arith.constant 15 : i32
    %lt3A_269 = arith.cmpi slt, %arg1, %lt3A : i32
    %convert_element_type3A = arith.extui %lt3A_269 : i1 to i32
    %cond3A = arith.constant 0 : i32
    %cond3A_270 = arith.cmpi ne, %convert_element_type3A, %cond3A : i32
    scf.if %cond3A_270 {
      %mul3A_275 = arith.constant 640 : i32
      %mul3A_276 = arith.muli %arg1, %mul3A_275 : i32
      %mul3A_277 = arith.constant 640 : i32
      %mul3A_278 = arith.muli %arg1, %mul3A_277 : i32
      "tpu.region"() ({
        %run_scoped3A = tpu.sem_alloc : memref<!tpu.dma_semaphore, #tpu.memory_space<semaphore_mem>>
        %dma_start3A_279 = arith.constant 0 : i32
        %dma_start3A_280 = arith.constant 0 : i32
        %dma_start3A_281 = tpu.memref_slice %arg3[%arg0, %dma_start3A_279, %dma_start3A_280] : memref<2x10000x16xf32, #tpu.memory_space<hbm>> -> memref<1x10000x16xf32, #tpu.memory_space<hbm>>
        %dma_start3A_282 = tpu.memref_squeeze %dma_start3A_281 : memref<1x10000x16xf32, #tpu.memory_space<hbm>> -> memref<10000x16xf32, #tpu.memory_space<hbm>>
        %dma_start3A_283 = arith.constant 0 : i32
        %dma_start3A_284 = tpu.memref_slice %dma_start3A_282[%mul3A_278, %dma_start3A_283] : memref<10000x16xf32, #tpu.memory_space<hbm>> -> memref<640x16xf32, #tpu.memory_space<hbm>>
        %dma_start3A_285 = arith.constant 0 : i32
        %dma_start3A_286 = tpu.memref_slice %arg7[%mul3A_276, %dma_start3A_285] : memref<10240x16xf32, #tpu.memory_space<vmem_shared>> -> memref<640x16xf32, #tpu.memory_space<vmem_shared>>
        tpu.enqueue_dma source(%dma_start3A_286 : memref<640x16xf32, #tpu.memory_space<vmem_shared>>) target(%dma_start3A_284 : memref<640x16xf32, #tpu.memory_space<hbm>>) target_semaphore(%run_scoped3A : memref<!tpu.dma_semaphore, #tpu.memory_space<semaphore_mem>>)
        %dma_wait3A_287 = arith.constant 0 : i32
        %dma_wait3A_288 = arith.constant 0 : i32
        %dma_wait3A_289 = tpu.memref_slice %arg3[%arg0, %dma_wait3A_287, %dma_wait3A_288] : memref<2x10000x16xf32, #tpu.memory_space<hbm>> -> memref<1x10000x16xf32, #tpu.memory_space<hbm>>
        %dma_wait3A_290 = tpu.memref_squeeze %dma_wait3A_289 : memref<1x10000x16xf32, #tpu.memory_space<hbm>> -> memref<10000x16xf32, #tpu.memory_space<hbm>>
        %dma_wait3A_291 = arith.constant 0 : i32
        %dma_wait3A_292 = tpu.memref_slice %dma_wait3A_290[%mul3A_278, %dma_wait3A_291] : memref<10000x16xf32, #tpu.memory_space<hbm>> -> memref<640x16xf32, #tpu.memory_space<hbm>>
        %dma_wait3A_293 = arith.constant 0 : i32
        %dma_wait3A_294 = tpu.memref_slice %arg7[%mul3A_276, %dma_wait3A_293] : memref<10240x16xf32, #tpu.memory_space<vmem_shared>> -> memref<640x16xf32, #tpu.memory_space<vmem_shared>>
        tpu.wait_dma2 semaphore(%run_scoped3A : memref<!tpu.dma_semaphore, #tpu.memory_space<semaphore_mem>>) src(%dma_wait3A_294 : memref<640x16xf32, #tpu.memory_space<vmem_shared>>) dst(%dma_wait3A_292 : memref<640x16xf32, #tpu.memory_space<hbm>>)
        tpu.yield
      }) : () -> ()
    } else {
    }
    %eq3A = arith.constant 15 : i32
    %eq3A_271 = arith.cmpi eq, %arg1, %eq3A : i32
    %convert_element_type3A_272 = arith.extui %eq3A_271 : i1 to i32
    %cond3A_273 = arith.constant 0 : i32
    %cond3A_274 = arith.cmpi ne, %convert_element_type3A_272, %cond3A_273 : i32
    scf.if %cond3A_274 {
      "tpu.region"() ({
        %run_scoped3A = tpu.sem_alloc : memref<!tpu.dma_semaphore, #tpu.memory_space<semaphore_mem>>
        %dma_start3A_275 = arith.constant 0 : i32
        %dma_start3A_276 = arith.constant 0 : i32
        %dma_start3A_277 = tpu.memref_slice %arg3[%arg0, %dma_start3A_275, %dma_start3A_276] : memref<2x10000x16xf32, #tpu.memory_space<hbm>> -> memref<1x10000x16xf32, #tpu.memory_space<hbm>>
        %dma_start3A_278 = tpu.memref_squeeze %dma_start3A_277 : memref<1x10000x16xf32, #tpu.memory_space<hbm>> -> memref<10000x16xf32, #tpu.memory_space<hbm>>
        %dma_start3A_279 = arith.constant 9600 : i32
        %dma_start3A_280 = arith.constant 0 : i32
        %dma_start3A_281 = tpu.memref_slice %dma_start3A_278[%dma_start3A_279, %dma_start3A_280] : memref<10000x16xf32, #tpu.memory_space<hbm>> -> memref<400x16xf32, #tpu.memory_space<hbm>>
        %dma_start3A_282 = arith.constant 9600 : i32
        %dma_start3A_283 = arith.constant 0 : i32
        %dma_start3A_284 = tpu.memref_slice %arg7[%dma_start3A_282, %dma_start3A_283] : memref<10240x16xf32, #tpu.memory_space<vmem_shared>> -> memref<400x16xf32, #tpu.memory_space<vmem_shared>>
        tpu.enqueue_dma source(%dma_start3A_284 : memref<400x16xf32, #tpu.memory_space<vmem_shared>>) target(%dma_start3A_281 : memref<400x16xf32, #tpu.memory_space<hbm>>) target_semaphore(%run_scoped3A : memref<!tpu.dma_semaphore, #tpu.memory_space<semaphore_mem>>)
        %dma_wait3A_285 = arith.constant 0 : i32
        %dma_wait3A_286 = arith.constant 0 : i32
        %dma_wait3A_287 = tpu.memref_slice %arg3[%arg0, %dma_wait3A_285, %dma_wait3A_286] : memref<2x10000x16xf32, #tpu.memory_space<hbm>> -> memref<1x10000x16xf32, #tpu.memory_space<hbm>>
        %dma_wait3A_288 = tpu.memref_squeeze %dma_wait3A_287 : memref<1x10000x16xf32, #tpu.memory_space<hbm>> -> memref<10000x16xf32, #tpu.memory_space<hbm>>
        %dma_wait3A_289 = arith.constant 9600 : i32
        %dma_wait3A_290 = arith.constant 0 : i32
        %dma_wait3A_291 = tpu.memref_slice %dma_wait3A_288[%dma_wait3A_289, %dma_wait3A_290] : memref<10000x16xf32, #tpu.memory_space<hbm>> -> memref<400x16xf32, #tpu.memory_space<hbm>>
        %dma_wait3A_292 = arith.constant 9600 : i32
        %dma_wait3A_293 = arith.constant 0 : i32
        %dma_wait3A_294 = tpu.memref_slice %arg7[%dma_wait3A_292, %dma_wait3A_293] : memref<10240x16xf32, #tpu.memory_space<vmem_shared>> -> memref<400x16xf32, #tpu.memory_space<vmem_shared>>
        tpu.wait_dma2 semaphore(%run_scoped3A : memref<!tpu.dma_semaphore, #tpu.memory_space<semaphore_mem>>) src(%dma_wait3A_294 : memref<400x16xf32, #tpu.memory_space<vmem_shared>>) dst(%dma_wait3A_291 : memref<400x16xf32, #tpu.memory_space<hbm>>)
        tpu.yield
      }) : () -> ()
    } else {
    }
    return
  }
}

module attributes {stable_mosaic.version = 14 : i64} {
  func.func @_mm_body(%arg0: i32, %arg1: memref<1000x128xf32, #tpu.memory_space<vmem>>, %arg2: memref<2x1000x64xf32, #tpu.memory_space<vmem>>, %arg3: memref<2x1000x16xf32, #tpu.memory_space<vmem>>, %arg4: memref<128x128xf32, #tpu.memory_space<vmem>>, %arg5: memref<128x128xf32, #tpu.memory_space<vmem>>, %arg6: memref<1x128xf32, #tpu.memory_space<vmem>>, %arg7: memref<1000x128xf32, #tpu.memory_space<vmem>>) attributes {dimension_semantics = [#tpu.dimension_semantics<arbitrary>], iteration_bounds = array<i64: 10>, scalar_prefetch = 0 : i64, scratch_operands = 0 : i64, tpu.core_type = #tpu.core_type<tc>, window_params = [{transform_indices = @transform_0, window_bounds = array<i64: 1000, 128>}, {transform_indices = @transform_1, window_bounds = array<i64: 2, 1000, 64>}, {transform_indices = @transform_2, window_bounds = array<i64: 2, 1000, 16>}, {pipeline_mode = #tpu.pipeline_mode<synchronous>, transform_indices = @transform_3, window_bounds = array<i64: 128, 128>}, {pipeline_mode = #tpu.pipeline_mode<synchronous>, transform_indices = @transform_4, window_bounds = array<i64: 128, 128>}, {pipeline_mode = #tpu.pipeline_mode<synchronous>, transform_indices = @transform_5, window_bounds = array<i64: 1, 128>}, {transform_indices = @transform_6, window_bounds = array<i64: 1000, 128>}]} {
    %get3A = arith.constant 0 : index
    %get3A_0 = arith.constant 0 : index
    %get3A_1 = arith.constant 0 : index
    %get3A_2 = vector.load %arg3[%get3A, %get3A_0, %get3A_1] : memref<2x1000x16xf32, #tpu.memory_space<vmem>>, vector<1x1000x1xf32>
    %get3A_3 = vector.shape_cast %get3A_2 : vector<1x1000x1xf32> to vector<1000x1xf32>
    %get3A_4 = arith.constant 1 : index
    %get3A_5 = arith.constant 0 : index
    %get3A_6 = arith.constant 0 : index
    %get3A_7 = vector.load %arg3[%get3A_4, %get3A_5, %get3A_6] : memref<2x1000x16xf32, #tpu.memory_space<vmem>>, vector<1x1000x1xf32>
    %get3A_8 = vector.shape_cast %get3A_7 : vector<1x1000x1xf32> to vector<1000x1xf32>
    %add3A = arith.addf %get3A_3, %get3A_8 : vector<1000x1xf32>
    %max3A = arith.constant 1.000000e+00 : f32
    %max3A_9 = vector.broadcast %max3A : f32 to vector<1000x1xf32>
    %max3A_10 = arith.maximumf %add3A, %max3A_9 : vector<1000x1xf32>
    %get3A_11 = arith.constant 0 : index
    %get3A_12 = arith.constant 0 : index
    %get3A_13 = arith.constant 0 : index
    %get3A_14 = vector.load %arg2[%get3A_11, %get3A_12, %get3A_13] : memref<2x1000x64xf32, #tpu.memory_space<vmem>>, vector<1x1000x64xf32>
    %get3A_15 = vector.shape_cast %get3A_14 : vector<1x1000x64xf32> to vector<1000x64xf32>
    %get3A_16 = arith.constant 0 : index
    %get3A_17 = arith.constant 0 : index
    %get3A_18 = vector.load %arg5[%get3A_16, %get3A_17] : memref<128x128xf32, #tpu.memory_space<vmem>>, vector<64x128xf32>
    %dot_general3A = arith.constant dense<0.000000e+00> : vector<1000x128xf32>
    %dot_general3A_19 = tpu.matmul %get3A_15, %get3A_18, %dot_general3A {dimension_numbers = #tpu.dot_dimension_numbers<[1], [0], [0], [1], [0, 0, 1, 1], [], []>, transpose_lhs_hint = false} : vector<1000x64xf32>, vector<64x128xf32>, vector<1000x128xf32> -> vector<1000x128xf32>
    %get3A_20 = arith.constant 1 : index
    %get3A_21 = arith.constant 0 : index
    %get3A_22 = arith.constant 0 : index
    %get3A_23 = vector.load %arg2[%get3A_20, %get3A_21, %get3A_22] : memref<2x1000x64xf32, #tpu.memory_space<vmem>>, vector<1x1000x64xf32>
    %get3A_24 = vector.shape_cast %get3A_23 : vector<1x1000x64xf32> to vector<1000x64xf32>
    %get3A_25 = arith.constant 64 : index
    %get3A_26 = arith.constant 0 : index
    %get3A_27 = vector.load %arg5[%get3A_25, %get3A_26] : memref<128x128xf32, #tpu.memory_space<vmem>>, vector<64x128xf32>
    %dot_general3A_28 = arith.constant dense<0.000000e+00> : vector<1000x128xf32>
    %dot_general3A_29 = tpu.matmul %get3A_24, %get3A_27, %dot_general3A_28 {dimension_numbers = #tpu.dot_dimension_numbers<[1], [0], [0], [1], [0, 0, 1, 1], [], []>, transpose_lhs_hint = false} : vector<1000x64xf32>, vector<64x128xf32>, vector<1000x128xf32> -> vector<1000x128xf32>
    %add3A_30 = arith.addf %dot_general3A_19, %dot_general3A_29 : vector<1000x128xf32>
    %div3A = vector.broadcast %max3A_10 : vector<1000x1xf32> to vector<1000x128xf32>
    %div3A_31 = arith.divf %add3A_30, %div3A : vector<1000x128xf32>
    %get3A_32 = arith.constant 0 : index
    %get3A_33 = arith.constant 0 : index
    %get3A_34 = vector.load %arg1[%get3A_32, %get3A_33] : memref<1000x128xf32, #tpu.memory_space<vmem>>, vector<1000x128xf32>
    %get3A_35 = arith.constant 0 : index
    %get3A_36 = arith.constant 0 : index
    %get3A_37 = vector.load %arg4[%get3A_35, %get3A_36] : memref<128x128xf32, #tpu.memory_space<vmem>>, vector<128x128xf32>
    %dot_general3A_38 = arith.constant dense<0.000000e+00> : vector<1000x128xf32>
    %dot_general3A_39 = tpu.matmul %get3A_34, %get3A_37, %dot_general3A_38 {dimension_numbers = #tpu.dot_dimension_numbers<[1], [0], [0], [1], [0, 0, 1, 1], [], []>, transpose_lhs_hint = false} : vector<1000x128xf32>, vector<128x128xf32>, vector<1000x128xf32> -> vector<1000x128xf32>
    %add3A_40 = arith.addf %dot_general3A_39, %div3A_31 : vector<1000x128xf32>
    %get3A_41 = arith.constant 0 : index
    %get3A_42 = arith.constant 0 : index
    %get3A_43 = vector.load %arg6[%get3A_41, %get3A_42] : memref<1x128xf32, #tpu.memory_space<vmem>>, vector<1x128xf32>
    %add3A_44 = vector.broadcast %get3A_43 : vector<1x128xf32> to vector<1000x128xf32>
    %add3A_45 = arith.addf %add3A_40, %add3A_44 : vector<1000x128xf32>
    %max3A_46 = arith.constant 0.000000e+00 : f32
    %max3A_47 = vector.broadcast %max3A_46 : f32 to vector<1000x128xf32>
    %max3A_48 = arith.maximumf %add3A_45, %max3A_47 : vector<1000x128xf32>
    %swap3A = arith.constant 0 : index
    %swap3A_49 = arith.constant 0 : index
    %swap3A_50 = vector.load %arg7[%swap3A, %swap3A_49] : memref<1000x128xf32, #tpu.memory_space<vmem>>, vector<1000x128xf32>
    tpu.vector_store %arg7[%swap3A, %swap3A_49], %max3A_48 {strides = array<i32>} : memref<1000x128xf32, #tpu.memory_space<vmem>>, vector<1000x128xf32>,
    return
  }
  func.func @transform_0(%arg0: i32) -> (i32, i32) {
    %c0_i32 = arith.constant 0 : i32
    %c0_i32_0 = arith.constant 0 : i32
    return %arg0, %c0_i32 : i32, i32
  }
  func.func @transform_1(%arg0: i32) -> (i32, i32, i32) {
    %c0_i32 = arith.constant 0 : i32
    %c0_i32_0 = arith.constant 0 : i32
    %c0_i32_1 = arith.constant 0 : i32
    return %c0_i32, %arg0, %c0_i32_0 : i32, i32, i32
  }
  func.func @transform_2(%arg0: i32) -> (i32, i32, i32) {
    %c0_i32 = arith.constant 0 : i32
    %c0_i32_0 = arith.constant 0 : i32
    %c0_i32_1 = arith.constant 0 : i32
    return %c0_i32, %arg0, %c0_i32_0 : i32, i32, i32
  }
  func.func @transform_3(%arg0: i32) -> (i32, i32) {
    %c0_i32 = arith.constant 0 : i32
    %c0_i32_0 = arith.constant 0 : i32
    %c0_i32_1 = arith.constant 0 : i32
    return %c0_i32, %c0_i32_0 : i32, i32
  }
  func.func @transform_4(%arg0: i32) -> (i32, i32) {
    %c0_i32 = arith.constant 0 : i32
    %c0_i32_0 = arith.constant 0 : i32
    %c0_i32_1 = arith.constant 0 : i32
    return %c0_i32, %c0_i32_0 : i32, i32
  }
  func.func @transform_5(%arg0: i32) -> (i32, i32) {
    %c0_i32 = arith.constant 0 : i32
    %c0_i32_0 = arith.constant 0 : i32
    %c0_i32_1 = arith.constant 0 : i32
    return %c0_i32, %c0_i32_0 : i32, i32
  }
  func.func @transform_6(%arg0: i32) -> (i32, i32) {
    %c0_i32 = arith.constant 0 : i32
    %c0_i32_0 = arith.constant 0 : i32
    return %arg0, %c0_i32 : i32, i32
  }
}

module attributes {stable_mosaic.version = 14 : i64} {
  func.func @_mm_body(%arg0: i32, %arg1: memref<128x16xf32, #tpu.memory_space<vmem>>, %arg2: memref<1000x128xf32, #tpu.memory_space<vmem>>, %arg3: memref<2x1000x64xf32, #tpu.memory_space<vmem>>, %arg4: memref<2x1000x16xf32, #tpu.memory_space<vmem>>, %arg5: memref<128x128xf32, #tpu.memory_space<vmem>>, %arg6: memref<128x128xf32, #tpu.memory_space<vmem>>, %arg7: memref<1x128xf32, #tpu.memory_space<vmem>>, %arg8: memref<1000x128xf32, #tpu.memory_space<vmem>>, %arg9: memref<1000x16xf32, #tpu.memory_space<vmem>>) attributes {dimension_semantics = [#tpu.dimension_semantics<arbitrary>], iteration_bounds = array<i64: 10>, scalar_prefetch = 0 : i64, scratch_operands = 0 : i64, tpu.core_type = #tpu.core_type<tc>, window_params = [{pipeline_mode = #tpu.pipeline_mode<synchronous>, transform_indices = @transform_0, window_bounds = array<i64: 128, 16>}, {transform_indices = @transform_1, window_bounds = array<i64: 1000, 128>}, {transform_indices = @transform_2, window_bounds = array<i64: 2, 1000, 64>}, {transform_indices = @transform_3, window_bounds = array<i64: 2, 1000, 16>}, {pipeline_mode = #tpu.pipeline_mode<synchronous>, transform_indices = @transform_4, window_bounds = array<i64: 128, 128>}, {pipeline_mode = #tpu.pipeline_mode<synchronous>, transform_indices = @transform_5, window_bounds = array<i64: 128, 128>}, {pipeline_mode = #tpu.pipeline_mode<synchronous>, transform_indices = @transform_6, window_bounds = array<i64: 1, 128>}, {transform_indices = @transform_7, window_bounds = array<i64: 1000, 128>}, {transform_indices = @transform_8, window_bounds = array<i64: 1000, 16>}]} {
    %get3A = arith.constant 0 : index
    %get3A_0 = arith.constant 0 : index
    %get3A_1 = arith.constant 0 : index
    %get3A_2 = vector.load %arg4[%get3A, %get3A_0, %get3A_1] : memref<2x1000x16xf32, #tpu.memory_space<vmem>>, vector<1x1000x1xf32>
    %get3A_3 = vector.shape_cast %get3A_2 : vector<1x1000x1xf32> to vector<1000x1xf32>
    %get3A_4 = arith.constant 1 : index
    %get3A_5 = arith.constant 0 : index
    %get3A_6 = arith.constant 0 : index
    %get3A_7 = vector.load %arg4[%get3A_4, %get3A_5, %get3A_6] : memref<2x1000x16xf32, #tpu.memory_space<vmem>>, vector<1x1000x1xf32>
    %get3A_8 = vector.shape_cast %get3A_7 : vector<1x1000x1xf32> to vector<1000x1xf32>
    %add3A = arith.addf %get3A_3, %get3A_8 : vector<1000x1xf32>
    %max3A = arith.constant 1.000000e+00 : f32
    %max3A_9 = vector.broadcast %max3A : f32 to vector<1000x1xf32>
    %max3A_10 = arith.maximumf %add3A, %max3A_9 : vector<1000x1xf32>
    %get3A_11 = arith.constant 0 : index
    %get3A_12 = arith.constant 0 : index
    %get3A_13 = arith.constant 0 : index
    %get3A_14 = vector.load %arg3[%get3A_11, %get3A_12, %get3A_13] : memref<2x1000x64xf32, #tpu.memory_space<vmem>>, vector<1x1000x64xf32>
    %get3A_15 = vector.shape_cast %get3A_14 : vector<1x1000x64xf32> to vector<1000x64xf32>
    %get3A_16 = arith.constant 0 : index
    %get3A_17 = arith.constant 0 : index
    %get3A_18 = vector.load %arg6[%get3A_16, %get3A_17] : memref<128x128xf32, #tpu.memory_space<vmem>>, vector<64x128xf32>
    %dot_general3A = arith.constant dense<0.000000e+00> : vector<1000x128xf32>
    %dot_general3A_19 = tpu.matmul %get3A_15, %get3A_18, %dot_general3A {dimension_numbers = #tpu.dot_dimension_numbers<[1], [0], [0], [1], [0, 0, 1, 1], [], []>, transpose_lhs_hint = false} : vector<1000x64xf32>, vector<64x128xf32>, vector<1000x128xf32> -> vector<1000x128xf32>
    %get3A_20 = arith.constant 1 : index
    %get3A_21 = arith.constant 0 : index
    %get3A_22 = arith.constant 0 : index
    %get3A_23 = vector.load %arg3[%get3A_20, %get3A_21, %get3A_22] : memref<2x1000x64xf32, #tpu.memory_space<vmem>>, vector<1x1000x64xf32>
    %get3A_24 = vector.shape_cast %get3A_23 : vector<1x1000x64xf32> to vector<1000x64xf32>
    %get3A_25 = arith.constant 64 : index
    %get3A_26 = arith.constant 0 : index
    %get3A_27 = vector.load %arg6[%get3A_25, %get3A_26] : memref<128x128xf32, #tpu.memory_space<vmem>>, vector<64x128xf32>
    %dot_general3A_28 = arith.constant dense<0.000000e+00> : vector<1000x128xf32>
    %dot_general3A_29 = tpu.matmul %get3A_24, %get3A_27, %dot_general3A_28 {dimension_numbers = #tpu.dot_dimension_numbers<[1], [0], [0], [1], [0, 0, 1, 1], [], []>, transpose_lhs_hint = false} : vector<1000x64xf32>, vector<64x128xf32>, vector<1000x128xf32> -> vector<1000x128xf32>
    %add3A_30 = arith.addf %dot_general3A_19, %dot_general3A_29 : vector<1000x128xf32>
    %div3A = vector.broadcast %max3A_10 : vector<1000x1xf32> to vector<1000x128xf32>
    %div3A_31 = arith.divf %add3A_30, %div3A : vector<1000x128xf32>
    %get3A_32 = arith.constant 0 : index
    %get3A_33 = arith.constant 0 : index
    %get3A_34 = vector.load %arg2[%get3A_32, %get3A_33] : memref<1000x128xf32, #tpu.memory_space<vmem>>, vector<1000x128xf32>
    %get3A_35 = arith.constant 0 : index
    %get3A_36 = arith.constant 0 : index
    %get3A_37 = vector.load %arg5[%get3A_35, %get3A_36] : memref<128x128xf32, #tpu.memory_space<vmem>>, vector<128x128xf32>
    %dot_general3A_38 = arith.constant dense<0.000000e+00> : vector<1000x128xf32>
    %dot_general3A_39 = tpu.matmul %get3A_34, %get3A_37, %dot_general3A_38 {dimension_numbers = #tpu.dot_dimension_numbers<[1], [0], [0], [1], [0, 0, 1, 1], [], []>, transpose_lhs_hint = false} : vector<1000x128xf32>, vector<128x128xf32>, vector<1000x128xf32> -> vector<1000x128xf32>
    %add3A_40 = arith.addf %dot_general3A_39, %div3A_31 : vector<1000x128xf32>
    %get3A_41 = arith.constant 0 : index
    %get3A_42 = arith.constant 0 : index
    %get3A_43 = vector.load %arg7[%get3A_41, %get3A_42] : memref<1x128xf32, #tpu.memory_space<vmem>>, vector<1x128xf32>
    %add3A_44 = vector.broadcast %get3A_43 : vector<1x128xf32> to vector<1000x128xf32>
    %add3A_45 = arith.addf %add3A_40, %add3A_44 : vector<1000x128xf32>
    %max3A_46 = arith.constant 0.000000e+00 : f32
    %max3A_47 = vector.broadcast %max3A_46 : f32 to vector<1000x128xf32>
    %max3A_48 = arith.maximumf %add3A_45, %max3A_47 : vector<1000x128xf32>
    %swap3A = arith.constant 0 : index
    %swap3A_49 = arith.constant 0 : index
    %swap3A_50 = vector.load %arg8[%swap3A, %swap3A_49] : memref<1000x128xf32, #tpu.memory_space<vmem>>, vector<1000x128xf32>
    tpu.vector_store %arg8[%swap3A, %swap3A_49], %max3A_48 {strides = array<i32>} : memref<1000x128xf32, #tpu.memory_space<vmem>>, vector<1000x128xf32>,
    %get3A_51 = arith.constant 0 : index
    %get3A_52 = arith.constant 0 : index
    %get3A_53 = vector.load %arg1[%get3A_51, %get3A_52] : memref<128x16xf32, #tpu.memory_space<vmem>>, vector<128x16xf32>
    %dot_general3A_54 = arith.constant dense<0.000000e+00> : vector<1000x16xf32>
    %dot_general3A_55 = tpu.matmul %max3A_48, %get3A_53, %dot_general3A_54 {dimension_numbers = #tpu.dot_dimension_numbers<[1], [0], [0], [1], [0, 0, 1, 1], [], []>, transpose_lhs_hint = false} : vector<1000x128xf32>, vector<128x16xf32>, vector<1000x16xf32> -> vector<1000x16xf32>
    %swap3A_56 = arith.constant 0 : index
    %swap3A_57 = arith.constant 0 : index
    %swap3A_58 = vector.load %arg9[%swap3A_56, %swap3A_57] : memref<1000x16xf32, #tpu.memory_space<vmem>>, vector<1000x16xf32>
    tpu.vector_store %arg9[%swap3A_56, %swap3A_57], %dot_general3A_55 {strides = array<i32>} : memref<1000x16xf32, #tpu.memory_space<vmem>>, vector<1000x16xf32>,
    return
  }
  func.func @transform_0(%arg0: i32) -> (i32, i32) {
    %c0_i32 = arith.constant 0 : i32
    %c0_i32_0 = arith.constant 0 : i32
    %c0_i32_1 = arith.constant 0 : i32
    return %c0_i32, %c0_i32_0 : i32, i32
  }
  func.func @transform_1(%arg0: i32) -> (i32, i32) {
    %c0_i32 = arith.constant 0 : i32
    %c0_i32_0 = arith.constant 0 : i32
    return %arg0, %c0_i32 : i32, i32
  }
  func.func @transform_2(%arg0: i32) -> (i32, i32, i32) {
    %c0_i32 = arith.constant 0 : i32
    %c0_i32_0 = arith.constant 0 : i32
    %c0_i32_1 = arith.constant 0 : i32
    return %c0_i32, %arg0, %c0_i32_0 : i32, i32, i32
  }
  func.func @transform_3(%arg0: i32) -> (i32, i32, i32) {
    %c0_i32 = arith.constant 0 : i32
    %c0_i32_0 = arith.constant 0 : i32
    %c0_i32_1 = arith.constant 0 : i32
    return %c0_i32, %arg0, %c0_i32_0 : i32, i32, i32
  }
  func.func @transform_4(%arg0: i32) -> (i32, i32) {
    %c0_i32 = arith.constant 0 : i32
    %c0_i32_0 = arith.constant 0 : i32
    %c0_i32_1 = arith.constant 0 : i32
    return %c0_i32, %c0_i32_0 : i32, i32
  }
  func.func @transform_5(%arg0: i32) -> (i32, i32) {
    %c0_i32 = arith.constant 0 : i32
    %c0_i32_0 = arith.constant 0 : i32
    %c0_i32_1 = arith.constant 0 : i32
    return %c0_i32, %c0_i32_0 : i32, i32
  }
  func.func @transform_6(%arg0: i32) -> (i32, i32) {
    %c0_i32 = arith.constant 0 : i32
    %c0_i32_0 = arith.constant 0 : i32
    %c0_i32_1 = arith.constant 0 : i32
    return %c0_i32, %c0_i32_0 : i32, i32
  }
  func.func @transform_7(%arg0: i32) -> (i32, i32) {
    %c0_i32 = arith.constant 0 : i32
    %c0_i32_0 = arith.constant 0 : i32
    return %arg0, %c0_i32 : i32, i32
  }
  func.func @transform_8(%arg0: i32) -> (i32, i32) {
    %c0_i32 = arith.constant 0 : i32
    %c0_i32_0 = arith.constant 0 : i32
    return %arg0, %c0_i32 : i32, i32
  }
}

module attributes {stable_mosaic.version = 14 : i64} {
  func.func @_fin_body(%arg0: i32, %arg1: memref<1000x128xf32, #tpu.memory_space<vmem>>, %arg2: memref<2x1000x16xf32, #tpu.memory_space<vmem>>, %arg3: memref<2x1000x16xf32, #tpu.memory_space<vmem>>, %arg4: memref<128x16xf32, #tpu.memory_space<vmem>>, %arg5: memref<1x16xf32, #tpu.memory_space<vmem>>, %arg6: memref<1000x16xf32, #tpu.memory_space<vmem>>) attributes {dimension_semantics = [#tpu.dimension_semantics<arbitrary>], iteration_bounds = array<i64: 10>, scalar_prefetch = 0 : i64, scratch_operands = 0 : i64, tpu.core_type = #tpu.core_type<tc>, window_params = [{transform_indices = @transform_0, window_bounds = array<i64: 1000, 128>}, {transform_indices = @transform_1, window_bounds = array<i64: 2, 1000, 16>}, {transform_indices = @transform_2, window_bounds = array<i64: 2, 1000, 16>}, {pipeline_mode = #tpu.pipeline_mode<synchronous>, transform_indices = @transform_3, window_bounds = array<i64: 128, 16>}, {pipeline_mode = #tpu.pipeline_mode<synchronous>, transform_indices = @transform_4, window_bounds = array<i64: 1, 16>}, {transform_indices = @transform_5, window_bounds = array<i64: 1000, 16>}]} {
    %get3A = arith.constant 0 : index
    %get3A_0 = arith.constant 0 : index
    %get3A_1 = arith.constant 0 : index
    %get3A_2 = vector.load %arg3[%get3A, %get3A_0, %get3A_1] : memref<2x1000x16xf32, #tpu.memory_space<vmem>>, vector<1x1000x1xf32>
    %get3A_3 = vector.shape_cast %get3A_2 : vector<1x1000x1xf32> to vector<1000x1xf32>
    %get3A_4 = arith.constant 1 : index
    %get3A_5 = arith.constant 0 : index
    %get3A_6 = arith.constant 0 : index
    %get3A_7 = vector.load %arg3[%get3A_4, %get3A_5, %get3A_6] : memref<2x1000x16xf32, #tpu.memory_space<vmem>>, vector<1x1000x1xf32>
    %get3A_8 = vector.shape_cast %get3A_7 : vector<1x1000x1xf32> to vector<1000x1xf32>
    %add3A = arith.addf %get3A_3, %get3A_8 : vector<1000x1xf32>
    %max3A = arith.constant 1.000000e+00 : f32
    %max3A_9 = vector.broadcast %max3A : f32 to vector<1000x1xf32>
    %max3A_10 = arith.maximumf %add3A, %max3A_9 : vector<1000x1xf32>
    %get3A_11 = arith.constant 0 : index
    %get3A_12 = arith.constant 0 : index
    %get3A_13 = arith.constant 0 : index
    %get3A_14 = vector.load %arg2[%get3A_11, %get3A_12, %get3A_13] : memref<2x1000x16xf32, #tpu.memory_space<vmem>>, vector<1x1000x16xf32>
    %get3A_15 = vector.shape_cast %get3A_14 : vector<1x1000x16xf32> to vector<1000x16xf32>
    %get3A_16 = arith.constant 1 : index
    %get3A_17 = arith.constant 0 : index
    %get3A_18 = arith.constant 0 : index
    %get3A_19 = vector.load %arg2[%get3A_16, %get3A_17, %get3A_18] : memref<2x1000x16xf32, #tpu.memory_space<vmem>>, vector<1x1000x16xf32>
    %get3A_20 = vector.shape_cast %get3A_19 : vector<1x1000x16xf32> to vector<1000x16xf32>
    %add3A_21 = arith.addf %get3A_15, %get3A_20 : vector<1000x16xf32>
    %div3A = vector.broadcast %max3A_10 : vector<1000x1xf32> to vector<1000x16xf32>
    %div3A_22 = arith.divf %add3A_21, %div3A : vector<1000x16xf32>
    %get3A_23 = arith.constant 0 : index
    %get3A_24 = arith.constant 0 : index
    %get3A_25 = vector.load %arg1[%get3A_23, %get3A_24] : memref<1000x128xf32, #tpu.memory_space<vmem>>, vector<1000x128xf32>
    %get3A_26 = arith.constant 0 : index
    %get3A_27 = arith.constant 0 : index
    %get3A_28 = vector.load %arg4[%get3A_26, %get3A_27] : memref<128x16xf32, #tpu.memory_space<vmem>>, vector<128x16xf32>
    %dot_general3A = arith.constant dense<0.000000e+00> : vector<1000x16xf32>
    %dot_general3A_29 = tpu.matmul %get3A_25, %get3A_28, %dot_general3A {dimension_numbers = #tpu.dot_dimension_numbers<[1], [0], [0], [1], [0, 0, 1, 1], [], []>, transpose_lhs_hint = false} : vector<1000x128xf32>, vector<128x16xf32>, vector<1000x16xf32> -> vector<1000x16xf32>
    %add3A_30 = arith.addf %dot_general3A_29, %div3A_22 : vector<1000x16xf32>
    %get3A_31 = arith.constant 0 : index
    %get3A_32 = arith.constant 0 : index
    %get3A_33 = vector.load %arg5[%get3A_31, %get3A_32] : memref<1x16xf32, #tpu.memory_space<vmem>>, vector<1x16xf32>
    %add3A_34 = vector.broadcast %get3A_33 : vector<1x16xf32> to vector<1000x16xf32>
    %add3A_35 = arith.addf %add3A_30, %add3A_34 : vector<1000x16xf32>
    %swap3A = arith.constant 0 : index
    %swap3A_36 = arith.constant 0 : index
    %swap3A_37 = vector.load %arg6[%swap3A, %swap3A_36] : memref<1000x16xf32, #tpu.memory_space<vmem>>, vector<1000x16xf32>
    tpu.vector_store %arg6[%swap3A, %swap3A_36], %add3A_35 {strides = array<i32>} : memref<1000x16xf32, #tpu.memory_space<vmem>>, vector<1000x16xf32>,
    return
  }
  func.func @transform_0(%arg0: i32) -> (i32, i32) {
    %c0_i32 = arith.constant 0 : i32
    %c0_i32_0 = arith.constant 0 : i32
    return %arg0, %c0_i32 : i32, i32
  }
  func.func @transform_1(%arg0: i32) -> (i32, i32, i32) {
    %c0_i32 = arith.constant 0 : i32
    %c0_i32_0 = arith.constant 0 : i32
    %c0_i32_1 = arith.constant 0 : i32
    return %c0_i32, %arg0, %c0_i32_0 : i32, i32, i32
  }
  func.func @transform_2(%arg0: i32) -> (i32, i32, i32) {
    %c0_i32 = arith.constant 0 : i32
    %c0_i32_0 = arith.constant 0 : i32
    %c0_i32_1 = arith.constant 0 : i32
    return %c0_i32, %arg0, %c0_i32_0 : i32, i32, i32
  }
  func.func @transform_3(%arg0: i32) -> (i32, i32) {
    %c0_i32 = arith.constant 0 : i32
    %c0_i32_0 = arith.constant 0 : i32
    %c0_i32_1 = arith.constant 0 : i32
    return %c0_i32, %c0_i32_0 : i32, i32
  }
  func.func @transform_4(%arg0: i32) -> (i32, i32) {
    %c0_i32 = arith.constant 0 : i32
    %c0_i32_0 = arith.constant 0 : i32
    %c0_i32_1 = arith.constant 0 : i32
    return %c0_i32, %c0_i32_0 : i32, i32
  }
  func.func @transform_5(%arg0: i32) -> (i32, i32) {
    %c0_i32 = arith.constant 0 : i32
    %c0_i32_0 = arith.constant 0 : i32
    return %arg0, %c0_i32 : i32, i32
  }
}

</mosaic_0001>

<sc_bundles>
// kernel: kernel.6.cloned.1.call-start
scs
__scs_entry_jumppad:
0x0: {  	(pc) =	sbr.rel $0x88, $3  }
0x1: {  	(tag) =	ssettag $0x0;
	lr =	simm.s32 $0x1  }
0x2: {  	[smem:$0x3F96] =	sst lr;
	_ =	strace $0xD0000000  }
0x3: {  	_ = 	snop  }
0x4: {  	_ = 	snop  }
0x5: {  	_ = 	snop  }
0x6: {  	_ = 	snop  }
0x7: {  	_ = 	snop  }
__scs_overlays_trampoline_lowered:
0x8: {  	[smem:$0x3FA5] =	sst s0  }
0x9: {  	[smem:$0x3FA6] =	sst s1  }
0xa: {  	[smem:$0x3FA7] =	sst s2  }
0xb: {  	[smem:$0x3FA8] =	sst s3  }
0xc: {  	[smem:$0x3FA9] =	sst s4  }
0xd: {  	[smem:$0x3FAA] =	sst s5  }
0xe: {  	[smem:$0x3FAB] =	sst s6  }
0xf: {  	[smem:$0x3FAC] =	sst s7  }
0x10: {  	[smem:$0x3FAD] =	sst s8  }
0x11: {  	[smem:$0x3FAE] =	sst s9;
	s0 =	simm.s32 @!p0 $0x0  }
0x12: {  	s1 =	sld [smem:$0x3F94];
	s0 =	simm.s32 @p0 $0x1  }
0x13: {  	[smem:$0x3FAF] =	sst s0;
	s0 =	simm.s32 @!p1 $0x0  }
0x14: {  	s2 =	sld [smem:$0x3F93];
	s0 =	simm.s32 @p1 $0x1  }
0x15: {  	[smem:$0x3FB0] =	sst s0;
	s0 =	simm.s32 @!p2 $0x0  }
0x16: {  	s3 =	sld [smem:$0x3FDB];
	s0 =	simm.s32 @p2 $0x1  }
0x17: {  	s4 =	simm.s32 $0x1BF5;
	[smem:$0x3FB2] =	sst s0  }
0x18: {  	s0 =	sld [smem:$0x3F95];
	_ =	swait.ge [sflag:s4], $0x0  }
0x19: {  	s7 =	sld [smem:$0x3F96]  }
0x1a: {  	s8 =	sadd.s32 $0xFFFFE003, lr  }
0x1b: {  	s9 =	sadd.s32 $0xFFFFFEF7, lr;
	s5 =	simm.s32 $0xFFFFFFFF;
	p2 =	slt.u32 s8, $0xFFFFF086  }
0x1c: {  	p1 =	slt.u32 s9, $0xF7A;
	s5 =	simm.s32 @!p2 $0x0  }
0x1d: {  	s5 =	simm.s32 @p1 $0x1;
	p0 =	seq.s32 s7, s2  }
0x1e: {  	s7 =	smul.u32 @!p0 $0xF7A, s2;
	p2 =	seq.s32 @!p0 s5, $0x0  }
0x1f: {  	s9 =	smul.u32 $0xF7A, s1;
	s8 =	simm.s32 @!p0 $0x1BF5;
	p2 =	por !p2, p0  }
0x20: {  	[sflag:s8] =	ssyncset.s32 @!p0 $0xFFFFF086;
	s6 =	sadd.s32 @!p0 s3, s7;
	s7 =	simm.s32 @!p0 $0x108  }
0x21: {  	s3 =	sadd.s32 s3, s9;
	s6 =	sadd.s32 @!p0 $0x88, s6;
	s7 =	simm.s32 @p2 $0x1082  }
0x22: {  	[simem:s7], [sflag:s8] =	dma.local @!p0 [hbm:s6], $0xF7A  }
0x23: {  	s9 =	sor.u32 $0xD0000000, s2;
	s6 =	simm.s32 $0x108;
	_ =	swait.ge @!p0 [sflag:s8], $0x0  }
0x24: {  	s3 =	sadd.s32 $0x88, s3;
	s6 =	simm.s32 @!p1 $0x1082;
	[sflag:s4] =	ssyncset.s32 $0xFFFFF086  }
0x25: {  	[simem:s6], [sflag:s4] =	dma.local [hbm:s3], $0xF7A  }
0x26: {  	[smem:$0x3F96] =	sst s1;
	(tag) =	ssettag s2;
	_ =	strace s9  }
0x27: {  	s1 =	sld [smem:$0x3FA6]  }
0x28: {  	s2 =	sld [smem:$0x3FA7]  }
0x29: {  	s4 =	sld [smem:$0x3FA9]  }
0x2a: {  	p0 =	seq.s32 s5, $0x0;
	s5 =	sld [smem:$0x3FAA]  }
0x2b: {  	s6 =	sld [smem:$0x3FAB]  }
0x2c: {  	s7 =	sld [smem:$0x3FAC]  }
0x2d: {  	s3 =	simm.s32 $0x108;
	s8 =	sld [smem:$0x3FAD]  }
0x2e: {  	s3 =	simm.s32 @!p0 $0x1082;
	s9 =	sld [smem:$0x3FAE]  }
0x2f: {  	lr =	sadd.s32 s0, s3;
	s0 =	sld [smem:$0x3FA5]  }
0x30: {  	s3 =	sld [smem:$0x3FA8]  }
0x31: {  	[smem:$0x3FB1] =	sst s10  }
0x32: {  	s10 =	sld [smem:$0x3FAF];
	_ =	sdelay $0x3  }
0x33: {  	p0 =	seq.s32 s10, $0x1;
	s10 =	sld [smem:$0x3FB1];
	_ =	sdelay $0x3  }
0x34: {  	[smem:$0x3FB1] =	sst s10  }
0x35: {  	s10 =	sld [smem:$0x3FB0];
	_ =	sdelay $0x3  }
0x36: {  	p1 =	seq.s32 s10, $0x1;
	s10 =	sld [smem:$0x3FB1];
	_ =	sdelay $0x3  }
0x37: {  	[smem:$0x3FB1] =	sst s10  }
0x38: {  	s10 =	sld [smem:$0x3FB2]  }
0x39: {  	_ = 	snop;
	(pc) =	sbr.ind lr, $3  }
0x3a: {  	_ = 	snop  }
0x3b: {  	_ = 	snop  }
0x3c: {  	p2 =	seq.s32 s10, $0x1;
	s10 =	sld [smem:$0x3FB1]  }
0x3d: {  	_ =	shalt  }
0x3e: {  	_ =	shalt  }
0x3f: {  	_ =	shalt  }
0x40: {  	_ =	shalt  }
0x41: {  	_ =	shalt  }
0x42: {  	_ =	shalt  }
0x43: {  	_ =	shalt  }
0x44: {  	_ =	shalt  }
0x45: {  	_ =	shalt  }
0x46: {  	_ =	shalt  }
0x47: {  	_ =	shalt  }
0x48: {  	_ =	shalt  }
0x49: {  	_ =	shalt  }
0x4a: {  	_ =	shalt  }
0x4b: {  	_ =	shalt  }
0x4c: {  	_ =	shalt  }
0x4d: {  	_ =	shalt  }
0x4e: {  	_ =	shalt  }
0x4f: {  	_ =	shalt  }
0x50: {  	_ =	shalt  }
0x51: {  	_ =	shalt  }
0x52: {  	_ =	shalt  }
0x53: {  	_ =	shalt  }
0x54: {  	_ =	shalt  }
0x55: {  	_ =	shalt  }
0x56: {  	_ =	shalt  }
0x57: {  	_ =	shalt  }
0x58: {  	_ =	shalt  }
0x59: {  	_ =	shalt  }
0x5a: {  	_ =	shalt  }
0x5b: {  	_ =	shalt  }
0x5c: {  	_ =	shalt  }
0x5d: {  	_ =	shalt  }
0x5e: {  	_ =	shalt  }
0x5f: {  	_ =	shalt  }
0x60: {  	_ =	shalt  }
0x61: {  	_ =	shalt  }
0x62: {  	_ =	shalt  }
0x63: {  	_ =	shalt  }
0x64: {  	_ =	shalt  }
0x65: {  	_ =	shalt  }
0x66: {  	_ =	shalt  }
0x67: {  	_ =	shalt  }
0x68: {  	_ =	shalt  }
0x69: {  	_ =	shalt  }
0x6a: {  	_ =	shalt  }
0x6b: {  	_ =	shalt  }
0x6c: {  	_ =	shalt  }
0x6d: {  	_ =	shalt  }
0x6e: {  	_ =	shalt  }
0x6f: {  	_ =	shalt  }
0x70: {  	_ =	shalt  }
0x71: {  	_ =	shalt  }
0x72: {  	_ =	shalt  }
0x73: {  	_ =	shalt  }
0x74: {  	_ =	shalt  }
0x75: {  	_ =	shalt  }
0x76: {  	_ =	shalt  }
0x77: {  	_ =	shalt  }
0x78: {  	_ =	shalt  }
0x79: {  	_ =	shalt  }
0x7a: {  	_ =	shalt  }
0x7b: {  	_ =	shalt  }
0x7c: {  	_ =	shalt  }
0x7d: {  	_ =	shalt  }
0x7e: {  	_ =	shalt  }
0x7f: {  	_ =	shalt  }
0x80: {  	_ =	shalt  }
0x81: {  	_ =	shalt  }
0x82: {  	_ =	shalt  }
0x83: {  	_ =	shalt  }
0x84: {  	_ =	shalt  }
0x85: {  	_ =	shalt  }
0x86: {  	_ =	shalt  }
0x87: {  	_ =	shalt  }
.Lfunc_end0:
.L_simem_size_0:
called_computation_lowered:
.L_overlay_start_0:
0x88: {  	s2 =	sld [smem:$0x3FD9]  }
0x89: {  	s3 =	sld [smem:$0x3FFE];
	_ =	sdelay $0x1  }
0x8a: {  	s1 =	srdreg.scid  }
0x8b: {  	s0 =	sand.u32 $0x1, s1  }
0x8c: {  	s17 =	sshll.u32 s0, $0xA;
	s2 =	sadd.s32 s3, s2  }
0x8d: {  	s2 =	sadd.s32 s2, s17  }
0x8e: {  	[smem:$0x3FBD] =	sst s2  }
0x8f: {  	_ = 	snop  }
0x90: {  	(tm) =	ssettm $0x1  }
0x91: {  	s18 =	sld [smem:$0x3FFB];
	_ =	sdelay $0x3  }
0x92: {  	_ =	strace s18  }
0x93: {  	s2 =	sld [smem:$0x3FFC];
	_ =	sdelay $0x3  }
0x94: {  	_ =	strace s2  }
0x95: {  	s2 =	sld [smem:$0x3FFD];
	_ =	sdelay $0x3  }
0x96: {  	_ =	strace s2  }
0x97: {  	_ =	strace $0x8FFFFFFF  }
0x98: {  	s19 =	sld [smem:$0x3FDB];
	_ =	sdelay $0x1  }
0x99: {  	s20 =	simm.s32 $_scs_section_size  }
0x9a: {  	s4 =	simm.s32 $_size__tile_overlayer_lowered;
	s5 =	simm.s32 $_tile_overlayer_lowered  }
0x9b: {  	s6 =	simm.s32 $0x1BFF;
	s21 =	sshll.u32 s5, $0x1;
	s3 =	sadd.s32 s20, s19  }
0x9c: {  	s22 =	simm.s32 $0x0;
	s4 =	sshll.u32 s4, $0x1;
	s5 =	sadd.s32 s21, s3  }
0x9d: {  	[timem:s22], [sflag:s6] =	dma.local [hbm:s5], s4  }
0x9e: {  	_ =	swait.ge [sflag:s6], s4  }
0x9f: {  	s4 =	ssub.s32 $0x0, s4;
	[sflag:s6] =	ssyncset.done $0x0  }
0xa0: {  	[sflag:s6] =	ssyncadd.s32 s4;
	_ =	sdelay $0x1  }
0xa1: {  	s23 =	simm.s32 $0x1B8B  }
0xa2: {  	_ =	swait.ge [sflag:s23], $0x1  }
0xa3: {  	[sflag:s23] =	ssyncset.done $0x0  }
0xa4: {  	[sflag:s23] =	ssyncadd.s32 $0xFFFFFFFF  }
0xa5: {  	s4 =	sld [smem:$0x0]  }
0xa6: {  	s5 =	sand.u32 $0xFFFFFFFE, s1  }
0xa7: {  	p0 =	sne.s32 s1, s5  }
0xa8: {  	s5 =	sshll.u32 @p0 s5, $0xE  }
0xa9: {  	s5 =	sadd.s32 @p0 $0x11B8D, s5;
	s6 =	sshll.u32 @p0 s4, $0x11  }
0xaa: {  	s5 =	sor.u32 @p0 s6, s5  }
0xab: {  	[sflag:s5] =	ssyncadd.remote.s32 @p0 $0x1;
	_ =	sdelay $0x1  }
0xac: {  	s5 =	simm.s32 @p0 $0x1B8D  }
0xad: {  	_ =	swait.eq @p0 [sflag:s5], $0x1  }
0xae: {  	[sflag:s5] =	ssyncadd.s32 @p0 $0xFFFFFFFF  }
0xaf: {  	s6 =	sshll.u32 @!p0 s1, $0xE  }
0xb0: {  	s6 =	sor.u32 @!p0 $0x4000, s6;
	s5 =	simm.s32 @!p0 $0x1B8D  }
0xb1: {  	s4 =	sshll.u32 @!p0 s4, $0x11;
	s6 =	sadd.s32 @!p0 $0x11B8D, s6;
	_ =	swait.eq @!p0 [sflag:s5], $0x1  }
0xb2: {  	s4 =	sor.u32 @!p0 s4, s6;
	[sflag:s5] =	ssyncadd.s32 @!p0 $0xFFFFFFFF  }
0xb3: {  	s25 =	simm.s32 $0x1B8E;
	s24 =	sld [smem:$0x3FFE];
	[sflag:s4] =	ssyncadd.remote.s32 @!p0 $0x1  }
0xb4: {  	s26 =	simm.s32 $execute0_lowered;
	[smem:$0x3FD2] =	sst s25  }
0xb5: {  	s5 =	sshll.u32 s26, $0x1;
	_ =	strace $0x80000049;
	[dreg:$0x1] =	wrdreg $0xFFFFFFFF  }
0xb6: {  	s28 =	simm.s32 $_size_execute0_lowered;
	s3 =	sadd.s32 s3, s5;
	[dreg:$0x0] =	wrdreg $0x0  }
0xb7: {  	s5 =	sshll.u32 s28, $0x1;
	[dreg:$0x2] =	wrdreg s3  }
0xb8: {  	[dreg:$0x3] =	wrdreg s5  }
0xb9: {  	[dreg:$0x4] =	wrdreg $0xC0  }
0xba: {  	_ =	task [dreg:s22], $0x5FFFF  }
0xbb: {  	[dreg:$0x1] =	wrdreg $0xFFFFFFFF  }
0xbc: {  	[dreg:$0x0] =	wrdreg $0x60  }
0xbd: {  	[dreg:$0x2] =	wrdreg s24  }
0xbe: {  	[dreg:$0x3] =	wrdreg $0x34000  }
0xbf: {  	[dreg:$0x4] =	wrdreg $0x9  }
0xc0: {  	_ =	task.clear_ibuf [dreg:s22], $0x5FFFF;
	_ =	strace $0x90000049  }
0xc1: {  	s29 =	simm.s32 $0x9;
	_ =	strace $0x8000004B  }
0xc2: {  	_ =	swait.ge [sflag:s29], $0x1  }
0xc3: {  	[sflag:s29] =	ssyncadd.s32 $0xFFFFFFFF  }
0xc4: {  	_ =	strace $0x9000004B  }
0xc5: {  	_ =	sfence  }
0xc6: {  	s30 =	sld [smem:$0x0];
	_ =	sdelay $0x2  }
0xc7: {  	s31 =	sshll.u32 s1, $0xD;
	s1 =	sshrl.u32 s1, $0x2  }
0xc8: {  	s4 =	sand.u32 $0x4000, s31;
	s1 =	sadd.s32 s1, s30  }
0xc9: {  	s0 =	sor.u32 s4, s0;
	s1 =	sshll.u32 s1, $0x11  }
0xca: {  	s0 =	sor.u32 s1, s0  }
0xcb: {  	s0 =	sadd.s32 $0x8F2B, s0  }
0xcc: {  	[sflag:s0] =	ssyncadd.remote.s32 $0x1  }
0xcd: {  	_ =	sfence.sel $0xFFFF  }
0xce: {  	[dreg:$0x0] =	wrdreg $0xFFFFFFFF;
	(pc) =	sbr.abs _section_cstart, $3  }
0xcf: {  	[dreg:$0x1] =	wrdreg $0xFFFFFFFF  }
0xd0: {  	_ =	task.clear_ibuf [dreg:s22], $0x2FFFF;
	_ =	strace $0x9FFFFFFF  }
0xd1: {  	(tm) =	ssettm $0x7FFFFFFF  }
tec
execute0_lowered:
.L_overlay_start_1:
0x0: {  	(tag) =	ssettag $0x1  }
0x1: {  	s1 =	rddreg [dreg:$0x0]  }
0x2: {  	s0 =	srdreg.scid;
	s2 =	rddreg [dreg:$0x1]  }
0x3: {  	s22 =	stileid.u32;
	s3 =	simm.s32 $0x0;
	s17 =	simm.s32 $0x3000  }
0x4: {  	s18 =	simm.s32 $0x1;
	s19 =	simm.s32 $0x2;
	s20 =	simm.s32 $0x3  }
0x5: {  	s21 =	simm.s32 $0x4;
	s23 =	simm.s32 $0x80;
	s26 =	simm.s32 $0x2800  }
0x6: {  	s28 =	simm.s32 $0x100;
	s29 =	simm.s32 $0x180;
	s30 =	simm.s32 $0x200  }
0x7: {  	s31 =	simm.s32 $0x0;
	s0 =	sand.u32 $0x1, s0;
	s5 =	smul.u32 $0xA000, s22  }
0x8: {  	[smem:$0x7FF] =	sst s3;
	s16 =	smul.u32 $0x2800, s22;
	s24 =	sadd.s32 $0x25800, s2  }
0x9: {  	p0 =	seq.s32 s22, $0xF;
	s4 =	sshll.u32 s0, $0x4;
	_ =	strace $0x8000004A  }
0xa: {  	s6 =	smul.u32 $0x4E20, s0;
	s0 =	ssub.s32 $0x2, s0;
	s24 =	sshrl.u32 @p0 s24, $0x3  }
0xb: {  	s4 =	sor.u32 s22, s4;
	s7 =	sshrl.u32 s0, $0x1;
	s5 =	sshrl.u32 s5, $0x2  }
0xc: {  	s22 =	simm.s32 $0x5;
	s4 =	smul.u32 $0x500, s4;
	s14 =	sadd.s32 s5, s2  }
0xd: {  	s0 =	ssub.s32 s0, s7;
	s5 =	sadd.s32 s16, s2;
	s7 =	sadd.s32 $0x800, s14  }
0xe: {  	s8 =	sadd.s32 $0xC00, s14;
	s9 =	sadd.s32 $0x1000, s14;
	s10 =	sadd.s32 $0x1400, s14  }
0xf: {  	s11 =	sadd.s32 $0x1800, s14;
	s12 =	sadd.s32 $0x1C00, s14;
	s13 =	sadd.s32 $0x2000, s14  }
0x10: {  	s4 =	sadd.s32 s4, s1;
	s1 =	sadd.s32 s6, s1;
	s6 =	sadd.s32 $0x400, s14  }
0x11: {  	s14 =	sadd.s32 $0x2400, s14;
	s15 =	sadd.s32 $0x3DC00, s1;
	s1 =	sshrl.u32 s16, $0x3  }
0x12: {  	v0 =	vimm.f32 $0.0e+00;
	v1 =	vimm.f32 $1.000000000e+00;
	s4 =	sadd.s32 $0xCA00, s4;
	s16 =	smax.u32 s0, $0x1;
	s25 =	sadd.s32 @!p0 s1, s15  }
.LBB2_1:
0x13: {  	s0 =	simm.s32 $0x0  }
.LBB2_2:
0x14: {  	p1 =	sne.s32 s0, $0xFC0  }
.Ltmp0:
0x15: {  	_ = 	snop;
	(pc) =	sbr.rel @p1 .LBB2_2-.Ltmp0, $3  }
0x16: {  	_ =	sdelay $0x1  }
0x17: {  	s1 =	sshra.s32 s0, $0x2  }
0x18: {  	s0 =	sadd.s32 $0x40, s0;
	[tilespmem:s1+$0x3000] =	vst v0  }
0x19: {  	s0 =	simm.s32 $0x40;
	s1 =	simm.s32 $0x0  }
.LBB2_4:
0x1a: {  	p1 =	sne.s32 s0, $0x1FC0;
	[tilespmem:s1+$0x2800] =	vst v1;
	s1 =	smov.u32 s0;
	s0 =	sadd.s32 $0x40, s0  }
.Ltmp1:
0x1b: {  	(pc) =	sbr.rel @p1 .LBB2_4-.Ltmp1, $2  }
0x1c: {  	_ =	sdelay $0x2  }
0x1d: {  	s1 =	sshra.s32 s1, $0x2  }
0x1e: {  	[tilespmem:s1+$0x2800] =	vst v1  }
0x1f: {  	[tilespmem:s3], [sflag:$0x1] =	stream.linear.gather [hbm4b:s4+s3], $0x2800, $0x38;
	[tilespmem:$0x5C00] =	vst v63  }
0x20: {  	_ = 	snop  }
0x21: {  	[spmem:s5] =	stream.linear.scatter [tilespmem:s17], [sflag:$0x2], $0x400, $0x38;
	[tilespmem:$0x5C00] =	vst v63  }
0x22: {  	_ = 	snop  }
0x23: {  	[spmem:s6] =	stream.linear.scatter [tilespmem:s17], [sflag:$0x3], $0x400, $0x38;
	[tilespmem:$0x5C00] =	vst v63  }
0x24: {  	_ = 	snop  }
0x25: {  	[spmem:s7] =	stream.linear.scatter [tilespmem:s17], [sflag:$0x4], $0x400, $0x38;
	[tilespmem:$0x5C00] =	vst v63  }
0x26: {  	_ = 	snop  }
0x27: {  	[spmem:s8] =	stream.linear.scatter [tilespmem:s17], [sflag:$0x5], $0x400, $0x38;
	[tilespmem:$0x5C00] =	vst v63  }
0x28: {  	_ = 	snop  }
0x29: {  	[spmem:s9] =	stream.linear.scatter [tilespmem:s17], [sflag:$0x2], $0x400, $0x38;
	[tilespmem:$0x5C00] =	vst v63  }
0x2a: {  	_ = 	snop  }
0x2b: {  	[spmem:s10] =	stream.linear.scatter [tilespmem:s17], [sflag:$0x3], $0x400, $0x38;
	[tilespmem:$0x5C00] =	vst v63  }
0x2c: {  	_ = 	snop  }
0x2d: {  	[spmem:s11] =	stream.linear.scatter [tilespmem:s17], [sflag:$0x4], $0x400, $0x38;
	[tilespmem:$0x5C00] =	vst v63  }
0x2e: {  	_ = 	snop  }
0x2f: {  	[spmem:s12] =	stream.linear.scatter [tilespmem:s17], [sflag:$0x5], $0x400, $0x38;
	[tilespmem:$0x5C00] =	vst v63  }
0x30: {  	_ = 	snop  }
0x31: {  	[spmem:s13] =	stream.linear.scatter [tilespmem:s17], [sflag:$0x2], $0x400, $0x38;
	[tilespmem:$0x5C00] =	vst v63  }
0x32: {  	_ = 	snop  }
0x33: {  	[spmem:s14] =	stream.linear.scatter [tilespmem:s17], [sflag:$0x3], $0x400, $0x38;
	[tilespmem:$0x5C00] =	vst v63  }
0x34: {  	_ =	swait.ge [sflag:s18], $0x2800  }
0x35: {  	[sflag:s18] =	ssyncset.done $0x0  }
0x36: {  	[sflag:s18] =	ssyncadd.s32 $0xFFFFD800  }
0x37: {  	_ =	swait.ge [sflag:s19], $0x400  }
0x38: {  	[sflag:s19] =	ssyncset.done $0x0  }
0x39: {  	[sflag:s19] =	ssyncadd.s32 $0xFFFFFC00  }
0x3a: {  	_ =	swait.ge [sflag:s20], $0x400  }
0x3b: {  	[sflag:s20] =	ssyncset.done $0x0  }
0x3c: {  	[sflag:s20] =	ssyncadd.s32 $0xFFFFFC00  }
0x3d: {  	_ =	swait.ge [sflag:s21], $0x400  }
0x3e: {  	[sflag:s21] =	ssyncset.done $0x0  }
0x3f: {  	[sflag:s21] =	ssyncadd.s32 $0xFFFFFC00  }
0x40: {  	_ =	swait.ge [sflag:s22], $0x400  }
0x41: {  	[sflag:s22] =	ssyncset.done $0x0  }
0x42: {  	[sflag:s22] =	ssyncadd.s32 $0xFFFFFC00  }
0x43: {  	_ =	swait.ge [sflag:s19], $0x400  }
0x44: {  	[sflag:s19] =	ssyncset.done $0x0  }
0x45: {  	[sflag:s19] =	ssyncadd.s32 $0xFFFFFC00  }
0x46: {  	_ =	swait.ge [sflag:s20], $0x400  }
0x47: {  	[sflag:s20] =	ssyncset.done $0x0  }
0x48: {  	[sflag:s20] =	ssyncadd.s32 $0xFFFFFC00  }
0x49: {  	_ =	swait.ge [sflag:s21], $0x400  }
0x4a: {  	[sflag:s21] =	ssyncset.done $0x0  }
0x4b: {  	[sflag:s21] =	ssyncadd.s32 $0xFFFFFC00  }
0x4c: {  	_ =	swait.ge [sflag:s22], $0x400  }
0x4d: {  	[sflag:s22] =	ssyncset.done $0x0  }
0x4e: {  	[sflag:s22] =	ssyncadd.s32 $0xFFFFFC00  }
0x4f: {  	_ =	swait.ge [sflag:s19], $0x400  }
0x50: {  	[sflag:s19] =	ssyncset.done $0x0  }
0x51: {  	[sflag:s19] =	ssyncadd.s32 $0xFFFFFC00  }
0x52: {  	_ =	swait.ge [sflag:s20], $0x400  }
0x53: {  	[sflag:s20] =	ssyncset.done $0x0  }
0x54: {  	[sflag:s20] =	ssyncadd.s32 $0xFFFFFC00  }
0x55: {  	[bflag:$0x0] =	sbarrier.arrive $0xFFFF  }
0x56: {  	[spmem:s2] =	stream.indirect.scatter.add.f32 [tilespmem:s26], [sflag:$0x1], $0x10, s3, s23, $0xb8;
	[tilespmem:$0x5C00] =	vst v63  }
0x57: {  	_ = 	snop  }
0x58: {  	[spmem:s2] =	stream.indirect.scatter.add.f32 [tilespmem:s26], [sflag:$0x1], $0x10, s23, s23, $0xb8;
	[tilespmem:$0x5C00] =	vst v63  }
0x59: {  	_ = 	snop  }
0x5a: {  	[spmem:s2] =	stream.indirect.scatter.add.f32 [tilespmem:s26], [sflag:$0x1], $0x10, s28, s23, $0xb8;
	[tilespmem:$0x5C00] =	vst v63  }
0x5b: {  	_ = 	snop  }
0x5c: {  	[spmem:s2] =	stream.indirect.scatter.add.f32 [tilespmem:s26], [sflag:$0x1], $0x10, s29, s23, $0xb8;
	[tilespmem:$0x5C00] =	vst v63  }
0x5d: {  	_ = 	snop  }
0x5e: {  	[spmem:s2] =	stream.indirect.scatter.add.f32 [tilespmem:s26], [sflag:$0x1], $0x10, s30, s23, $0xb8;
	[tilespmem:$0x5C00] =	vst v63  }
0x5f: {  	_ =	swait.ge [sflag:s18], $0x800  }
0x60: {  	[sflag:s18] =	ssyncset.done $0x0  }
0x61: {  	s0 =	simm.s32 $0xC00;
	s1 =	simm.s32 $0x280;
	[sflag:s18] =	ssyncadd.s32 $0xFFFFF800  }
.LBB2_6:
0x62: {  	[spmem:s2] =	stream.indirect.scatter.add.f32 [tilespmem:s26], [sflag:$0x1], $0x10, s1, s23, $0xb8;
	[tilespmem:$0x5C00] =	vst v63  }
0x63: {  	s1 =	smov.u32 s0;
	p1 =	sne.s32 s0, $0x9E00  }
.Ltmp2:
0x64: {  	s0 =	sadd.s32 $0x200, s0;
	(pc) =	sbr.rel @p1 .LBB2_6-.Ltmp2, $4  }
0x65: {  	_ = 	snop  }
0x66: {  	_ =	swait.ge [sflag:s18], $0x800  }
0x67: {  	[sflag:s18] =	ssyncset.done $0x0  }
0x68: {  	s1 =	sshra.s32 s1, $0x2;
	[sflag:s18] =	ssyncadd.s32 $0xFFFFF800  }
0x69: {  	[spmem:s2] =	stream.indirect.scatter.add.f32 [tilespmem:s26], [sflag:$0x1], $0x10, s1, s23, $0xb8;
	[tilespmem:$0x5C00] =	vst v63  }
0x6a: {  	_ =	swait.ge [sflag:s18], $0x800  }
0x6b: {  	[sflag:s18] =	ssyncset.done $0x0  }
0x6c: {  	[sflag:s18] =	ssyncadd.s32 $0xFFFFF800  }
0x6d: {  	_ =	swait.ge [sflag:s18], $0x800  }
0x6e: {  	[sflag:s18] =	ssyncset.done $0x0  }
0x6f: {  	[sflag:s18] =	ssyncadd.s32 $0xFFFFF800  }
0x70: {  	_ =	swait.ge [sflag:s18], $0x800  }
0x71: {  	[sflag:s18] =	ssyncset.done $0x0  }
0x72: {  	[sflag:s18] =	ssyncadd.s32 $0xFFFFF800  }
0x73: {  	_ =	swait.ge [sflag:s18], $0x800  }
0x74: {  	[sflag:s18] =	ssyncset.done $0x0  }
0x75: {  	[sflag:s18] =	ssyncadd.s32 $0xFFFFF800  }
0x76: {  	_ =	swait.ge [sflag:s18], $0x800  }
0x77: {  	[sflag:s18] =	ssyncset.done $0x0  }
0x78: {  	[sflag:s18] =	ssyncadd.s32 $0xFFFFF800  }
0x79: {  	s0 =	sadd.s32 @p0 $0x4B00, s15;
	s1 =	simm.s32 @p0 $0x1FC6;
	[bflag:$0x0] =	sbarrier.arrive $0xFFFF  }
0x7a: {  	[hbm:s0], [sflag:s1] =	dma.local @p0 [spmem:s24], $0x320  }
0x7b: {  	s0 =	simm.s32 @p0 $0x6  }
0x7c: {  	s31 =	sadd.s32 $0x1, s31;
	s1 =	stileid.u32;
	_ =	swait.ge @p0 [sflag:s0], $0x320  }
0x7d: {  	p1 =	sne.s32 s31, s16;
	s1 =	sshll.u32 @!p0 s1, $0x6;
	[sflag:s0] =	ssyncset.done @p0 $0x0  }
0x7e: {  	[sflag:s0] =	ssyncadd.s32 @p0 $0xFFFFFCE0;
	s0 =	sor.u32 @!p0 $0x1C06, s1;
	s1 =	sshrl.u32 @!p0 s5, $0x3  }
0x7f: {  	[hbm:s25], [sflag:s0] =	dma.local @!p0 [spmem:s1], $0x500  }
.Ltmp3:
0x80: {  	_ = 	snop;
	(pc) =	sbr.rel @p1 .LBB2_1-.Ltmp3, $4  }
0x81: {  	s0 =	simm.s32 @!p0 $0x6  }
0x82: {  	_ =	swait.ge @!p0 [sflag:s0], $0x500  }
0x83: {  	[sflag:s0] =	ssyncset.done @!p0 $0x0  }
0x84: {  	[sflag:s0] =	ssyncadd.s32 @!p0 $0xFFFFFB00  }
0x85: {  	_ =	sfence.sel $0x180000  }
0x86: {  	[bflag:$0x0] =	sbarrier.arrive $0xFFFF  }
0x87: {  	_ =	strace $0x9000004A  }
0x88: {  	s0 =	stileid.u32;
	[bflag:$0x2] =	sbarrier.arrive $0xFFFF  }
0x89: {  	p0 =	sne.s32 s0, $0x0;
	s0 =	rddreg [dreg:$0x2]  }
0x8a: {  	s0 =	sadd.s32 @!p0 $0x100000, s0  }
0x8b: {  	[sflag:s0] =	ssyncadd.tile.s32 @!p0 $0x1;
	_ =	shalt  }
.Lfunc_end2:
_tile_overlayer_lowered:
.L_overlay_start_2:
0x8c: {  	(tag) =	ssettag $0x2  }
0x8d: {  	s0 =	rddreg [dreg:$0x0];
	s2 =	stileid.u32  }
0x8e: {  	s1 =	rddreg [dreg:$0x1];
	p0 =	sne.s32 s2, $0x0  }
0x8f: {  	s3 =	rddreg [dreg:$0x2];
	[bflag:$0x3] =	sbarrier.arrive $0xFFFF;
	s2 =	simm.s32 @!p0 $0x1C06  }
0x90: {  	[timem:s3], [sflag:s2] =	dma.local @!p0 [hbm:s0], s1  }
0x91: {  	s0 =	simm.s32 @!p0 $0x6  }
0x92: {  	_ =	swait.ge @!p0 [sflag:s0], s1  }
0x93: {  	s1 =	ssub.s32 @!p0 $0x0, s1;
	[sflag:s0] =	ssyncset.done @!p0 $0x0  }
0x94: {  	[sflag:s0] =	ssyncadd.s32 @!p0 s1  }
0x95: {  	[bflag:$0x3] =	sbarrier.arrive $0xFFFF  }
0x96: {  	_ =	shalt  }

// kernel: sege.3.cloned.1.call-start
scs
__scs_entry_jumppad:
0x0: {  	(pc) =	sbr.rel $0x88, $3  }
0x1: {  	(tag) =	ssettag $0x0;
	lr =	simm.s32 $0x1  }
0x2: {  	[smem:$0x3F96] =	sst lr;
	_ =	strace $0xD0000000  }
0x3: {  	_ = 	snop  }
0x4: {  	_ = 	snop  }
0x5: {  	_ = 	snop  }
0x6: {  	_ = 	snop  }
0x7: {  	_ = 	snop  }
__scs_overlays_trampoline_lowered:
0x8: {  	[smem:$0x3FA5] =	sst s0  }
0x9: {  	[smem:$0x3FA6] =	sst s1  }
0xa: {  	[smem:$0x3FA7] =	sst s2  }
0xb: {  	[smem:$0x3FA8] =	sst s3  }
0xc: {  	[smem:$0x3FA9] =	sst s4  }
0xd: {  	[smem:$0x3FAA] =	sst s5  }
0xe: {  	[smem:$0x3FAB] =	sst s6  }
0xf: {  	[smem:$0x3FAC] =	sst s7  }
0x10: {  	[smem:$0x3FAD] =	sst s8  }
0x11: {  	[smem:$0x3FAE] =	sst s9;
	s0 =	simm.s32 @!p0 $0x0  }
0x12: {  	s1 =	sld [smem:$0x3F94];
	s0 =	simm.s32 @p0 $0x1  }
0x13: {  	[smem:$0x3FAF] =	sst s0;
	s0 =	simm.s32 @!p1 $0x0  }
0x14: {  	s2 =	sld [smem:$0x3F93];
	s0 =	simm.s32 @p1 $0x1  }
0x15: {  	[smem:$0x3FB0] =	sst s0;
	s0 =	simm.s32 @!p2 $0x0  }
0x16: {  	s3 =	sld [smem:$0x3FDB];
	s0 =	simm.s32 @p2 $0x1  }
0x17: {  	s4 =	simm.s32 $0x1BF5;
	[smem:$0x3FB2] =	sst s0  }
0x18: {  	s0 =	sld [smem:$0x3F95];
	_ =	swait.ge [sflag:s4], $0x0  }
0x19: {  	s7 =	sld [smem:$0x3F96]  }
0x1a: {  	s8 =	sadd.s32 $0xFFFFE003, lr  }
0x1b: {  	s9 =	sadd.s32 $0xFFFFFEF7, lr;
	s5 =	simm.s32 $0xFFFFFFFF;
	p2 =	slt.u32 s8, $0xFFFFF086  }
0x1c: {  	p1 =	slt.u32 s9, $0xF7A;
	s5 =	simm.s32 @!p2 $0x0  }
0x1d: {  	s5 =	simm.s32 @p1 $0x1;
	p0 =	seq.s32 s7, s2  }
0x1e: {  	s7 =	smul.u32 @!p0 $0xF7A, s2;
	p2 =	seq.s32 @!p0 s5, $0x0  }
0x1f: {  	s9 =	smul.u32 $0xF7A, s1;
	s8 =	simm.s32 @!p0 $0x1BF5;
	p2 =	por !p2, p0  }
0x20: {  	[sflag:s8] =	ssyncset.s32 @!p0 $0xFFFFF086;
	s6 =	sadd.s32 @!p0 s3, s7;
	s7 =	simm.s32 @!p0 $0x108  }
0x21: {  	s3 =	sadd.s32 s3, s9;
	s6 =	sadd.s32 @!p0 $0x88, s6;
	s7 =	simm.s32 @p2 $0x1082  }
0x22: {  	[simem:s7], [sflag:s8] =	dma.local @!p0 [hbm:s6], $0xF7A  }
0x23: {  	s9 =	sor.u32 $0xD0000000, s2;
	s6 =	simm.s32 $0x108;
	_ =	swait.ge @!p0 [sflag:s8], $0x0  }
0x24: {  	s3 =	sadd.s32 $0x88, s3;
	s6 =	simm.s32 @!p1 $0x1082;
	[sflag:s4] =	ssyncset.s32 $0xFFFFF086  }
0x25: {  	[simem:s6], [sflag:s4] =	dma.local [hbm:s3], $0xF7A  }
0x26: {  	[smem:$0x3F96] =	sst s1;
	(tag) =	ssettag s2;
	_ =	strace s9  }
0x27: {  	s1 =	sld [smem:$0x3FA6]  }
0x28: {  	s2 =	sld [smem:$0x3FA7]  }
0x29: {  	s4 =	sld [smem:$0x3FA9]  }
0x2a: {  	p0 =	seq.s32 s5, $0x0;
	s5 =	sld [smem:$0x3FAA]  }
0x2b: {  	s6 =	sld [smem:$0x3FAB]  }
0x2c: {  	s7 =	sld [smem:$0x3FAC]  }
0x2d: {  	s3 =	simm.s32 $0x108;
	s8 =	sld [smem:$0x3FAD]  }
0x2e: {  	s3 =	simm.s32 @!p0 $0x1082;
	s9 =	sld [smem:$0x3FAE]  }
0x2f: {  	lr =	sadd.s32 s0, s3;
	s0 =	sld [smem:$0x3FA5]  }
0x30: {  	s3 =	sld [smem:$0x3FA8]  }
0x31: {  	[smem:$0x3FB1] =	sst s10  }
0x32: {  	s10 =	sld [smem:$0x3FAF];
	_ =	sdelay $0x3  }
0x33: {  	p0 =	seq.s32 s10, $0x1;
	s10 =	sld [smem:$0x3FB1];
	_ =	sdelay $0x3  }
0x34: {  	[smem:$0x3FB1] =	sst s10  }
0x35: {  	s10 =	sld [smem:$0x3FB0];
	_ =	sdelay $0x3  }
0x36: {  	p1 =	seq.s32 s10, $0x1;
	s10 =	sld [smem:$0x3FB1];
	_ =	sdelay $0x3  }
0x37: {  	[smem:$0x3FB1] =	sst s10  }
0x38: {  	s10 =	sld [smem:$0x3FB2]  }
0x39: {  	_ = 	snop;
	(pc) =	sbr.ind lr, $3  }
0x3a: {  	_ = 	snop  }
0x3b: {  	_ = 	snop  }
0x3c: {  	p2 =	seq.s32 s10, $0x1;
	s10 =	sld [smem:$0x3FB1]  }
0x3d: {  	_ =	shalt  }
0x3e: {  	_ =	shalt  }
0x3f: {  	_ =	shalt  }
0x40: {  	_ =	shalt  }
0x41: {  	_ =	shalt  }
0x42: {  	_ =	shalt  }
0x43: {  	_ =	shalt  }
0x44: {  	_ =	shalt  }
0x45: {  	_ =	shalt  }
0x46: {  	_ =	shalt  }
0x47: {  	_ =	shalt  }
0x48: {  	_ =	shalt  }
0x49: {  	_ =	shalt  }
0x4a: {  	_ =	shalt  }
0x4b: {  	_ =	shalt  }
0x4c: {  	_ =	shalt  }
0x4d: {  	_ =	shalt  }
0x4e: {  	_ =	shalt  }
0x4f: {  	_ =	shalt  }
0x50: {  	_ =	shalt  }
0x51: {  	_ =	shalt  }
0x52: {  	_ =	shalt  }
0x53: {  	_ =	shalt  }
0x54: {  	_ =	shalt  }
0x55: {  	_ =	shalt  }
0x56: {  	_ =	shalt  }
0x57: {  	_ =	shalt  }
0x58: {  	_ =	shalt  }
0x59: {  	_ =	shalt  }
0x5a: {  	_ =	shalt  }
0x5b: {  	_ =	shalt  }
0x5c: {  	_ =	shalt  }
0x5d: {  	_ =	shalt  }
0x5e: {  	_ =	shalt  }
0x5f: {  	_ =	shalt  }
0x60: {  	_ =	shalt  }
0x61: {  	_ =	shalt  }
0x62: {  	_ =	shalt  }
0x63: {  	_ =	shalt  }
0x64: {  	_ =	shalt  }
0x65: {  	_ =	shalt  }
0x66: {  	_ =	shalt  }
0x67: {  	_ =	shalt  }
0x68: {  	_ =	shalt  }
0x69: {  	_ =	shalt  }
0x6a: {  	_ =	shalt  }
0x6b: {  	_ =	shalt  }
0x6c: {  	_ =	shalt  }
0x6d: {  	_ =	shalt  }
0x6e: {  	_ =	shalt  }
0x6f: {  	_ =	shalt  }
0x70: {  	_ =	shalt  }
0x71: {  	_ =	shalt  }
0x72: {  	_ =	shalt  }
0x73: {  	_ =	shalt  }
0x74: {  	_ =	shalt  }
0x75: {  	_ =	shalt  }
0x76: {  	_ =	shalt  }
0x77: {  	_ =	shalt  }
0x78: {  	_ =	shalt  }
0x79: {  	_ =	shalt  }
0x7a: {  	_ =	shalt  }
0x7b: {  	_ =	shalt  }
0x7c: {  	_ =	shalt  }
0x7d: {  	_ =	shalt  }
0x7e: {  	_ =	shalt  }
0x7f: {  	_ =	shalt  }
0x80: {  	_ =	shalt  }
0x81: {  	_ =	shalt  }
0x82: {  	_ =	shalt  }
0x83: {  	_ =	shalt  }
0x84: {  	_ =	shalt  }
0x85: {  	_ =	shalt  }
0x86: {  	_ =	shalt  }
0x87: {  	_ =	shalt  }
.Lfunc_end0:
.L_simem_size_0:
called_computation.3_lowered:
.L_overlay_start_0:
0x88: {  	s2 =	sld [smem:$0x3FD9]  }
0x89: {  	s3 =	sld [smem:$0x3FFE];
	_ =	sdelay $0x1  }
0x8a: {  	s1 =	srdreg.scid  }
0x8b: {  	s0 =	sand.u32 $0x1, s1  }
0x8c: {  	s17 =	sshll.u32 s0, $0xA;
	s2 =	sadd.s32 s3, s2  }
0x8d: {  	s2 =	sadd.s32 s2, s17  }
0x8e: {  	[smem:$0x3FBD] =	sst s2  }
0x8f: {  	_ = 	snop  }
0x90: {  	s2 =	sld [smem:$0x3FD0];
	(tm) =	ssettm $0x1  }
0x91: {  	s18 =	sld [smem:$0x3FFB];
	_ =	sdelay $0x3  }
0x92: {  	_ =	strace s18  }
0x93: {  	s3 =	sld [smem:$0x3FFC];
	_ =	sdelay $0x3  }
0x94: {  	_ =	strace s3  }
0x95: {  	s3 =	sld [smem:$0x3FFD];
	_ =	sdelay $0x3  }
0x96: {  	_ =	strace s3  }
0x97: {  	_ =	strace $0x8FFFFFFF  }
0x98: {  	s19 =	sld [smem:$0x3FDB];
	_ =	sdelay $0x1  }
0x99: {  	s4 =	simm.s32 $_scs_section_size  }
0x9a: {  	s5 =	simm.s32 $_size__tile_overlayer_lowered;
	s6 =	simm.s32 $_tile_overlayer_lowered  }
0x9b: {  	s22 =	simm.s32 $0x1BFF;
	s21 =	sshll.u32 s6, $0x1;
	s3 =	sadd.s32 s4, s19  }
0x9c: {  	s7 =	simm.s32 $0x0;
	s20 =	sshll.u32 s5, $0x1;
	s5 =	sadd.s32 s21, s3  }
0x9d: {  	[timem:s7], [sflag:s22] =	dma.local [hbm:s5], s20  }
0x9e: {  	_ =	swait.ge [sflag:s22], s20  }
0x9f: {  	s4 =	ssub.s32 $0x0, s20;
	[sflag:s22] =	ssyncset.done $0x0  }
0xa0: {  	[sflag:s22] =	ssyncadd.s32 s4;
	_ =	sdelay $0x1  }
0xa1: {  	s23 =	simm.s32 $0x1B8B  }
0xa2: {  	_ =	swait.ge [sflag:s23], $0x1  }
0xa3: {  	[sflag:s23] =	ssyncset.done $0x0  }
0xa4: {  	s25 =	simm.s32 $0x1B8E;
	s24 =	sld [smem:$0x3FFE];
	[sflag:s23] =	ssyncadd.s32 $0xFFFFFFFF  }
0xa5: {  	s26 =	simm.s32 $execute0_lowered;
	[smem:$0x3FD2] =	sst s25  }
0xa6: {  	s5 =	sshll.u32 s26, $0x1;
	_ =	strace $0x8000004F;
	[dreg:$0x1] =	wrdreg $0xFFFFFFFF  }
0xa7: {  	s28 =	simm.s32 $_size_execute0_lowered;
	s3 =	sadd.s32 s3, s5;
	[dreg:$0x0] =	wrdreg $0x0  }
0xa8: {  	s5 =	sshll.u32 s28, $0x1;
	[dreg:$0x2] =	wrdreg s3  }
0xa9: {  	[dreg:$0x3] =	wrdreg s5  }
0xaa: {  	[dreg:$0x4] =	wrdreg $0xC0  }
0xab: {  	_ =	task [dreg:s7], $0x5FFFF  }
0xac: {  	[dreg:$0x1] =	wrdreg $0xFFFFFFFF  }
0xad: {  	[dreg:$0x0] =	wrdreg $0x60  }
0xae: {  	[dreg:$0x2] =	wrdreg s24  }
0xaf: {  	[dreg:$0x3] =	wrdreg s2  }
0xb0: {  	[dreg:$0x4] =	wrdreg $0x7C000  }
0xb1: {  	[dreg:$0x5] =	wrdreg $0x9  }
0xb2: {  	_ =	task.clear_ibuf [dreg:s7], $0x6FFFF;
	_ =	strace $0x9000004F  }
0xb3: {  	s29 =	simm.s32 $0x9;
	_ =	strace $0x80000051  }
0xb4: {  	_ =	swait.ge [sflag:s29], $0x1  }
0xb5: {  	[sflag:s29] =	ssyncadd.s32 $0xFFFFFFFF  }
0xb6: {  	_ =	strace $0x90000051  }
0xb7: {  	_ =	sfence  }
0xb8: {  	s30 =	sld [smem:$0x0];
	_ =	sdelay $0x2  }
0xb9: {  	s31 =	sshll.u32 s1, $0xD;
	s1 =	sshrl.u32 s1, $0x2  }
0xba: {  	s3 =	sand.u32 $0x4000, s31;
	s1 =	sadd.s32 s1, s30  }
0xbb: {  	s0 =	sor.u32 s3, s0;
	s1 =	sshll.u32 s1, $0x11  }
0xbc: {  	s0 =	sor.u32 s1, s0  }
0xbd: {  	s0 =	sadd.s32 $0x8F2B, s0  }
0xbe: {  	[sflag:s0] =	ssyncadd.remote.s32 $0x1  }
0xbf: {  	_ =	sfence.sel $0xFFFF  }
0xc0: {  	[dreg:$0x0] =	wrdreg $0xFFFFFFFF;
	(pc) =	sbr.abs _section_cstart, $3  }
0xc1: {  	[dreg:$0x1] =	wrdreg $0xFFFFFFFF  }
0xc2: {  	_ =	task.clear_ibuf [dreg:s7], $0x2FFFF;
	_ =	strace $0x9FFFFFFF  }
0xc3: {  	(tm) =	ssettm $0x7FFFFFFF  }
tec
execute0_lowered:
.L_overlay_start_1:
0x0: {  	(tag) =	ssettag $0x1  }
0x1: {  	s1 =	rddreg [dreg:$0x0]  }
0x2: {  	s0 =	srdreg.scid;
	s2 =	rddreg [dreg:$0x1]  }
0x3: {  	s9 =	stileid.u32;
	s3 =	rddreg [dreg:$0x2]  }
0x4: {  	s28 =	simm.s32 $0x5;
	s29 =	simm.s32 $0x6;
	s30 =	simm.s32 $0x7  }
0x5: {  	s31 =	simm.s32 $0x80;
	s11 =	simm.s32 $0xA;
	s6 =	smul.u32 $0xA000, s9  }
0x6: {  	s0 =	sand.u32 $0x1, s0;
	s8 =	smul.u32 $0x2800, s9;
	p0 =	seq.s32 s9, $0xF  }
0x7: {  	s4 =	sshll.u32 s0, $0x4;
	s18 =	smul.u32 $0x4E20, s0;
	s6 =	sshrl.u32 s6, $0x2  }
0x8: {  	s5 =	sor.u32 s9, s4;
	s4 =	simm.s32 $0x0;
	s6 =	sadd.s32 s6, s3  }
0x9: {  	s0 =	ssub.s32 $0x2, s0;
	[smem:$0x7FF] =	sst s4;
	s10 =	sadd.s32 $0x400, s6  }
0xa: {  	_ =	strace $0x80000050;
	s20 =	sadd.s32 $0x800, s6;
	[dreg:$0x4] =	wrdreg s10  }
0xb: {  	s19 =	sshrl.u32 s0, $0x1;
	s21 =	sadd.s32 $0xC00, s6;
	[dreg:$0x5] =	wrdreg s20  }
0xc: {  	s9 =	simm.s32 $0x8;
	s22 =	sadd.s32 $0x1000, s6;
	[dreg:$0x6] =	wrdreg s21  }
0xd: {  	s5 =	smul.u32 $0x500, s5;
	s23 =	sadd.s32 $0x1400, s6;
	[dreg:$0x7] =	wrdreg s22  }
0xe: {  	s0 =	ssub.s32 s0, s19;
	s24 =	sadd.s32 $0x1800, s6;
	[dreg:$0x8] =	wrdreg s23  }
0xf: {  	s19 =	simm.s32 $0x7800;
	s25 =	sadd.s32 $0x1C00, s6;
	[dreg:$0x9] =	wrdreg s24  }
0x10: {  	s26 =	sadd.s32 $0x2000, s6;
	s6 =	sadd.s32 $0x2400, s6;
	[dreg:$0xa] =	wrdreg s25  }
0x11: {  	s7 =	sadd.s32 s5, s1;
	s1 =	sadd.s32 s18, s1;
	[dreg:$0xb] =	wrdreg s26  }
0x12: {  	s5 =	sadd.s32 s8, s3;
	[dreg:$0xc] =	wrdreg s6;
	s6 =	sadd.s32 $0x25800, s3  }
0x13: {  	s18 =	smax.u32 s0, $0x1;
	s20 =	simm.s32 $0x2800;
	s21 =	simm.s32 $0x1  }
0x14: {  	s22 =	simm.s32 $0x2;
	s23 =	simm.s32 $0x3;
	s26 =	simm.s32 $0x4  }
0x15: {  	s0 =	simm.s32 $0x5800;
	s10 =	simm.s32 $0x9;
	s15 =	sadd.s32 $0x2A00, s7  }
0x16: {  	s16 =	sadd.s32 $0xCA00, s7;
	s17 =	sadd.s32 $0x16A00, s1;
	s1 =	sshrl.u32 s8, $0x3  }
0x17: {  	s24 =	sshrl.u32 @p0 s6, $0x3;
	s6 =	simm.s32 $0x6000;
	s7 =	simm.s32 $0x6800  }
0x18: {  	v0 =	vimm.f32 $0.0e+00;
	s8 =	simm.s32 $0x7000;
	s25 =	sadd.s32 @!p0 s1, s17;
	s1 =	simm.s32 $0x5000  }
.LBB2_1:
0x19: {  	s12 =	simm.s32 $0x40;
	s13 =	simm.s32 $0x0  }
.LBB2_2:
0x1a: {  	p1 =	sne.s32 s12, $0xFC0;
	[tilespmem:s13+$0x7800] =	vst v0;
	s13 =	smov.u32 s12;
	s12 =	sadd.s32 $0x40, s12  }
.Ltmp0:
0x1b: {  	(pc) =	sbr.rel @p1 .LBB2_2-.Ltmp0, $2  }
0x1c: {  	_ =	sdelay $0x2  }
0x1d: {  	s13 =	sshra.s32 s13, $0x2  }
0x1e: {  	[tilespmem:s13+$0x7800] =	vst v0  }
0x1f: {  	[spmem:s5] =	stream.linear.scatter [tilespmem:s19], [sflag:$0x1], $0x400, $0x38;
	[tilespmem:$0xA400] =	vst v63  }
0x20: {  	s12 =	rddreg [dreg:$0x4]  }
0x21: {  	[spmem:s12] =	stream.linear.scatter [tilespmem:s19], [sflag:$0x2], $0x400, $0x38;
	[tilespmem:$0xA400] =	vst v63  }
0x22: {  	s13 =	rddreg [dreg:$0x5]  }
0x23: {  	[spmem:s13] =	stream.linear.scatter [tilespmem:s19], [sflag:$0x3], $0x400, $0x38;
	[tilespmem:$0xA400] =	vst v63  }
0x24: {  	s14 =	rddreg [dreg:$0x6]  }
0x25: {  	[spmem:s14] =	stream.linear.scatter [tilespmem:s19], [sflag:$0x4], $0x400, $0x38;
	[tilespmem:$0xA400] =	vst v63  }
0x26: {  	s13 =	rddreg [dreg:$0x7]  }
0x27: {  	[spmem:s13] =	stream.linear.scatter [tilespmem:s19], [sflag:$0x5], $0x400, $0x38;
	[tilespmem:$0xA400] =	vst v63  }
0x28: {  	s14 =	rddreg [dreg:$0x8]  }
0x29: {  	[spmem:s14] =	stream.linear.scatter [tilespmem:s19], [sflag:$0x1], $0x400, $0x38;
	[tilespmem:$0xA400] =	vst v63  }
0x2a: {  	s13 =	rddreg [dreg:$0x9]  }
0x2b: {  	[spmem:s13] =	stream.linear.scatter [tilespmem:s19], [sflag:$0x2], $0x400, $0x38;
	[tilespmem:$0xA400] =	vst v63  }
0x2c: {  	s14 =	rddreg [dreg:$0xa]  }
0x2d: {  	[spmem:s14] =	stream.linear.scatter [tilespmem:s19], [sflag:$0x3], $0x400, $0x38;
	[tilespmem:$0xA400] =	vst v63  }
0x2e: {  	s13 =	rddreg [dreg:$0xb]  }
0x2f: {  	[spmem:s13] =	stream.linear.scatter [tilespmem:s19], [sflag:$0x4], $0x400, $0x38;
	[tilespmem:$0xA400] =	vst v63  }
0x30: {  	s14 =	rddreg [dreg:$0xc]  }
0x31: {  	[spmem:s14] =	stream.linear.scatter [tilespmem:s19], [sflag:$0x5], $0x400, $0x38;
	[tilespmem:$0xA400] =	vst v63  }
0x32: {  	s13 =	simm.s32 $0x0  }
0x33: {  	[tilespmem:s13], [sflag:$0x6] =	stream.linear.gather [hbm4b:s15+s13], $0x2800, $0x38;
	[tilespmem:$0xA400] =	vst v63  }
0x34: {  	_ = 	snop  }
0x35: {  	[tilespmem:s20], [sflag:$0x7] =	stream.linear.gather [hbm4b:s16+s13], $0x2800, $0x38;
	[tilespmem:$0xA400] =	vst v63  }
0x36: {  	_ =	swait.ge [sflag:s21], $0x400  }
0x37: {  	[sflag:s21] =	ssyncset.done $0x0  }
0x38: {  	[sflag:s21] =	ssyncadd.s32 $0xFFFFFC00  }
0x39: {  	_ =	swait.ge [sflag:s22], $0x400  }
0x3a: {  	[sflag:s22] =	ssyncset.done $0x0  }
0x3b: {  	[sflag:s22] =	ssyncadd.s32 $0xFFFFFC00  }
0x3c: {  	_ =	swait.ge [sflag:s23], $0x400  }
0x3d: {  	[sflag:s23] =	ssyncset.done $0x0  }
0x3e: {  	[sflag:s23] =	ssyncadd.s32 $0xFFFFFC00  }
0x3f: {  	_ =	swait.ge [sflag:s26], $0x400  }
0x40: {  	[sflag:s26] =	ssyncset.done $0x0  }
0x41: {  	[sflag:s26] =	ssyncadd.s32 $0xFFFFFC00  }
0x42: {  	_ =	swait.ge [sflag:s28], $0x400  }
0x43: {  	[sflag:s28] =	ssyncset.done $0x0  }
0x44: {  	[sflag:s28] =	ssyncadd.s32 $0xFFFFFC00  }
0x45: {  	_ =	swait.ge [sflag:s21], $0x400  }
0x46: {  	[sflag:s21] =	ssyncset.done $0x0  }
0x47: {  	[sflag:s21] =	ssyncadd.s32 $0xFFFFFC00  }
0x48: {  	_ =	swait.ge [sflag:s22], $0x400  }
0x49: {  	[sflag:s22] =	ssyncset.done $0x0  }
0x4a: {  	[sflag:s22] =	ssyncadd.s32 $0xFFFFFC00  }
0x4b: {  	_ =	swait.ge [sflag:s23], $0x400  }
0x4c: {  	[sflag:s23] =	ssyncset.done $0x0  }
0x4d: {  	[sflag:s23] =	ssyncadd.s32 $0xFFFFFC00  }
0x4e: {  	_ =	swait.ge [sflag:s26], $0x400  }
0x4f: {  	[sflag:s26] =	ssyncset.done $0x0  }
0x50: {  	[sflag:s26] =	ssyncadd.s32 $0xFFFFFC00  }
0x51: {  	_ =	swait.ge [sflag:s28], $0x400  }
0x52: {  	[sflag:s28] =	ssyncset.done $0x0  }
0x53: {  	[sflag:s28] =	ssyncadd.s32 $0xFFFFFC00  }
0x54: {  	_ =	swait.ge [sflag:s29], $0x2800  }
0x55: {  	[sflag:s29] =	ssyncset.done $0x0  }
0x56: {  	[sflag:s29] =	ssyncadd.s32 $0xFFFFD800  }
0x57: {  	_ =	swait.ge [sflag:s30], $0x2800  }
0x58: {  	[sflag:s30] =	ssyncset.done $0x0  }
0x59: {  	[sflag:s30] =	ssyncadd.s32 $0xFFFFD800  }
0x5a: {  	[bflag:$0x0] =	sbarrier.arrive $0xFFFF  }
0x5b: {  	[tilespmem:s1], [sflag:$0x1] =	stream.indirect.gather [hbm4b:s2+s31], $0x10, s13, s31, $0xb8;
	[tilespmem:$0xA400] =	vst v63  }
0x5c: {  	_ = 	snop  }
0x5d: {  	[tilespmem:s0], [sflag:$0x2] =	stream.indirect.gather [hbm4b:s2+s31], $0x10, s31, s31, $0xb8;
	[tilespmem:$0xA400] =	vst v63  }
0x5e: {  	_ =	swait.ge [sflag:s21], $0x800  }
0x5f: {  	[sflag:s21] =	ssyncset.done $0x0  }
0x60: {  	[sflag:s21] =	ssyncadd.s32 $0xFFFFF800  }
0x61: {  	[spmem:s3] =	stream.indirect.scatter.add.f32 [tilespmem:s1], [sflag:$0x6], $0x10, s20, s31, $0xb8;
	[tilespmem:$0xA400] =	vst v63  }
0x62: {  	s14 =	simm.s32 $0x100  }
0x63: {  	[tilespmem:s6], [sflag:$0x3] =	stream.indirect.gather [hbm4b:s2+s31], $0x10, s14, s31, $0xb8;
	[tilespmem:$0xA400] =	vst v63  }
0x64: {  	_ =	swait.ge [sflag:s22], $0x800  }
0x65: {  	[sflag:s22] =	ssyncset.done $0x0  }
0x66: {  	s13 =	simm.s32 $0x2880;
	[sflag:s22] =	ssyncadd.s32 $0xFFFFF800  }
0x67: {  	[spmem:s3] =	stream.indirect.scatter.add.f32 [tilespmem:s0], [sflag:$0x7], $0x10, s13, s31, $0xb8;
	[tilespmem:$0xA400] =	vst v63  }
0x68: {  	s14 =	simm.s32 $0x180  }
0x69: {  	[tilespmem:s7], [sflag:$0x4] =	stream.indirect.gather [hbm4b:s2+s31], $0x10, s14, s31, $0xb8;
	[tilespmem:$0xA400] =	vst v63  }
0x6a: {  	_ =	swait.ge [sflag:s23], $0x800  }
0x6b: {  	[sflag:s23] =	ssyncset.done $0x0  }
0x6c: {  	s13 =	simm.s32 $0x2900;
	[sflag:s23] =	ssyncadd.s32 $0xFFFFF800  }
0x6d: {  	[spmem:s3] =	stream.indirect.scatter.add.f32 [tilespmem:s6], [sflag:$0x8], $0x10, s13, s31, $0xb8;
	[tilespmem:$0xA400] =	vst v63  }
0x6e: {  	s14 =	simm.s32 $0x200  }
0x6f: {  	[tilespmem:s8], [sflag:$0x5] =	stream.indirect.gather [hbm4b:s2+s31], $0x10, s14, s31, $0xb8;
	[tilespmem:$0xA400] =	vst v63  }
0x70: {  	_ =	swait.ge [sflag:s26], $0x800  }
0x71: {  	[sflag:s26] =	ssyncset.done $0x0  }
0x72: {  	s13 =	simm.s32 $0x2980;
	[sflag:s26] =	ssyncadd.s32 $0xFFFFF800  }
0x73: {  	[spmem:s3] =	stream.indirect.scatter.add.f32 [tilespmem:s7], [sflag:$0x9], $0x10, s13, s31, $0xb8;
	[tilespmem:$0xA400] =	vst v63  }
0x74: {  	_ =	swait.ge [sflag:s29], $0x800  }
0x75: {  	[sflag:s29] =	ssyncset.done $0x0  }
0x76: {  	s14 =	simm.s32 $0x280;
	[sflag:s29] =	ssyncadd.s32 $0xFFFFF800  }
0x77: {  	[tilespmem:s1], [sflag:$0x1] =	stream.indirect.gather [hbm4b:s2+s31], $0x10, s14, s31, $0xb8;
	[tilespmem:$0xA400] =	vst v63  }
0x78: {  	_ =	swait.ge [sflag:s28], $0x800  }
0x79: {  	[sflag:s28] =	ssyncset.done $0x0  }
0x7a: {  	s13 =	simm.s32 $0x2A00;
	[sflag:s28] =	ssyncadd.s32 $0xFFFFF800  }
0x7b: {  	[spmem:s3] =	stream.indirect.scatter.add.f32 [tilespmem:s8], [sflag:$0xA], $0x10, s13, s31, $0xb8;
	[tilespmem:$0xA400] =	vst v63  }
0x7c: {  	_ =	swait.ge [sflag:s30], $0x800  }
0x7d: {  	[sflag:s30] =	ssyncset.done $0x0  }
0x7e: {  	s14 =	simm.s32 $0x300;
	[sflag:s30] =	ssyncadd.s32 $0xFFFFF800  }
0x7f: {  	[tilespmem:s0], [sflag:$0x2] =	stream.indirect.gather [hbm4b:s2+s31], $0x10, s14, s31, $0xb8;
	[tilespmem:$0xA400] =	vst v63  }
0x80: {  	_ =	swait.ge [sflag:s21], $0x800  }
0x81: {  	[sflag:s21] =	ssyncset.done $0x0  }
0x82: {  	s13 =	simm.s32 $0x2A80;
	[sflag:s21] =	ssyncadd.s32 $0xFFFFF800  }
0x83: {  	[spmem:s3] =	stream.indirect.scatter.add.f32 [tilespmem:s1], [sflag:$0x6], $0x10, s13, s31, $0xb8;
	[tilespmem:$0xA400] =	vst v63  }
0x84: {  	_ =	swait.ge [sflag:s9], $0x800  }
0x85: {  	[sflag:s9] =	ssyncset.done $0x0  }
0x86: {  	s14 =	simm.s32 $0x380;
	[sflag:s9] =	ssyncadd.s32 $0xFFFFF800  }
0x87: {  	[tilespmem:s6], [sflag:$0x3] =	stream.indirect.gather [hbm4b:s2+s31], $0x10, s14, s31, $0xb8;
	[tilespmem:$0xA400] =	vst v63  }
0x88: {  	_ =	swait.ge [sflag:s22], $0x800  }
0x89: {  	[sflag:s22] =	ssyncset.done $0x0  }
0x8a: {  	s13 =	simm.s32 $0x2B00;
	[sflag:s22] =	ssyncadd.s32 $0xFFFFF800  }
0x8b: {  	[spmem:s3] =	stream.indirect.scatter.add.f32 [tilespmem:s0], [sflag:$0x7], $0x10, s13, s31, $0xb8;
	[tilespmem:$0xA400] =	vst v63  }
0x8c: {  	_ =	swait.ge [sflag:s10], $0x800  }
0x8d: {  	[sflag:s10] =	ssyncset.done $0x0  }
0x8e: {  	s14 =	simm.s32 $0x400;
	[sflag:s10] =	ssyncadd.s32 $0xFFFFF800  }
0x8f: {  	[tilespmem:s7], [sflag:$0x4] =	stream.indirect.gather [hbm4b:s2+s31], $0x10, s14, s31, $0xb8;
	[tilespmem:$0xA400] =	vst v63  }
0x90: {  	_ =	swait.ge [sflag:s23], $0x800  }
0x91: {  	[sflag:s23] =	ssyncset.done $0x0  }
0x92: {  	s13 =	simm.s32 $0x2B80;
	[sflag:s23] =	ssyncadd.s32 $0xFFFFF800  }
0x93: {  	[spmem:s3] =	stream.indirect.scatter.add.f32 [tilespmem:s6], [sflag:$0x8], $0x10, s13, s31, $0xb8;
	[tilespmem:$0xA400] =	vst v63  }
0x94: {  	_ =	swait.ge [sflag:s11], $0x800  }
0x95: {  	[sflag:s11] =	ssyncset.done $0x0  }
0x96: {  	s14 =	simm.s32 $0x480;
	[sflag:s11] =	ssyncadd.s32 $0xFFFFF800  }
0x97: {  	[tilespmem:s8], [sflag:$0x5] =	stream.indirect.gather [hbm4b:s2+s31], $0x10, s14, s31, $0xb8;
	[tilespmem:$0xA400] =	vst v63  }
0x98: {  	_ =	swait.ge [sflag:s26], $0x800  }
0x99: {  	[sflag:s26] =	ssyncset.done $0x0  }
0x9a: {  	s12 =	simm.s32 $0xA00;
	s13 =	simm.s32 $0x2C00;
	[sflag:s26] =	ssyncadd.s32 $0xFFFFF800  }
.LBB2_4:
0x9b: {  	[spmem:s3] =	stream.indirect.scatter.add.f32 [tilespmem:s7], [sflag:$0x9], $0x10, s13, s31, $0xb8;
	[tilespmem:$0xA400] =	vst v63  }
0x9c: {  	s13 =	smov.u32 s12  }
0x9d: {  	p1 =	sne.s32 s12, $0x8C00;
	s12 =	sadd.s32 $0xA00, s12;
	_ =	swait.ge [sflag:s29], $0x800  }
0x9e: {  	s13 =	sshra.s32 s13, $0x2;
	[sflag:s29] =	ssyncset.done $0x0  }
0x9f: {  	s14 =	sadd.s32 $0x280, s13;
	[sflag:s29] =	ssyncadd.s32 $0xFFFFF800  }
0xa0: {  	[tilespmem:s1], [sflag:$0x1] =	stream.indirect.gather [hbm4b:s2+s31], $0x10, s14, s31, $0xb8;
	[tilespmem:$0xA400] =	vst v63  }
0xa1: {  	_ =	swait.ge [sflag:s28], $0x800  }
0xa2: {  	[sflag:s28] =	ssyncset.done $0x0  }
0xa3: {  	s14 =	sadd.s32 $0x2A00, s13;
	[sflag:s28] =	ssyncadd.s32 $0xFFFFF800  }
0xa4: {  	[spmem:s3] =	stream.indirect.scatter.add.f32 [tilespmem:s8], [sflag:$0xA], $0x10, s14, s31, $0xb8;
	[tilespmem:$0xA400] =	vst v63  }
0xa5: {  	_ =	swait.ge [sflag:s30], $0x800  }
0xa6: {  	[sflag:s30] =	ssyncset.done $0x0  }
0xa7: {  	s14 =	sadd.s32 $0x300, s13;
	[sflag:s30] =	ssyncadd.s32 $0xFFFFF800  }
0xa8: {  	[tilespmem:s0], [sflag:$0x2] =	stream.indirect.gather [hbm4b:s2+s31], $0x10, s14, s31, $0xb8;
	[tilespmem:$0xA400] =	vst v63  }
0xa9: {  	_ =	swait.ge [sflag:s21], $0x800  }
0xaa: {  	[sflag:s21] =	ssyncset.done $0x0  }
0xab: {  	s14 =	sadd.s32 $0x2A80, s13;
	[sflag:s21] =	ssyncadd.s32 $0xFFFFF800  }
0xac: {  	[spmem:s3] =	stream.indirect.scatter.add.f32 [tilespmem:s1], [sflag:$0x6], $0x10, s14, s31, $0xb8;
	[tilespmem:$0xA400] =	vst v63  }
0xad: {  	_ =	swait.ge [sflag:s9], $0x800  }
0xae: {  	[sflag:s9] =	ssyncset.done $0x0  }
0xaf: {  	s14 =	sadd.s32 $0x380, s13;
	[sflag:s9] =	ssyncadd.s32 $0xFFFFF800  }
0xb0: {  	[tilespmem:s6], [sflag:$0x3] =	stream.indirect.gather [hbm4b:s2+s31], $0x10, s14, s31, $0xb8;
	[tilespmem:$0xA400] =	vst v63  }
0xb1: {  	_ =	swait.ge [sflag:s22], $0x800  }
0xb2: {  	[sflag:s22] =	ssyncset.done $0x0  }
0xb3: {  	s14 =	sadd.s32 $0x2B00, s13;
	[sflag:s22] =	ssyncadd.s32 $0xFFFFF800  }
0xb4: {  	[spmem:s3] =	stream.indirect.scatter.add.f32 [tilespmem:s0], [sflag:$0x7], $0x10, s14, s31, $0xb8;
	[tilespmem:$0xA400] =	vst v63  }
0xb5: {  	_ =	swait.ge [sflag:s10], $0x800  }
0xb6: {  	[sflag:s10] =	ssyncset.done $0x0  }
0xb7: {  	s14 =	sadd.s32 $0x400, s13;
	[sflag:s10] =	ssyncadd.s32 $0xFFFFF800  }
0xb8: {  	[tilespmem:s7], [sflag:$0x4] =	stream.indirect.gather [hbm4b:s2+s31], $0x10, s14, s31, $0xb8;
	[tilespmem:$0xA400] =	vst v63  }
0xb9: {  	_ =	swait.ge [sflag:s23], $0x800  }
0xba: {  	[sflag:s23] =	ssyncset.done $0x0  }
0xbb: {  	s14 =	sadd.s32 $0x2B80, s13;
	[sflag:s23] =	ssyncadd.s32 $0xFFFFF800  }
0xbc: {  	[spmem:s3] =	stream.indirect.scatter.add.f32 [tilespmem:s6], [sflag:$0x8], $0x10, s14, s31, $0xb8;
	[tilespmem:$0xA400] =	vst v63  }
0xbd: {  	_ =	swait.ge [sflag:s11], $0x800  }
0xbe: {  	[sflag:s11] =	ssyncset.done $0x0  }
.Ltmp1:
0xbf: {  	s14 =	sadd.s32 $0x480, s13;
	[sflag:s11] =	ssyncadd.s32 $0xFFFFF800;
	(pc) =	sbr.rel @p1 .LBB2_4-.Ltmp1, $4  }
0xc0: {  	[tilespmem:s8], [sflag:$0x5] =	stream.indirect.gather [hbm4b:s2+s31], $0x10, s14, s31, $0xb8;
	[tilespmem:$0xA400] =	vst v63  }
0xc1: {  	_ =	swait.ge [sflag:s26], $0x800  }
0xc2: {  	[sflag:s26] =	ssyncset.done $0x0  }
0xc3: {  	s13 =	sadd.s32 $0x2C00, s13;
	[sflag:s26] =	ssyncadd.s32 $0xFFFFF800  }
0xc4: {  	[spmem:s3] =	stream.indirect.scatter.add.f32 [tilespmem:s7], [sflag:$0x9], $0x10, s13, s31, $0xb8;
	[tilespmem:$0xA400] =	vst v63  }
0xc5: {  	_ =	swait.ge [sflag:s28], $0x800  }
0xc6: {  	[sflag:s28] =	ssyncset.done $0x0  }
0xc7: {  	s12 =	simm.s32 $0x4F80;
	[sflag:s28] =	ssyncadd.s32 $0xFFFFF800  }
0xc8: {  	[spmem:s3] =	stream.indirect.scatter.add.f32 [tilespmem:s8], [sflag:$0xA], $0x10, s12, s31, $0xb8;
	[tilespmem:$0xA400] =	vst v63  }
0xc9: {  	_ =	swait.ge [sflag:s29], $0x800  }
0xca: {  	[sflag:s29] =	ssyncset.done $0x0  }
0xcb: {  	[sflag:s29] =	ssyncadd.s32 $0xFFFFF800  }
0xcc: {  	_ =	swait.ge [sflag:s30], $0x800  }
0xcd: {  	[sflag:s30] =	ssyncset.done $0x0  }
0xce: {  	[sflag:s30] =	ssyncadd.s32 $0xFFFFF800  }
0xcf: {  	_ =	swait.ge [sflag:s9], $0x800  }
0xd0: {  	[sflag:s9] =	ssyncset.done $0x0  }
0xd1: {  	[sflag:s9] =	ssyncadd.s32 $0xFFFFF800  }
0xd2: {  	_ =	swait.ge [sflag:s10], $0x800  }
0xd3: {  	[sflag:s10] =	ssyncset.done $0x0  }
0xd4: {  	[sflag:s10] =	ssyncadd.s32 $0xFFFFF800  }
0xd5: {  	_ =	swait.ge [sflag:s11], $0x800  }
0xd6: {  	[sflag:s11] =	ssyncset.done $0x0  }
0xd7: {  	[sflag:s11] =	ssyncadd.s32 $0xFFFFF800  }
0xd8: {  	s13 =	simm.s32 @p0 $0x1FCB;
	s12 =	sadd.s32 @p0 $0x4B00, s17;
	[bflag:$0x0] =	sbarrier.arrive $0xFFFF  }
0xd9: {  	[hbm:s12], [sflag:s13] =	dma.local @p0 [spmem:s24], $0x320  }
0xda: {  	s12 =	simm.s32 @p0 $0xB  }
0xdb: {  	s4 =	sadd.s32 $0x1, s4;
	s13 =	stileid.u32;
	_ =	swait.ge @p0 [sflag:s12], $0x320  }
0xdc: {  	p1 =	sne.s32 s4, s18;
	s13 =	sshll.u32 @!p0 s13, $0x6;
	[sflag:s12] =	ssyncset.done @p0 $0x0  }
0xdd: {  	[sflag:s12] =	ssyncadd.s32 @p0 $0xFFFFFCE0;
	s12 =	sor.u32 @!p0 $0x1C0B, s13;
	s13 =	sshrl.u32 @!p0 s5, $0x3  }
0xde: {  	[hbm:s25], [sflag:s12] =	dma.local @!p0 [spmem:s13], $0x500  }
.Ltmp2:
0xdf: {  	_ = 	snop;
	(pc) =	sbr.rel @p1 .LBB2_1-.Ltmp2, $4  }
0xe0: {  	s12 =	simm.s32 @!p0 $0xB  }
0xe1: {  	_ =	swait.ge @!p0 [sflag:s12], $0x500  }
0xe2: {  	[sflag:s12] =	ssyncset.done @!p0 $0x0  }
0xe3: {  	[sflag:s12] =	ssyncadd.s32 @!p0 $0xFFFFFB00  }
0xe4: {  	_ =	sfence.sel $0x180000  }
0xe5: {  	[bflag:$0x0] =	sbarrier.arrive $0xFFFF  }
0xe6: {  	_ =	strace $0x90000050  }
0xe7: {  	s0 =	stileid.u32;
	[bflag:$0x2] =	sbarrier.arrive $0xFFFF  }
0xe8: {  	p0 =	sne.s32 s0, $0x0;
	s0 =	rddreg [dreg:$0x3]  }
0xe9: {  	s0 =	sadd.s32 @!p0 $0x100000, s0  }
0xea: {  	[sflag:s0] =	ssyncadd.tile.s32 @!p0 $0x1;
	_ =	shalt  }
.Lfunc_end2:
_tile_overlayer_lowered:
.L_overlay_start_2:
0xeb: {  	(tag) =	ssettag $0x2  }
0xec: {  	s0 =	rddreg [dreg:$0x0];
	s2 =	stileid.u32  }
0xed: {  	s1 =	rddreg [dreg:$0x1];
	p0 =	sne.s32 s2, $0x0  }
0xee: {  	s3 =	rddreg [dreg:$0x2];
	[bflag:$0x3] =	sbarrier.arrive $0xFFFF;
	s2 =	simm.s32 @!p0 $0x1C0B  }
0xef: {  	[timem:s3], [sflag:s2] =	dma.local @!p0 [hbm:s0], s1  }
0xf0: {  	s0 =	simm.s32 @!p0 $0xB  }
0xf1: {  	_ =	swait.ge @!p0 [sflag:s0], s1  }
0xf2: {  	s1 =	ssub.s32 @!p0 $0x0, s1;
	[sflag:s0] =	ssyncset.done @!p0 $0x0  }
0xf3: {  	[sflag:s0] =	ssyncadd.s32 @!p0 s1  }
0xf4: {  	[bflag:$0x3] =	sbarrier.arrive $0xFFFF  }
0xf5: {  	_ =	shalt  }

// kernel: segw.4.cloned.1.call-start
scs
__scs_entry_jumppad:
0x0: {  	(pc) =	sbr.rel $0x88, $3  }
0x1: {  	(tag) =	ssettag $0x0;
	lr =	simm.s32 $0x1  }
0x2: {  	[smem:$0x3F96] =	sst lr;
	_ =	strace $0xD0000000  }
0x3: {  	_ = 	snop  }
0x4: {  	_ = 	snop  }
0x5: {  	_ = 	snop  }
0x6: {  	_ = 	snop  }
0x7: {  	_ = 	snop  }
__scs_overlays_trampoline_lowered:
0x8: {  	[smem:$0x3FA5] =	sst s0  }
0x9: {  	[smem:$0x3FA6] =	sst s1  }
0xa: {  	[smem:$0x3FA7] =	sst s2  }
0xb: {  	[smem:$0x3FA8] =	sst s3  }
0xc: {  	[smem:$0x3FA9] =	sst s4  }
0xd: {  	[smem:$0x3FAA] =	sst s5  }
0xe: {  	[smem:$0x3FAB] =	sst s6  }
0xf: {  	[smem:$0x3FAC] =	sst s7  }
0x10: {  	[smem:$0x3FAD] =	sst s8  }
0x11: {  	[smem:$0x3FAE] =	sst s9;
	s0 =	simm.s32 @!p0 $0x0  }
0x12: {  	s1 =	sld [smem:$0x3F94];
	s0 =	simm.s32 @p0 $0x1  }
0x13: {  	[smem:$0x3FAF] =	sst s0;
	s0 =	simm.s32 @!p1 $0x0  }
0x14: {  	s2 =	sld [smem:$0x3F93];
	s0 =	simm.s32 @p1 $0x1  }
0x15: {  	[smem:$0x3FB0] =	sst s0;
	s0 =	simm.s32 @!p2 $0x0  }
0x16: {  	s3 =	sld [smem:$0x3FDB];
	s0 =	simm.s32 @p2 $0x1  }
0x17: {  	s4 =	simm.s32 $0x1BF5;
	[smem:$0x3FB2] =	sst s0  }
0x18: {  	s0 =	sld [smem:$0x3F95];
	_ =	swait.ge [sflag:s4], $0x0  }
0x19: {  	s7 =	sld [smem:$0x3F96]  }
0x1a: {  	s8 =	sadd.s32 $0xFFFFE003, lr  }
0x1b: {  	s9 =	sadd.s32 $0xFFFFFEF7, lr;
	s5 =	simm.s32 $0xFFFFFFFF;
	p2 =	slt.u32 s8, $0xFFFFF086  }
0x1c: {  	p1 =	slt.u32 s9, $0xF7A;
	s5 =	simm.s32 @!p2 $0x0  }
0x1d: {  	s5 =	simm.s32 @p1 $0x1;
	p0 =	seq.s32 s7, s2  }
0x1e: {  	s7 =	smul.u32 @!p0 $0xF7A, s2;
	p2 =	seq.s32 @!p0 s5, $0x0  }
0x1f: {  	s9 =	smul.u32 $0xF7A, s1;
	s8 =	simm.s32 @!p0 $0x1BF5;
	p2 =	por !p2, p0  }
0x20: {  	[sflag:s8] =	ssyncset.s32 @!p0 $0xFFFFF086;
	s6 =	sadd.s32 @!p0 s3, s7;
	s7 =	simm.s32 @!p0 $0x108  }
0x21: {  	s3 =	sadd.s32 s3, s9;
	s6 =	sadd.s32 @!p0 $0x88, s6;
	s7 =	simm.s32 @p2 $0x1082  }
0x22: {  	[simem:s7], [sflag:s8] =	dma.local @!p0 [hbm:s6], $0xF7A  }
0x23: {  	s9 =	sor.u32 $0xD0000000, s2;
	s6 =	simm.s32 $0x108;
	_ =	swait.ge @!p0 [sflag:s8], $0x0  }
0x24: {  	s3 =	sadd.s32 $0x88, s3;
	s6 =	simm.s32 @!p1 $0x1082;
	[sflag:s4] =	ssyncset.s32 $0xFFFFF086  }
0x25: {  	[simem:s6], [sflag:s4] =	dma.local [hbm:s3], $0xF7A  }
0x26: {  	[smem:$0x3F96] =	sst s1;
	(tag) =	ssettag s2;
	_ =	strace s9  }
0x27: {  	s1 =	sld [smem:$0x3FA6]  }
0x28: {  	s2 =	sld [smem:$0x3FA7]  }
0x29: {  	s4 =	sld [smem:$0x3FA9]  }
0x2a: {  	p0 =	seq.s32 s5, $0x0;
	s5 =	sld [smem:$0x3FAA]  }
0x2b: {  	s6 =	sld [smem:$0x3FAB]  }
0x2c: {  	s7 =	sld [smem:$0x3FAC]  }
0x2d: {  	s3 =	simm.s32 $0x108;
	s8 =	sld [smem:$0x3FAD]  }
0x2e: {  	s3 =	simm.s32 @!p0 $0x1082;
	s9 =	sld [smem:$0x3FAE]  }
0x2f: {  	lr =	sadd.s32 s0, s3;
	s0 =	sld [smem:$0x3FA5]  }
0x30: {  	s3 =	sld [smem:$0x3FA8]  }
0x31: {  	[smem:$0x3FB1] =	sst s10  }
0x32: {  	s10 =	sld [smem:$0x3FAF];
	_ =	sdelay $0x3  }
0x33: {  	p0 =	seq.s32 s10, $0x1;
	s10 =	sld [smem:$0x3FB1];
	_ =	sdelay $0x3  }
0x34: {  	[smem:$0x3FB1] =	sst s10  }
0x35: {  	s10 =	sld [smem:$0x3FB0];
	_ =	sdelay $0x3  }
0x36: {  	p1 =	seq.s32 s10, $0x1;
	s10 =	sld [smem:$0x3FB1];
	_ =	sdelay $0x3  }
0x37: {  	[smem:$0x3FB1] =	sst s10  }
0x38: {  	s10 =	sld [smem:$0x3FB2]  }
0x39: {  	_ = 	snop;
	(pc) =	sbr.ind lr, $3  }
0x3a: {  	_ = 	snop  }
0x3b: {  	_ = 	snop  }
0x3c: {  	p2 =	seq.s32 s10, $0x1;
	s10 =	sld [smem:$0x3FB1]  }
0x3d: {  	_ =	shalt  }
0x3e: {  	_ =	shalt  }
0x3f: {  	_ =	shalt  }
0x40: {  	_ =	shalt  }
0x41: {  	_ =	shalt  }
0x42: {  	_ =	shalt  }
0x43: {  	_ =	shalt  }
0x44: {  	_ =	shalt  }
0x45: {  	_ =	shalt  }
0x46: {  	_ =	shalt  }
0x47: {  	_ =	shalt  }
0x48: {  	_ =	shalt  }
0x49: {  	_ =	shalt  }
0x4a: {  	_ =	shalt  }
0x4b: {  	_ =	shalt  }
0x4c: {  	_ =	shalt  }
0x4d: {  	_ =	shalt  }
0x4e: {  	_ =	shalt  }
0x4f: {  	_ =	shalt  }
0x50: {  	_ =	shalt  }
0x51: {  	_ =	shalt  }
0x52: {  	_ =	shalt  }
0x53: {  	_ =	shalt  }
0x54: {  	_ =	shalt  }
0x55: {  	_ =	shalt  }
0x56: {  	_ =	shalt  }
0x57: {  	_ =	shalt  }
0x58: {  	_ =	shalt  }
0x59: {  	_ =	shalt  }
0x5a: {  	_ =	shalt  }
0x5b: {  	_ =	shalt  }
0x5c: {  	_ =	shalt  }
0x5d: {  	_ =	shalt  }
0x5e: {  	_ =	shalt  }
0x5f: {  	_ =	shalt  }
0x60: {  	_ =	shalt  }
0x61: {  	_ =	shalt  }
0x62: {  	_ =	shalt  }
0x63: {  	_ =	shalt  }
0x64: {  	_ =	shalt  }
0x65: {  	_ =	shalt  }
0x66: {  	_ =	shalt  }
0x67: {  	_ =	shalt  }
0x68: {  	_ =	shalt  }
0x69: {  	_ =	shalt  }
0x6a: {  	_ =	shalt  }
0x6b: {  	_ =	shalt  }
0x6c: {  	_ =	shalt  }
0x6d: {  	_ =	shalt  }
0x6e: {  	_ =	shalt  }
0x6f: {  	_ =	shalt  }
0x70: {  	_ =	shalt  }
0x71: {  	_ =	shalt  }
0x72: {  	_ =	shalt  }
0x73: {  	_ =	shalt  }
0x74: {  	_ =	shalt  }
0x75: {  	_ =	shalt  }
0x76: {  	_ =	shalt  }
0x77: {  	_ =	shalt  }
0x78: {  	_ =	shalt  }
0x79: {  	_ =	shalt  }
0x7a: {  	_ =	shalt  }
0x7b: {  	_ =	shalt  }
0x7c: {  	_ =	shalt  }
0x7d: {  	_ =	shalt  }
0x7e: {  	_ =	shalt  }
0x7f: {  	_ =	shalt  }
0x80: {  	_ =	shalt  }
0x81: {  	_ =	shalt  }
0x82: {  	_ =	shalt  }
0x83: {  	_ =	shalt  }
0x84: {  	_ =	shalt  }
0x85: {  	_ =	shalt  }
0x86: {  	_ =	shalt  }
0x87: {  	_ =	shalt  }
.Lfunc_end0:
.L_simem_size_0:
called_computation.1_lowered:
.L_overlay_start_0:
0x88: {  	s2 =	sld [smem:$0x3FD9]  }
0x89: {  	s3 =	sld [smem:$0x3FFE];
	_ =	sdelay $0x1  }
0x8a: {  	s1 =	srdreg.scid  }
0x8b: {  	s0 =	sand.u32 $0x1, s1  }
0x8c: {  	s17 =	sshll.u32 s0, $0xA;
	s2 =	sadd.s32 s3, s2  }
0x8d: {  	s2 =	sadd.s32 s2, s17  }
0x8e: {  	[smem:$0x3FBD] =	sst s2  }
0x8f: {  	_ = 	snop  }
0x90: {  	s2 =	sld [smem:$0x3FC9];
	(tm) =	ssettm $0x1  }
0x91: {  	s18 =	sld [smem:$0x3FFB];
	_ =	sdelay $0x3  }
0x92: {  	_ =	strace s18  }
0x93: {  	s3 =	sld [smem:$0x3FFC];
	_ =	sdelay $0x3  }
0x94: {  	_ =	strace s3  }
0x95: {  	s3 =	sld [smem:$0x3FFD];
	_ =	sdelay $0x3  }
0x96: {  	_ =	strace s3  }
0x97: {  	_ =	strace $0x8FFFFFFF  }
0x98: {  	s19 =	sld [smem:$0x3FDB];
	_ =	sdelay $0x1  }
0x99: {  	s4 =	simm.s32 $_scs_section_size  }
0x9a: {  	s5 =	simm.s32 $_size__tile_overlayer_lowered;
	s6 =	simm.s32 $_tile_overlayer_lowered  }
0x9b: {  	s22 =	simm.s32 $0x1BFF;
	s21 =	sshll.u32 s6, $0x1;
	s3 =	sadd.s32 s4, s19  }
0x9c: {  	s7 =	simm.s32 $0x0;
	s20 =	sshll.u32 s5, $0x1;
	s5 =	sadd.s32 s21, s3  }
0x9d: {  	[timem:s7], [sflag:s22] =	dma.local [hbm:s5], s20  }
0x9e: {  	_ =	swait.ge [sflag:s22], s20  }
0x9f: {  	s4 =	ssub.s32 $0x0, s20;
	[sflag:s22] =	ssyncset.done $0x0  }
0xa0: {  	[sflag:s22] =	ssyncadd.s32 s4;
	_ =	sdelay $0x1  }
0xa1: {  	s23 =	simm.s32 $0x1B8B  }
0xa2: {  	_ =	swait.ge [sflag:s23], $0x1  }
0xa3: {  	[sflag:s23] =	ssyncset.done $0x0  }
0xa4: {  	s25 =	simm.s32 $0x1B8E;
	s24 =	sld [smem:$0x3FFE];
	[sflag:s23] =	ssyncadd.s32 $0xFFFFFFFF  }
0xa5: {  	s26 =	simm.s32 $execute0_lowered;
	[smem:$0x3FD2] =	sst s25  }
0xa6: {  	s5 =	sshll.u32 s26, $0x1;
	_ =	strace $0x80000046;
	[dreg:$0x1] =	wrdreg $0xFFFFFFFF  }
0xa7: {  	s28 =	simm.s32 $_size_execute0_lowered;
	s3 =	sadd.s32 s3, s5;
	[dreg:$0x0] =	wrdreg $0x0  }
0xa8: {  	s5 =	sshll.u32 s28, $0x1;
	[dreg:$0x2] =	wrdreg s3  }
0xa9: {  	[dreg:$0x3] =	wrdreg s5  }
0xaa: {  	[dreg:$0x4] =	wrdreg $0xC0  }
0xab: {  	_ =	task [dreg:s7], $0x5FFFF  }
0xac: {  	[dreg:$0x1] =	wrdreg $0xFFFFFFFF  }
0xad: {  	[dreg:$0x0] =	wrdreg $0x60  }
0xae: {  	[dreg:$0x2] =	wrdreg s24  }
0xaf: {  	[dreg:$0x3] =	wrdreg s2  }
0xb0: {  	[dreg:$0x4] =	wrdreg $0x150000  }
0xb1: {  	[dreg:$0x5] =	wrdreg $0xA  }
0xb2: {  	_ =	task.clear_ibuf [dreg:s7], $0x6FFFF;
	_ =	strace $0x90000046  }
0xb3: {  	s29 =	simm.s32 $0xA;
	_ =	strace $0x80000048  }
0xb4: {  	_ =	swait.ge [sflag:s29], $0x1  }
0xb5: {  	[sflag:s29] =	ssyncadd.s32 $0xFFFFFFFF  }
0xb6: {  	_ =	strace $0x90000048  }
0xb7: {  	_ =	sfence  }
0xb8: {  	s30 =	sld [smem:$0x0];
	_ =	sdelay $0x2  }
0xb9: {  	s31 =	sshll.u32 s1, $0xD;
	s1 =	sshrl.u32 s1, $0x2  }
0xba: {  	s3 =	sand.u32 $0x4000, s31;
	s1 =	sadd.s32 s1, s30  }
0xbb: {  	s0 =	sor.u32 s3, s0;
	s1 =	sshll.u32 s1, $0x11  }
0xbc: {  	s0 =	sor.u32 s1, s0  }
0xbd: {  	s0 =	sadd.s32 $0x8F2B, s0  }
0xbe: {  	[sflag:s0] =	ssyncadd.remote.s32 $0x1  }
0xbf: {  	_ =	sfence.sel $0xFFFF  }
0xc0: {  	[dreg:$0x0] =	wrdreg $0xFFFFFFFF;
	(pc) =	sbr.abs _section_cstart, $3  }
0xc1: {  	[dreg:$0x1] =	wrdreg $0xFFFFFFFF  }
0xc2: {  	_ =	task.clear_ibuf [dreg:s7], $0x2FFFF;
	_ =	strace $0x9FFFFFFF  }
0xc3: {  	(tm) =	ssettm $0x7FFFFFFF  }
tec
execute0_lowered:
.L_overlay_start_1:
0x0: {  	(tag) =	ssettag $0x1  }
0x1: {  	s0 =	rddreg [dreg:$0x0]  }
0x2: {  	s2 =	rddreg [dreg:$0x1]  }
0x3: {  	s3 =	rddreg [dreg:$0x2]  }
0x4: {  	s11 =	stileid.u32;
	s4 =	simm.s32 $0x0;
	s5 =	srdreg.scid  }
0x5: {  	s28 =	simm.s32 $0x5;
	s29 =	simm.s32 $0x6;
	s1 =	smul.u32 $0xA00, s11  }
0x6: {  	s30 =	simm.s32 $0x7;
	s31 =	simm.s32 $0x80;
	s16 =	smul.u32 $0x28000, s11  }
0x7: {  	[smem:$0x7FF] =	sst s4;
	s10 =	sand.u32 $0x1, s5;
	s8 =	smul.u32 $0xA000, s11  }
0x8: {  	p0 =	seq.s32 s11, $0xF;
	s11 =	simm.s32 $0xA;
	_ =	strace $0x80000047  }
0x9: {  	s6 =	smul.u32 $0x13880, s10;
	s7 =	ssub.s32 $0x2, s10;
	s5 =	sshrl.u32 s16, $0x2  }
0xa: {  	v0 =	vmov s10;
	s10 =	simm.s32 $0x9;
	s1 =	sadd.s32 s1, s0;
	s9 =	sadd.s32 s5, s3  }
0xb: {  	s17 =	sshrl.u32 s7, $0x1;
	s0 =	sadd.s32 s6, s0;
	s18 =	sadd.s32 $0x1000, s9  }
0xc: {  	s6 =	ssub.s32 s7, s17;
	s19 =	sadd.s32 $0x2000, s9;
	[dreg:$0x4] =	wrdreg s18  }
0xd: {  	s5 =	sadd.s32 s8, s3;
	s20 =	sadd.s32 $0x3000, s9;
	[dreg:$0x5] =	wrdreg s19  }
0xe: {  	s15 =	sadd.s32 $0x2A00, s1;
	s21 =	sadd.s32 $0x4000, s9;
	[dreg:$0x6] =	wrdreg s20  }
0xf: {  	s16 =	sadd.s32 $0xCA00, s1;
	s22 =	sadd.s32 $0x5000, s9;
	[dreg:$0x7] =	wrdreg s21  }
0x10: {  	s1 =	sadd.s32 $0x96000, s3;
	s23 =	sadd.s32 $0x6000, s9;
	[dreg:$0x8] =	wrdreg s22  }
0x11: {  	s7 =	simm.s32 $0x10000;
	s24 =	sadd.s32 $0x7000, s9;
	[dreg:$0x9] =	wrdreg s23  }
0x12: {  	s25 =	sadd.s32 $0x8000, s9;
	s26 =	sadd.s32 $0x9000, s9;
	[dreg:$0xa] =	wrdreg s24  }
0x13: {  	s17 =	sadd.s32 $0x16A00, s0;
	s0 =	sshrl.u32 s8, $0x3;
	[dreg:$0xb] =	wrdreg s25  }
0x14: {  	s8 =	simm.s32 $0x12000;
	s9 =	simm.s32 $0x8;
	[dreg:$0xc] =	wrdreg s26  }
0x15: {  	s18 =	smax.u32 s6, $0x1;
	s19 =	simm.s32 $0x14000;
	s20 =	simm.s32 $0x5000  }
0x16: {  	s21 =	simm.s32 $0x1;
	s22 =	simm.s32 $0x2;
	s23 =	sshrl.u32 @p0 s1, $0x3  }
0x17: {  	s24 =	sadd.s32 @!p0 s0, s17;
	s25 =	simm.s32 $0x3;
	s26 =	simm.s32 $0x4  }
0x18: {  	v1 =	vimm.f32 $0.0e+00;
	s0 =	simm.s32 $0xA000;
	s1 =	simm.s32 $0xC000;
	s6 =	simm.s32 $0xE000  }
.LBB2_1:
0x19: {  	s13 =	simm.s32 $0x100;
	s12 =	simm.s32 $0x0  }
.LBB2_2:
0x1a: {  	p1 =	sne.s32 s13, $0x3F00;
	[tilespmem:s12+$0x14030] =	vst v1;
	s14 =	smov.u32 s13;
	s13 =	sadd.s32 $0x100, s13  }
.Ltmp0:
0x1b: {  	[tilespmem:s12+$0x14020] =	vst v1;
	(pc) =	sbr.rel @p1 .LBB2_2-.Ltmp0, $3  }
0x1c: {  	[tilespmem:s12+$0x14000] =	vst v1  }
0x1d: {  	[tilespmem:s12+$0x14010] =	vst v1;
	_ =	sdelay $0x1  }
0x1e: {  	s12 =	sshra.s32 s14, $0x2  }
0x1f: {  	[tilespmem:s12+$0x14030] =	vst v1  }
0x20: {  	[tilespmem:s12+$0x14020] =	vst v1  }
0x21: {  	[tilespmem:s12+$0x14000] =	vst v1  }
0x22: {  	[tilespmem:s12+$0x14010] =	vst v1  }
0x23: {  	[spmem:s5] =	stream.linear.scatter [tilespmem:s19], [sflag:$0x1], $0x1000, $0x38;
	[tilespmem:$0x1F000] =	vst v63  }
0x24: {  	s13 =	rddreg [dreg:$0x4]  }
0x25: {  	[spmem:s13] =	stream.linear.scatter [tilespmem:s19], [sflag:$0x2], $0x1000, $0x38;
	[tilespmem:$0x1F000] =	vst v63  }
0x26: {  	s14 =	rddreg [dreg:$0x5]  }
0x27: {  	[spmem:s14] =	stream.linear.scatter [tilespmem:s19], [sflag:$0x3], $0x1000, $0x38;
	[tilespmem:$0x1F000] =	vst v63  }
0x28: {  	s13 =	rddreg [dreg:$0x6]  }
0x29: {  	[spmem:s13] =	stream.linear.scatter [tilespmem:s19], [sflag:$0x4], $0x1000, $0x38;
	[tilespmem:$0x1F000] =	vst v63  }
0x2a: {  	s14 =	rddreg [dreg:$0x7]  }
0x2b: {  	[spmem:s14] =	stream.linear.scatter [tilespmem:s19], [sflag:$0x5], $0x1000, $0x38;
	[tilespmem:$0x1F000] =	vst v63  }
0x2c: {  	s13 =	rddreg [dreg:$0x8]  }
0x2d: {  	[spmem:s13] =	stream.linear.scatter [tilespmem:s19], [sflag:$0x1], $0x1000, $0x38;
	[tilespmem:$0x1F000] =	vst v63  }
0x2e: {  	s14 =	rddreg [dreg:$0x9]  }
0x2f: {  	[spmem:s14] =	stream.linear.scatter [tilespmem:s19], [sflag:$0x2], $0x1000, $0x38;
	[tilespmem:$0x1F000] =	vst v63  }
0x30: {  	s13 =	rddreg [dreg:$0xa]  }
0x31: {  	[spmem:s13] =	stream.linear.scatter [tilespmem:s19], [sflag:$0x3], $0x1000, $0x38;
	[tilespmem:$0x1F000] =	vst v63  }
0x32: {  	s14 =	rddreg [dreg:$0xb]  }
0x33: {  	[spmem:s14] =	stream.linear.scatter [tilespmem:s19], [sflag:$0x4], $0x1000, $0x38;
	[tilespmem:$0x1F000] =	vst v63  }
0x34: {  	s13 =	rddreg [dreg:$0xc]  }
0x35: {  	[spmem:s13] =	stream.linear.scatter [tilespmem:s19], [sflag:$0x5], $0x1000, $0x38;
	[tilespmem:$0x1F000] =	vst v63  }
0x36: {  	s14 =	simm.s32 $0x0  }
0x37: {  	[tilespmem:s14], [sflag:$0x6] =	stream.linear.gather [hbm4b:s15+s14], $0x5000, $0x38;
	[tilespmem:$0x1F000] =	vst v63  }
0x38: {  	_ = 	snop  }
0x39: {  	[tilespmem:s20], [sflag:$0x7] =	stream.linear.gather [hbm4b:s16+s14], $0x5000, $0x38;
	[tilespmem:$0x1F000] =	vst v63  }
0x3a: {  	_ =	swait.ge [sflag:s21], $0x1000  }
0x3b: {  	[sflag:s21] =	ssyncset.done $0x0  }
0x3c: {  	[sflag:s21] =	ssyncadd.s32 $0xFFFFF000  }
0x3d: {  	_ =	swait.ge [sflag:s22], $0x1000  }
0x3e: {  	[sflag:s22] =	ssyncset.done $0x0  }
0x3f: {  	[sflag:s22] =	ssyncadd.s32 $0xFFFFF000  }
0x40: {  	_ =	swait.ge [sflag:s25], $0x1000  }
0x41: {  	[sflag:s25] =	ssyncset.done $0x0  }
0x42: {  	[sflag:s25] =	ssyncadd.s32 $0xFFFFF000  }
0x43: {  	_ =	swait.ge [sflag:s26], $0x1000  }
0x44: {  	[sflag:s26] =	ssyncset.done $0x0  }
0x45: {  	[sflag:s26] =	ssyncadd.s32 $0xFFFFF000  }
0x46: {  	_ =	swait.ge [sflag:s28], $0x1000  }
0x47: {  	[sflag:s28] =	ssyncset.done $0x0  }
0x48: {  	[sflag:s28] =	ssyncadd.s32 $0xFFFFF000  }
0x49: {  	_ =	swait.ge [sflag:s21], $0x1000  }
0x4a: {  	[sflag:s21] =	ssyncset.done $0x0  }
0x4b: {  	[sflag:s21] =	ssyncadd.s32 $0xFFFFF000  }
0x4c: {  	_ =	swait.ge [sflag:s22], $0x1000  }
0x4d: {  	[sflag:s22] =	ssyncset.done $0x0  }
0x4e: {  	[sflag:s22] =	ssyncadd.s32 $0xFFFFF000  }
0x4f: {  	_ =	swait.ge [sflag:s25], $0x1000  }
0x50: {  	[sflag:s25] =	ssyncset.done $0x0  }
0x51: {  	[sflag:s25] =	ssyncadd.s32 $0xFFFFF000  }
0x52: {  	_ =	swait.ge [sflag:s26], $0x1000  }
0x53: {  	[sflag:s26] =	ssyncset.done $0x0  }
0x54: {  	[sflag:s26] =	ssyncadd.s32 $0xFFFFF000  }
0x55: {  	_ =	swait.ge [sflag:s28], $0x1000  }
0x56: {  	[sflag:s28] =	ssyncset.done $0x0  }
0x57: {  	[sflag:s28] =	ssyncadd.s32 $0xFFFFF000  }
0x58: {  	_ =	swait.ge [sflag:s29], $0x5000  }
0x59: {  	[sflag:s29] =	ssyncset.done $0x0  }
0x5a: {  	[sflag:s29] =	ssyncadd.s32 $0xFFFFB000  }
0x5b: {  	_ =	swait.ge [sflag:s30], $0x5000  }
0x5c: {  	[sflag:s30] =	ssyncset.done $0x0  }
0x5d: {  	s12 =	simm.s32 $0x0;
	[sflag:s30] =	ssyncadd.s32 $0xFFFFB000  }
0x5e: {  	v3 =	vld [tilespmem:s12+$0x0]  }
0x5f: {  	v4 =	vld [tilespmem:s12+$0x10]  }
0x60: {  	v6 =	vld [tilespmem:s12+$0x20]  }
0x61: {  	v5 =	vld [tilespmem:s12+$0x30]  }
0x62: {  	v2 =	vld [tilespmem:s12+$0x40]  }
0x63: {  	v7 =	vshll.u32 v3, $0x1;
	v3 =	vld [tilespmem:s12+$0x50]  }
0x64: {  	s13 =	simm.s32 $0x200;
	v8 =	vshll.u32 v4, $0x1;
	v4 =	vld [tilespmem:s12+$0x60];
	v7 =	vor.u32 v0, v7  }
.LBB2_4:
0x65: {  	s14 =	sshra.s32 s13, $0x2;
	p1 =	sne.s32 s13, $0x13E00;
	[tilespmem:s12+$0x0] =	vst v7;
	v7 =	vor.u32 v0, v8;
	v6 =	vshll.u32 v6, $0x1;
	v8 =	vld [tilespmem:s12+$0x70]  }
0x66: {  	v9 =	vld [tilespmem:s14+$0x0];
	[tilespmem:s12+$0x10] =	vst v7;
	v6 =	vor.u32 v0, v6;
	v5 =	vshll.u32 v5, $0x1  }
0x67: {  	v10 =	vld [tilespmem:s14+$0x10];
	[tilespmem:s12+$0x20] =	vst v6;
	v5 =	vor.u32 v0, v5;
	v2 =	vshll.u32 v2, $0x1  }
.Ltmp1:
0x68: {  	v6 =	vld [tilespmem:s14+$0x20];
	[tilespmem:s12+$0x30] =	vst v5;
	v2 =	vor.u32 v0, v2;
	v3 =	vshll.u32 v3, $0x1;
	(pc) =	sbr.rel @p1 .LBB2_4-.Ltmp1, $4  }
0x69: {  	v5 =	vld [tilespmem:s14+$0x30];
	[tilespmem:s12+$0x40] =	vst v2;
	v3 =	vor.u32 v0, v3;
	v4 =	vshll.u32 v4, $0x1  }
0x6a: {  	v2 =	vld [tilespmem:s14+$0x40];
	[tilespmem:s12+$0x50] =	vst v3;
	v4 =	vor.u32 v0, v4;
	v7 =	vshll.u32 v8, $0x1  }
0x6b: {  	v8 =	vshll.u32 v9, $0x1;
	v3 =	vld [tilespmem:s14+$0x50];
	[tilespmem:s12+$0x60] =	vst v4;
	v9 =	vor.u32 v0, v7  }
0x6c: {  	s13 =	sadd.s32 $0x200, s13;
	v7 =	vor.u32 v0, v8;
	v8 =	vshll.u32 v10, $0x1;
	v4 =	vld [tilespmem:s14+$0x60];
	[tilespmem:s12+$0x70] =	vst v9;
	s12 =	smov.u32 s14  }
0x6d: {  	[tilespmem:s12+$0x0] =	vst v7;
	v62 =	vor.u32 v0, v8;
	v6 =	vshll.u32 v6, $0x1;
	v63 =	vld [tilespmem:s12+$0x70]  }
0x6e: {  	[tilespmem:s12+$0x10] =	vst v62;
	v6 =	vor.u32 v0, v6;
	v5 =	vshll.u32 v5, $0x1  }
0x6f: {  	[tilespmem:s12+$0x20] =	vst v6;
	v5 =	vor.u32 v0, v5;
	v2 =	vshll.u32 v2, $0x1  }
0x70: {  	[tilespmem:s12+$0x30] =	vst v5;
	v2 =	vor.u32 v0, v2;
	v3 =	vshll.u32 v3, $0x1  }
0x71: {  	[tilespmem:s12+$0x40] =	vst v2;
	v2 =	vor.u32 v0, v3;
	v3 =	vshll.u32 v4, $0x1  }
0x72: {  	[tilespmem:s12+$0x50] =	vst v2;
	v2 =	vor.u32 v0, v3;
	v3 =	vshll.u32 v63, $0x1  }
0x73: {  	[tilespmem:s12+$0x60] =	vst v2;
	v2 =	vor.u32 v0, v3  }
0x74: {  	[tilespmem:s12+$0x70] =	vst v2  }
0x75: {  	s13 =	simm.s32 $0x0;
	[bflag:$0x0] =	sbarrier.arrive $0xFFFF  }
0x76: {  	[tilespmem:s0], [sflag:$0x1] =	stream.indirect.gather [hbm4b:s2+s31], $0x40, s13, s31, $0xb8;
	[tilespmem:$0x1F000] =	vst v63  }
0x77: {  	_ = 	snop  }
0x78: {  	[tilespmem:s1], [sflag:$0x2] =	stream.indirect.gather [hbm4b:s2+s31], $0x40, s31, s31, $0xb8;
	[tilespmem:$0x1F000] =	vst v63  }
0x79: {  	_ =	swait.ge [sflag:s21], $0x2000  }
0x7a: {  	[sflag:s21] =	ssyncset.done $0x0  }
0x7b: {  	[sflag:s21] =	ssyncadd.s32 $0xFFFFE000  }
0x7c: {  	[spmem:s3] =	stream.indirect.scatter.add.f32 [tilespmem:s0], [sflag:$0x6], $0x40, s20, s31, $0xb8;
	[tilespmem:$0x1F000] =	vst v63  }
0x7d: {  	s14 =	simm.s32 $0x100  }
0x7e: {  	[tilespmem:s6], [sflag:$0x3] =	stream.indirect.gather [hbm4b:s2+s31], $0x40, s14, s31, $0xb8;
	[tilespmem:$0x1F000] =	vst v63  }
0x7f: {  	_ =	swait.ge [sflag:s22], $0x2000  }
0x80: {  	[sflag:s22] =	ssyncset.done $0x0  }
0x81: {  	s13 =	simm.s32 $0x5080;
	[sflag:s22] =	ssyncadd.s32 $0xFFFFE000  }
0x82: {  	[spmem:s3] =	stream.indirect.scatter.add.f32 [tilespmem:s1], [sflag:$0x7], $0x40, s13, s31, $0xb8;
	[tilespmem:$0x1F000] =	vst v63  }
0x83: {  	s14 =	simm.s32 $0x180  }
0x84: {  	[tilespmem:s7], [sflag:$0x4] =	stream.indirect.gather [hbm4b:s2+s31], $0x40, s14, s31, $0xb8;
	[tilespmem:$0x1F000] =	vst v63  }
0x85: {  	_ =	swait.ge [sflag:s25], $0x2000  }
0x86: {  	[sflag:s25] =	ssyncset.done $0x0  }
0x87: {  	s13 =	simm.s32 $0x5100;
	[sflag:s25] =	ssyncadd.s32 $0xFFFFE000  }
0x88: {  	[spmem:s3] =	stream.indirect.scatter.add.f32 [tilespmem:s6], [sflag:$0x8], $0x40, s13, s31, $0xb8;
	[tilespmem:$0x1F000] =	vst v63  }
0x89: {  	s14 =	simm.s32 $0x200  }
0x8a: {  	[tilespmem:s8], [sflag:$0x5] =	stream.indirect.gather [hbm4b:s2+s31], $0x40, s14, s31, $0xb8;
	[tilespmem:$0x1F000] =	vst v63  }
0x8b: {  	_ =	swait.ge [sflag:s26], $0x2000  }
0x8c: {  	[sflag:s26] =	ssyncset.done $0x0  }
0x8d: {  	s13 =	simm.s32 $0x5180;
	[sflag:s26] =	ssyncadd.s32 $0xFFFFE000  }
0x8e: {  	[spmem:s3] =	stream.indirect.scatter.add.f32 [tilespmem:s7], [sflag:$0x9], $0x40, s13, s31, $0xb8;
	[tilespmem:$0x1F000] =	vst v63  }
0x8f: {  	_ =	swait.ge [sflag:s29], $0x2000  }
0x90: {  	[sflag:s29] =	ssyncset.done $0x0  }
0x91: {  	s14 =	simm.s32 $0x280;
	[sflag:s29] =	ssyncadd.s32 $0xFFFFE000  }
0x92: {  	[tilespmem:s0], [sflag:$0x1] =	stream.indirect.gather [hbm4b:s2+s31], $0x40, s14, s31, $0xb8;
	[tilespmem:$0x1F000] =	vst v63  }
0x93: {  	_ =	swait.ge [sflag:s28], $0x2000  }
0x94: {  	[sflag:s28] =	ssyncset.done $0x0  }
0x95: {  	s13 =	simm.s32 $0x5200;
	[sflag:s28] =	ssyncadd.s32 $0xFFFFE000  }
0x96: {  	[spmem:s3] =	stream.indirect.scatter.add.f32 [tilespmem:s8], [sflag:$0xA], $0x40, s13, s31, $0xb8;
	[tilespmem:$0x1F000] =	vst v63  }
0x97: {  	_ =	swait.ge [sflag:s30], $0x2000  }
0x98: {  	[sflag:s30] =	ssyncset.done $0x0  }
0x99: {  	s14 =	simm.s32 $0x300;
	[sflag:s30] =	ssyncadd.s32 $0xFFFFE000  }
0x9a: {  	[tilespmem:s1], [sflag:$0x2] =	stream.indirect.gather [hbm4b:s2+s31], $0x40, s14, s31, $0xb8;
	[tilespmem:$0x1F000] =	vst v63  }
0x9b: {  	_ =	swait.ge [sflag:s21], $0x2000  }
0x9c: {  	[sflag:s21] =	ssyncset.done $0x0  }
0x9d: {  	s13 =	simm.s32 $0x5280;
	[sflag:s21] =	ssyncadd.s32 $0xFFFFE000  }
0x9e: {  	[spmem:s3] =	stream.indirect.scatter.add.f32 [tilespmem:s0], [sflag:$0x6], $0x40, s13, s31, $0xb8;
	[tilespmem:$0x1F000] =	vst v63  }
0x9f: {  	_ =	swait.ge [sflag:s9], $0x2000  }
0xa0: {  	[sflag:s9] =	ssyncset.done $0x0  }
0xa1: {  	s14 =	simm.s32 $0x380;
	[sflag:s9] =	ssyncadd.s32 $0xFFFFE000  }
0xa2: {  	[tilespmem:s6], [sflag:$0x3] =	stream.indirect.gather [hbm4b:s2+s31], $0x40, s14, s31, $0xb8;
	[tilespmem:$0x1F000] =	vst v63  }
0xa3: {  	_ =	swait.ge [sflag:s22], $0x2000  }
0xa4: {  	[sflag:s22] =	ssyncset.done $0x0  }
0xa5: {  	s13 =	simm.s32 $0x5300;
	[sflag:s22] =	ssyncadd.s32 $0xFFFFE000  }
0xa6: {  	[spmem:s3] =	stream.indirect.scatter.add.f32 [tilespmem:s1], [sflag:$0x7], $0x40, s13, s31, $0xb8;
	[tilespmem:$0x1F000] =	vst v63  }
0xa7: {  	_ =	swait.ge [sflag:s10], $0x2000  }
0xa8: {  	[sflag:s10] =	ssyncset.done $0x0  }
0xa9: {  	s14 =	simm.s32 $0x400;
	[sflag:s10] =	ssyncadd.s32 $0xFFFFE000  }
0xaa: {  	[tilespmem:s7], [sflag:$0x4] =	stream.indirect.gather [hbm4b:s2+s31], $0x40, s14, s31, $0xb8;
	[tilespmem:$0x1F000] =	vst v63  }
0xab: {  	_ =	swait.ge [sflag:s25], $0x2000  }
0xac: {  	[sflag:s25] =	ssyncset.done $0x0  }
0xad: {  	s13 =	simm.s32 $0x5380;
	[sflag:s25] =	ssyncadd.s32 $0xFFFFE000  }
0xae: {  	[spmem:s3] =	stream.indirect.scatter.add.f32 [tilespmem:s6], [sflag:$0x8], $0x40, s13, s31, $0xb8;
	[tilespmem:$0x1F000] =	vst v63  }
0xaf: {  	_ =	swait.ge [sflag:s11], $0x2000  }
0xb0: {  	[sflag:s11] =	ssyncset.done $0x0  }
0xb1: {  	s14 =	simm.s32 $0x480;
	[sflag:s11] =	ssyncadd.s32 $0xFFFFE000  }
0xb2: {  	[tilespmem:s8], [sflag:$0x5] =	stream.indirect.gather [hbm4b:s2+s31], $0x40, s14, s31, $0xb8;
	[tilespmem:$0x1F000] =	vst v63  }
0xb3: {  	_ =	swait.ge [sflag:s26], $0x2000  }
0xb4: {  	[sflag:s26] =	ssyncset.done $0x0  }
0xb5: {  	s12 =	simm.s32 $0xA00;
	s13 =	simm.s32 $0x5400;
	[sflag:s26] =	ssyncadd.s32 $0xFFFFE000  }
.LBB2_6:
0xb6: {  	[spmem:s3] =	stream.indirect.scatter.add.f32 [tilespmem:s7], [sflag:$0x9], $0x40, s13, s31, $0xb8;
	[tilespmem:$0x1F000] =	vst v63  }
0xb7: {  	s13 =	smov.u32 s12  }
0xb8: {  	p1 =	sne.s32 s12, $0x12C00;
	s12 =	sadd.s32 $0xA00, s12;
	_ =	swait.ge [sflag:s29], $0x2000  }
0xb9: {  	s13 =	sshra.s32 s13, $0x2;
	[sflag:s29] =	ssyncset.done $0x0  }
0xba: {  	s14 =	sadd.s32 $0x280, s13;
	[sflag:s29] =	ssyncadd.s32 $0xFFFFE000  }
0xbb: {  	[tilespmem:s0], [sflag:$0x1] =	stream.indirect.gather [hbm4b:s2+s31], $0x40, s14, s31, $0xb8;
	[tilespmem:$0x1F000] =	vst v63  }
0xbc: {  	_ =	swait.ge [sflag:s28], $0x2000  }
0xbd: {  	[sflag:s28] =	ssyncset.done $0x0  }
0xbe: {  	s14 =	sadd.s32 $0x5200, s13;
	[sflag:s28] =	ssyncadd.s32 $0xFFFFE000  }
0xbf: {  	[spmem:s3] =	stream.indirect.scatter.add.f32 [tilespmem:s8], [sflag:$0xA], $0x40, s14, s31, $0xb8;
	[tilespmem:$0x1F000] =	vst v63  }
0xc0: {  	_ =	swait.ge [sflag:s30], $0x2000  }
0xc1: {  	[sflag:s30] =	ssyncset.done $0x0  }
0xc2: {  	s14 =	sadd.s32 $0x300, s13;
	[sflag:s30] =	ssyncadd.s32 $0xFFFFE000  }
0xc3: {  	[tilespmem:s1], [sflag:$0x2] =	stream.indirect.gather [hbm4b:s2+s31], $0x40, s14, s31, $0xb8;
	[tilespmem:$0x1F000] =	vst v63  }
0xc4: {  	_ =	swait.ge [sflag:s21], $0x2000  }
0xc5: {  	[sflag:s21] =	ssyncset.done $0x0  }
0xc6: {  	s14 =	sadd.s32 $0x5280, s13;
	[sflag:s21] =	ssyncadd.s32 $0xFFFFE000  }
0xc7: {  	[spmem:s3] =	stream.indirect.scatter.add.f32 [tilespmem:s0], [sflag:$0x6], $0x40, s14, s31, $0xb8;
	[tilespmem:$0x1F000] =	vst v63  }
0xc8: {  	_ =	swait.ge [sflag:s9], $0x2000  }
0xc9: {  	[sflag:s9] =	ssyncset.done $0x0  }
0xca: {  	s14 =	sadd.s32 $0x380, s13;
	[sflag:s9] =	ssyncadd.s32 $0xFFFFE000  }
0xcb: {  	[tilespmem:s6], [sflag:$0x3] =	stream.indirect.gather [hbm4b:s2+s31], $0x40, s14, s31, $0xb8;
	[tilespmem:$0x1F000] =	vst v63  }
0xcc: {  	_ =	swait.ge [sflag:s22], $0x2000  }
0xcd: {  	[sflag:s22] =	ssyncset.done $0x0  }
0xce: {  	s14 =	sadd.s32 $0x5300, s13;
	[sflag:s22] =	ssyncadd.s32 $0xFFFFE000  }
0xcf: {  	[spmem:s3] =	stream.indirect.scatter.add.f32 [tilespmem:s1], [sflag:$0x7], $0x40, s14, s31, $0xb8;
	[tilespmem:$0x1F000] =	vst v63  }
0xd0: {  	_ =	swait.ge [sflag:s10], $0x2000  }
0xd1: {  	[sflag:s10] =	ssyncset.done $0x0  }
0xd2: {  	s14 =	sadd.s32 $0x400, s13;
	[sflag:s10] =	ssyncadd.s32 $0xFFFFE000  }
0xd3: {  	[tilespmem:s7], [sflag:$0x4] =	stream.indirect.gather [hbm4b:s2+s31], $0x40, s14, s31, $0xb8;
	[tilespmem:$0x1F000] =	vst v63  }
0xd4: {  	_ =	swait.ge [sflag:s25], $0x2000  }
0xd5: {  	[sflag:s25] =	ssyncset.done $0x0  }
0xd6: {  	s14 =	sadd.s32 $0x5380, s13;
	[sflag:s25] =	ssyncadd.s32 $0xFFFFE000  }
0xd7: {  	[spmem:s3] =	stream.indirect.scatter.add.f32 [tilespmem:s6], [sflag:$0x8], $0x40, s14, s31, $0xb8;
	[tilespmem:$0x1F000] =	vst v63  }
0xd8: {  	_ =	swait.ge [sflag:s11], $0x2000  }
0xd9: {  	[sflag:s11] =	ssyncset.done $0x0  }
.Ltmp2:
0xda: {  	s14 =	sadd.s32 $0x480, s13;
	[sflag:s11] =	ssyncadd.s32 $0xFFFFE000;
	(pc) =	sbr.rel @p1 .LBB2_6-.Ltmp2, $4  }
0xdb: {  	[tilespmem:s8], [sflag:$0x5] =	stream.indirect.gather [hbm4b:s2+s31], $0x40, s14, s31, $0xb8;
	[tilespmem:$0x1F000] =	vst v63  }
0xdc: {  	_ =	swait.ge [sflag:s26], $0x2000  }
0xdd: {  	[sflag:s26] =	ssyncset.done $0x0  }
0xde: {  	s13 =	sadd.s32 $0x5400, s13;
	[sflag:s26] =	ssyncadd.s32 $0xFFFFE000  }
0xdf: {  	[spmem:s3] =	stream.indirect.scatter.add.f32 [tilespmem:s7], [sflag:$0x9], $0x40, s13, s31, $0xb8;
	[tilespmem:$0x1F000] =	vst v63  }
0xe0: {  	_ =	swait.ge [sflag:s28], $0x2000  }
0xe1: {  	[sflag:s28] =	ssyncset.done $0x0  }
0xe2: {  	s12 =	simm.s32 $0x9F80;
	[sflag:s28] =	ssyncadd.s32 $0xFFFFE000  }
0xe3: {  	[spmem:s3] =	stream.indirect.scatter.add.f32 [tilespmem:s8], [sflag:$0xA], $0x40, s12, s31, $0xb8;
	[tilespmem:$0x1F000] =	vst v63  }
0xe4: {  	_ =	swait.ge [sflag:s29], $0x2000  }
0xe5: {  	[sflag:s29] =	ssyncset.done $0x0  }
0xe6: {  	[sflag:s29] =	ssyncadd.s32 $0xFFFFE000  }
0xe7: {  	_ =	swait.ge [sflag:s30], $0x2000  }
0xe8: {  	[sflag:s30] =	ssyncset.done $0x0  }
0xe9: {  	[sflag:s30] =	ssyncadd.s32 $0xFFFFE000  }
0xea: {  	_ =	swait.ge [sflag:s9], $0x2000  }
0xeb: {  	[sflag:s9] =	ssyncset.done $0x0  }
0xec: {  	[sflag:s9] =	ssyncadd.s32 $0xFFFFE000  }
0xed: {  	_ =	swait.ge [sflag:s10], $0x2000  }
0xee: {  	[sflag:s10] =	ssyncset.done $0x0  }
0xef: {  	[sflag:s10] =	ssyncadd.s32 $0xFFFFE000  }
0xf0: {  	_ =	swait.ge [sflag:s11], $0x2000  }
0xf1: {  	[sflag:s11] =	ssyncset.done $0x0  }
0xf2: {  	[sflag:s11] =	ssyncadd.s32 $0xFFFFE000  }
0xf3: {  	s13 =	simm.s32 @p0 $0x1FCB;
	s12 =	sadd.s32 @p0 $0x12C00, s17;
	[bflag:$0x0] =	sbarrier.arrive $0xFFFF  }
0xf4: {  	[hbm:s12], [sflag:s13] =	dma.local @p0 [spmem:s23], $0xC80  }
0xf5: {  	s12 =	simm.s32 @p0 $0xB  }
0xf6: {  	s4 =	sadd.s32 $0x1, s4;
	s13 =	stileid.u32;
	_ =	swait.ge @p0 [sflag:s12], $0xC80  }
0xf7: {  	p1 =	sne.s32 s4, s18;
	s13 =	sshll.u32 @!p0 s13, $0x6;
	[sflag:s12] =	ssyncset.done @p0 $0x0  }
0xf8: {  	[sflag:s12] =	ssyncadd.s32 @p0 $0xFFFFF380;
	s12 =	sor.u32 @!p0 $0x1C0B, s13;
	s13 =	sshrl.u32 @!p0 s5, $0x3  }
0xf9: {  	[hbm:s24], [sflag:s12] =	dma.local @!p0 [spmem:s13], $0x1400  }
.Ltmp3:
0xfa: {  	_ = 	snop;
	(pc) =	sbr.rel @p1 .LBB2_1-.Ltmp3, $4  }
0xfb: {  	s12 =	simm.s32 @!p0 $0xB  }
0xfc: {  	_ =	swait.ge @!p0 [sflag:s12], $0x1400  }
0xfd: {  	[sflag:s12] =	ssyncset.done @!p0 $0x0  }
0xfe: {  	[sflag:s12] =	ssyncadd.s32 @!p0 $0xFFFFEC00  }
0xff: {  	_ =	sfence.sel $0x180000  }
0x100: {  	[bflag:$0x0] =	sbarrier.arrive $0xFFFF  }
0x101: {  	_ =	strace $0x90000047  }
0x102: {  	s0 =	stileid.u32;
	[bflag:$0x2] =	sbarrier.arrive $0xFFFF  }
0x103: {  	p0 =	sne.s32 s0, $0x0;
	s0 =	rddreg [dreg:$0x3]  }
0x104: {  	s0 =	sadd.s32 @!p0 $0x100000, s0  }
0x105: {  	[sflag:s0] =	ssyncadd.tile.s32 @!p0 $0x1;
	_ =	shalt  }
.Lfunc_end2:
_tile_overlayer_lowered:
.L_overlay_start_2:
0x106: {  	(tag) =	ssettag $0x2  }
0x107: {  	s0 =	rddreg [dreg:$0x0];
	s2 =	stileid.u32  }
0x108: {  	s1 =	rddreg [dreg:$0x1];
	p0 =	sne.s32 s2, $0x0  }
0x109: {  	s3 =	rddreg [dreg:$0x2];
	[bflag:$0x3] =	sbarrier.arrive $0xFFFF;
	s2 =	simm.s32 @!p0 $0x1C0B  }
0x10a: {  	[timem:s3], [sflag:s2] =	dma.local @!p0 [hbm:s0], s1  }
0x10b: {  	s0 =	simm.s32 @!p0 $0xB  }
0x10c: {  	_ =	swait.ge @!p0 [sflag:s0], s1  }
0x10d: {  	s1 =	ssub.s32 @!p0 $0x0, s1;
	[sflag:s0] =	ssyncset.done @!p0 $0x0  }
0x10e: {  	[sflag:s0] =	ssyncadd.s32 @!p0 s1  }
0x10f: {  	[bflag:$0x3] =	sbarrier.arrive $0xFFFF  }
0x110: {  	_ =	shalt  }

// kernel: segw.7.cloned.1.call-start
scs
__scs_entry_jumppad:
0x0: {  	(pc) =	sbr.rel $0x88, $3  }
0x1: {  	(tag) =	ssettag $0x0;
	lr =	simm.s32 $0x1  }
0x2: {  	[smem:$0x3F96] =	sst lr;
	_ =	strace $0xD0000000  }
0x3: {  	_ = 	snop  }
0x4: {  	_ = 	snop  }
0x5: {  	_ = 	snop  }
0x6: {  	_ = 	snop  }
0x7: {  	_ = 	snop  }
__scs_overlays_trampoline_lowered:
0x8: {  	[smem:$0x3FA5] =	sst s0  }
0x9: {  	[smem:$0x3FA6] =	sst s1  }
0xa: {  	[smem:$0x3FA7] =	sst s2  }
0xb: {  	[smem:$0x3FA8] =	sst s3  }
0xc: {  	[smem:$0x3FA9] =	sst s4  }
0xd: {  	[smem:$0x3FAA] =	sst s5  }
0xe: {  	[smem:$0x3FAB] =	sst s6  }
0xf: {  	[smem:$0x3FAC] =	sst s7  }
0x10: {  	[smem:$0x3FAD] =	sst s8  }
0x11: {  	[smem:$0x3FAE] =	sst s9;
	s0 =	simm.s32 @!p0 $0x0  }
0x12: {  	s1 =	sld [smem:$0x3F94];
	s0 =	simm.s32 @p0 $0x1  }
0x13: {  	[smem:$0x3FAF] =	sst s0;
	s0 =	simm.s32 @!p1 $0x0  }
0x14: {  	s2 =	sld [smem:$0x3F93];
	s0 =	simm.s32 @p1 $0x1  }
0x15: {  	[smem:$0x3FB0] =	sst s0;
	s0 =	simm.s32 @!p2 $0x0  }
0x16: {  	s3 =	sld [smem:$0x3FDB];
	s0 =	simm.s32 @p2 $0x1  }
0x17: {  	s4 =	simm.s32 $0x1BF5;
	[smem:$0x3FB2] =	sst s0  }
0x18: {  	s0 =	sld [smem:$0x3F95];
	_ =	swait.ge [sflag:s4], $0x0  }
0x19: {  	s7 =	sld [smem:$0x3F96]  }
0x1a: {  	s8 =	sadd.s32 $0xFFFFE003, lr  }
0x1b: {  	s9 =	sadd.s32 $0xFFFFFEF7, lr;
	s5 =	simm.s32 $0xFFFFFFFF;
	p2 =	slt.u32 s8, $0xFFFFF086  }
0x1c: {  	p1 =	slt.u32 s9, $0xF7A;
	s5 =	simm.s32 @!p2 $0x0  }
0x1d: {  	s5 =	simm.s32 @p1 $0x1;
	p0 =	seq.s32 s7, s2  }
0x1e: {  	s7 =	smul.u32 @!p0 $0xF7A, s2;
	p2 =	seq.s32 @!p0 s5, $0x0  }
0x1f: {  	s9 =	smul.u32 $0xF7A, s1;
	s8 =	simm.s32 @!p0 $0x1BF5;
	p2 =	por !p2, p0  }
0x20: {  	[sflag:s8] =	ssyncset.s32 @!p0 $0xFFFFF086;
	s6 =	sadd.s32 @!p0 s3, s7;
	s7 =	simm.s32 @!p0 $0x108  }
0x21: {  	s3 =	sadd.s32 s3, s9;
	s6 =	sadd.s32 @!p0 $0x88, s6;
	s7 =	simm.s32 @p2 $0x1082  }
0x22: {  	[simem:s7], [sflag:s8] =	dma.local @!p0 [hbm:s6], $0xF7A  }
0x23: {  	s9 =	sor.u32 $0xD0000000, s2;
	s6 =	simm.s32 $0x108;
	_ =	swait.ge @!p0 [sflag:s8], $0x0  }
0x24: {  	s3 =	sadd.s32 $0x88, s3;
	s6 =	simm.s32 @!p1 $0x1082;
	[sflag:s4] =	ssyncset.s32 $0xFFFFF086  }
0x25: {  	[simem:s6], [sflag:s4] =	dma.local [hbm:s3], $0xF7A  }
0x26: {  	[smem:$0x3F96] =	sst s1;
	(tag) =	ssettag s2;
	_ =	strace s9  }
0x27: {  	s1 =	sld [smem:$0x3FA6]  }
0x28: {  	s2 =	sld [smem:$0x3FA7]  }
0x29: {  	s4 =	sld [smem:$0x3FA9]  }
0x2a: {  	p0 =	seq.s32 s5, $0x0;
	s5 =	sld [smem:$0x3FAA]  }
0x2b: {  	s6 =	sld [smem:$0x3FAB]  }
0x2c: {  	s7 =	sld [smem:$0x3FAC]  }
0x2d: {  	s3 =	simm.s32 $0x108;
	s8 =	sld [smem:$0x3FAD]  }
0x2e: {  	s3 =	simm.s32 @!p0 $0x1082;
	s9 =	sld [smem:$0x3FAE]  }
0x2f: {  	lr =	sadd.s32 s0, s3;
	s0 =	sld [smem:$0x3FA5]  }
0x30: {  	s3 =	sld [smem:$0x3FA8]  }
0x31: {  	[smem:$0x3FB1] =	sst s10  }
0x32: {  	s10 =	sld [smem:$0x3FAF];
	_ =	sdelay $0x3  }
0x33: {  	p0 =	seq.s32 s10, $0x1;
	s10 =	sld [smem:$0x3FB1];
	_ =	sdelay $0x3  }
0x34: {  	[smem:$0x3FB1] =	sst s10  }
0x35: {  	s10 =	sld [smem:$0x3FB0];
	_ =	sdelay $0x3  }
0x36: {  	p1 =	seq.s32 s10, $0x1;
	s10 =	sld [smem:$0x3FB1];
	_ =	sdelay $0x3  }
0x37: {  	[smem:$0x3FB1] =	sst s10  }
0x38: {  	s10 =	sld [smem:$0x3FB2]  }
0x39: {  	_ = 	snop;
	(pc) =	sbr.ind lr, $3  }
0x3a: {  	_ = 	snop  }
0x3b: {  	_ = 	snop  }
0x3c: {  	p2 =	seq.s32 s10, $0x1;
	s10 =	sld [smem:$0x3FB1]  }
0x3d: {  	_ =	shalt  }
0x3e: {  	_ =	shalt  }
0x3f: {  	_ =	shalt  }
0x40: {  	_ =	shalt  }
0x41: {  	_ =	shalt  }
0x42: {  	_ =	shalt  }
0x43: {  	_ =	shalt  }
0x44: {  	_ =	shalt  }
0x45: {  	_ =	shalt  }
0x46: {  	_ =	shalt  }
0x47: {  	_ =	shalt  }
0x48: {  	_ =	shalt  }
0x49: {  	_ =	shalt  }
0x4a: {  	_ =	shalt  }
0x4b: {  	_ =	shalt  }
0x4c: {  	_ =	shalt  }
0x4d: {  	_ =	shalt  }
0x4e: {  	_ =	shalt  }
0x4f: {  	_ =	shalt  }
0x50: {  	_ =	shalt  }
0x51: {  	_ =	shalt  }
0x52: {  	_ =	shalt  }
0x53: {  	_ =	shalt  }
0x54: {  	_ =	shalt  }
0x55: {  	_ =	shalt  }
0x56: {  	_ =	shalt  }
0x57: {  	_ =	shalt  }
0x58: {  	_ =	shalt  }
0x59: {  	_ =	shalt  }
0x5a: {  	_ =	shalt  }
0x5b: {  	_ =	shalt  }
0x5c: {  	_ =	shalt  }
0x5d: {  	_ =	shalt  }
0x5e: {  	_ =	shalt  }
0x5f: {  	_ =	shalt  }
0x60: {  	_ =	shalt  }
0x61: {  	_ =	shalt  }
0x62: {  	_ =	shalt  }
0x63: {  	_ =	shalt  }
0x64: {  	_ =	shalt  }
0x65: {  	_ =	shalt  }
0x66: {  	_ =	shalt  }
0x67: {  	_ =	shalt  }
0x68: {  	_ =	shalt  }
0x69: {  	_ =	shalt  }
0x6a: {  	_ =	shalt  }
0x6b: {  	_ =	shalt  }
0x6c: {  	_ =	shalt  }
0x6d: {  	_ =	shalt  }
0x6e: {  	_ =	shalt  }
0x6f: {  	_ =	shalt  }
0x70: {  	_ =	shalt  }
0x71: {  	_ =	shalt  }
0x72: {  	_ =	shalt  }
0x73: {  	_ =	shalt  }
0x74: {  	_ =	shalt  }
0x75: {  	_ =	shalt  }
0x76: {  	_ =	shalt  }
0x77: {  	_ =	shalt  }
0x78: {  	_ =	shalt  }
0x79: {  	_ =	shalt  }
0x7a: {  	_ =	shalt  }
0x7b: {  	_ =	shalt  }
0x7c: {  	_ =	shalt  }
0x7d: {  	_ =	shalt  }
0x7e: {  	_ =	shalt  }
0x7f: {  	_ =	shalt  }
0x80: {  	_ =	shalt  }
0x81: {  	_ =	shalt  }
0x82: {  	_ =	shalt  }
0x83: {  	_ =	shalt  }
0x84: {  	_ =	shalt  }
0x85: {  	_ =	shalt  }
0x86: {  	_ =	shalt  }
0x87: {  	_ =	shalt  }
.Lfunc_end0:
.L_simem_size_0:
called_computation.2_lowered:
.L_overlay_start_0:
0x88: {  	s2 =	sld [smem:$0x3FD9]  }
0x89: {  	s3 =	sld [smem:$0x3FFE];
	_ =	sdelay $0x1  }
0x8a: {  	s1 =	srdreg.scid  }
0x8b: {  	s0 =	sand.u32 $0x1, s1  }
0x8c: {  	s16 =	sshll.u32 s0, $0xA;
	s2 =	sadd.s32 s3, s2  }
0x8d: {  	s2 =	sadd.s32 s2, s16  }
0x8e: {  	[smem:$0x3FBD] =	sst s2  }
0x8f: {  	_ = 	snop  }
0x90: {  	(tm) =	ssettm $0x1  }
0x91: {  	s17 =	sld [smem:$0x3FFB];
	_ =	sdelay $0x3  }
0x92: {  	_ =	strace s17  }
0x93: {  	s2 =	sld [smem:$0x3FFC];
	_ =	sdelay $0x3  }
0x94: {  	_ =	strace s2  }
0x95: {  	s2 =	sld [smem:$0x3FFD];
	_ =	sdelay $0x3  }
0x96: {  	_ =	strace s2  }
0x97: {  	_ =	strace $0x8FFFFFFF  }
0x98: {  	s18 =	sld [smem:$0x3FDB];
	_ =	sdelay $0x1  }
0x99: {  	s19 =	simm.s32 $_scs_section_size  }
0x9a: {  	s4 =	simm.s32 $_size__tile_overlayer_lowered;
	s5 =	simm.s32 $_tile_overlayer_lowered  }
0x9b: {  	s22 =	simm.s32 $0x1BFF;
	s21 =	sshll.u32 s5, $0x1;
	s2 =	sadd.s32 s19, s18  }
0x9c: {  	s6 =	simm.s32 $0x0;
	s20 =	sshll.u32 s4, $0x1;
	s4 =	sadd.s32 s21, s2  }
0x9d: {  	[timem:s6], [sflag:s22] =	dma.local [hbm:s4], s20  }
0x9e: {  	_ =	swait.ge [sflag:s22], s20  }
0x9f: {  	s3 =	ssub.s32 $0x0, s20;
	[sflag:s22] =	ssyncset.done $0x0  }
0xa0: {  	[sflag:s22] =	ssyncadd.s32 s3;
	_ =	sdelay $0x1  }
0xa1: {  	s23 =	simm.s32 $0x1B8B  }
0xa2: {  	_ =	swait.ge [sflag:s23], $0x1  }
0xa3: {  	[sflag:s23] =	ssyncset.done $0x0  }
0xa4: {  	s25 =	simm.s32 $0x1B8E;
	s24 =	sld [smem:$0x3FFE];
	[sflag:s23] =	ssyncadd.s32 $0xFFFFFFFF  }
0xa5: {  	s26 =	simm.s32 $execute0_lowered;
	[smem:$0x3FD2] =	sst s25  }
0xa6: {  	s4 =	sshll.u32 s26, $0x1;
	_ =	strace $0x8000004C;
	[dreg:$0x1] =	wrdreg $0xFFFFFFFF  }
0xa7: {  	s28 =	simm.s32 $_size_execute0_lowered;
	s2 =	sadd.s32 s2, s4;
	[dreg:$0x0] =	wrdreg $0x0  }
0xa8: {  	s4 =	sshll.u32 s28, $0x1;
	[dreg:$0x2] =	wrdreg s2  }
0xa9: {  	[dreg:$0x3] =	wrdreg s4  }
0xaa: {  	[dreg:$0x4] =	wrdreg $0xC0  }
0xab: {  	_ =	task [dreg:s6], $0x5FFFF  }
0xac: {  	[dreg:$0x1] =	wrdreg $0xFFFFFFFF  }
0xad: {  	[dreg:$0x0] =	wrdreg $0x60  }
0xae: {  	[dreg:$0x2] =	wrdreg s24  }
0xaf: {  	[dreg:$0x3] =	wrdreg $0x150000  }
0xb0: {  	[dreg:$0x4] =	wrdreg $0x9  }
0xb1: {  	_ =	task.clear_ibuf [dreg:s6], $0x5FFFF;
	_ =	strace $0x9000004C  }
0xb2: {  	s29 =	simm.s32 $0x9;
	_ =	strace $0x8000004E  }
0xb3: {  	_ =	swait.ge [sflag:s29], $0x1  }
0xb4: {  	[sflag:s29] =	ssyncadd.s32 $0xFFFFFFFF  }
0xb5: {  	_ =	strace $0x9000004E  }
0xb6: {  	_ =	sfence  }
0xb7: {  	s30 =	sld [smem:$0x0];
	_ =	sdelay $0x2  }
0xb8: {  	s31 =	sshll.u32 s1, $0xD;
	s1 =	sshrl.u32 s1, $0x2  }
0xb9: {  	s3 =	sand.u32 $0x4000, s31;
	s1 =	sadd.s32 s1, s30  }
0xba: {  	s0 =	sor.u32 s3, s0;
	s1 =	sshll.u32 s1, $0x11  }
0xbb: {  	s0 =	sor.u32 s1, s0  }
0xbc: {  	s0 =	sadd.s32 $0x8F2B, s0  }
0xbd: {  	[sflag:s0] =	ssyncadd.remote.s32 $0x1  }
0xbe: {  	_ =	sfence.sel $0xFFFF  }
0xbf: {  	[dreg:$0x0] =	wrdreg $0xFFFFFFFF;
	(pc) =	sbr.abs _section_cstart, $3  }
0xc0: {  	[dreg:$0x1] =	wrdreg $0xFFFFFFFF  }
0xc1: {  	_ =	task.clear_ibuf [dreg:s6], $0x2FFFF;
	_ =	strace $0x9FFFFFFF  }
0xc2: {  	(tm) =	ssettm $0x7FFFFFFF  }
0xc3: {  	_ =	shalt  }
tec
execute0_lowered:
.L_overlay_start_1:
0x0: {  	(tag) =	ssettag $0x1  }
0x1: {  	s0 =	rddreg [dreg:$0x0]  }
0x2: {  	s2 =	rddreg [dreg:$0x1];
	s3 =	simm.s32 $0x0  }
0x3: {  	s11 =	stileid.u32;
	s4 =	srdreg.scid;
	s28 =	simm.s32 $0x5  }
0x4: {  	s29 =	simm.s32 $0x6;
	s30 =	simm.s32 $0x7;
	s1 =	smul.u32 $0xA00, s11  }
0x5: {  	s31 =	simm.s32 $0x80;
	[smem:$0x7FF] =	sst s3;
	s5 =	smul.u32 $0x28000, s11  }
0x6: {  	s10 =	sand.u32 $0x1, s4;
	s4 =	sadd.s32 $0x16A00, s0;
	s8 =	smul.u32 $0xA000, s11  }
0x7: {  	p0 =	seq.s32 s11, $0xF;
	s11 =	simm.s32 $0xA;
	_ =	strace $0x8000004D  }
0x8: {  	s6 =	smul.u32 $0x13880, s10;
	s7 =	ssub.s32 $0x2, s10;
	s5 =	sshrl.u32 s5, $0x2  }
0x9: {  	v0 =	vmov s10;
	s10 =	simm.s32 $0x9;
	s1 =	sadd.s32 s1, s0;
	s9 =	sadd.s32 s5, s2  }
0xa: {  	s17 =	sshrl.u32 s7, $0x1;
	s0 =	sadd.s32 s6, s0;
	s18 =	sadd.s32 $0x1000, s9  }
0xb: {  	s6 =	ssub.s32 s7, s17;
	s19 =	sadd.s32 $0x2000, s9;
	[dreg:$0x3] =	wrdreg s18  }
0xc: {  	s5 =	sadd.s32 s8, s2;
	s20 =	sadd.s32 $0x3000, s9;
	[dreg:$0x4] =	wrdreg s19  }
0xd: {  	s15 =	sadd.s32 $0x2A00, s1;
	s21 =	sadd.s32 $0x4000, s9;
	[dreg:$0x5] =	wrdreg s20  }
0xe: {  	s16 =	sadd.s32 $0xCA00, s1;
	s22 =	sadd.s32 $0x5000, s9;
	[dreg:$0x6] =	wrdreg s21  }
0xf: {  	s1 =	sadd.s32 $0x96000, s2;
	s23 =	sadd.s32 $0x6000, s9;
	[dreg:$0x7] =	wrdreg s22  }
0x10: {  	s7 =	simm.s32 $0x10000;
	s24 =	sadd.s32 $0x7000, s9;
	[dreg:$0x8] =	wrdreg s23  }
0x11: {  	s25 =	sadd.s32 $0x8000, s9;
	s26 =	sadd.s32 $0x9000, s9;
	[dreg:$0x9] =	wrdreg s24  }
0x12: {  	s17 =	sadd.s32 $0x95C00, s0;
	s0 =	sshrl.u32 s8, $0x3;
	[dreg:$0xa] =	wrdreg s25  }
0x13: {  	s8 =	simm.s32 $0x12000;
	s9 =	simm.s32 $0x8;
	[dreg:$0xb] =	wrdreg s26  }
0x14: {  	s18 =	smax.u32 s6, $0x1;
	s19 =	simm.s32 $0x14000;
	s20 =	simm.s32 $0x5000  }
0x15: {  	s21 =	simm.s32 $0x1;
	s22 =	simm.s32 $0x2;
	s23 =	sshrl.u32 @p0 s1, $0x3  }
0x16: {  	s24 =	sadd.s32 @!p0 s0, s17;
	s25 =	simm.s32 $0x3;
	s26 =	simm.s32 $0x4  }
0x17: {  	v1 =	vimm.f32 $0.0e+00;
	s0 =	simm.s32 $0xA000;
	s1 =	simm.s32 $0xC000;
	s6 =	simm.s32 $0xE000  }
.LBB2_1:
0x18: {  	s13 =	simm.s32 $0x100;
	s12 =	simm.s32 $0x0  }
.LBB2_2:
0x19: {  	p1 =	sne.s32 s13, $0x3F00;
	[tilespmem:s12+$0x14030] =	vst v1;
	s14 =	smov.u32 s13;
	s13 =	sadd.s32 $0x100, s13  }
.Ltmp0:
0x1a: {  	[tilespmem:s12+$0x14020] =	vst v1;
	(pc) =	sbr.rel @p1 .LBB2_2-.Ltmp0, $3  }
0x1b: {  	[tilespmem:s12+$0x14000] =	vst v1  }
0x1c: {  	[tilespmem:s12+$0x14010] =	vst v1;
	_ =	sdelay $0x1  }
0x1d: {  	s12 =	sshra.s32 s14, $0x2  }
0x1e: {  	[tilespmem:s12+$0x14030] =	vst v1  }
0x1f: {  	[tilespmem:s12+$0x14020] =	vst v1  }
0x20: {  	[tilespmem:s12+$0x14000] =	vst v1  }
0x21: {  	[tilespmem:s12+$0x14010] =	vst v1  }
0x22: {  	[spmem:s5] =	stream.linear.scatter [tilespmem:s19], [sflag:$0x1], $0x1000, $0x38;
	[tilespmem:$0x1F000] =	vst v63  }
0x23: {  	s13 =	rddreg [dreg:$0x3]  }
0x24: {  	[spmem:s13] =	stream.linear.scatter [tilespmem:s19], [sflag:$0x2], $0x1000, $0x38;
	[tilespmem:$0x1F000] =	vst v63  }
0x25: {  	s14 =	rddreg [dreg:$0x4]  }
0x26: {  	[spmem:s14] =	stream.linear.scatter [tilespmem:s19], [sflag:$0x3], $0x1000, $0x38;
	[tilespmem:$0x1F000] =	vst v63  }
0x27: {  	s13 =	rddreg [dreg:$0x5]  }
0x28: {  	[spmem:s13] =	stream.linear.scatter [tilespmem:s19], [sflag:$0x4], $0x1000, $0x38;
	[tilespmem:$0x1F000] =	vst v63  }
0x29: {  	s14 =	rddreg [dreg:$0x6]  }
0x2a: {  	[spmem:s14] =	stream.linear.scatter [tilespmem:s19], [sflag:$0x5], $0x1000, $0x38;
	[tilespmem:$0x1F000] =	vst v63  }
0x2b: {  	s13 =	rddreg [dreg:$0x7]  }
0x2c: {  	[spmem:s13] =	stream.linear.scatter [tilespmem:s19], [sflag:$0x1], $0x1000, $0x38;
	[tilespmem:$0x1F000] =	vst v63  }
0x2d: {  	s14 =	rddreg [dreg:$0x8]  }
0x2e: {  	[spmem:s14] =	stream.linear.scatter [tilespmem:s19], [sflag:$0x2], $0x1000, $0x38;
	[tilespmem:$0x1F000] =	vst v63  }
0x2f: {  	s13 =	rddreg [dreg:$0x9]  }
0x30: {  	[spmem:s13] =	stream.linear.scatter [tilespmem:s19], [sflag:$0x3], $0x1000, $0x38;
	[tilespmem:$0x1F000] =	vst v63  }
0x31: {  	s14 =	rddreg [dreg:$0xa]  }
0x32: {  	[spmem:s14] =	stream.linear.scatter [tilespmem:s19], [sflag:$0x4], $0x1000, $0x38;
	[tilespmem:$0x1F000] =	vst v63  }
0x33: {  	s13 =	rddreg [dreg:$0xb]  }
0x34: {  	[spmem:s13] =	stream.linear.scatter [tilespmem:s19], [sflag:$0x5], $0x1000, $0x38;
	[tilespmem:$0x1F000] =	vst v63  }
0x35: {  	s14 =	simm.s32 $0x0  }
0x36: {  	[tilespmem:s14], [sflag:$0x6] =	stream.linear.gather [hbm4b:s15+s14], $0x5000, $0x38;
	[tilespmem:$0x1F000] =	vst v63  }
0x37: {  	_ = 	snop  }
0x38: {  	[tilespmem:s20], [sflag:$0x7] =	stream.linear.gather [hbm4b:s16+s14], $0x5000, $0x38;
	[tilespmem:$0x1F000] =	vst v63  }
0x39: {  	_ =	swait.ge [sflag:s21], $0x1000  }
0x3a: {  	[sflag:s21] =	ssyncset.done $0x0  }
0x3b: {  	[sflag:s21] =	ssyncadd.s32 $0xFFFFF000  }
0x3c: {  	_ =	swait.ge [sflag:s22], $0x1000  }
0x3d: {  	[sflag:s22] =	ssyncset.done $0x0  }
0x3e: {  	[sflag:s22] =	ssyncadd.s32 $0xFFFFF000  }
0x3f: {  	_ =	swait.ge [sflag:s25], $0x1000  }
0x40: {  	[sflag:s25] =	ssyncset.done $0x0  }
0x41: {  	[sflag:s25] =	ssyncadd.s32 $0xFFFFF000  }
0x42: {  	_ =	swait.ge [sflag:s26], $0x1000  }
0x43: {  	[sflag:s26] =	ssyncset.done $0x0  }
0x44: {  	[sflag:s26] =	ssyncadd.s32 $0xFFFFF000  }
0x45: {  	_ =	swait.ge [sflag:s28], $0x1000  }
0x46: {  	[sflag:s28] =	ssyncset.done $0x0  }
0x47: {  	[sflag:s28] =	ssyncadd.s32 $0xFFFFF000  }
0x48: {  	_ =	swait.ge [sflag:s21], $0x1000  }
0x49: {  	[sflag:s21] =	ssyncset.done $0x0  }
0x4a: {  	[sflag:s21] =	ssyncadd.s32 $0xFFFFF000  }
0x4b: {  	_ =	swait.ge [sflag:s22], $0x1000  }
0x4c: {  	[sflag:s22] =	ssyncset.done $0x0  }
0x4d: {  	[sflag:s22] =	ssyncadd.s32 $0xFFFFF000  }
0x4e: {  	_ =	swait.ge [sflag:s25], $0x1000  }
0x4f: {  	[sflag:s25] =	ssyncset.done $0x0  }
0x50: {  	[sflag:s25] =	ssyncadd.s32 $0xFFFFF000  }
0x51: {  	_ =	swait.ge [sflag:s26], $0x1000  }
0x52: {  	[sflag:s26] =	ssyncset.done $0x0  }
0x53: {  	[sflag:s26] =	ssyncadd.s32 $0xFFFFF000  }
0x54: {  	_ =	swait.ge [sflag:s28], $0x1000  }
0x55: {  	[sflag:s28] =	ssyncset.done $0x0  }
0x56: {  	[sflag:s28] =	ssyncadd.s32 $0xFFFFF000  }
0x57: {  	_ =	swait.ge [sflag:s29], $0x5000  }
0x58: {  	[sflag:s29] =	ssyncset.done $0x0  }
0x59: {  	[sflag:s29] =	ssyncadd.s32 $0xFFFFB000  }
0x5a: {  	_ =	swait.ge [sflag:s30], $0x5000  }
0x5b: {  	[sflag:s30] =	ssyncset.done $0x0  }
0x5c: {  	s12 =	simm.s32 $0x0;
	[sflag:s30] =	ssyncadd.s32 $0xFFFFB000  }
0x5d: {  	v3 =	vld [tilespmem:s12+$0x0]  }
0x5e: {  	v4 =	vld [tilespmem:s12+$0x10]  }
0x5f: {  	v6 =	vld [tilespmem:s12+$0x20]  }
0x60: {  	v5 =	vld [tilespmem:s12+$0x30]  }
0x61: {  	v2 =	vld [tilespmem:s12+$0x40]  }
0x62: {  	v7 =	vshll.u32 v3, $0x1;
	v3 =	vld [tilespmem:s12+$0x50]  }
0x63: {  	s13 =	simm.s32 $0x200;
	v8 =	vshll.u32 v4, $0x1;
	v4 =	vld [tilespmem:s12+$0x60];
	v7 =	vor.u32 v0, v7  }
.LBB2_4:
0x64: {  	s14 =	sshra.s32 s13, $0x2;
	p1 =	sne.s32 s13, $0x13E00;
	[tilespmem:s12+$0x0] =	vst v7;
	v7 =	vor.u32 v0, v8;
	v6 =	vshll.u32 v6, $0x1;
	v8 =	vld [tilespmem:s12+$0x70]  }
0x65: {  	v9 =	vld [tilespmem:s14+$0x0];
	[tilespmem:s12+$0x10] =	vst v7;
	v6 =	vor.u32 v0, v6;
	v5 =	vshll.u32 v5, $0x1  }
0x66: {  	v10 =	vld [tilespmem:s14+$0x10];
	[tilespmem:s12+$0x20] =	vst v6;
	v5 =	vor.u32 v0, v5;
	v2 =	vshll.u32 v2, $0x1  }
.Ltmp1:
0x67: {  	v6 =	vld [tilespmem:s14+$0x20];
	[tilespmem:s12+$0x30] =	vst v5;
	v2 =	vor.u32 v0, v2;
	v3 =	vshll.u32 v3, $0x1;
	(pc) =	sbr.rel @p1 .LBB2_4-.Ltmp1, $4  }
0x68: {  	v5 =	vld [tilespmem:s14+$0x30];
	[tilespmem:s12+$0x40] =	vst v2;
	v3 =	vor.u32 v0, v3;
	v4 =	vshll.u32 v4, $0x1  }
0x69: {  	v2 =	vld [tilespmem:s14+$0x40];
	[tilespmem:s12+$0x50] =	vst v3;
	v4 =	vor.u32 v0, v4;
	v7 =	vshll.u32 v8, $0x1  }
0x6a: {  	v8 =	vshll.u32 v9, $0x1;
	v3 =	vld [tilespmem:s14+$0x50];
	[tilespmem:s12+$0x60] =	vst v4;
	v9 =	vor.u32 v0, v7  }
0x6b: {  	s13 =	sadd.s32 $0x200, s13;
	v7 =	vor.u32 v0, v8;
	v8 =	vshll.u32 v10, $0x1;
	v4 =	vld [tilespmem:s14+$0x60];
	[tilespmem:s12+$0x70] =	vst v9;
	s12 =	smov.u32 s14  }
0x6c: {  	[tilespmem:s12+$0x0] =	vst v7;
	v62 =	vor.u32 v0, v8;
	v6 =	vshll.u32 v6, $0x1;
	v63 =	vld [tilespmem:s12+$0x70]  }
0x6d: {  	[tilespmem:s12+$0x10] =	vst v62;
	v6 =	vor.u32 v0, v6;
	v5 =	vshll.u32 v5, $0x1  }
0x6e: {  	[tilespmem:s12+$0x20] =	vst v6;
	v5 =	vor.u32 v0, v5;
	v2 =	vshll.u32 v2, $0x1  }
0x6f: {  	[tilespmem:s12+$0x30] =	vst v5;
	v2 =	vor.u32 v0, v2;
	v3 =	vshll.u32 v3, $0x1  }
0x70: {  	[tilespmem:s12+$0x40] =	vst v2;
	v2 =	vor.u32 v0, v3;
	v3 =	vshll.u32 v4, $0x1  }
0x71: {  	[tilespmem:s12+$0x50] =	vst v2;
	v2 =	vor.u32 v0, v3;
	v3 =	vshll.u32 v63, $0x1  }
0x72: {  	[tilespmem:s12+$0x60] =	vst v2;
	v2 =	vor.u32 v0, v3  }
0x73: {  	[tilespmem:s12+$0x70] =	vst v2  }
0x74: {  	s13 =	simm.s32 $0x0;
	[bflag:$0x0] =	sbarrier.arrive $0xFFFF  }
0x75: {  	[tilespmem:s0], [sflag:$0x1] =	stream.indirect.gather [hbm4b:s4+s31], $0x40, s13, s31, $0xb8;
	[tilespmem:$0x1F000] =	vst v63  }
0x76: {  	_ = 	snop  }
0x77: {  	[tilespmem:s1], [sflag:$0x2] =	stream.indirect.gather [hbm4b:s4+s31], $0x40, s31, s31, $0xb8;
	[tilespmem:$0x1F000] =	vst v63  }
0x78: {  	_ =	swait.ge [sflag:s21], $0x2000  }
0x79: {  	[sflag:s21] =	ssyncset.done $0x0  }
0x7a: {  	[sflag:s21] =	ssyncadd.s32 $0xFFFFE000  }
0x7b: {  	[spmem:s2] =	stream.indirect.scatter.add.f32 [tilespmem:s0], [sflag:$0x6], $0x40, s20, s31, $0xb8;
	[tilespmem:$0x1F000] =	vst v63  }
0x7c: {  	s14 =	simm.s32 $0x100  }
0x7d: {  	[tilespmem:s6], [sflag:$0x3] =	stream.indirect.gather [hbm4b:s4+s31], $0x40, s14, s31, $0xb8;
	[tilespmem:$0x1F000] =	vst v63  }
0x7e: {  	_ =	swait.ge [sflag:s22], $0x2000  }
0x7f: {  	[sflag:s22] =	ssyncset.done $0x0  }
0x80: {  	s13 =	simm.s32 $0x5080;
	[sflag:s22] =	ssyncadd.s32 $0xFFFFE000  }
0x81: {  	[spmem:s2] =	stream.indirect.scatter.add.f32 [tilespmem:s1], [sflag:$0x7], $0x40, s13, s31, $0xb8;
	[tilespmem:$0x1F000] =	vst v63  }
0x82: {  	s14 =	simm.s32 $0x180  }
0x83: {  	[tilespmem:s7], [sflag:$0x4] =	stream.indirect.gather [hbm4b:s4+s31], $0x40, s14, s31, $0xb8;
	[tilespmem:$0x1F000] =	vst v63  }
0x84: {  	_ =	swait.ge [sflag:s25], $0x2000  }
0x85: {  	[sflag:s25] =	ssyncset.done $0x0  }
0x86: {  	s13 =	simm.s32 $0x5100;
	[sflag:s25] =	ssyncadd.s32 $0xFFFFE000  }
0x87: {  	[spmem:s2] =	stream.indirect.scatter.add.f32 [tilespmem:s6], [sflag:$0x8], $0x40, s13, s31, $0xb8;
	[tilespmem:$0x1F000] =	vst v63  }
0x88: {  	s14 =	simm.s32 $0x200  }
0x89: {  	[tilespmem:s8], [sflag:$0x5] =	stream.indirect.gather [hbm4b:s4+s31], $0x40, s14, s31, $0xb8;
	[tilespmem:$0x1F000] =	vst v63  }
0x8a: {  	_ =	swait.ge [sflag:s26], $0x2000  }
0x8b: {  	[sflag:s26] =	ssyncset.done $0x0  }
0x8c: {  	s13 =	simm.s32 $0x5180;
	[sflag:s26] =	ssyncadd.s32 $0xFFFFE000  }
0x8d: {  	[spmem:s2] =	stream.indirect.scatter.add.f32 [tilespmem:s7], [sflag:$0x9], $0x40, s13, s31, $0xb8;
	[tilespmem:$0x1F000] =	vst v63  }
0x8e: {  	_ =	swait.ge [sflag:s29], $0x2000  }
0x8f: {  	[sflag:s29] =	ssyncset.done $0x0  }
0x90: {  	s14 =	simm.s32 $0x280;
	[sflag:s29] =	ssyncadd.s32 $0xFFFFE000  }
0x91: {  	[tilespmem:s0], [sflag:$0x1] =	stream.indirect.gather [hbm4b:s4+s31], $0x40, s14, s31, $0xb8;
	[tilespmem:$0x1F000] =	vst v63  }
0x92: {  	_ =	swait.ge [sflag:s28], $0x2000  }
0x93: {  	[sflag:s28] =	ssyncset.done $0x0  }
0x94: {  	s13 =	simm.s32 $0x5200;
	[sflag:s28] =	ssyncadd.s32 $0xFFFFE000  }
0x95: {  	[spmem:s2] =	stream.indirect.scatter.add.f32 [tilespmem:s8], [sflag:$0xA], $0x40, s13, s31, $0xb8;
	[tilespmem:$0x1F000] =	vst v63  }
0x96: {  	_ =	swait.ge [sflag:s30], $0x2000  }
0x97: {  	[sflag:s30] =	ssyncset.done $0x0  }
0x98: {  	s14 =	simm.s32 $0x300;
	[sflag:s30] =	ssyncadd.s32 $0xFFFFE000  }
0x99: {  	[tilespmem:s1], [sflag:$0x2] =	stream.indirect.gather [hbm4b:s4+s31], $0x40, s14, s31, $0xb8;
	[tilespmem:$0x1F000] =	vst v63  }
0x9a: {  	_ =	swait.ge [sflag:s21], $0x2000  }
0x9b: {  	[sflag:s21] =	ssyncset.done $0x0  }
0x9c: {  	s13 =	simm.s32 $0x5280;
	[sflag:s21] =	ssyncadd.s32 $0xFFFFE000  }
0x9d: {  	[spmem:s2] =	stream.indirect.scatter.add.f32 [tilespmem:s0], [sflag:$0x6], $0x40, s13, s31, $0xb8;
	[tilespmem:$0x1F000] =	vst v63  }
0x9e: {  	_ =	swait.ge [sflag:s9], $0x2000  }
0x9f: {  	[sflag:s9] =	ssyncset.done $0x0  }
0xa0: {  	s14 =	simm.s32 $0x380;
	[sflag:s9] =	ssyncadd.s32 $0xFFFFE000  }
0xa1: {  	[tilespmem:s6], [sflag:$0x3] =	stream.indirect.gather [hbm4b:s4+s31], $0x40, s14, s31, $0xb8;
	[tilespmem:$0x1F000] =	vst v63  }
0xa2: {  	_ =	swait.ge [sflag:s22], $0x2000  }
0xa3: {  	[sflag:s22] =	ssyncset.done $0x0  }
0xa4: {  	s13 =	simm.s32 $0x5300;
	[sflag:s22] =	ssyncadd.s32 $0xFFFFE000  }
0xa5: {  	[spmem:s2] =	stream.indirect.scatter.add.f32 [tilespmem:s1], [sflag:$0x7], $0x40, s13, s31, $0xb8;
	[tilespmem:$0x1F000] =	vst v63  }
0xa6: {  	_ =	swait.ge [sflag:s10], $0x2000  }
0xa7: {  	[sflag:s10] =	ssyncset.done $0x0  }
0xa8: {  	s14 =	simm.s32 $0x400;
	[sflag:s10] =	ssyncadd.s32 $0xFFFFE000  }
0xa9: {  	[tilespmem:s7], [sflag:$0x4] =	stream.indirect.gather [hbm4b:s4+s31], $0x40, s14, s31, $0xb8;
	[tilespmem:$0x1F000] =	vst v63  }
0xaa: {  	_ =	swait.ge [sflag:s25], $0x2000  }
0xab: {  	[sflag:s25] =	ssyncset.done $0x0  }
0xac: {  	s13 =	simm.s32 $0x5380;
	[sflag:s25] =	ssyncadd.s32 $0xFFFFE000  }
0xad: {  	[spmem:s2] =	stream.indirect.scatter.add.f32 [tilespmem:s6], [sflag:$0x8], $0x40, s13, s31, $0xb8;
	[tilespmem:$0x1F000] =	vst v63  }
0xae: {  	_ =	swait.ge [sflag:s11], $0x2000  }
0xaf: {  	[sflag:s11] =	ssyncset.done $0x0  }
0xb0: {  	s14 =	simm.s32 $0x480;
	[sflag:s11] =	ssyncadd.s32 $0xFFFFE000  }
0xb1: {  	[tilespmem:s8], [sflag:$0x5] =	stream.indirect.gather [hbm4b:s4+s31], $0x40, s14, s31, $0xb8;
	[tilespmem:$0x1F000] =	vst v63  }
0xb2: {  	_ =	swait.ge [sflag:s26], $0x2000  }
0xb3: {  	[sflag:s26] =	ssyncset.done $0x0  }
0xb4: {  	s12 =	simm.s32 $0xA00;
	s13 =	simm.s32 $0x5400;
	[sflag:s26] =	ssyncadd.s32 $0xFFFFE000  }
.LBB2_6:
0xb5: {  	[spmem:s2] =	stream.indirect.scatter.add.f32 [tilespmem:s7], [sflag:$0x9], $0x40, s13, s31, $0xb8;
	[tilespmem:$0x1F000] =	vst v63  }
0xb6: {  	s13 =	smov.u32 s12  }
0xb7: {  	p1 =	sne.s32 s12, $0x12C00;
	s12 =	sadd.s32 $0xA00, s12;
	_ =	swait.ge [sflag:s29], $0x2000  }
0xb8: {  	s13 =	sshra.s32 s13, $0x2;
	[sflag:s29] =	ssyncset.done $0x0  }
0xb9: {  	s14 =	sadd.s32 $0x280, s13;
	[sflag:s29] =	ssyncadd.s32 $0xFFFFE000  }
0xba: {  	[tilespmem:s0], [sflag:$0x1] =	stream.indirect.gather [hbm4b:s4+s31], $0x40, s14, s31, $0xb8;
	[tilespmem:$0x1F000] =	vst v63  }
0xbb: {  	_ =	swait.ge [sflag:s28], $0x2000  }
0xbc: {  	[sflag:s28] =	ssyncset.done $0x0  }
0xbd: {  	s14 =	sadd.s32 $0x5200, s13;
	[sflag:s28] =	ssyncadd.s32 $0xFFFFE000  }
0xbe: {  	[spmem:s2] =	stream.indirect.scatter.add.f32 [tilespmem:s8], [sflag:$0xA], $0x40, s14, s31, $0xb8;
	[tilespmem:$0x1F000] =	vst v63  }
0xbf: {  	_ =	swait.ge [sflag:s30], $0x2000  }
0xc0: {  	[sflag:s30] =	ssyncset.done $0x0  }
0xc1: {  	s14 =	sadd.s32 $0x300, s13;
	[sflag:s30] =	ssyncadd.s32 $0xFFFFE000  }
0xc2: {  	[tilespmem:s1], [sflag:$0x2] =	stream.indirect.gather [hbm4b:s4+s31], $0x40, s14, s31, $0xb8;
	[tilespmem:$0x1F000] =	vst v63  }
0xc3: {  	_ =	swait.ge [sflag:s21], $0x2000  }
0xc4: {  	[sflag:s21] =	ssyncset.done $0x0  }
0xc5: {  	s14 =	sadd.s32 $0x5280, s13;
	[sflag:s21] =	ssyncadd.s32 $0xFFFFE000  }
0xc6: {  	[spmem:s2] =	stream.indirect.scatter.add.f32 [tilespmem:s0], [sflag:$0x6], $0x40, s14, s31, $0xb8;
	[tilespmem:$0x1F000] =	vst v63  }
0xc7: {  	_ =	swait.ge [sflag:s9], $0x2000  }
0xc8: {  	[sflag:s9] =	ssyncset.done $0x0  }
0xc9: {  	s14 =	sadd.s32 $0x380, s13;
	[sflag:s9] =	ssyncadd.s32 $0xFFFFE000  }
0xca: {  	[tilespmem:s6], [sflag:$0x3] =	stream.indirect.gather [hbm4b:s4+s31], $0x40, s14, s31, $0xb8;
	[tilespmem:$0x1F000] =	vst v63  }
0xcb: {  	_ =	swait.ge [sflag:s22], $0x2000  }
0xcc: {  	[sflag:s22] =	ssyncset.done $0x0  }
0xcd: {  	s14 =	sadd.s32 $0x5300, s13;
	[sflag:s22] =	ssyncadd.s32 $0xFFFFE000  }
0xce: {  	[spmem:s2] =	stream.indirect.scatter.add.f32 [tilespmem:s1], [sflag:$0x7], $0x40, s14, s31, $0xb8;
	[tilespmem:$0x1F000] =	vst v63  }
0xcf: {  	_ =	swait.ge [sflag:s10], $0x2000  }
0xd0: {  	[sflag:s10] =	ssyncset.done $0x0  }
0xd1: {  	s14 =	sadd.s32 $0x400, s13;
	[sflag:s10] =	ssyncadd.s32 $0xFFFFE000  }
0xd2: {  	[tilespmem:s7], [sflag:$0x4] =	stream.indirect.gather [hbm4b:s4+s31], $0x40, s14, s31, $0xb8;
	[tilespmem:$0x1F000] =	vst v63  }
0xd3: {  	_ =	swait.ge [sflag:s25], $0x2000  }
0xd4: {  	[sflag:s25] =	ssyncset.done $0x0  }
0xd5: {  	s14 =	sadd.s32 $0x5380, s13;
	[sflag:s25] =	ssyncadd.s32 $0xFFFFE000  }
0xd6: {  	[spmem:s2] =	stream.indirect.scatter.add.f32 [tilespmem:s6], [sflag:$0x8], $0x40, s14, s31, $0xb8;
	[tilespmem:$0x1F000] =	vst v63  }
0xd7: {  	_ =	swait.ge [sflag:s11], $0x2000  }
0xd8: {  	[sflag:s11] =	ssyncset.done $0x0  }
.Ltmp2:
0xd9: {  	s14 =	sadd.s32 $0x480, s13;
	[sflag:s11] =	ssyncadd.s32 $0xFFFFE000;
	(pc) =	sbr.rel @p1 .LBB2_6-.Ltmp2, $4  }
0xda: {  	[tilespmem:s8], [sflag:$0x5] =	stream.indirect.gather [hbm4b:s4+s31], $0x40, s14, s31, $0xb8;
	[tilespmem:$0x1F000] =	vst v63  }
0xdb: {  	_ =	swait.ge [sflag:s26], $0x2000  }
0xdc: {  	[sflag:s26] =	ssyncset.done $0x0  }
0xdd: {  	s13 =	sadd.s32 $0x5400, s13;
	[sflag:s26] =	ssyncadd.s32 $0xFFFFE000  }
0xde: {  	[spmem:s2] =	stream.indirect.scatter.add.f32 [tilespmem:s7], [sflag:$0x9], $0x40, s13, s31, $0xb8;
	[tilespmem:$0x1F000] =	vst v63  }
0xdf: {  	_ =	swait.ge [sflag:s28], $0x2000  }
0xe0: {  	[sflag:s28] =	ssyncset.done $0x0  }
0xe1: {  	s12 =	simm.s32 $0x9F80;
	[sflag:s28] =	ssyncadd.s32 $0xFFFFE000  }
0xe2: {  	[spmem:s2] =	stream.indirect.scatter.add.f32 [tilespmem:s8], [sflag:$0xA], $0x40, s12, s31, $0xb8;
	[tilespmem:$0x1F000] =	vst v63  }
0xe3: {  	_ =	swait.ge [sflag:s29], $0x2000  }
0xe4: {  	[sflag:s29] =	ssyncset.done $0x0  }
0xe5: {  	[sflag:s29] =	ssyncadd.s32 $0xFFFFE000  }
0xe6: {  	_ =	swait.ge [sflag:s30], $0x2000  }
0xe7: {  	[sflag:s30] =	ssyncset.done $0x0  }
0xe8: {  	[sflag:s30] =	ssyncadd.s32 $0xFFFFE000  }
0xe9: {  	_ =	swait.ge [sflag:s9], $0x2000  }
0xea: {  	[sflag:s9] =	ssyncset.done $0x0  }
0xeb: {  	[sflag:s9] =	ssyncadd.s32 $0xFFFFE000  }
0xec: {  	_ =	swait.ge [sflag:s10], $0x2000  }
0xed: {  	[sflag:s10] =	ssyncset.done $0x0  }
0xee: {  	[sflag:s10] =	ssyncadd.s32 $0xFFFFE000  }
0xef: {  	_ =	swait.ge [sflag:s11], $0x2000  }
0xf0: {  	[sflag:s11] =	ssyncset.done $0x0  }
0xf1: {  	[sflag:s11] =	ssyncadd.s32 $0xFFFFE000  }
0xf2: {  	s13 =	simm.s32 @p0 $0x1FCB;
	s12 =	sadd.s32 @p0 $0x12C00, s17;
	[bflag:$0x0] =	sbarrier.arrive $0xFFFF  }
0xf3: {  	[hbm:s12], [sflag:s13] =	dma.local @p0 [spmem:s23], $0xC80  }
0xf4: {  	s12 =	simm.s32 @p0 $0xB  }
0xf5: {  	s3 =	sadd.s32 $0x1, s3;
	s13 =	stileid.u32;
	_ =	swait.ge @p0 [sflag:s12], $0xC80  }
0xf6: {  	p1 =	sne.s32 s3, s18;
	s13 =	sshll.u32 @!p0 s13, $0x6;
	[sflag:s12] =	ssyncset.done @p0 $0x0  }
0xf7: {  	[sflag:s12] =	ssyncadd.s32 @p0 $0xFFFFF380;
	s12 =	sor.u32 @!p0 $0x1C0B, s13;
	s13 =	sshrl.u32 @!p0 s5, $0x3  }
0xf8: {  	[hbm:s24], [sflag:s12] =	dma.local @!p0 [spmem:s13], $0x1400  }
.Ltmp3:
0xf9: {  	_ = 	snop;
	(pc) =	sbr.rel @p1 .LBB2_1-.Ltmp3, $4  }
0xfa: {  	s12 =	simm.s32 @!p0 $0xB  }
0xfb: {  	_ =	swait.ge @!p0 [sflag:s12], $0x1400  }
0xfc: {  	[sflag:s12] =	ssyncset.done @!p0 $0x0  }
0xfd: {  	[sflag:s12] =	ssyncadd.s32 @!p0 $0xFFFFEC00  }
0xfe: {  	_ =	sfence.sel $0x180000  }
0xff: {  	[bflag:$0x0] =	sbarrier.arrive $0xFFFF  }
0x100: {  	_ =	strace $0x9000004D  }
0x101: {  	s0 =	stileid.u32;
	[bflag:$0x2] =	sbarrier.arrive $0xFFFF  }
0x102: {  	p0 =	sne.s32 s0, $0x0;
	s0 =	rddreg [dreg:$0x2]  }
0x103: {  	s0 =	sadd.s32 @!p0 $0x100000, s0  }
0x104: {  	[sflag:s0] =	ssyncadd.tile.s32 @!p0 $0x1;
	_ =	shalt  }
.Lfunc_end2:
_tile_overlayer_lowered:
.L_overlay_start_2:
0x105: {  	(tag) =	ssettag $0x2  }
0x106: {  	s0 =	rddreg [dreg:$0x0];
	s2 =	stileid.u32  }
0x107: {  	s1 =	rddreg [dreg:$0x1];
	p0 =	sne.s32 s2, $0x0  }
0x108: {  	s3 =	rddreg [dreg:$0x2];
	[bflag:$0x3] =	sbarrier.arrive $0xFFFF;
	s2 =	simm.s32 @!p0 $0x1C0B  }
0x109: {  	[timem:s3], [sflag:s2] =	dma.local @!p0 [hbm:s0], s1  }
0x10a: {  	s0 =	simm.s32 @!p0 $0xB  }
0x10b: {  	_ =	swait.ge @!p0 [sflag:s0], s1  }
0x10c: {  	s1 =	ssub.s32 @!p0 $0x0, s1;
	[sflag:s0] =	ssyncset.done @!p0 $0x0  }
0x10d: {  	[sflag:s0] =	ssyncadd.s32 @!p0 s1  }
0x10e: {  	[bflag:$0x3] =	sbarrier.arrive $0xFFFF  }
0x10f: {  	_ =	shalt  }

</sc_bundles>
